<compile_context>
chip_gen: v7x
topology: tpu7x:2x2x1
jax: 0.10.2.dev20260603
libtpu: 0.0.44.dev20260713+nightly
codegen_flags: <defaults>
</compile_context>

<pallas_src>
import functools

import jax
import jax.numpy as jnp
from jax import lax
from jax.experimental import pallas as pl
from jax.experimental.pallas import tpu as pltpu

N = 10000
NPAD = 10240
D = 128
HEADS = 8
DH = 16
NE = 320000
E = 2 * NE + N
TOK = 25600
B = 512

_f32 = jnp.float32
_i32 = jnp.int32


def _tc_rsq(parts):
    def body(x_ref, o_ref):
        s = x_ref[0] + x_ref[1]
        o_ref[...] = lax.rsqrt(jnp.maximum(s, 1.0))

    return pl.pallas_call(
        body,
        grid=(NPAD // 2048,),
        in_specs=[pl.BlockSpec((2, 2048, 16), lambda i: (0, i, 0))],
        out_specs=pl.BlockSpec((2048, 16), lambda i: (i, 0)),
        out_shape=jax.ShapeDtypeStruct((NPAD, 16), _f32),
    )(parts)


def _tc_linear(x, wt, b, block_rows):
    R = x.shape[0]
    OD = wt.shape[1]

    def body(x_ref, w_ref, b_ref, o_ref):
        o_ref[...] = jnp.dot(x_ref[...], w_ref[...],
                             preferred_element_type=_f32) + b_ref[...]

    return pl.pallas_call(
        body,
        grid=(R // block_rows,),
        in_specs=[
            pl.BlockSpec((block_rows, x.shape[1]), lambda i: (i, 0)),
            pl.BlockSpec((x.shape[1], OD), lambda i: (0, 0)),
            pl.BlockSpec((1, OD), lambda i: (0, 0)),
        ],
        out_specs=pl.BlockSpec((block_rows, OD), lambda i: (i, 0)),
        out_shape=jax.ShapeDtypeStruct((R, OD), _f32),
    )(x, wt, b)


def _tc_linear_scaled(x, wt, b, rsq):
    BR = 2048

    def body(x_ref, w_ref, b_ref, r_ref, o_ref):
        h = jnp.dot(x_ref[...], w_ref[...],
                    preferred_element_type=_f32) + b_ref[...]
        o_ref[...] = h * r_ref[:, :1]

    return pl.pallas_call(
        body,
        grid=(NPAD // BR,),
        in_specs=[
            pl.BlockSpec((BR, D), lambda i: (i, 0)),
            pl.BlockSpec((D, D), lambda i: (0, 0)),
            pl.BlockSpec((1, D), lambda i: (0, 0)),
            pl.BlockSpec((BR, 16), lambda i: (i, 0)),
        ],
        out_specs=pl.BlockSpec((BR, D), lambda i: (i, 0)),
        out_shape=jax.ShapeDtypeStruct((NPAD, D), _f32),
    )(x, wt, b, rsq)


def _tc_post(parts, rsq):
    def body(p_ref, r_ref, o_ref):
        sm = jnp.concatenate([p_ref[0], p_ref[1]], axis=-1) * r_ref[:, :1]
        y = jnp.where(sm >= 0, sm, 0.01 * sm)
        n = jnp.sqrt(jnp.sum(y * y, axis=1, keepdims=True))
        o_ref[...] = y / jnp.maximum(n, 1e-12)

    return pl.pallas_call(
        body,
        grid=(NPAD // 2048,),
        in_specs=[pl.BlockSpec((2, 2048, 64), lambda i: (0, i, 0)),
                  pl.BlockSpec((2048, 16), lambda i: (i, 0))],
        out_specs=pl.BlockSpec((2048, D), lambda i: (i, 0)),
        out_shape=jax.ShapeDtypeStruct((NPAD, D), _f32),
    )(parts, rsq)


def _flash(q, k, v, bq_col, bk_row, m_row, b3, sp, CQ, CK):
    NQ = q.shape[0] // CQ
    NK = k.shape[0] // CK
    scale = 0.25

    def kmap(i, j, sp_ref):
        return (jnp.maximum(jnp.minimum(sp_ref[0, i] + j, sp_ref[1, i]), 0), 0)

    def kmap3(i, j, sp_ref):
        return (jnp.maximum(jnp.minimum(sp_ref[0, i] + j, sp_ref[1, i]), 0), 0, 0)

    def body(sp_ref, q_ref, k_ref, v_ref, bq_ref, bk_ref, m_ref, b3_ref,
             o_ref, m_scr, l_scr, a_scr):
        i = pl.program_id(0)
        j = pl.program_id(1)
        span = sp_ref[1, i] - sp_ref[0, i]
        bq = bq_ref[0]

        @pl.when(j == 0)
        def _init():
            onehot = (bq == lax.broadcasted_iota(_i32, (CQ, B), 1)).astype(_f32)
            mc = jnp.sum(onehot * m_ref[...], axis=1, keepdims=True)
            for h in range(HEADS):
                sl = slice(h * DH, (h + 1) * DH)
                kp = b3_ref[1:2, sl]
                vp = b3_ref[2:3, sl]
                spc = lax.dot_general(q_ref[:, sl], kp,
                                      (((1,), (1,)), ((), ())),
                                      preferred_element_type=_f32) * scale
                m_scr[:, h:h + 1] = jnp.where(mc > 0, spc, -1e30)
                l_scr[:, h:h + 1] = mc
                a_scr[:, sl] = mc * vp

        @pl.when(j <= span)
        def _compute():
            bk = bk_ref[0]
            mask = bq == bk
            for h in range(HEADS):
                sl = slice(h * DH, (h + 1) * DH)
                S = lax.dot_general(q_ref[:, sl], k_ref[:, sl],
                                    (((1,), (1,)), ((), ())),
                                    preferred_element_type=_f32) * scale
                Sm = jnp.where(mask, S, -1e30)
                mold = m_scr[:, h:h + 1]
                mnew = jnp.maximum(mold, jnp.max(Sm, axis=1, keepdims=True))
                p = jnp.where(mask, jnp.exp(Sm - mnew), 0.0)
                corr = jnp.exp(mold - mnew)
                m_scr[:, h:h + 1] = mnew
                l_scr[:, h:h + 1] = (l_scr[:, h:h + 1] * corr
                                     + jnp.sum(p, axis=1, keepdims=True))
                a_scr[:, sl] = (a_scr[:, sl] * corr
                                + lax.dot_general(p, v_ref[:, sl],
                                                  (((1,), (0,)), ((), ())),
                                                  preferred_element_type=_f32))

        @pl.when(j == NK - 1)
        def _fin():
            for h in range(HEADS):
                sl = slice(h * DH, (h + 1) * DH)
                o_ref[:, sl] = a_scr[:, sl] / l_scr[:, h:h + 1]

    gs = pltpu.PrefetchScalarGridSpec(
        num_scalar_prefetch=1,
        grid=(NQ, NK),
        in_specs=[
            pl.BlockSpec((CQ, D), lambda i, j, sp_ref: (i, 0)),
            pl.BlockSpec((CK, D), kmap),
            pl.BlockSpec((CK, D), kmap),
            pl.BlockSpec((1, CQ, 1), lambda i, j, sp_ref: (i, 0, 0)),
            pl.BlockSpec((1, 1, CK), kmap3),
            pl.BlockSpec((1, B), lambda i, j, sp_ref: (0, 0)),
            pl.BlockSpec((3, D), lambda i, j, sp_ref: (0, 0)),
        ],
        out_specs=pl.BlockSpec((CQ, D), lambda i, j, sp_ref: (i, 0)),
        scratch_shapes=[
            pltpu.VMEM((CQ, HEADS), _f32),
            pltpu.VMEM((CQ, HEADS), _f32),
            pltpu.VMEM((CQ, D), _f32),
        ],
    )
    return pl.pallas_call(
        body, grid_spec=gs,
        out_shape=jax.ShapeDtypeStruct((NQ * CQ, D), _f32),
    )(sp, q, k, v, bq_col, bk_row, m_row, b3)


def _tc_aggr(o_tok, bt_rows, o_pad, m_col, wot, bo, ml):
    CT = 1600
    NT = TOK // CT

    def body(ot_ref, bt_ref, op_ref, m_ref, w_ref, b_ref, ml_ref, o_ref, acc):
        t = pl.program_id(0)

        @pl.when(t == 0)
        def _z():
            acc[...] = jnp.zeros((B, D), _f32)

        bt = bt_ref[0]
        oh = (lax.broadcasted_iota(_i32, (B, CT), 0) == bt).astype(_f32)
        acc[...] += jnp.dot(oh, ot_ref[...], preferred_element_type=_f32)

        @pl.when(t == NT - 1)
        def _fin():
            A = (acc[...] + m_ref[...] * op_ref[...]) / ml_ref[0, 0]
            o_ref[...] = jnp.dot(A, w_ref[...],
                                 preferred_element_type=_f32) + b_ref[...]

    return pl.pallas_call(
        body,
        grid=(NT,),
        in_specs=[
            pl.BlockSpec((CT, D), lambda t: (t, 0)),
            pl.BlockSpec((1, 1, CT), lambda t: (t, 0, 0)),
            pl.BlockSpec((B, D), lambda t: (0, 0)),
            pl.BlockSpec((B, 1), lambda t: (0, 0)),
            pl.BlockSpec((D, D), lambda t: (0, 0)),
            pl.BlockSpec((1, D), lambda t: (0, 0)),
            pl.BlockSpec((1, 1), lambda t: (0, 0)),
        ],
        out_specs=pl.BlockSpec((B, D), lambda t: (0, 0)),
        out_shape=jax.ShapeDtypeStruct((B, D), _f32),
        scratch_shapes=[pltpu.VMEM((B, D), _f32)],
    )(o_tok, bt_rows, o_pad, m_col, wot, bo, ml)


def kernel(dist_edges, dist_vec, poi_table, x, batch, poi,
           W0, b0, W1, b1, Wqkv, bqkv, Wo, bo):
    loop = jnp.arange(N, dtype=dist_edges.dtype)
    src = jnp.concatenate([dist_edges[0], dist_edges[1], loop])
    dst = jnp.concatenate([dist_edges[1], dist_edges[0], loop])
    dvf = jnp.concatenate([dist_vec, dist_vec, jnp.zeros((N,), _f32)])

    deg = jnp.zeros((NPAD,), _f32).at[src].add(1.0)
    deg_parts = jnp.stack([jnp.broadcast_to(deg[:, None], (NPAD, 16)),
                           jnp.zeros((NPAD, 16), _f32)])
    rsq = _tc_rsq(deg_parts)
    w = jnp.exp(-dvf * dvf)

    enc = jnp.concatenate([poi_table, jnp.zeros((NPAD - N, D), _f32)], axis=0)
    b0r = b0.reshape(1, D)
    b1r = b1.reshape(1, D)

    for (W, br) in ((W0, b0r), (W1, b1r)):
        h = _tc_linear_scaled(enc, W.T, br, rsq)
        out = jnp.zeros((NPAD, D), _f32).at[src].add(w[:, None] * h[dst])
        parts = jnp.stack([out[:, :64], out[:, 64:]])
        enc = _tc_post(parts, rsq)

    seq = enc[x]
    tar = enc[poi]

    qkv = _tc_linear(seq, Wqkv.T, bqkv.reshape(1, 3 * D), 3200)
    q, k, v = qkv[:, :D], qkv[:, D:2 * D], qkv[:, 2 * D:]

    offsets = jnp.searchsorted(batch, jnp.arange(B + 1, dtype=batch.dtype)
                               ).astype(_i32)
    counts = offsets[1:] - offsets[:-1]
    max_len = jnp.max(counts)
    m = (max_len - counts).astype(_f32)

    CQ, CK = 1024, 1024
    NQ, NK = TOK // CQ, TOK // CK
    lo_tok = offsets[batch[::CQ]]
    hi_tok = offsets[batch[CQ - 1::CQ] + 1] - 1
    spA = jnp.stack([lo_tok // CK, hi_tok // CK]).astype(_i32)

    batch32 = batch.astype(_i32)
    bq_col = batch32.reshape(NQ, CQ, 1)
    bk_row = batch32.reshape(NK, 1, CK)
    m_row = m.reshape(1, B)
    b3 = bqkv.reshape(3, D)

    o_tok = _flash(q, k, v, bq_col, bk_row, m_row, b3, spA, CQ, CK)

    BB = 64
    NB = B // BB
    loB = offsets[:B:BB]
    hiB = offsets[BB::BB] - 1
    spB = jnp.stack([loB // CK, hiB // CK]).astype(_i32)
    q_pad = jnp.broadcast_to(bqkv[:D].reshape(1, D), (B, D))
    bqB = jnp.arange(B, dtype=_i32).reshape(NB, BB, 1)
    o_pad = _flash(q_pad, k, v, bqB, bk_row, m_row, b3, spB, BB, CK)

    aggr = _tc_aggr(o_tok, batch32.reshape(16, 1, 1600), o_pad,
                    m.reshape(B, 1), Wo.T, bo.reshape(1, D),
                    max_len.astype(_f32).reshape(1, 1))
    return (aggr, tar)

# --- scband reference (transcript-rebuilt; emitter-appended) ---
"""Pipeline reference for scband-geo-graph-9234179686473 (READ-ONLY COPY).

The authoritative reference and input builder live on the scoring server;
editing this copy changes nothing except your own understanding.
"""

import jax, jax.numpy as jnp
import numpy as np

N_POI = 10000
EMBED = 128
HEADS = 8
NE = 320000
TOK = 25600
B = 512


def _xavier(key, shape):
    std = (2.0 / (shape[0] + shape[1])) ** 0.5
    return std * jax.random.normal(key, shape, dtype=jnp.float32)


def setup_inputs(seed: int = 0):
    key = jax.random.key(seed)
    ks = jax.random.split(key, 16)
    inp = {}
    inp['dist_edges'] = jax.random.randint(ks[0], (2, NE), 0, N_POI)
    inp['dist_vec'] = jax.random.uniform(ks[1], (NE,), dtype=jnp.float32)
    inp['poi_table'] = jax.random.normal(ks[2], (N_POI, EMBED), dtype=jnp.float32)
    inp['x'] = jax.random.randint(ks[3], (TOK,), 0, N_POI)
    inp['batch'] = jnp.sort(jax.random.randint(ks[4], (TOK,), 0, B))
    inp['poi'] = jax.random.randint(ks[5], (B,), 0, N_POI)
    inp['W0'] = _xavier(ks[6], (EMBED, EMBED))
    inp['b0'] = jnp.zeros((EMBED,), jnp.float32)
    inp['W1'] = _xavier(ks[7], (EMBED, EMBED))
    inp['b1'] = jnp.zeros((EMBED,), jnp.float32)
    inp['Wqkv'] = _xavier(ks[8], (3 * EMBED, EMBED))
    inp['bqkv'] = jnp.zeros((3 * EMBED,), jnp.float32)
    inp['Wo'] = _xavier(ks[9], (EMBED, EMBED))
    inp['bo'] = jnp.zeros((EMBED,), jnp.float32)
    return inp


def _graph_layer(enc, src, dst, dv, W, b):
    deg = jnp.zeros((N_POI,), enc.dtype).at[src].add(1.0)
    norm_w = (deg[src] * deg[dst]) ** -0.5
    dist_w = jnp.exp(-dv ** 2)
    w = norm_w * dist_w
    h = enc @ W.T + b
    out = jnp.zeros_like(h).at[src].add(w[:, None] * h[dst])
    out = jax.nn.leaky_relu(out, 0.01)
    n = jnp.sqrt(jnp.sum(out * out, axis=-1, keepdims=True))
    return out / jnp.maximum(n, 1e-12)


def reference(dist_edges, dist_vec, poi_table, x, batch, poi, W0, b0, W1, b1, Wqkv, bqkv, Wo, bo):
    loop = jnp.arange(N_POI)
    edges = jnp.concatenate([dist_edges, dist_edges[::-1], jnp.stack([loop, loop])], axis=1)
    dv = jnp.concatenate([dist_vec, dist_vec, jnp.zeros((N_POI,), jnp.float32)])
    src, dst = edges[0], edges[1]
    enc = poi_table
    for (W, b) in ((W0, b0), (W1, b1)):
        enc = _graph_layer(enc, src, dst, dv, W, b)
    tar = enc[poi]
    counts = jnp.bincount(batch, length=B)
    max_len = counts.max()
    m = max_len - counts
    m_tok = m[batch]
    seq = enc[x]
    qkv = seq @ Wqkv.T + bqkv
    q, k, v = jnp.split(qkv, 3, axis=-1)
    qp, kp, vp = jnp.split(bqkv, 3)
    dh = EMBED // HEADS
    C = 1600
    NC = TOK // C
    b_chunks = batch.reshape(NC, C)
    m_chunks = m_tok.reshape(NC, C)
    outs = []
    pouts = []
    for h in range(HEADS):
        sl = slice(h * dh, (h + 1) * dh)
        qh, kh, vh = q[:, sl], k[:, sl], v[:, sl]
        qph, kph, vph = qp[sl], kp[sl], vp[sl]
        spp = (qph @ kph) / np.sqrt(dh)

        def chunk_fn(args, kh=kh, vh=vh, kph=kph, vph=vph):
            qc, bc, mc = args
            Sc = (qc @ kh.T) / np.sqrt(dh)
            spc = (qc @ kph) / np.sqrt(dh)
            Sc = jnp.where(bc[:, None] == batch[None, :], Sc, -jnp.inf)
            Mc = jnp.maximum(jnp.max(Sc, axis=1), jnp.where(mc > 0, spc, -jnp.inf))
            Ec = jnp.exp(Sc - Mc[:, None])
            epc = jnp.exp(spc - Mc)
            den = jnp.sum(Ec, axis=1) + mc * epc
            num = Ec @ vh + (mc * epc)[:, None] * vph
            return num / den[:, None]

        oh = jax.lax.map(chunk_fn, (qh.reshape(NC, C, dh), b_chunks, m_chunks))
        outs.append(oh.reshape(TOK, dh))
        spk = (kh @ qph) / np.sqrt(dh)
        Mb = jnp.maximum(jax.ops.segment_max(spk, batch, num_segments=B),
                         jnp.where(m > 0, spp, -jnp.inf))
        eb = jnp.exp(spk - Mb[batch])
        epb = jnp.exp(spp - Mb)
        denb = jax.ops.segment_sum(eb, batch, num_segments=B) + m * epb
        numb = jax.ops.segment_sum(eb[:, None] * vh, batch, num_segments=B) + (m * epb)[:, None] * vph
        pouts.append(numb / denb[:, None])
    o_tok = jnp.concatenate(outs, axis=-1)
    o_pad = jnp.concatenate(pouts, axis=-1)
    out_tok = o_tok @ Wo.T + bo
    out_pad = o_pad @ Wo.T + bo
    aggr = (jax.ops.segment_sum(out_tok, batch, num_segments=B) + m[:, None] * out_pad) / max_len
    return (aggr, tar)

if __name__ == "__main__":
    import jax
    _d = setup_inputs()
    print(jax.jit(kernel)(*tuple(_d.values())))

</pallas_src>

<mosaic_0001>
module attributes {stable_mosaic.version = 14 : i64} {
  func.func @body(%arg0: i32, %arg1: memref<2x2048x16xf32, #tpu.memory_space<vmem>>, %arg2: memref<2048x16xf32, #tpu.memory_space<vmem>>) attributes {dimension_semantics = [#tpu.dimension_semantics<arbitrary>], iteration_bounds = array<i64: 5>, scalar_prefetch = 0 : i64, scratch_operands = 0 : i64, tpu.core_type = #tpu.core_type<tc>, window_params = [{transform_indices = @transform_0, window_bounds = array<i64: 2, 2048, 16>}, {transform_indices = @transform_1, window_bounds = array<i64: 2048, 16>}]} {
    %get3A = arith.constant 0 : index
    %get3A_0 = arith.constant 0 : index
    %get3A_1 = arith.constant 0 : index
    %get3A_2 = vector.load %arg1[%get3A, %get3A_0, %get3A_1] : memref<2x2048x16xf32, #tpu.memory_space<vmem>>, vector<1x2048x16xf32>
    %get3A_3 = vector.shape_cast %get3A_2 : vector<1x2048x16xf32> to vector<2048x16xf32>
    %get3A_4 = arith.constant 1 : index
    %get3A_5 = arith.constant 0 : index
    %get3A_6 = arith.constant 0 : index
    %get3A_7 = vector.load %arg1[%get3A_4, %get3A_5, %get3A_6] : memref<2x2048x16xf32, #tpu.memory_space<vmem>>, vector<1x2048x16xf32>
    %get3A_8 = vector.shape_cast %get3A_7 : vector<1x2048x16xf32> to vector<2048x16xf32>
    %add3A = arith.addf %get3A_3, %get3A_8 : vector<2048x16xf32>
    %max3A = arith.constant 1.000000e+00 : f32
    %max3A_9 = vector.broadcast %max3A : f32 to vector<2048x16xf32>
    %max3A_10 = arith.maximumf %add3A, %max3A_9 : vector<2048x16xf32>
    %rsqrt3A = math.rsqrt %max3A_10 : vector<2048x16xf32>
    %swap3A = arith.constant 0 : index
    %swap3A_11 = arith.constant 0 : index
    %swap3A_12 = vector.load %arg2[%swap3A, %swap3A_11] : memref<2048x16xf32, #tpu.memory_space<vmem>>, vector<2048x16xf32>
    tpu.vector_store %arg2[%swap3A, %swap3A_11], %rsqrt3A {strides = array<i32>} : memref<2048x16xf32, #tpu.memory_space<vmem>>, vector<2048x16xf32>,
    return
  }
  func.func @transform_0(%arg0: i32) -> (i32, i32, i32) {
    %c0_i32 = arith.constant 0 : i32
    %c0_i32_0 = arith.constant 0 : i32
    %c0_i32_1 = arith.constant 0 : i32
    return %c0_i32, %arg0, %c0_i32_0 : i32, i32, i32
  }
  func.func @transform_1(%arg0: i32) -> (i32, i32) {
    %c0_i32 = arith.constant 0 : i32
    %c0_i32_0 = arith.constant 0 : i32
    return %arg0, %c0_i32 : i32, i32
  }
}

module attributes {stable_mosaic.version = 14 : i64} {
  func.func @body(%arg0: i32, %arg1: memref<2048x128xf32, #tpu.memory_space<vmem>>, %arg2: memref<128x128xf32, #tpu.memory_space<vmem>>, %arg3: memref<1x128xf32, #tpu.memory_space<vmem>>, %arg4: memref<2048x16xf32, #tpu.memory_space<vmem>>, %arg5: memref<2048x128xf32, #tpu.memory_space<vmem>>) attributes {dimension_semantics = [#tpu.dimension_semantics<arbitrary>], iteration_bounds = array<i64: 5>, scalar_prefetch = 0 : i64, scratch_operands = 0 : i64, tpu.core_type = #tpu.core_type<tc>, window_params = [{transform_indices = @transform_0, window_bounds = array<i64: 2048, 128>}, {pipeline_mode = #tpu.pipeline_mode<synchronous>, transform_indices = @transform_1, window_bounds = array<i64: 128, 128>}, {pipeline_mode = #tpu.pipeline_mode<synchronous>, transform_indices = @transform_2, window_bounds = array<i64: 1, 128>}, {transform_indices = @transform_3, window_bounds = array<i64: 2048, 16>}, {transform_indices = @transform_4, window_bounds = array<i64: 2048, 128>}]} {
    %get3A = arith.constant 0 : index
    %get3A_0 = arith.constant 0 : index
    %get3A_1 = vector.load %arg1[%get3A, %get3A_0] : memref<2048x128xf32, #tpu.memory_space<vmem>>, vector<2048x128xf32>
    %get3A_2 = arith.constant 0 : index
    %get3A_3 = arith.constant 0 : index
    %get3A_4 = vector.load %arg2[%get3A_2, %get3A_3] : memref<128x128xf32, #tpu.memory_space<vmem>>, vector<128x128xf32>
    %dot_general3A = arith.constant dense<0.000000e+00> : vector<2048x128xf32>
    %dot_general3A_5 = tpu.matmul %get3A_1, %get3A_4, %dot_general3A {dimension_numbers = #tpu.dot_dimension_numbers<[1], [0], [0], [1], [0, 0, 1, 1], [], []>, transpose_lhs_hint = false} : vector<2048x128xf32>, vector<128x128xf32>, vector<2048x128xf32> -> vector<2048x128xf32>
    %get3A_6 = arith.constant 0 : index
    %get3A_7 = arith.constant 0 : index
    %get3A_8 = vector.load %arg3[%get3A_6, %get3A_7] : memref<1x128xf32, #tpu.memory_space<vmem>>, vector<1x128xf32>
    %add3A = vector.broadcast %get3A_8 : vector<1x128xf32> to vector<2048x128xf32>
    %add3A_9 = arith.addf %dot_general3A_5, %add3A : vector<2048x128xf32>
    %get3A_10 = arith.constant 0 : index
    %get3A_11 = arith.constant 0 : index
    %get3A_12 = vector.load %arg4[%get3A_10, %get3A_11] : memref<2048x16xf32, #tpu.memory_space<vmem>>, vector<2048x1xf32>
    %mul3A = vector.broadcast %get3A_12 : vector<2048x1xf32> to vector<2048x128xf32>
    %mul3A_13 = arith.mulf %add3A_9, %mul3A : vector<2048x128xf32>
    %swap3A = arith.constant 0 : index
    %swap3A_14 = arith.constant 0 : index
    %swap3A_15 = vector.load %arg5[%swap3A, %swap3A_14] : memref<2048x128xf32, #tpu.memory_space<vmem>>, vector<2048x128xf32>
    tpu.vector_store %arg5[%swap3A, %swap3A_14], %mul3A_13 {strides = array<i32>} : memref<2048x128xf32, #tpu.memory_space<vmem>>, vector<2048x128xf32>,
    return
  }
  func.func @transform_0(%arg0: i32) -> (i32, i32) {
    %c0_i32 = arith.constant 0 : i32
    %c0_i32_0 = arith.constant 0 : i32
    return %arg0, %c0_i32 : i32, i32
  }
  func.func @transform_1(%arg0: i32) -> (i32, i32) {
    %c0_i32 = arith.constant 0 : i32
    %c0_i32_0 = arith.constant 0 : i32
    %c0_i32_1 = arith.constant 0 : i32
    return %c0_i32, %c0_i32_0 : i32, i32
  }
  func.func @transform_2(%arg0: i32) -> (i32, i32) {
    %c0_i32 = arith.constant 0 : i32
    %c0_i32_0 = arith.constant 0 : i32
    %c0_i32_1 = arith.constant 0 : i32
    return %c0_i32, %c0_i32_0 : i32, i32
  }
  func.func @transform_3(%arg0: i32) -> (i32, i32) {
    %c0_i32 = arith.constant 0 : i32
    %c0_i32_0 = arith.constant 0 : i32
    return %arg0, %c0_i32 : i32, i32
  }
  func.func @transform_4(%arg0: i32) -> (i32, i32) {
    %c0_i32 = arith.constant 0 : i32
    %c0_i32_0 = arith.constant 0 : i32
    return %arg0, %c0_i32 : i32, i32
  }
}

module attributes {stable_mosaic.version = 14 : i64} {
  func.func @body(%arg0: i32, %arg1: memref<2x2048x64xf32, #tpu.memory_space<vmem>>, %arg2: memref<2048x16xf32, #tpu.memory_space<vmem>>, %arg3: memref<2048x128xf32, #tpu.memory_space<vmem>>) attributes {dimension_semantics = [#tpu.dimension_semantics<arbitrary>], iteration_bounds = array<i64: 5>, scalar_prefetch = 0 : i64, scratch_operands = 0 : i64, tpu.core_type = #tpu.core_type<tc>, window_params = [{transform_indices = @transform_0, window_bounds = array<i64: 2, 2048, 64>}, {transform_indices = @transform_1, window_bounds = array<i64: 2048, 16>}, {transform_indices = @transform_2, window_bounds = array<i64: 2048, 128>}]} {
    %get3A = arith.constant 0 : index
    %get3A_0 = arith.constant 0 : index
    %get3A_1 = arith.constant 0 : index
    %get3A_2 = vector.load %arg1[%get3A, %get3A_0, %get3A_1] : memref<2x2048x64xf32, #tpu.memory_space<vmem>>, vector<1x2048x64xf32>
    %get3A_3 = vector.shape_cast %get3A_2 : vector<1x2048x64xf32> to vector<2048x64xf32>
    %get3A_4 = arith.constant 1 : index
    %get3A_5 = arith.constant 0 : index
    %get3A_6 = arith.constant 0 : index
    %get3A_7 = vector.load %arg1[%get3A_4, %get3A_5, %get3A_6] : memref<2x2048x64xf32, #tpu.memory_space<vmem>>, vector<1x2048x64xf32>
    %get3A_8 = vector.shape_cast %get3A_7 : vector<1x2048x64xf32> to vector<2048x64xf32>
    %concatenate3A = tpu.concatenate %get3A_3, %get3A_8 in 1 : vector<2048x64xf32>, vector<2048x64xf32> -> vector<2048x128xf32>
    %get3A_9 = arith.constant 0 : index
    %get3A_10 = arith.constant 0 : index
    %get3A_11 = vector.load %arg2[%get3A_9, %get3A_10] : memref<2048x16xf32, #tpu.memory_space<vmem>>, vector<2048x1xf32>
    %mul3A = vector.broadcast %get3A_11 : vector<2048x1xf32> to vector<2048x128xf32>
    %mul3A_12 = arith.mulf %concatenate3A, %mul3A : vector<2048x128xf32>
    %ge3A = arith.constant 0.000000e+00 : f32
    %ge3A_13 = vector.broadcast %ge3A : f32 to vector<2048x128xf32>
    %ge3A_14 = arith.cmpf oge, %mul3A_12, %ge3A_13 : vector<2048x128xf32>
    %mul3A_15 = arith.constant 0.00999999977 : f32
    %mul3A_16 = vector.broadcast %mul3A_15 : f32 to vector<2048x128xf32>
    %mul3A_17 = arith.mulf %mul3A_16, %mul3A_12 : vector<2048x128xf32>
    %select_n3A = arith.select %ge3A_14, %mul3A_12, %mul3A_17 : vector<2048x128xi1>, vector<2048x128xf32>
    %mul3A_18 = arith.mulf %select_n3A, %select_n3A : vector<2048x128xf32>
    %reduce_sum3A = arith.constant dense<0.000000e+00> : vector<2048xf32>
    %reduce_sum3A_19 = vector.multi_reduction <add>, %mul3A_18, %reduce_sum3A [1] : vector<2048x128xf32> to vector<2048xf32>
    %broadcast_in_dim3A = vector.shape_cast %reduce_sum3A_19 : vector<2048xf32> to vector<2048x1xf32>
    %sqrt3A = math.sqrt %broadcast_in_dim3A : vector<2048x1xf32>
    %max3A = arith.constant 9.99999996E-13 : f32
    %max3A_20 = vector.broadcast %max3A : f32 to vector<2048x1xf32>
    %max3A_21 = arith.maximumf %sqrt3A, %max3A_20 : vector<2048x1xf32>
    %div3A = vector.broadcast %max3A_21 : vector<2048x1xf32> to vector<2048x128xf32>
    %div3A_22 = arith.divf %select_n3A, %div3A : vector<2048x128xf32>
    %swap3A = arith.constant 0 : index
    %swap3A_23 = arith.constant 0 : index
    %swap3A_24 = vector.load %arg3[%swap3A, %swap3A_23] : memref<2048x128xf32, #tpu.memory_space<vmem>>, vector<2048x128xf32>
    tpu.vector_store %arg3[%swap3A, %swap3A_23], %div3A_22 {strides = array<i32>} : memref<2048x128xf32, #tpu.memory_space<vmem>>, vector<2048x128xf32>,
    return
  }
  func.func @transform_0(%arg0: i32) -> (i32, i32, i32) {
    %c0_i32 = arith.constant 0 : i32
    %c0_i32_0 = arith.constant 0 : i32
    %c0_i32_1 = arith.constant 0 : i32
    return %c0_i32, %arg0, %c0_i32_0 : i32, i32, i32
  }
  func.func @transform_1(%arg0: i32) -> (i32, i32) {
    %c0_i32 = arith.constant 0 : i32
    %c0_i32_0 = arith.constant 0 : i32
    return %arg0, %c0_i32 : i32, i32
  }
  func.func @transform_2(%arg0: i32) -> (i32, i32) {
    %c0_i32 = arith.constant 0 : i32
    %c0_i32_0 = arith.constant 0 : i32
    return %arg0, %c0_i32 : i32, i32
  }
}

module attributes {stable_mosaic.version = 14 : i64} {
  func.func @body(%arg0: i32, %arg1: memref<3200x128xf32, #tpu.memory_space<vmem>>, %arg2: memref<128x384xf32, #tpu.memory_space<vmem>>, %arg3: memref<1x384xf32, #tpu.memory_space<vmem>>, %arg4: memref<3200x384xf32, #tpu.memory_space<vmem>>) attributes {dimension_semantics = [#tpu.dimension_semantics<arbitrary>], iteration_bounds = array<i64: 8>, scalar_prefetch = 0 : i64, scratch_operands = 0 : i64, tpu.core_type = #tpu.core_type<tc>, window_params = [{transform_indices = @transform_0, window_bounds = array<i64: 3200, 128>}, {pipeline_mode = #tpu.pipeline_mode<synchronous>, transform_indices = @transform_1, window_bounds = array<i64: 128, 384>}, {pipeline_mode = #tpu.pipeline_mode<synchronous>, transform_indices = @transform_2, window_bounds = array<i64: 1, 384>}, {transform_indices = @transform_3, window_bounds = array<i64: 3200, 384>}]} {
    %get3A = arith.constant 0 : index
    %get3A_0 = arith.constant 0 : index
    %get3A_1 = vector.load %arg1[%get3A, %get3A_0] : memref<3200x128xf32, #tpu.memory_space<vmem>>, vector<3200x128xf32>
    %get3A_2 = arith.constant 0 : index
    %get3A_3 = arith.constant 0 : index
    %get3A_4 = vector.load %arg2[%get3A_2, %get3A_3] : memref<128x384xf32, #tpu.memory_space<vmem>>, vector<128x384xf32>
    %dot_general3A = arith.constant dense<0.000000e+00> : vector<3200x384xf32>
    %dot_general3A_5 = tpu.matmul %get3A_1, %get3A_4, %dot_general3A {dimension_numbers = #tpu.dot_dimension_numbers<[1], [0], [0], [1], [0, 0, 1, 1], [], []>, transpose_lhs_hint = false} : vector<3200x128xf32>, vector<128x384xf32>, vector<3200x384xf32> -> vector<3200x384xf32>
    %get3A_6 = arith.constant 0 : index
    %get3A_7 = arith.constant 0 : index
    %get3A_8 = vector.load %arg3[%get3A_6, %get3A_7] : memref<1x384xf32, #tpu.memory_space<vmem>>, vector<1x384xf32>
    %add3A = vector.broadcast %get3A_8 : vector<1x384xf32> to vector<3200x384xf32>
    %add3A_9 = arith.addf %dot_general3A_5, %add3A : vector<3200x384xf32>
    %swap3A = arith.constant 0 : index
    %swap3A_10 = arith.constant 0 : index
    %swap3A_11 = vector.load %arg4[%swap3A, %swap3A_10] : memref<3200x384xf32, #tpu.memory_space<vmem>>, vector<3200x384xf32>
    tpu.vector_store %arg4[%swap3A, %swap3A_10], %add3A_9 {strides = array<i32>} : memref<3200x384xf32, #tpu.memory_space<vmem>>, vector<3200x384xf32>,
    return
  }
  func.func @transform_0(%arg0: i32) -> (i32, i32) {
    %c0_i32 = arith.constant 0 : i32
    %c0_i32_0 = arith.constant 0 : i32
    return %arg0, %c0_i32 : i32, i32
  }
  func.func @transform_1(%arg0: i32) -> (i32, i32) {
    %c0_i32 = arith.constant 0 : i32
    %c0_i32_0 = arith.constant 0 : i32
    %c0_i32_1 = arith.constant 0 : i32
    return %c0_i32, %c0_i32_0 : i32, i32
  }
  func.func @transform_2(%arg0: i32) -> (i32, i32) {
    %c0_i32 = arith.constant 0 : i32
    %c0_i32_0 = arith.constant 0 : i32
    %c0_i32_1 = arith.constant 0 : i32
    return %c0_i32, %c0_i32_0 : i32, i32
  }
  func.func @transform_3(%arg0: i32) -> (i32, i32) {
    %c0_i32 = arith.constant 0 : i32
    %c0_i32_0 = arith.constant 0 : i32
    return %arg0, %c0_i32 : i32, i32
  }
}

module attributes {stable_mosaic.version = 14 : i64} {
  func.func @body(%arg0: i32, %arg1: i32, %arg2: memref<2x8xi32, #tpu.memory_space<smem>>, %arg3: memref<64x128xf32, #tpu.memory_space<vmem>>, %arg4: memref<1024x128xf32, #tpu.memory_space<vmem>>, %arg5: memref<1024x128xf32, #tpu.memory_space<vmem>>, %arg6: memref<1x64x1xi32, #tpu.memory_space<vmem>>, %arg7: memref<1x1x1024xi32, #tpu.memory_space<vmem>>, %arg8: memref<1x512xf32, #tpu.memory_space<vmem>>, %arg9: memref<3x128xf32, #tpu.memory_space<vmem>>, %arg10: memref<64x128xf32, #tpu.memory_space<vmem>>, %arg11: memref<64x8xf32, #tpu.memory_space<vmem>>, %arg12: memref<64x8xf32, #tpu.memory_space<vmem>>, %arg13: memref<64x128xf32, #tpu.memory_space<vmem>>) attributes {dimension_semantics = [#tpu.dimension_semantics<arbitrary>, #tpu.dimension_semantics<arbitrary>], iteration_bounds = array<i64: 8, 25>, scalar_prefetch = 1 : i64, scratch_operands = 3 : i64, tpu.core_type = #tpu.core_type<tc>, window_params = [{transform_indices = @transform_0, window_bounds = array<i64: 64, 128>}, {transform_indices = @transform_1, window_bounds = array<i64: 1024, 128>}, {transform_indices = @transform_2, window_bounds = array<i64: 1024, 128>}, {transform_indices = @transform_3, window_bounds = array<i64: 1, 64, 1>}, {transform_indices = @transform_4, window_bounds = array<i64: 1, 1, 1024>}, {pipeline_mode = #tpu.pipeline_mode<synchronous>, transform_indices = @transform_5, window_bounds = array<i64: 1, 512>}, {pipeline_mode = #tpu.pipeline_mode<synchronous>, transform_indices = @transform_6, window_bounds = array<i64: 3, 128>}, {transform_indices = @transform_7, window_bounds = array<i64: 64, 128>}]} {
    %get3A = arith.constant 1 : index
    %get3A_0 = arith.index_cast %arg0 : i32 to index
    %get3A_1 = memref.load %arg2[%get3A, %get3A_0] : memref<2x8xi32, #tpu.memory_space<smem>>
    %get3A_2 = arith.constant 0 : index
    %get3A_3 = arith.index_cast %arg0 : i32 to index
    %get3A_4 = memref.load %arg2[%get3A_2, %get3A_3] : memref<2x8xi32, #tpu.memory_space<smem>>
    %sub3A = arith.subi %get3A_1, %get3A_4 : i32
    %get3A_5 = arith.constant 0 : index
    %get3A_6 = arith.constant 0 : index
    %get3A_7 = arith.constant 0 : index
    %get3A_8 = vector.load %arg6[%get3A_5, %get3A_6, %get3A_7] : memref<1x64x1xi32, #tpu.memory_space<vmem>>, vector<1x64x1xi32>
    %get3A_9 = vector.shape_cast %get3A_8 : vector<1x64x1xi32> to vector<64x1xi32>
    %eq3A = arith.constant 0 : i32
    %eq3A_10 = arith.cmpi eq, %arg1, %eq3A : i32
    %convert_element_type3A = arith.extui %eq3A_10 : i1 to i32
    %cond3A = arith.constant 0 : i32
    %cond3A_11 = arith.cmpi ne, %convert_element_type3A, %cond3A : i32
    scf.if %cond3A_11 {
      %iota3A = tpu.iota {dimensions = array<i32: 1>} : vector<64x512xi32>
      %eq3A_20 = vector.broadcast %get3A_9 : vector<64x1xi32> to vector<64x512xi32>
      %eq3A_21 = arith.cmpi eq, %eq3A_20, %iota3A : vector<64x512xi32>
      %convert_element_type3A_22 = arith.extui %eq3A_21 : vector<64x512xi1> to vector<64x512xi32>
      %convert_element_type3A_23 = arith.sitofp %convert_element_type3A_22 : vector<64x512xi32> to vector<64x512xf32>
      %get3A_24 = arith.constant 0 : index
      %get3A_25 = arith.constant 0 : index
      %get3A_26 = vector.load %arg8[%get3A_24, %get3A_25] : memref<1x512xf32, #tpu.memory_space<vmem>>, vector<1x512xf32>
      %mul3A = vector.broadcast %get3A_26 : vector<1x512xf32> to vector<64x512xf32>
      %mul3A_27 = arith.mulf %convert_element_type3A_23, %mul3A : vector<64x512xf32>
      %reduce_sum3A = arith.constant dense<0.000000e+00> : vector<64xf32>
      %reduce_sum3A_28 = vector.multi_reduction <add>, %mul3A_27, %reduce_sum3A [1] : vector<64x512xf32> to vector<64xf32>
      %broadcast_in_dim3A = vector.shape_cast %reduce_sum3A_28 : vector<64xf32> to vector<64x1xf32>
      %get3A_29 = arith.constant 1 : index
      %get3A_30 = arith.constant 0 : index
      %get3A_31 = vector.load %arg9[%get3A_29, %get3A_30] : memref<3x128xf32, #tpu.memory_space<vmem>>, vector<1x16xf32>
      %get3A_32 = arith.constant 2 : index
      %get3A_33 = arith.constant 0 : index
      %get3A_34 = vector.load %arg9[%get3A_32, %get3A_33] : memref<3x128xf32, #tpu.memory_space<vmem>>, vector<1x16xf32>
      %get3A_35 = arith.constant 0 : index
      %get3A_36 = arith.constant 0 : index
      %get3A_37 = vector.load %arg3[%get3A_35, %get3A_36] : memref<64x128xf32, #tpu.memory_space<vmem>>, vector<64x16xf32>
      %dot_general3A = arith.constant dense<0.000000e+00> : vector<64x1xf32>
      %dot_general3A_38 = tpu.matmul %get3A_37, %get3A_31, %dot_general3A {dimension_numbers = #tpu.dot_dimension_numbers<[1], [1], [0], [0], [0, 0, 1, 0], [], []>, transpose_lhs_hint = false} : vector<64x16xf32>, vector<1x16xf32>, vector<64x1xf32> -> vector<64x1xf32>
      %mul3A_39 = arith.constant 2.500000e-01 : f32
      %mul3A_40 = vector.broadcast %mul3A_39 : f32 to vector<64x1xf32>
      %mul3A_41 = arith.mulf %dot_general3A_38, %mul3A_40 : vector<64x1xf32>
      %gt3A = arith.constant 0.000000e+00 : f32
      %gt3A_42 = vector.broadcast %gt3A : f32 to vector<64x1xf32>
      %gt3A_43 = arith.cmpf ogt, %broadcast_in_dim3A, %gt3A_42 : vector<64x1xf32>
      %jit3A = arith.constant -1.000000e+30 : f32
      %broadcast_in_dim3A_44 = vector.broadcast %jit3A : f32 to vector<64x1xf32>
      %select_n3A = arith.select %gt3A_43, %mul3A_41, %broadcast_in_dim3A_44 : vector<64x1xi1>, vector<64x1xf32>
      %swap3A = arith.constant 0 : index
      %swap3A_45 = arith.constant 0 : index
      %swap3A_46 = vector.load %arg11[%swap3A, %swap3A_45] : memref<64x8xf32, #tpu.memory_space<vmem>>, vector<64x1xf32>
      tpu.vector_store %arg11[%swap3A, %swap3A_45], %select_n3A {strides = array<i32>} : memref<64x8xf32, #tpu.memory_space<vmem>>, vector<64x1xf32>,
      %swap3A_47 = arith.constant 0 : index
      %swap3A_48 = arith.constant 0 : index
      %swap3A_49 = vector.load %arg12[%swap3A_47, %swap3A_48] : memref<64x8xf32, #tpu.memory_space<vmem>>, vector<64x1xf32>
      tpu.vector_store %arg12[%swap3A_47, %swap3A_48], %broadcast_in_dim3A {strides = array<i32>} : memref<64x8xf32, #tpu.memory_space<vmem>>, vector<64x1xf32>,
      %mul3A_50 = vector.broadcast %broadcast_in_dim3A : vector<64x1xf32> to vector<64x16xf32>
      %mul3A_51 = vector.broadcast %get3A_34 : vector<1x16xf32> to vector<64x16xf32>
      %mul3A_52 = arith.mulf %mul3A_50, %mul3A_51 : vector<64x16xf32>
      %swap3A_53 = arith.constant 0 : index
      %swap3A_54 = arith.constant 0 : index
      %swap3A_55 = vector.load %arg13[%swap3A_53, %swap3A_54] : memref<64x128xf32, #tpu.memory_space<vmem>>, vector<64x16xf32>
      tpu.vector_store %arg13[%swap3A_53, %swap3A_54], %mul3A_52 {strides = array<i32>} : memref<64x128xf32, #tpu.memory_space<vmem>>, vector<64x16xf32>,
      %get3A_56 = arith.constant 1 : index
      %get3A_57 = arith.constant 16 : index
      %get3A_58 = vector.load %arg9[%get3A_56, %get3A_57] : memref<3x128xf32, #tpu.memory_space<vmem>>, vector<1x16xf32>
      %get3A_59 = arith.constant 2 : index
      %get3A_60 = arith.constant 16 : index
      %get3A_61 = vector.load %arg9[%get3A_59, %get3A_60] : memref<3x128xf32, #tpu.memory_space<vmem>>, vector<1x16xf32>
      %get3A_62 = arith.constant 0 : index
      %get3A_63 = arith.constant 16 : index
      %get3A_64 = vector.load %arg3[%get3A_62, %get3A_63] : memref<64x128xf32, #tpu.memory_space<vmem>>, vector<64x16xf32>
      %dot_general3A_65 = arith.constant dense<0.000000e+00> : vector<64x1xf32>
      %dot_general3A_66 = tpu.matmul %get3A_64, %get3A_58, %dot_general3A_65 {dimension_numbers = #tpu.dot_dimension_numbers<[1], [1], [0], [0], [0, 0, 1, 0], [], []>, transpose_lhs_hint = false} : vector<64x16xf32>, vector<1x16xf32>, vector<64x1xf32> -> vector<64x1xf32>
      %mul3A_67 = arith.constant 2.500000e-01 : f32
      %mul3A_68 = vector.broadcast %mul3A_67 : f32 to vector<64x1xf32>
      %mul3A_69 = arith.mulf %dot_general3A_66, %mul3A_68 : vector<64x1xf32>
      %gt3A_70 = arith.constant 0.000000e+00 : f32
      %gt3A_71 = vector.broadcast %gt3A_70 : f32 to vector<64x1xf32>
      %gt3A_72 = arith.cmpf ogt, %broadcast_in_dim3A, %gt3A_71 : vector<64x1xf32>
      %jit3A_73 = arith.constant -1.000000e+30 : f32
      %broadcast_in_dim3A_74 = vector.broadcast %jit3A_73 : f32 to vector<64x1xf32>
      %select_n3A_75 = arith.select %gt3A_72, %mul3A_69, %broadcast_in_dim3A_74 : vector<64x1xi1>, vector<64x1xf32>
      %swap3A_76 = arith.constant 0 : index
      %swap3A_77 = arith.constant 1 : index
      %swap3A_78 = vector.load %arg11[%swap3A_76, %swap3A_77] : memref<64x8xf32, #tpu.memory_space<vmem>>, vector<64x1xf32>
      tpu.vector_store %arg11[%swap3A_76, %swap3A_77], %select_n3A_75 {strides = array<i32>} : memref<64x8xf32, #tpu.memory_space<vmem>>, vector<64x1xf32>,
      %swap3A_79 = arith.constant 0 : index
      %swap3A_80 = arith.constant 1 : index
      %swap3A_81 = vector.load %arg12[%swap3A_79, %swap3A_80] : memref<64x8xf32, #tpu.memory_space<vmem>>, vector<64x1xf32>
      tpu.vector_store %arg12[%swap3A_79, %swap3A_80], %broadcast_in_dim3A {strides = array<i32>} : memref<64x8xf32, #tpu.memory_space<vmem>>, vector<64x1xf32>,
      %mul3A_82 = vector.broadcast %broadcast_in_dim3A : vector<64x1xf32> to vector<64x16xf32>
      %mul3A_83 = vector.broadcast %get3A_61 : vector<1x16xf32> to vector<64x16xf32>
      %mul3A_84 = arith.mulf %mul3A_82, %mul3A_83 : vector<64x16xf32>
      %swap3A_85 = arith.constant 0 : index
      %swap3A_86 = arith.constant 16 : index
      %swap3A_87 = vector.load %arg13[%swap3A_85, %swap3A_86] : memref<64x128xf32, #tpu.memory_space<vmem>>, vector<64x16xf32>
      tpu.vector_store %arg13[%swap3A_85, %swap3A_86], %mul3A_84 {strides = array<i32>} : memref<64x128xf32, #tpu.memory_space<vmem>>, vector<64x16xf32>,
      %get3A_88 = arith.constant 1 : index
      %get3A_89 = arith.constant 32 : index
      %get3A_90 = vector.load %arg9[%get3A_88, %get3A_89] : memref<3x128xf32, #tpu.memory_space<vmem>>, vector<1x16xf32>
      %get3A_91 = arith.constant 2 : index
      %get3A_92 = arith.constant 32 : index
      %get3A_93 = vector.load %arg9[%get3A_91, %get3A_92] : memref<3x128xf32, #tpu.memory_space<vmem>>, vector<1x16xf32>
      %get3A_94 = arith.constant 0 : index
      %get3A_95 = arith.constant 32 : index
      %get3A_96 = vector.load %arg3[%get3A_94, %get3A_95] : memref<64x128xf32, #tpu.memory_space<vmem>>, vector<64x16xf32>
      %dot_general3A_97 = arith.constant dense<0.000000e+00> : vector<64x1xf32>
      %dot_general3A_98 = tpu.matmul %get3A_96, %get3A_90, %dot_general3A_97 {dimension_numbers = #tpu.dot_dimension_numbers<[1], [1], [0], [0], [0, 0, 1, 0], [], []>, transpose_lhs_hint = false} : vector<64x16xf32>, vector<1x16xf32>, vector<64x1xf32> -> vector<64x1xf32>
      %mul3A_99 = arith.constant 2.500000e-01 : f32
      %mul3A_100 = vector.broadcast %mul3A_99 : f32 to vector<64x1xf32>
      %mul3A_101 = arith.mulf %dot_general3A_98, %mul3A_100 : vector<64x1xf32>
      %gt3A_102 = arith.constant 0.000000e+00 : f32
      %gt3A_103 = vector.broadcast %gt3A_102 : f32 to vector<64x1xf32>
      %gt3A_104 = arith.cmpf ogt, %broadcast_in_dim3A, %gt3A_103 : vector<64x1xf32>
      %jit3A_105 = arith.constant -1.000000e+30 : f32
      %broadcast_in_dim3A_106 = vector.broadcast %jit3A_105 : f32 to vector<64x1xf32>
      %select_n3A_107 = arith.select %gt3A_104, %mul3A_101, %broadcast_in_dim3A_106 : vector<64x1xi1>, vector<64x1xf32>
      %swap3A_108 = arith.constant 0 : index
      %swap3A_109 = arith.constant 2 : index
      %swap3A_110 = vector.load %arg11[%swap3A_108, %swap3A_109] : memref<64x8xf32, #tpu.memory_space<vmem>>, vector<64x1xf32>
      tpu.vector_store %arg11[%swap3A_108, %swap3A_109], %select_n3A_107 {strides = array<i32>} : memref<64x8xf32, #tpu.memory_space<vmem>>, vector<64x1xf32>,
      %swap3A_111 = arith.constant 0 : index
      %swap3A_112 = arith.constant 2 : index
      %swap3A_113 = vector.load %arg12[%swap3A_111, %swap3A_112] : memref<64x8xf32, #tpu.memory_space<vmem>>, vector<64x1xf32>
      tpu.vector_store %arg12[%swap3A_111, %swap3A_112], %broadcast_in_dim3A {strides = array<i32>} : memref<64x8xf32, #tpu.memory_space<vmem>>, vector<64x1xf32>,
      %mul3A_114 = vector.broadcast %broadcast_in_dim3A : vector<64x1xf32> to vector<64x16xf32>
      %mul3A_115 = vector.broadcast %get3A_93 : vector<1x16xf32> to vector<64x16xf32>
      %mul3A_116 = arith.mulf %mul3A_114, %mul3A_115 : vector<64x16xf32>
      %swap3A_117 = arith.constant 0 : index
      %swap3A_118 = arith.constant 32 : index
      %swap3A_119 = vector.load %arg13[%swap3A_117, %swap3A_118] : memref<64x128xf32, #tpu.memory_space<vmem>>, vector<64x16xf32>
      tpu.vector_store %arg13[%swap3A_117, %swap3A_118], %mul3A_116 {strides = array<i32>} : memref<64x128xf32, #tpu.memory_space<vmem>>, vector<64x16xf32>,
      %get3A_120 = arith.constant 1 : index
      %get3A_121 = arith.constant 48 : index
      %get3A_122 = vector.load %arg9[%get3A_120, %get3A_121] : memref<3x128xf32, #tpu.memory_space<vmem>>, vector<1x16xf32>
      %get3A_123 = arith.constant 2 : index
      %get3A_124 = arith.constant 48 : index
      %get3A_125 = vector.load %arg9[%get3A_123, %get3A_124] : memref<3x128xf32, #tpu.memory_space<vmem>>, vector<1x16xf32>
      %get3A_126 = arith.constant 0 : index
      %get3A_127 = arith.constant 48 : index
      %get3A_128 = vector.load %arg3[%get3A_126, %get3A_127] : memref<64x128xf32, #tpu.memory_space<vmem>>, vector<64x16xf32>
      %dot_general3A_129 = arith.constant dense<0.000000e+00> : vector<64x1xf32>
      %dot_general3A_130 = tpu.matmul %get3A_128, %get3A_122, %dot_general3A_129 {dimension_numbers = #tpu.dot_dimension_numbers<[1], [1], [0], [0], [0, 0, 1, 0], [], []>, transpose_lhs_hint = false} : vector<64x16xf32>, vector<1x16xf32>, vector<64x1xf32> -> vector<64x1xf32>
      %mul3A_131 = arith.constant 2.500000e-01 : f32
      %mul3A_132 = vector.broadcast %mul3A_131 : f32 to vector<64x1xf32>
      %mul3A_133 = arith.mulf %dot_general3A_130, %mul3A_132 : vector<64x1xf32>
      %gt3A_134 = arith.constant 0.000000e+00 : f32
      %gt3A_135 = vector.broadcast %gt3A_134 : f32 to vector<64x1xf32>
      %gt3A_136 = arith.cmpf ogt, %broadcast_in_dim3A, %gt3A_135 : vector<64x1xf32>
      %jit3A_137 = arith.constant -1.000000e+30 : f32
      %broadcast_in_dim3A_138 = vector.broadcast %jit3A_137 : f32 to vector<64x1xf32>
      %select_n3A_139 = arith.select %gt3A_136, %mul3A_133, %broadcast_in_dim3A_138 : vector<64x1xi1>, vector<64x1xf32>
      %swap3A_140 = arith.constant 0 : index
      %swap3A_141 = arith.constant 3 : index
      %swap3A_142 = vector.load %arg11[%swap3A_140, %swap3A_141] : memref<64x8xf32, #tpu.memory_space<vmem>>, vector<64x1xf32>
      tpu.vector_store %arg11[%swap3A_140, %swap3A_141], %select_n3A_139 {strides = array<i32>} : memref<64x8xf32, #tpu.memory_space<vmem>>, vector<64x1xf32>,
      %swap3A_143 = arith.constant 0 : index
      %swap3A_144 = arith.constant 3 : index
      %swap3A_145 = vector.load %arg12[%swap3A_143, %swap3A_144] : memref<64x8xf32, #tpu.memory_space<vmem>>, vector<64x1xf32>
      tpu.vector_store %arg12[%swap3A_143, %swap3A_144], %broadcast_in_dim3A {strides = array<i32>} : memref<64x8xf32, #tpu.memory_space<vmem>>, vector<64x1xf32>,
      %mul3A_146 = vector.broadcast %broadcast_in_dim3A : vector<64x1xf32> to vector<64x16xf32>
      %mul3A_147 = vector.broadcast %get3A_125 : vector<1x16xf32> to vector<64x16xf32>
      %mul3A_148 = arith.mulf %mul3A_146, %mul3A_147 : vector<64x16xf32>
      %swap3A_149 = arith.constant 0 : index
      %swap3A_150 = arith.constant 48 : index
      %swap3A_151 = vector.load %arg13[%swap3A_149, %swap3A_150] : memref<64x128xf32, #tpu.memory_space<vmem>>, vector<64x16xf32>
      tpu.vector_store %arg13[%swap3A_149, %swap3A_150], %mul3A_148 {strides = array<i32>} : memref<64x128xf32, #tpu.memory_space<vmem>>, vector<64x16xf32>,
      %get3A_152 = arith.constant 1 : index
      %get3A_153 = arith.constant 64 : index
      %get3A_154 = vector.load %arg9[%get3A_152, %get3A_153] : memref<3x128xf32, #tpu.memory_space<vmem>>, vector<1x16xf32>
      %get3A_155 = arith.constant 2 : index
      %get3A_156 = arith.constant 64 : index
      %get3A_157 = vector.load %arg9[%get3A_155, %get3A_156] : memref<3x128xf32, #tpu.memory_space<vmem>>, vector<1x16xf32>
      %get3A_158 = arith.constant 0 : index
      %get3A_159 = arith.constant 64 : index
      %get3A_160 = vector.load %arg3[%get3A_158, %get3A_159] : memref<64x128xf32, #tpu.memory_space<vmem>>, vector<64x16xf32>
      %dot_general3A_161 = arith.constant dense<0.000000e+00> : vector<64x1xf32>
      %dot_general3A_162 = tpu.matmul %get3A_160, %get3A_154, %dot_general3A_161 {dimension_numbers = #tpu.dot_dimension_numbers<[1], [1], [0], [0], [0, 0, 1, 0], [], []>, transpose_lhs_hint = false} : vector<64x16xf32>, vector<1x16xf32>, vector<64x1xf32> -> vector<64x1xf32>
      %mul3A_163 = arith.constant 2.500000e-01 : f32
      %mul3A_164 = vector.broadcast %mul3A_163 : f32 to vector<64x1xf32>
      %mul3A_165 = arith.mulf %dot_general3A_162, %mul3A_164 : vector<64x1xf32>
      %gt3A_166 = arith.constant 0.000000e+00 : f32
      %gt3A_167 = vector.broadcast %gt3A_166 : f32 to vector<64x1xf32>
      %gt3A_168 = arith.cmpf ogt, %broadcast_in_dim3A, %gt3A_167 : vector<64x1xf32>
      %jit3A_169 = arith.constant -1.000000e+30 : f32
      %broadcast_in_dim3A_170 = vector.broadcast %jit3A_169 : f32 to vector<64x1xf32>
      %select_n3A_171 = arith.select %gt3A_168, %mul3A_165, %broadcast_in_dim3A_170 : vector<64x1xi1>, vector<64x1xf32>
      %swap3A_172 = arith.constant 0 : index
      %swap3A_173 = arith.constant 4 : index
      %swap3A_174 = vector.load %arg11[%swap3A_172, %swap3A_173] : memref<64x8xf32, #tpu.memory_space<vmem>>, vector<64x1xf32>
      tpu.vector_store %arg11[%swap3A_172, %swap3A_173], %select_n3A_171 {strides = array<i32>} : memref<64x8xf32, #tpu.memory_space<vmem>>, vector<64x1xf32>,
      %swap3A_175 = arith.constant 0 : index
      %swap3A_176 = arith.constant 4 : index
      %swap3A_177 = vector.load %arg12[%swap3A_175, %swap3A_176] : memref<64x8xf32, #tpu.memory_space<vmem>>, vector<64x1xf32>
      tpu.vector_store %arg12[%swap3A_175, %swap3A_176], %broadcast_in_dim3A {strides = array<i32>} : memref<64x8xf32, #tpu.memory_space<vmem>>, vector<64x1xf32>,
      %mul3A_178 = vector.broadcast %broadcast_in_dim3A : vector<64x1xf32> to vector<64x16xf32>
      %mul3A_179 = vector.broadcast %get3A_157 : vector<1x16xf32> to vector<64x16xf32>
      %mul3A_180 = arith.mulf %mul3A_178, %mul3A_179 : vector<64x16xf32>
      %swap3A_181 = arith.constant 0 : index
      %swap3A_182 = arith.constant 64 : index
      %swap3A_183 = vector.load %arg13[%swap3A_181, %swap3A_182] : memref<64x128xf32, #tpu.memory_space<vmem>>, vector<64x16xf32>
      tpu.vector_store %arg13[%swap3A_181, %swap3A_182], %mul3A_180 {strides = array<i32>} : memref<64x128xf32, #tpu.memory_space<vmem>>, vector<64x16xf32>,
      %get3A_184 = arith.constant 1 : index
      %get3A_185 = arith.constant 80 : index
      %get3A_186 = vector.load %arg9[%get3A_184, %get3A_185] : memref<3x128xf32, #tpu.memory_space<vmem>>, vector<1x16xf32>
      %get3A_187 = arith.constant 2 : index
      %get3A_188 = arith.constant 80 : index
      %get3A_189 = vector.load %arg9[%get3A_187, %get3A_188] : memref<3x128xf32, #tpu.memory_space<vmem>>, vector<1x16xf32>
      %get3A_190 = arith.constant 0 : index
      %get3A_191 = arith.constant 80 : index
      %get3A_192 = vector.load %arg3[%get3A_190, %get3A_191] : memref<64x128xf32, #tpu.memory_space<vmem>>, vector<64x16xf32>
      %dot_general3A_193 = arith.constant dense<0.000000e+00> : vector<64x1xf32>
      %dot_general3A_194 = tpu.matmul %get3A_192, %get3A_186, %dot_general3A_193 {dimension_numbers = #tpu.dot_dimension_numbers<[1], [1], [0], [0], [0, 0, 1, 0], [], []>, transpose_lhs_hint = false} : vector<64x16xf32>, vector<1x16xf32>, vector<64x1xf32> -> vector<64x1xf32>
      %mul3A_195 = arith.constant 2.500000e-01 : f32
      %mul3A_196 = vector.broadcast %mul3A_195 : f32 to vector<64x1xf32>
      %mul3A_197 = arith.mulf %dot_general3A_194, %mul3A_196 : vector<64x1xf32>
      %gt3A_198 = arith.constant 0.000000e+00 : f32
      %gt3A_199 = vector.broadcast %gt3A_198 : f32 to vector<64x1xf32>
      %gt3A_200 = arith.cmpf ogt, %broadcast_in_dim3A, %gt3A_199 : vector<64x1xf32>
      %jit3A_201 = arith.constant -1.000000e+30 : f32
      %broadcast_in_dim3A_202 = vector.broadcast %jit3A_201 : f32 to vector<64x1xf32>
      %select_n3A_203 = arith.select %gt3A_200, %mul3A_197, %broadcast_in_dim3A_202 : vector<64x1xi1>, vector<64x1xf32>
      %swap3A_204 = arith.constant 0 : index
      %swap3A_205 = arith.constant 5 : index
      %swap3A_206 = vector.load %arg11[%swap3A_204, %swap3A_205] : memref<64x8xf32, #tpu.memory_space<vmem>>, vector<64x1xf32>
      tpu.vector_store %arg11[%swap3A_204, %swap3A_205], %select_n3A_203 {strides = array<i32>} : memref<64x8xf32, #tpu.memory_space<vmem>>, vector<64x1xf32>,
      %swap3A_207 = arith.constant 0 : index
      %swap3A_208 = arith.constant 5 : index
      %swap3A_209 = vector.load %arg12[%swap3A_207, %swap3A_208] : memref<64x8xf32, #tpu.memory_space<vmem>>, vector<64x1xf32>
      tpu.vector_store %arg12[%swap3A_207, %swap3A_208], %broadcast_in_dim3A {strides = array<i32>} : memref<64x8xf32, #tpu.memory_space<vmem>>, vector<64x1xf32>,
      %mul3A_210 = vector.broadcast %broadcast_in_dim3A : vector<64x1xf32> to vector<64x16xf32>
      %mul3A_211 = vector.broadcast %get3A_189 : vector<1x16xf32> to vector<64x16xf32>
      %mul3A_212 = arith.mulf %mul3A_210, %mul3A_211 : vector<64x16xf32>
      %swap3A_213 = arith.constant 0 : index
      %swap3A_214 = arith.constant 80 : index
      %swap3A_215 = vector.load %arg13[%swap3A_213, %swap3A_214] : memref<64x128xf32, #tpu.memory_space<vmem>>, vector<64x16xf32>
      tpu.vector_store %arg13[%swap3A_213, %swap3A_214], %mul3A_212 {strides = array<i32>} : memref<64x128xf32, #tpu.memory_space<vmem>>, vector<64x16xf32>,
      %get3A_216 = arith.constant 1 : index
      %get3A_217 = arith.constant 96 : index
      %get3A_218 = vector.load %arg9[%get3A_216, %get3A_217] : memref<3x128xf32, #tpu.memory_space<vmem>>, vector<1x16xf32>
      %get3A_219 = arith.constant 2 : index
      %get3A_220 = arith.constant 96 : index
      %get3A_221 = vector.load %arg9[%get3A_219, %get3A_220] : memref<3x128xf32, #tpu.memory_space<vmem>>, vector<1x16xf32>
      %get3A_222 = arith.constant 0 : index
      %get3A_223 = arith.constant 96 : index
      %get3A_224 = vector.load %arg3[%get3A_222, %get3A_223] : memref<64x128xf32, #tpu.memory_space<vmem>>, vector<64x16xf32>
      %dot_general3A_225 = arith.constant dense<0.000000e+00> : vector<64x1xf32>
      %dot_general3A_226 = tpu.matmul %get3A_224, %get3A_218, %dot_general3A_225 {dimension_numbers = #tpu.dot_dimension_numbers<[1], [1], [0], [0], [0, 0, 1, 0], [], []>, transpose_lhs_hint = false} : vector<64x16xf32>, vector<1x16xf32>, vector<64x1xf32> -> vector<64x1xf32>
      %mul3A_227 = arith.constant 2.500000e-01 : f32
      %mul3A_228 = vector.broadcast %mul3A_227 : f32 to vector<64x1xf32>
      %mul3A_229 = arith.mulf %dot_general3A_226, %mul3A_228 : vector<64x1xf32>
      %gt3A_230 = arith.constant 0.000000e+00 : f32
      %gt3A_231 = vector.broadcast %gt3A_230 : f32 to vector<64x1xf32>
      %gt3A_232 = arith.cmpf ogt, %broadcast_in_dim3A, %gt3A_231 : vector<64x1xf32>
      %jit3A_233 = arith.constant -1.000000e+30 : f32
      %broadcast_in_dim3A_234 = vector.broadcast %jit3A_233 : f32 to vector<64x1xf32>
      %select_n3A_235 = arith.select %gt3A_232, %mul3A_229, %broadcast_in_dim3A_234 : vector<64x1xi1>, vector<64x1xf32>
      %swap3A_236 = arith.constant 0 : index
      %swap3A_237 = arith.constant 6 : index
      %swap3A_238 = vector.load %arg11[%swap3A_236, %swap3A_237] : memref<64x8xf32, #tpu.memory_space<vmem>>, vector<64x1xf32>
      tpu.vector_store %arg11[%swap3A_236, %swap3A_237], %select_n3A_235 {strides = array<i32>} : memref<64x8xf32, #tpu.memory_space<vmem>>, vector<64x1xf32>,
      %swap3A_239 = arith.constant 0 : index
      %swap3A_240 = arith.constant 6 : index
      %swap3A_241 = vector.load %arg12[%swap3A_239, %swap3A_240] : memref<64x8xf32, #tpu.memory_space<vmem>>, vector<64x1xf32>
      tpu.vector_store %arg12[%swap3A_239, %swap3A_240], %broadcast_in_dim3A {strides = array<i32>} : memref<64x8xf32, #tpu.memory_space<vmem>>, vector<64x1xf32>,
      %mul3A_242 = vector.broadcast %broadcast_in_dim3A : vector<64x1xf32> to vector<64x16xf32>
      %mul3A_243 = vector.broadcast %get3A_221 : vector<1x16xf32> to vector<64x16xf32>
      %mul3A_244 = arith.mulf %mul3A_242, %mul3A_243 : vector<64x16xf32>
      %swap3A_245 = arith.constant 0 : index
      %swap3A_246 = arith.constant 96 : index
      %swap3A_247 = vector.load %arg13[%swap3A_245, %swap3A_246] : memref<64x128xf32, #tpu.memory_space<vmem>>, vector<64x16xf32>
      tpu.vector_store %arg13[%swap3A_245, %swap3A_246], %mul3A_244 {strides = array<i32>} : memref<64x128xf32, #tpu.memory_space<vmem>>, vector<64x16xf32>,
      %get3A_248 = arith.constant 1 : index
      %get3A_249 = arith.constant 112 : index
      %get3A_250 = vector.load %arg9[%get3A_248, %get3A_249] : memref<3x128xf32, #tpu.memory_space<vmem>>, vector<1x16xf32>
      %get3A_251 = arith.constant 2 : index
      %get3A_252 = arith.constant 112 : index
      %get3A_253 = vector.load %arg9[%get3A_251, %get3A_252] : memref<3x128xf32, #tpu.memory_space<vmem>>, vector<1x16xf32>
      %get3A_254 = arith.constant 0 : index
      %get3A_255 = arith.constant 112 : index
      %get3A_256 = vector.load %arg3[%get3A_254, %get3A_255] : memref<64x128xf32, #tpu.memory_space<vmem>>, vector<64x16xf32>
      %dot_general3A_257 = arith.constant dense<0.000000e+00> : vector<64x1xf32>
      %dot_general3A_258 = tpu.matmul %get3A_256, %get3A_250, %dot_general3A_257 {dimension_numbers = #tpu.dot_dimension_numbers<[1], [1], [0], [0], [0, 0, 1, 0], [], []>, transpose_lhs_hint = false} : vector<64x16xf32>, vector<1x16xf32>, vector<64x1xf32> -> vector<64x1xf32>
      %mul3A_259 = arith.constant 2.500000e-01 : f32
      %mul3A_260 = vector.broadcast %mul3A_259 : f32 to vector<64x1xf32>
      %mul3A_261 = arith.mulf %dot_general3A_258, %mul3A_260 : vector<64x1xf32>
      %gt3A_262 = arith.constant 0.000000e+00 : f32
      %gt3A_263 = vector.broadcast %gt3A_262 : f32 to vector<64x1xf32>
      %gt3A_264 = arith.cmpf ogt, %broadcast_in_dim3A, %gt3A_263 : vector<64x1xf32>
      %jit3A_265 = arith.constant -1.000000e+30 : f32
      %broadcast_in_dim3A_266 = vector.broadcast %jit3A_265 : f32 to vector<64x1xf32>
      %select_n3A_267 = arith.select %gt3A_264, %mul3A_261, %broadcast_in_dim3A_266 : vector<64x1xi1>, vector<64x1xf32>
      %swap3A_268 = arith.constant 0 : index
      %swap3A_269 = arith.constant 7 : index
      %swap3A_270 = vector.load %arg11[%swap3A_268, %swap3A_269] : memref<64x8xf32, #tpu.memory_space<vmem>>, vector<64x1xf32>
      tpu.vector_store %arg11[%swap3A_268, %swap3A_269], %select_n3A_267 {strides = array<i32>} : memref<64x8xf32, #tpu.memory_space<vmem>>, vector<64x1xf32>,
      %swap3A_271 = arith.constant 0 : index
      %swap3A_272 = arith.constant 7 : index
      %swap3A_273 = vector.load %arg12[%swap3A_271, %swap3A_272] : memref<64x8xf32, #tpu.memory_space<vmem>>, vector<64x1xf32>
      tpu.vector_store %arg12[%swap3A_271, %swap3A_272], %broadcast_in_dim3A {strides = array<i32>} : memref<64x8xf32, #tpu.memory_space<vmem>>, vector<64x1xf32>,
      %mul3A_274 = vector.broadcast %broadcast_in_dim3A : vector<64x1xf32> to vector<64x16xf32>
      %mul3A_275 = vector.broadcast %get3A_253 : vector<1x16xf32> to vector<64x16xf32>
      %mul3A_276 = arith.mulf %mul3A_274, %mul3A_275 : vector<64x16xf32>
      %swap3A_277 = arith.constant 0 : index
      %swap3A_278 = arith.constant 112 : index
      %swap3A_279 = vector.load %arg13[%swap3A_277, %swap3A_278] : memref<64x128xf32, #tpu.memory_space<vmem>>, vector<64x16xf32>
      tpu.vector_store %arg13[%swap3A_277, %swap3A_278], %mul3A_276 {strides = array<i32>} : memref<64x128xf32, #tpu.memory_space<vmem>>, vector<64x16xf32>,
    } else {
    }
    %le3A = arith.cmpi sle, %arg1, %sub3A : i32
    %convert_element_type3A_12 = arith.extui %le3A : i1 to i32
    %cond3A_13 = arith.constant 0 : i32
    %cond3A_14 = arith.cmpi ne, %convert_element_type3A_12, %cond3A_13 : i32
    scf.if %cond3A_14 {
      %get3A_20 = arith.constant 0 : index
      %get3A_21 = arith.constant 0 : index
      %get3A_22 = arith.constant 0 : index
      %get3A_23 = vector.load %arg7[%get3A_20, %get3A_21, %get3A_22] : memref<1x1x1024xi32, #tpu.memory_space<vmem>>, vector<1x1x1024xi32>
      %get3A_24 = vector.shape_cast %get3A_23 : vector<1x1x1024xi32> to vector<1x1024xi32>
      %eq3A_25 = vector.broadcast %get3A_9 : vector<64x1xi32> to vector<64x1024xi32>
      %eq3A_26 = vector.broadcast %get3A_24 : vector<1x1024xi32> to vector<64x1024xi32>
      %eq3A_27 = arith.cmpi eq, %eq3A_25, %eq3A_26 : vector<64x1024xi32>
      %get3A_28 = arith.constant 0 : index
      %get3A_29 = arith.constant 0 : index
      %get3A_30 = vector.load %arg3[%get3A_28, %get3A_29] : memref<64x128xf32, #tpu.memory_space<vmem>>, vector<64x16xf32>
      %get3A_31 = arith.constant 0 : index
      %get3A_32 = arith.constant 0 : index
      %get3A_33 = vector.load %arg4[%get3A_31, %get3A_32] : memref<1024x128xf32, #tpu.memory_space<vmem>>, vector<1024x16xf32>
      %dot_general3A = arith.constant dense<0.000000e+00> : vector<64x1024xf32>
      %dot_general3A_34 = tpu.matmul %get3A_30, %get3A_33, %dot_general3A {dimension_numbers = #tpu.dot_dimension_numbers<[1], [1], [0], [0], [0, 0, 1, 0], [], []>, transpose_lhs_hint = false} : vector<64x16xf32>, vector<1024x16xf32>, vector<64x1024xf32> -> vector<64x1024xf32>
      %mul3A = arith.constant 2.500000e-01 : f32
      %mul3A_35 = vector.broadcast %mul3A : f32 to vector<64x1024xf32>
      %mul3A_36 = arith.mulf %dot_general3A_34, %mul3A_35 : vector<64x1024xf32>
      %jit3A = arith.constant -1.000000e+30 : f32
      %broadcast_in_dim3A = vector.broadcast %jit3A : f32 to vector<64x1024xf32>
      %select_n3A = arith.select %eq3A_27, %mul3A_36, %broadcast_in_dim3A : vector<64x1024xi1>, vector<64x1024xf32>
      %get3A_37 = arith.constant 0 : index
      %get3A_38 = arith.constant 0 : index
      %get3A_39 = vector.load %arg11[%get3A_37, %get3A_38] : memref<64x8xf32, #tpu.memory_space<vmem>>, vector<64x1xf32>
      %reduce_max3A = arith.constant dense<0xFF800000> : vector<64xf32>
      %reduce_max3A_40 = vector.multi_reduction <maximumf>, %select_n3A, %reduce_max3A [1] : vector<64x1024xf32> to vector<64xf32>
      %broadcast_in_dim3A_41 = vector.shape_cast %reduce_max3A_40 : vector<64xf32> to vector<64x1xf32>
      %max3A = arith.maximumf %get3A_39, %broadcast_in_dim3A_41 : vector<64x1xf32>
      %sub3A_42 = vector.broadcast %max3A : vector<64x1xf32> to vector<64x1024xf32>
      %sub3A_43 = arith.subf %select_n3A, %sub3A_42 : vector<64x1024xf32>
      %exp3A = math.exp %sub3A_43 : vector<64x1024xf32>
      %jit3A_44 = arith.constant 0.000000e+00 : f32
      %broadcast_in_dim3A_45 = vector.broadcast %jit3A_44 : f32 to vector<64x1024xf32>
      %select_n3A_46 = arith.select %eq3A_27, %exp3A, %broadcast_in_dim3A_45 : vector<64x1024xi1>, vector<64x1024xf32>
      %sub3A_47 = arith.subf %get3A_39, %max3A : vector<64x1xf32>
      %exp3A_48 = math.exp %sub3A_47 : vector<64x1xf32>
      %swap3A = arith.constant 0 : index
      %swap3A_49 = arith.constant 0 : index
      %swap3A_50 = vector.load %arg11[%swap3A, %swap3A_49] : memref<64x8xf32, #tpu.memory_space<vmem>>, vector<64x1xf32>
      tpu.vector_store %arg11[%swap3A, %swap3A_49], %max3A {strides = array<i32>} : memref<64x8xf32, #tpu.memory_space<vmem>>, vector<64x1xf32>,
      %get3A_51 = arith.constant 0 : index
      %get3A_52 = arith.constant 0 : index
      %get3A_53 = vector.load %arg12[%get3A_51, %get3A_52] : memref<64x8xf32, #tpu.memory_space<vmem>>, vector<64x1xf32>
      %mul3A_54 = arith.mulf %get3A_53, %exp3A_48 : vector<64x1xf32>
      %reduce_sum3A = arith.constant dense<0.000000e+00> : vector<64xf32>
      %reduce_sum3A_55 = vector.multi_reduction <add>, %select_n3A_46, %reduce_sum3A [1] : vector<64x1024xf32> to vector<64xf32>
      %broadcast_in_dim3A_56 = vector.shape_cast %reduce_sum3A_55 : vector<64xf32> to vector<64x1xf32>
      %add3A = arith.addf %mul3A_54, %broadcast_in_dim3A_56 : vector<64x1xf32>
      %swap3A_57 = arith.constant 0 : index
      %swap3A_58 = arith.constant 0 : index
      %swap3A_59 = vector.load %arg12[%swap3A_57, %swap3A_58] : memref<64x8xf32, #tpu.memory_space<vmem>>, vector<64x1xf32>
      tpu.vector_store %arg12[%swap3A_57, %swap3A_58], %add3A {strides = array<i32>} : memref<64x8xf32, #tpu.memory_space<vmem>>, vector<64x1xf32>,
      %get3A_60 = arith.constant 0 : index
      %get3A_61 = arith.constant 0 : index
      %get3A_62 = vector.load %arg13[%get3A_60, %get3A_61] : memref<64x128xf32, #tpu.memory_space<vmem>>, vector<64x16xf32>
      %mul3A_63 = vector.broadcast %exp3A_48 : vector<64x1xf32> to vector<64x16xf32>
      %mul3A_64 = arith.mulf %get3A_62, %mul3A_63 : vector<64x16xf32>
      %get3A_65 = arith.constant 0 : index
      %get3A_66 = arith.constant 0 : index
      %get3A_67 = vector.load %arg5[%get3A_65, %get3A_66] : memref<1024x128xf32, #tpu.memory_space<vmem>>, vector<1024x16xf32>
      %dot_general3A_68 = arith.constant dense<0.000000e+00> : vector<64x16xf32>
      %dot_general3A_69 = tpu.matmul %select_n3A_46, %get3A_67, %dot_general3A_68 {dimension_numbers = #tpu.dot_dimension_numbers<[1], [0], [0], [1], [0, 0, 1, 1], [], []>, transpose_lhs_hint = false} : vector<64x1024xf32>, vector<1024x16xf32>, vector<64x16xf32> -> vector<64x16xf32>
      %add3A_70 = arith.addf %mul3A_64, %dot_general3A_69 : vector<64x16xf32>
      %swap3A_71 = arith.constant 0 : index
      %swap3A_72 = arith.constant 0 : index
      %swap3A_73 = vector.load %arg13[%swap3A_71, %swap3A_72] : memref<64x128xf32, #tpu.memory_space<vmem>>, vector<64x16xf32>
      tpu.vector_store %arg13[%swap3A_71, %swap3A_72], %add3A_70 {strides = array<i32>} : memref<64x128xf32, #tpu.memory_space<vmem>>, vector<64x16xf32>,
      %get3A_74 = arith.constant 0 : index
      %get3A_75 = arith.constant 16 : index
      %get3A_76 = vector.load %arg3[%get3A_74, %get3A_75] : memref<64x128xf32, #tpu.memory_space<vmem>>, vector<64x16xf32>
      %get3A_77 = arith.constant 0 : index
      %get3A_78 = arith.constant 16 : index
      %get3A_79 = vector.load %arg4[%get3A_77, %get3A_78] : memref<1024x128xf32, #tpu.memory_space<vmem>>, vector<1024x16xf32>
      %dot_general3A_80 = arith.constant dense<0.000000e+00> : vector<64x1024xf32>
      %dot_general3A_81 = tpu.matmul %get3A_76, %get3A_79, %dot_general3A_80 {dimension_numbers = #tpu.dot_dimension_numbers<[1], [1], [0], [0], [0, 0, 1, 0], [], []>, transpose_lhs_hint = false} : vector<64x16xf32>, vector<1024x16xf32>, vector<64x1024xf32> -> vector<64x1024xf32>
      %mul3A_82 = arith.constant 2.500000e-01 : f32
      %mul3A_83 = vector.broadcast %mul3A_82 : f32 to vector<64x1024xf32>
      %mul3A_84 = arith.mulf %dot_general3A_81, %mul3A_83 : vector<64x1024xf32>
      %jit3A_85 = arith.constant -1.000000e+30 : f32
      %broadcast_in_dim3A_86 = vector.broadcast %jit3A_85 : f32 to vector<64x1024xf32>
      %select_n3A_87 = arith.select %eq3A_27, %mul3A_84, %broadcast_in_dim3A_86 : vector<64x1024xi1>, vector<64x1024xf32>
      %get3A_88 = arith.constant 0 : index
      %get3A_89 = arith.constant 1 : index
      %get3A_90 = vector.load %arg11[%get3A_88, %get3A_89] : memref<64x8xf32, #tpu.memory_space<vmem>>, vector<64x1xf32>
      %reduce_max3A_91 = arith.constant dense<0xFF800000> : vector<64xf32>
      %reduce_max3A_92 = vector.multi_reduction <maximumf>, %select_n3A_87, %reduce_max3A_91 [1] : vector<64x1024xf32> to vector<64xf32>
      %broadcast_in_dim3A_93 = vector.shape_cast %reduce_max3A_92 : vector<64xf32> to vector<64x1xf32>
      %max3A_94 = arith.maximumf %get3A_90, %broadcast_in_dim3A_93 : vector<64x1xf32>
      %sub3A_95 = vector.broadcast %max3A_94 : vector<64x1xf32> to vector<64x1024xf32>
      %sub3A_96 = arith.subf %select_n3A_87, %sub3A_95 : vector<64x1024xf32>
      %exp3A_97 = math.exp %sub3A_96 : vector<64x1024xf32>
      %jit3A_98 = arith.constant 0.000000e+00 : f32
      %broadcast_in_dim3A_99 = vector.broadcast %jit3A_98 : f32 to vector<64x1024xf32>
      %select_n3A_100 = arith.select %eq3A_27, %exp3A_97, %broadcast_in_dim3A_99 : vector<64x1024xi1>, vector<64x1024xf32>
      %sub3A_101 = arith.subf %get3A_90, %max3A_94 : vector<64x1xf32>
      %exp3A_102 = math.exp %sub3A_101 : vector<64x1xf32>
      %swap3A_103 = arith.constant 0 : index
      %swap3A_104 = arith.constant 1 : index
      %swap3A_105 = vector.load %arg11[%swap3A_103, %swap3A_104] : memref<64x8xf32, #tpu.memory_space<vmem>>, vector<64x1xf32>
      tpu.vector_store %arg11[%swap3A_103, %swap3A_104], %max3A_94 {strides = array<i32>} : memref<64x8xf32, #tpu.memory_space<vmem>>, vector<64x1xf32>,
      %get3A_106 = arith.constant 0 : index
      %get3A_107 = arith.constant 1 : index
      %get3A_108 = vector.load %arg12[%get3A_106, %get3A_107] : memref<64x8xf32, #tpu.memory_space<vmem>>, vector<64x1xf32>
      %mul3A_109 = arith.mulf %get3A_108, %exp3A_102 : vector<64x1xf32>
      %reduce_sum3A_110 = arith.constant dense<0.000000e+00> : vector<64xf32>
      %reduce_sum3A_111 = vector.multi_reduction <add>, %select_n3A_100, %reduce_sum3A_110 [1] : vector<64x1024xf32> to vector<64xf32>
      %broadcast_in_dim3A_112 = vector.shape_cast %reduce_sum3A_111 : vector<64xf32> to vector<64x1xf32>
      %add3A_113 = arith.addf %mul3A_109, %broadcast_in_dim3A_112 : vector<64x1xf32>
      %swap3A_114 = arith.constant 0 : index
      %swap3A_115 = arith.constant 1 : index
      %swap3A_116 = vector.load %arg12[%swap3A_114, %swap3A_115] : memref<64x8xf32, #tpu.memory_space<vmem>>, vector<64x1xf32>
      tpu.vector_store %arg12[%swap3A_114, %swap3A_115], %add3A_113 {strides = array<i32>} : memref<64x8xf32, #tpu.memory_space<vmem>>, vector<64x1xf32>,
      %get3A_117 = arith.constant 0 : index
      %get3A_118 = arith.constant 16 : index
      %get3A_119 = vector.load %arg13[%get3A_117, %get3A_118] : memref<64x128xf32, #tpu.memory_space<vmem>>, vector<64x16xf32>
      %mul3A_120 = vector.broadcast %exp3A_102 : vector<64x1xf32> to vector<64x16xf32>
      %mul3A_121 = arith.mulf %get3A_119, %mul3A_120 : vector<64x16xf32>
      %get3A_122 = arith.constant 0 : index
      %get3A_123 = arith.constant 16 : index
      %get3A_124 = vector.load %arg5[%get3A_122, %get3A_123] : memref<1024x128xf32, #tpu.memory_space<vmem>>, vector<1024x16xf32>
      %dot_general3A_125 = arith.constant dense<0.000000e+00> : vector<64x16xf32>
      %dot_general3A_126 = tpu.matmul %select_n3A_100, %get3A_124, %dot_general3A_125 {dimension_numbers = #tpu.dot_dimension_numbers<[1], [0], [0], [1], [0, 0, 1, 1], [], []>, transpose_lhs_hint = false} : vector<64x1024xf32>, vector<1024x16xf32>, vector<64x16xf32> -> vector<64x16xf32>
      %add3A_127 = arith.addf %mul3A_121, %dot_general3A_126 : vector<64x16xf32>
      %swap3A_128 = arith.constant 0 : index
      %swap3A_129 = arith.constant 16 : index
      %swap3A_130 = vector.load %arg13[%swap3A_128, %swap3A_129] : memref<64x128xf32, #tpu.memory_space<vmem>>, vector<64x16xf32>
      tpu.vector_store %arg13[%swap3A_128, %swap3A_129], %add3A_127 {strides = array<i32>} : memref<64x128xf32, #tpu.memory_space<vmem>>, vector<64x16xf32>,
      %get3A_131 = arith.constant 0 : index
      %get3A_132 = arith.constant 32 : index
      %get3A_133 = vector.load %arg3[%get3A_131, %get3A_132] : memref<64x128xf32, #tpu.memory_space<vmem>>, vector<64x16xf32>
      %get3A_134 = arith.constant 0 : index
      %get3A_135 = arith.constant 32 : index
      %get3A_136 = vector.load %arg4[%get3A_134, %get3A_135] : memref<1024x128xf32, #tpu.memory_space<vmem>>, vector<1024x16xf32>
      %dot_general3A_137 = arith.constant dense<0.000000e+00> : vector<64x1024xf32>
      %dot_general3A_138 = tpu.matmul %get3A_133, %get3A_136, %dot_general3A_137 {dimension_numbers = #tpu.dot_dimension_numbers<[1], [1], [0], [0], [0, 0, 1, 0], [], []>, transpose_lhs_hint = false} : vector<64x16xf32>, vector<1024x16xf32>, vector<64x1024xf32> -> vector<64x1024xf32>
      %mul3A_139 = arith.constant 2.500000e-01 : f32
      %mul3A_140 = vector.broadcast %mul3A_139 : f32 to vector<64x1024xf32>
      %mul3A_141 = arith.mulf %dot_general3A_138, %mul3A_140 : vector<64x1024xf32>
      %jit3A_142 = arith.constant -1.000000e+30 : f32
      %broadcast_in_dim3A_143 = vector.broadcast %jit3A_142 : f32 to vector<64x1024xf32>
      %select_n3A_144 = arith.select %eq3A_27, %mul3A_141, %broadcast_in_dim3A_143 : vector<64x1024xi1>, vector<64x1024xf32>
      %get3A_145 = arith.constant 0 : index
      %get3A_146 = arith.constant 2 : index
      %get3A_147 = vector.load %arg11[%get3A_145, %get3A_146] : memref<64x8xf32, #tpu.memory_space<vmem>>, vector<64x1xf32>
      %reduce_max3A_148 = arith.constant dense<0xFF800000> : vector<64xf32>
      %reduce_max3A_149 = vector.multi_reduction <maximumf>, %select_n3A_144, %reduce_max3A_148 [1] : vector<64x1024xf32> to vector<64xf32>
      %broadcast_in_dim3A_150 = vector.shape_cast %reduce_max3A_149 : vector<64xf32> to vector<64x1xf32>
      %max3A_151 = arith.maximumf %get3A_147, %broadcast_in_dim3A_150 : vector<64x1xf32>
      %sub3A_152 = vector.broadcast %max3A_151 : vector<64x1xf32> to vector<64x1024xf32>
      %sub3A_153 = arith.subf %select_n3A_144, %sub3A_152 : vector<64x1024xf32>
      %exp3A_154 = math.exp %sub3A_153 : vector<64x1024xf32>
      %jit3A_155 = arith.constant 0.000000e+00 : f32
      %broadcast_in_dim3A_156 = vector.broadcast %jit3A_155 : f32 to vector<64x1024xf32>
      %select_n3A_157 = arith.select %eq3A_27, %exp3A_154, %broadcast_in_dim3A_156 : vector<64x1024xi1>, vector<64x1024xf32>
      %sub3A_158 = arith.subf %get3A_147, %max3A_151 : vector<64x1xf32>
      %exp3A_159 = math.exp %sub3A_158 : vector<64x1xf32>
      %swap3A_160 = arith.constant 0 : index
      %swap3A_161 = arith.constant 2 : index
      %swap3A_162 = vector.load %arg11[%swap3A_160, %swap3A_161] : memref<64x8xf32, #tpu.memory_space<vmem>>, vector<64x1xf32>
      tpu.vector_store %arg11[%swap3A_160, %swap3A_161], %max3A_151 {strides = array<i32>} : memref<64x8xf32, #tpu.memory_space<vmem>>, vector<64x1xf32>,
      %get3A_163 = arith.constant 0 : index
      %get3A_164 = arith.constant 2 : index
      %get3A_165 = vector.load %arg12[%get3A_163, %get3A_164] : memref<64x8xf32, #tpu.memory_space<vmem>>, vector<64x1xf32>
      %mul3A_166 = arith.mulf %get3A_165, %exp3A_159 : vector<64x1xf32>
      %reduce_sum3A_167 = arith.constant dense<0.000000e+00> : vector<64xf32>
      %reduce_sum3A_168 = vector.multi_reduction <add>, %select_n3A_157, %reduce_sum3A_167 [1] : vector<64x1024xf32> to vector<64xf32>
      %broadcast_in_dim3A_169 = vector.shape_cast %reduce_sum3A_168 : vector<64xf32> to vector<64x1xf32>
      %add3A_170 = arith.addf %mul3A_166, %broadcast_in_dim3A_169 : vector<64x1xf32>
      %swap3A_171 = arith.constant 0 : index
      %swap3A_172 = arith.constant 2 : index
      %swap3A_173 = vector.load %arg12[%swap3A_171, %swap3A_172] : memref<64x8xf32, #tpu.memory_space<vmem>>, vector<64x1xf32>
      tpu.vector_store %arg12[%swap3A_171, %swap3A_172], %add3A_170 {strides = array<i32>} : memref<64x8xf32, #tpu.memory_space<vmem>>, vector<64x1xf32>,
      %get3A_174 = arith.constant 0 : index
      %get3A_175 = arith.constant 32 : index
      %get3A_176 = vector.load %arg13[%get3A_174, %get3A_175] : memref<64x128xf32, #tpu.memory_space<vmem>>, vector<64x16xf32>
      %mul3A_177 = vector.broadcast %exp3A_159 : vector<64x1xf32> to vector<64x16xf32>
      %mul3A_178 = arith.mulf %get3A_176, %mul3A_177 : vector<64x16xf32>
      %get3A_179 = arith.constant 0 : index
      %get3A_180 = arith.constant 32 : index
      %get3A_181 = vector.load %arg5[%get3A_179, %get3A_180] : memref<1024x128xf32, #tpu.memory_space<vmem>>, vector<1024x16xf32>
      %dot_general3A_182 = arith.constant dense<0.000000e+00> : vector<64x16xf32>
      %dot_general3A_183 = tpu.matmul %select_n3A_157, %get3A_181, %dot_general3A_182 {dimension_numbers = #tpu.dot_dimension_numbers<[1], [0], [0], [1], [0, 0, 1, 1], [], []>, transpose_lhs_hint = false} : vector<64x1024xf32>, vector<1024x16xf32>, vector<64x16xf32> -> vector<64x16xf32>
      %add3A_184 = arith.addf %mul3A_178, %dot_general3A_183 : vector<64x16xf32>
      %swap3A_185 = arith.constant 0 : index
      %swap3A_186 = arith.constant 32 : index
      %swap3A_187 = vector.load %arg13[%swap3A_185, %swap3A_186] : memref<64x128xf32, #tpu.memory_space<vmem>>, vector<64x16xf32>
      tpu.vector_store %arg13[%swap3A_185, %swap3A_186], %add3A_184 {strides = array<i32>} : memref<64x128xf32, #tpu.memory_space<vmem>>, vector<64x16xf32>,
      %get3A_188 = arith.constant 0 : index
      %get3A_189 = arith.constant 48 : index
      %get3A_190 = vector.load %arg3[%get3A_188, %get3A_189] : memref<64x128xf32, #tpu.memory_space<vmem>>, vector<64x16xf32>
      %get3A_191 = arith.constant 0 : index
      %get3A_192 = arith.constant 48 : index
      %get3A_193 = vector.load %arg4[%get3A_191, %get3A_192] : memref<1024x128xf32, #tpu.memory_space<vmem>>, vector<1024x16xf32>
      %dot_general3A_194 = arith.constant dense<0.000000e+00> : vector<64x1024xf32>
      %dot_general3A_195 = tpu.matmul %get3A_190, %get3A_193, %dot_general3A_194 {dimension_numbers = #tpu.dot_dimension_numbers<[1], [1], [0], [0], [0, 0, 1, 0], [], []>, transpose_lhs_hint = false} : vector<64x16xf32>, vector<1024x16xf32>, vector<64x1024xf32> -> vector<64x1024xf32>
      %mul3A_196 = arith.constant 2.500000e-01 : f32
      %mul3A_197 = vector.broadcast %mul3A_196 : f32 to vector<64x1024xf32>
      %mul3A_198 = arith.mulf %dot_general3A_195, %mul3A_197 : vector<64x1024xf32>
      %jit3A_199 = arith.constant -1.000000e+30 : f32
      %broadcast_in_dim3A_200 = vector.broadcast %jit3A_199 : f32 to vector<64x1024xf32>
      %select_n3A_201 = arith.select %eq3A_27, %mul3A_198, %broadcast_in_dim3A_200 : vector<64x1024xi1>, vector<64x1024xf32>
      %get3A_202 = arith.constant 0 : index
      %get3A_203 = arith.constant 3 : index
      %get3A_204 = vector.load %arg11[%get3A_202, %get3A_203] : memref<64x8xf32, #tpu.memory_space<vmem>>, vector<64x1xf32>
      %reduce_max3A_205 = arith.constant dense<0xFF800000> : vector<64xf32>
      %reduce_max3A_206 = vector.multi_reduction <maximumf>, %select_n3A_201, %reduce_max3A_205 [1] : vector<64x1024xf32> to vector<64xf32>
      %broadcast_in_dim3A_207 = vector.shape_cast %reduce_max3A_206 : vector<64xf32> to vector<64x1xf32>
      %max3A_208 = arith.maximumf %get3A_204, %broadcast_in_dim3A_207 : vector<64x1xf32>
      %sub3A_209 = vector.broadcast %max3A_208 : vector<64x1xf32> to vector<64x1024xf32>
      %sub3A_210 = arith.subf %select_n3A_201, %sub3A_209 : vector<64x1024xf32>
      %exp3A_211 = math.exp %sub3A_210 : vector<64x1024xf32>
      %jit3A_212 = arith.constant 0.000000e+00 : f32
      %broadcast_in_dim3A_213 = vector.broadcast %jit3A_212 : f32 to vector<64x1024xf32>
      %select_n3A_214 = arith.select %eq3A_27, %exp3A_211, %broadcast_in_dim3A_213 : vector<64x1024xi1>, vector<64x1024xf32>
      %sub3A_215 = arith.subf %get3A_204, %max3A_208 : vector<64x1xf32>
      %exp3A_216 = math.exp %sub3A_215 : vector<64x1xf32>
      %swap3A_217 = arith.constant 0 : index
      %swap3A_218 = arith.constant 3 : index
      %swap3A_219 = vector.load %arg11[%swap3A_217, %swap3A_218] : memref<64x8xf32, #tpu.memory_space<vmem>>, vector<64x1xf32>
      tpu.vector_store %arg11[%swap3A_217, %swap3A_218], %max3A_208 {strides = array<i32>} : memref<64x8xf32, #tpu.memory_space<vmem>>, vector<64x1xf32>,
      %get3A_220 = arith.constant 0 : index
      %get3A_221 = arith.constant 3 : index
      %get3A_222 = vector.load %arg12[%get3A_220, %get3A_221] : memref<64x8xf32, #tpu.memory_space<vmem>>, vector<64x1xf32>
      %mul3A_223 = arith.mulf %get3A_222, %exp3A_216 : vector<64x1xf32>
      %reduce_sum3A_224 = arith.constant dense<0.000000e+00> : vector<64xf32>
      %reduce_sum3A_225 = vector.multi_reduction <add>, %select_n3A_214, %reduce_sum3A_224 [1] : vector<64x1024xf32> to vector<64xf32>
      %broadcast_in_dim3A_226 = vector.shape_cast %reduce_sum3A_225 : vector<64xf32> to vector<64x1xf32>
      %add3A_227 = arith.addf %mul3A_223, %broadcast_in_dim3A_226 : vector<64x1xf32>
      %swap3A_228 = arith.constant 0 : index
      %swap3A_229 = arith.constant 3 : index
      %swap3A_230 = vector.load %arg12[%swap3A_228, %swap3A_229] : memref<64x8xf32, #tpu.memory_space<vmem>>, vector<64x1xf32>
      tpu.vector_store %arg12[%swap3A_228, %swap3A_229], %add3A_227 {strides = array<i32>} : memref<64x8xf32, #tpu.memory_space<vmem>>, vector<64x1xf32>,
      %get3A_231 = arith.constant 0 : index
      %get3A_232 = arith.constant 48 : index
      %get3A_233 = vector.load %arg13[%get3A_231, %get3A_232] : memref<64x128xf32, #tpu.memory_space<vmem>>, vector<64x16xf32>
      %mul3A_234 = vector.broadcast %exp3A_216 : vector<64x1xf32> to vector<64x16xf32>
      %mul3A_235 = arith.mulf %get3A_233, %mul3A_234 : vector<64x16xf32>
      %get3A_236 = arith.constant 0 : index
      %get3A_237 = arith.constant 48 : index
      %get3A_238 = vector.load %arg5[%get3A_236, %get3A_237] : memref<1024x128xf32, #tpu.memory_space<vmem>>, vector<1024x16xf32>
      %dot_general3A_239 = arith.constant dense<0.000000e+00> : vector<64x16xf32>
      %dot_general3A_240 = tpu.matmul %select_n3A_214, %get3A_238, %dot_general3A_239 {dimension_numbers = #tpu.dot_dimension_numbers<[1], [0], [0], [1], [0, 0, 1, 1], [], []>, transpose_lhs_hint = false} : vector<64x1024xf32>, vector<1024x16xf32>, vector<64x16xf32> -> vector<64x16xf32>
      %add3A_241 = arith.addf %mul3A_235, %dot_general3A_240 : vector<64x16xf32>
      %swap3A_242 = arith.constant 0 : index
      %swap3A_243 = arith.constant 48 : index
      %swap3A_244 = vector.load %arg13[%swap3A_242, %swap3A_243] : memref<64x128xf32, #tpu.memory_space<vmem>>, vector<64x16xf32>
      tpu.vector_store %arg13[%swap3A_242, %swap3A_243], %add3A_241 {strides = array<i32>} : memref<64x128xf32, #tpu.memory_space<vmem>>, vector<64x16xf32>,
      %get3A_245 = arith.constant 0 : index
      %get3A_246 = arith.constant 64 : index
      %get3A_247 = vector.load %arg3[%get3A_245, %get3A_246] : memref<64x128xf32, #tpu.memory_space<vmem>>, vector<64x16xf32>
      %get3A_248 = arith.constant 0 : index
      %get3A_249 = arith.constant 64 : index
      %get3A_250 = vector.load %arg4[%get3A_248, %get3A_249] : memref<1024x128xf32, #tpu.memory_space<vmem>>, vector<1024x16xf32>
      %dot_general3A_251 = arith.constant dense<0.000000e+00> : vector<64x1024xf32>
      %dot_general3A_252 = tpu.matmul %get3A_247, %get3A_250, %dot_general3A_251 {dimension_numbers = #tpu.dot_dimension_numbers<[1], [1], [0], [0], [0, 0, 1, 0], [], []>, transpose_lhs_hint = false} : vector<64x16xf32>, vector<1024x16xf32>, vector<64x1024xf32> -> vector<64x1024xf32>
      %mul3A_253 = arith.constant 2.500000e-01 : f32
      %mul3A_254 = vector.broadcast %mul3A_253 : f32 to vector<64x1024xf32>
      %mul3A_255 = arith.mulf %dot_general3A_252, %mul3A_254 : vector<64x1024xf32>
      %jit3A_256 = arith.constant -1.000000e+30 : f32
      %broadcast_in_dim3A_257 = vector.broadcast %jit3A_256 : f32 to vector<64x1024xf32>
      %select_n3A_258 = arith.select %eq3A_27, %mul3A_255, %broadcast_in_dim3A_257 : vector<64x1024xi1>, vector<64x1024xf32>
      %get3A_259 = arith.constant 0 : index
      %get3A_260 = arith.constant 4 : index
      %get3A_261 = vector.load %arg11[%get3A_259, %get3A_260] : memref<64x8xf32, #tpu.memory_space<vmem>>, vector<64x1xf32>
      %reduce_max3A_262 = arith.constant dense<0xFF800000> : vector<64xf32>
      %reduce_max3A_263 = vector.multi_reduction <maximumf>, %select_n3A_258, %reduce_max3A_262 [1] : vector<64x1024xf32> to vector<64xf32>
      %broadcast_in_dim3A_264 = vector.shape_cast %reduce_max3A_263 : vector<64xf32> to vector<64x1xf32>
      %max3A_265 = arith.maximumf %get3A_261, %broadcast_in_dim3A_264 : vector<64x1xf32>
      %sub3A_266 = vector.broadcast %max3A_265 : vector<64x1xf32> to vector<64x1024xf32>
      %sub3A_267 = arith.subf %select_n3A_258, %sub3A_266 : vector<64x1024xf32>
      %exp3A_268 = math.exp %sub3A_267 : vector<64x1024xf32>
      %jit3A_269 = arith.constant 0.000000e+00 : f32
      %broadcast_in_dim3A_270 = vector.broadcast %jit3A_269 : f32 to vector<64x1024xf32>
      %select_n3A_271 = arith.select %eq3A_27, %exp3A_268, %broadcast_in_dim3A_270 : vector<64x1024xi1>, vector<64x1024xf32>
      %sub3A_272 = arith.subf %get3A_261, %max3A_265 : vector<64x1xf32>
      %exp3A_273 = math.exp %sub3A_272 : vector<64x1xf32>
      %swap3A_274 = arith.constant 0 : index
      %swap3A_275 = arith.constant 4 : index
      %swap3A_276 = vector.load %arg11[%swap3A_274, %swap3A_275] : memref<64x8xf32, #tpu.memory_space<vmem>>, vector<64x1xf32>
      tpu.vector_store %arg11[%swap3A_274, %swap3A_275], %max3A_265 {strides = array<i32>} : memref<64x8xf32, #tpu.memory_space<vmem>>, vector<64x1xf32>,
      %get3A_277 = arith.constant 0 : index
      %get3A_278 = arith.constant 4 : index
      %get3A_279 = vector.load %arg12[%get3A_277, %get3A_278] : memref<64x8xf32, #tpu.memory_space<vmem>>, vector<64x1xf32>
      %mul3A_280 = arith.mulf %get3A_279, %exp3A_273 : vector<64x1xf32>
      %reduce_sum3A_281 = arith.constant dense<0.000000e+00> : vector<64xf32>
      %reduce_sum3A_282 = vector.multi_reduction <add>, %select_n3A_271, %reduce_sum3A_281 [1] : vector<64x1024xf32> to vector<64xf32>
      %broadcast_in_dim3A_283 = vector.shape_cast %reduce_sum3A_282 : vector<64xf32> to vector<64x1xf32>
      %add3A_284 = arith.addf %mul3A_280, %broadcast_in_dim3A_283 : vector<64x1xf32>
      %swap3A_285 = arith.constant 0 : index
      %swap3A_286 = arith.constant 4 : index
      %swap3A_287 = vector.load %arg12[%swap3A_285, %swap3A_286] : memref<64x8xf32, #tpu.memory_space<vmem>>, vector<64x1xf32>
      tpu.vector_store %arg12[%swap3A_285, %swap3A_286], %add3A_284 {strides = array<i32>} : memref<64x8xf32, #tpu.memory_space<vmem>>, vector<64x1xf32>,
      %get3A_288 = arith.constant 0 : index
      %get3A_289 = arith.constant 64 : index
      %get3A_290 = vector.load %arg13[%get3A_288, %get3A_289] : memref<64x128xf32, #tpu.memory_space<vmem>>, vector<64x16xf32>
      %mul3A_291 = vector.broadcast %exp3A_273 : vector<64x1xf32> to vector<64x16xf32>
      %mul3A_292 = arith.mulf %get3A_290, %mul3A_291 : vector<64x16xf32>
      %get3A_293 = arith.constant 0 : index
      %get3A_294 = arith.constant 64 : index
      %get3A_295 = vector.load %arg5[%get3A_293, %get3A_294] : memref<1024x128xf32, #tpu.memory_space<vmem>>, vector<1024x16xf32>
      %dot_general3A_296 = arith.constant dense<0.000000e+00> : vector<64x16xf32>
      %dot_general3A_297 = tpu.matmul %select_n3A_271, %get3A_295, %dot_general3A_296 {dimension_numbers = #tpu.dot_dimension_numbers<[1], [0], [0], [1], [0, 0, 1, 1], [], []>, transpose_lhs_hint = false} : vector<64x1024xf32>, vector<1024x16xf32>, vector<64x16xf32> -> vector<64x16xf32>
      %add3A_298 = arith.addf %mul3A_292, %dot_general3A_297 : vector<64x16xf32>
      %swap3A_299 = arith.constant 0 : index
      %swap3A_300 = arith.constant 64 : index
      %swap3A_301 = vector.load %arg13[%swap3A_299, %swap3A_300] : memref<64x128xf32, #tpu.memory_space<vmem>>, vector<64x16xf32>
      tpu.vector_store %arg13[%swap3A_299, %swap3A_300], %add3A_298 {strides = array<i32>} : memref<64x128xf32, #tpu.memory_space<vmem>>, vector<64x16xf32>,
      %get3A_302 = arith.constant 0 : index
      %get3A_303 = arith.constant 80 : index
      %get3A_304 = vector.load %arg3[%get3A_302, %get3A_303] : memref<64x128xf32, #tpu.memory_space<vmem>>, vector<64x16xf32>
      %get3A_305 = arith.constant 0 : index
      %get3A_306 = arith.constant 80 : index
      %get3A_307 = vector.load %arg4[%get3A_305, %get3A_306] : memref<1024x128xf32, #tpu.memory_space<vmem>>, vector<1024x16xf32>
      %dot_general3A_308 = arith.constant dense<0.000000e+00> : vector<64x1024xf32>
      %dot_general3A_309 = tpu.matmul %get3A_304, %get3A_307, %dot_general3A_308 {dimension_numbers = #tpu.dot_dimension_numbers<[1], [1], [0], [0], [0, 0, 1, 0], [], []>, transpose_lhs_hint = false} : vector<64x16xf32>, vector<1024x16xf32>, vector<64x1024xf32> -> vector<64x1024xf32>
      %mul3A_310 = arith.constant 2.500000e-01 : f32
      %mul3A_311 = vector.broadcast %mul3A_310 : f32 to vector<64x1024xf32>
      %mul3A_312 = arith.mulf %dot_general3A_309, %mul3A_311 : vector<64x1024xf32>
      %jit3A_313 = arith.constant -1.000000e+30 : f32
      %broadcast_in_dim3A_314 = vector.broadcast %jit3A_313 : f32 to vector<64x1024xf32>
      %select_n3A_315 = arith.select %eq3A_27, %mul3A_312, %broadcast_in_dim3A_314 : vector<64x1024xi1>, vector<64x1024xf32>
      %get3A_316 = arith.constant 0 : index
      %get3A_317 = arith.constant 5 : index
      %get3A_318 = vector.load %arg11[%get3A_316, %get3A_317] : memref<64x8xf32, #tpu.memory_space<vmem>>, vector<64x1xf32>
      %reduce_max3A_319 = arith.constant dense<0xFF800000> : vector<64xf32>
      %reduce_max3A_320 = vector.multi_reduction <maximumf>, %select_n3A_315, %reduce_max3A_319 [1] : vector<64x1024xf32> to vector<64xf32>
      %broadcast_in_dim3A_321 = vector.shape_cast %reduce_max3A_320 : vector<64xf32> to vector<64x1xf32>
      %max3A_322 = arith.maximumf %get3A_318, %broadcast_in_dim3A_321 : vector<64x1xf32>
      %sub3A_323 = vector.broadcast %max3A_322 : vector<64x1xf32> to vector<64x1024xf32>
      %sub3A_324 = arith.subf %select_n3A_315, %sub3A_323 : vector<64x1024xf32>
      %exp3A_325 = math.exp %sub3A_324 : vector<64x1024xf32>
      %jit3A_326 = arith.constant 0.000000e+00 : f32
      %broadcast_in_dim3A_327 = vector.broadcast %jit3A_326 : f32 to vector<64x1024xf32>
      %select_n3A_328 = arith.select %eq3A_27, %exp3A_325, %broadcast_in_dim3A_327 : vector<64x1024xi1>, vector<64x1024xf32>
      %sub3A_329 = arith.subf %get3A_318, %max3A_322 : vector<64x1xf32>
      %exp3A_330 = math.exp %sub3A_329 : vector<64x1xf32>
      %swap3A_331 = arith.constant 0 : index
      %swap3A_332 = arith.constant 5 : index
      %swap3A_333 = vector.load %arg11[%swap3A_331, %swap3A_332] : memref<64x8xf32, #tpu.memory_space<vmem>>, vector<64x1xf32>
      tpu.vector_store %arg11[%swap3A_331, %swap3A_332], %max3A_322 {strides = array<i32>} : memref<64x8xf32, #tpu.memory_space<vmem>>, vector<64x1xf32>,
      %get3A_334 = arith.constant 0 : index
      %get3A_335 = arith.constant 5 : index
      %get3A_336 = vector.load %arg12[%get3A_334, %get3A_335] : memref<64x8xf32, #tpu.memory_space<vmem>>, vector<64x1xf32>
      %mul3A_337 = arith.mulf %get3A_336, %exp3A_330 : vector<64x1xf32>
      %reduce_sum3A_338 = arith.constant dense<0.000000e+00> : vector<64xf32>
      %reduce_sum3A_339 = vector.multi_reduction <add>, %select_n3A_328, %reduce_sum3A_338 [1] : vector<64x1024xf32> to vector<64xf32>
      %broadcast_in_dim3A_340 = vector.shape_cast %reduce_sum3A_339 : vector<64xf32> to vector<64x1xf32>
      %add3A_341 = arith.addf %mul3A_337, %broadcast_in_dim3A_340 : vector<64x1xf32>
      %swap3A_342 = arith.constant 0 : index
      %swap3A_343 = arith.constant 5 : index
      %swap3A_344 = vector.load %arg12[%swap3A_342, %swap3A_343] : memref<64x8xf32, #tpu.memory_space<vmem>>, vector<64x1xf32>
      tpu.vector_store %arg12[%swap3A_342, %swap3A_343], %add3A_341 {strides = array<i32>} : memref<64x8xf32, #tpu.memory_space<vmem>>, vector<64x1xf32>,
      %get3A_345 = arith.constant 0 : index
      %get3A_346 = arith.constant 80 : index
      %get3A_347 = vector.load %arg13[%get3A_345, %get3A_346] : memref<64x128xf32, #tpu.memory_space<vmem>>, vector<64x16xf32>
      %mul3A_348 = vector.broadcast %exp3A_330 : vector<64x1xf32> to vector<64x16xf32>
      %mul3A_349 = arith.mulf %get3A_347, %mul3A_348 : vector<64x16xf32>
      %get3A_350 = arith.constant 0 : index
      %get3A_351 = arith.constant 80 : index
      %get3A_352 = vector.load %arg5[%get3A_350, %get3A_351] : memref<1024x128xf32, #tpu.memory_space<vmem>>, vector<1024x16xf32>
      %dot_general3A_353 = arith.constant dense<0.000000e+00> : vector<64x16xf32>
      %dot_general3A_354 = tpu.matmul %select_n3A_328, %get3A_352, %dot_general3A_353 {dimension_numbers = #tpu.dot_dimension_numbers<[1], [0], [0], [1], [0, 0, 1, 1], [], []>, transpose_lhs_hint = false} : vector<64x1024xf32>, vector<1024x16xf32>, vector<64x16xf32> -> vector<64x16xf32>
      %add3A_355 = arith.addf %mul3A_349, %dot_general3A_354 : vector<64x16xf32>
      %swap3A_356 = arith.constant 0 : index
      %swap3A_357 = arith.constant 80 : index
      %swap3A_358 = vector.load %arg13[%swap3A_356, %swap3A_357] : memref<64x128xf32, #tpu.memory_space<vmem>>, vector<64x16xf32>
      tpu.vector_store %arg13[%swap3A_356, %swap3A_357], %add3A_355 {strides = array<i32>} : memref<64x128xf32, #tpu.memory_space<vmem>>, vector<64x16xf32>,
      %get3A_359 = arith.constant 0 : index
      %get3A_360 = arith.constant 96 : index
      %get3A_361 = vector.load %arg3[%get3A_359, %get3A_360] : memref<64x128xf32, #tpu.memory_space<vmem>>, vector<64x16xf32>
      %get3A_362 = arith.constant 0 : index
      %get3A_363 = arith.constant 96 : index
      %get3A_364 = vector.load %arg4[%get3A_362, %get3A_363] : memref<1024x128xf32, #tpu.memory_space<vmem>>, vector<1024x16xf32>
      %dot_general3A_365 = arith.constant dense<0.000000e+00> : vector<64x1024xf32>
      %dot_general3A_366 = tpu.matmul %get3A_361, %get3A_364, %dot_general3A_365 {dimension_numbers = #tpu.dot_dimension_numbers<[1], [1], [0], [0], [0, 0, 1, 0], [], []>, transpose_lhs_hint = false} : vector<64x16xf32>, vector<1024x16xf32>, vector<64x1024xf32> -> vector<64x1024xf32>
      %mul3A_367 = arith.constant 2.500000e-01 : f32
      %mul3A_368 = vector.broadcast %mul3A_367 : f32 to vector<64x1024xf32>
      %mul3A_369 = arith.mulf %dot_general3A_366, %mul3A_368 : vector<64x1024xf32>
      %jit3A_370 = arith.constant -1.000000e+30 : f32
      %broadcast_in_dim3A_371 = vector.broadcast %jit3A_370 : f32 to vector<64x1024xf32>
      %select_n3A_372 = arith.select %eq3A_27, %mul3A_369, %broadcast_in_dim3A_371 : vector<64x1024xi1>, vector<64x1024xf32>
      %get3A_373 = arith.constant 0 : index
      %get3A_374 = arith.constant 6 : index
      %get3A_375 = vector.load %arg11[%get3A_373, %get3A_374] : memref<64x8xf32, #tpu.memory_space<vmem>>, vector<64x1xf32>
      %reduce_max3A_376 = arith.constant dense<0xFF800000> : vector<64xf32>
      %reduce_max3A_377 = vector.multi_reduction <maximumf>, %select_n3A_372, %reduce_max3A_376 [1] : vector<64x1024xf32> to vector<64xf32>
      %broadcast_in_dim3A_378 = vector.shape_cast %reduce_max3A_377 : vector<64xf32> to vector<64x1xf32>
      %max3A_379 = arith.maximumf %get3A_375, %broadcast_in_dim3A_378 : vector<64x1xf32>
      %sub3A_380 = vector.broadcast %max3A_379 : vector<64x1xf32> to vector<64x1024xf32>
      %sub3A_381 = arith.subf %select_n3A_372, %sub3A_380 : vector<64x1024xf32>
      %exp3A_382 = math.exp %sub3A_381 : vector<64x1024xf32>
      %jit3A_383 = arith.constant 0.000000e+00 : f32
      %broadcast_in_dim3A_384 = vector.broadcast %jit3A_383 : f32 to vector<64x1024xf32>
      %select_n3A_385 = arith.select %eq3A_27, %exp3A_382, %broadcast_in_dim3A_384 : vector<64x1024xi1>, vector<64x1024xf32>
      %sub3A_386 = arith.subf %get3A_375, %max3A_379 : vector<64x1xf32>
      %exp3A_387 = math.exp %sub3A_386 : vector<64x1xf32>
      %swap3A_388 = arith.constant 0 : index
      %swap3A_389 = arith.constant 6 : index
      %swap3A_390 = vector.load %arg11[%swap3A_388, %swap3A_389] : memref<64x8xf32, #tpu.memory_space<vmem>>, vector<64x1xf32>
      tpu.vector_store %arg11[%swap3A_388, %swap3A_389], %max3A_379 {strides = array<i32>} : memref<64x8xf32, #tpu.memory_space<vmem>>, vector<64x1xf32>,
      %get3A_391 = arith.constant 0 : index
      %get3A_392 = arith.constant 6 : index
      %get3A_393 = vector.load %arg12[%get3A_391, %get3A_392] : memref<64x8xf32, #tpu.memory_space<vmem>>, vector<64x1xf32>
      %mul3A_394 = arith.mulf %get3A_393, %exp3A_387 : vector<64x1xf32>
      %reduce_sum3A_395 = arith.constant dense<0.000000e+00> : vector<64xf32>
      %reduce_sum3A_396 = vector.multi_reduction <add>, %select_n3A_385, %reduce_sum3A_395 [1] : vector<64x1024xf32> to vector<64xf32>
      %broadcast_in_dim3A_397 = vector.shape_cast %reduce_sum3A_396 : vector<64xf32> to vector<64x1xf32>
      %add3A_398 = arith.addf %mul3A_394, %broadcast_in_dim3A_397 : vector<64x1xf32>
      %swap3A_399 = arith.constant 0 : index
      %swap3A_400 = arith.constant 6 : index
      %swap3A_401 = vector.load %arg12[%swap3A_399, %swap3A_400] : memref<64x8xf32, #tpu.memory_space<vmem>>, vector<64x1xf32>
      tpu.vector_store %arg12[%swap3A_399, %swap3A_400], %add3A_398 {strides = array<i32>} : memref<64x8xf32, #tpu.memory_space<vmem>>, vector<64x1xf32>,
      %get3A_402 = arith.constant 0 : index
      %get3A_403 = arith.constant 96 : index
      %get3A_404 = vector.load %arg13[%get3A_402, %get3A_403] : memref<64x128xf32, #tpu.memory_space<vmem>>, vector<64x16xf32>
      %mul3A_405 = vector.broadcast %exp3A_387 : vector<64x1xf32> to vector<64x16xf32>
      %mul3A_406 = arith.mulf %get3A_404, %mul3A_405 : vector<64x16xf32>
      %get3A_407 = arith.constant 0 : index
      %get3A_408 = arith.constant 96 : index
      %get3A_409 = vector.load %arg5[%get3A_407, %get3A_408] : memref<1024x128xf32, #tpu.memory_space<vmem>>, vector<1024x16xf32>
      %dot_general3A_410 = arith.constant dense<0.000000e+00> : vector<64x16xf32>
      %dot_general3A_411 = tpu.matmul %select_n3A_385, %get3A_409, %dot_general3A_410 {dimension_numbers = #tpu.dot_dimension_numbers<[1], [0], [0], [1], [0, 0, 1, 1], [], []>, transpose_lhs_hint = false} : vector<64x1024xf32>, vector<1024x16xf32>, vector<64x16xf32> -> vector<64x16xf32>
      %add3A_412 = arith.addf %mul3A_406, %dot_general3A_411 : vector<64x16xf32>
      %swap3A_413 = arith.constant 0 : index
      %swap3A_414 = arith.constant 96 : index
      %swap3A_415 = vector.load %arg13[%swap3A_413, %swap3A_414] : memref<64x128xf32, #tpu.memory_space<vmem>>, vector<64x16xf32>
      tpu.vector_store %arg13[%swap3A_413, %swap3A_414], %add3A_412 {strides = array<i32>} : memref<64x128xf32, #tpu.memory_space<vmem>>, vector<64x16xf32>,
      %get3A_416 = arith.constant 0 : index
      %get3A_417 = arith.constant 112 : index
      %get3A_418 = vector.load %arg3[%get3A_416, %get3A_417] : memref<64x128xf32, #tpu.memory_space<vmem>>, vector<64x16xf32>
      %get3A_419 = arith.constant 0 : index
      %get3A_420 = arith.constant 112 : index
      %get3A_421 = vector.load %arg4[%get3A_419, %get3A_420] : memref<1024x128xf32, #tpu.memory_space<vmem>>, vector<1024x16xf32>
      %dot_general3A_422 = arith.constant dense<0.000000e+00> : vector<64x1024xf32>
      %dot_general3A_423 = tpu.matmul %get3A_418, %get3A_421, %dot_general3A_422 {dimension_numbers = #tpu.dot_dimension_numbers<[1], [1], [0], [0], [0, 0, 1, 0], [], []>, transpose_lhs_hint = false} : vector<64x16xf32>, vector<1024x16xf32>, vector<64x1024xf32> -> vector<64x1024xf32>
      %mul3A_424 = arith.constant 2.500000e-01 : f32
      %mul3A_425 = vector.broadcast %mul3A_424 : f32 to vector<64x1024xf32>
      %mul3A_426 = arith.mulf %dot_general3A_423, %mul3A_425 : vector<64x1024xf32>
      %jit3A_427 = arith.constant -1.000000e+30 : f32
      %broadcast_in_dim3A_428 = vector.broadcast %jit3A_427 : f32 to vector<64x1024xf32>
      %select_n3A_429 = arith.select %eq3A_27, %mul3A_426, %broadcast_in_dim3A_428 : vector<64x1024xi1>, vector<64x1024xf32>
      %get3A_430 = arith.constant 0 : index
      %get3A_431 = arith.constant 7 : index
      %get3A_432 = vector.load %arg11[%get3A_430, %get3A_431] : memref<64x8xf32, #tpu.memory_space<vmem>>, vector<64x1xf32>
      %reduce_max3A_433 = arith.constant dense<0xFF800000> : vector<64xf32>
      %reduce_max3A_434 = vector.multi_reduction <maximumf>, %select_n3A_429, %reduce_max3A_433 [1] : vector<64x1024xf32> to vector<64xf32>
      %broadcast_in_dim3A_435 = vector.shape_cast %reduce_max3A_434 : vector<64xf32> to vector<64x1xf32>
      %max3A_436 = arith.maximumf %get3A_432, %broadcast_in_dim3A_435 : vector<64x1xf32>
      %sub3A_437 = vector.broadcast %max3A_436 : vector<64x1xf32> to vector<64x1024xf32>
      %sub3A_438 = arith.subf %select_n3A_429, %sub3A_437 : vector<64x1024xf32>
      %exp3A_439 = math.exp %sub3A_438 : vector<64x1024xf32>
      %jit3A_440 = arith.constant 0.000000e+00 : f32
      %broadcast_in_dim3A_441 = vector.broadcast %jit3A_440 : f32 to vector<64x1024xf32>
      %select_n3A_442 = arith.select %eq3A_27, %exp3A_439, %broadcast_in_dim3A_441 : vector<64x1024xi1>, vector<64x1024xf32>
      %sub3A_443 = arith.subf %get3A_432, %max3A_436 : vector<64x1xf32>
      %exp3A_444 = math.exp %sub3A_443 : vector<64x1xf32>
      %swap3A_445 = arith.constant 0 : index
      %swap3A_446 = arith.constant 7 : index
      %swap3A_447 = vector.load %arg11[%swap3A_445, %swap3A_446] : memref<64x8xf32, #tpu.memory_space<vmem>>, vector<64x1xf32>
      tpu.vector_store %arg11[%swap3A_445, %swap3A_446], %max3A_436 {strides = array<i32>} : memref<64x8xf32, #tpu.memory_space<vmem>>, vector<64x1xf32>,
      %get3A_448 = arith.constant 0 : index
      %get3A_449 = arith.constant 7 : index
      %get3A_450 = vector.load %arg12[%get3A_448, %get3A_449] : memref<64x8xf32, #tpu.memory_space<vmem>>, vector<64x1xf32>
      %mul3A_451 = arith.mulf %get3A_450, %exp3A_444 : vector<64x1xf32>
      %reduce_sum3A_452 = arith.constant dense<0.000000e+00> : vector<64xf32>
      %reduce_sum3A_453 = vector.multi_reduction <add>, %select_n3A_442, %reduce_sum3A_452 [1] : vector<64x1024xf32> to vector<64xf32>
      %broadcast_in_dim3A_454 = vector.shape_cast %reduce_sum3A_453 : vector<64xf32> to vector<64x1xf32>
      %add3A_455 = arith.addf %mul3A_451, %broadcast_in_dim3A_454 : vector<64x1xf32>
      %swap3A_456 = arith.constant 0 : index
      %swap3A_457 = arith.constant 7 : index
      %swap3A_458 = vector.load %arg12[%swap3A_456, %swap3A_457] : memref<64x8xf32, #tpu.memory_space<vmem>>, vector<64x1xf32>
      tpu.vector_store %arg12[%swap3A_456, %swap3A_457], %add3A_455 {strides = array<i32>} : memref<64x8xf32, #tpu.memory_space<vmem>>, vector<64x1xf32>,
      %get3A_459 = arith.constant 0 : index
      %get3A_460 = arith.constant 112 : index
      %get3A_461 = vector.load %arg13[%get3A_459, %get3A_460] : memref<64x128xf32, #tpu.memory_space<vmem>>, vector<64x16xf32>
      %mul3A_462 = vector.broadcast %exp3A_444 : vector<64x1xf32> to vector<64x16xf32>
      %mul3A_463 = arith.mulf %get3A_461, %mul3A_462 : vector<64x16xf32>
      %get3A_464 = arith.constant 0 : index
      %get3A_465 = arith.constant 112 : index
      %get3A_466 = vector.load %arg5[%get3A_464, %get3A_465] : memref<1024x128xf32, #tpu.memory_space<vmem>>, vector<1024x16xf32>
      %dot_general3A_467 = arith.constant dense<0.000000e+00> : vector<64x16xf32>
      %dot_general3A_468 = tpu.matmul %select_n3A_442, %get3A_466, %dot_general3A_467 {dimension_numbers = #tpu.dot_dimension_numbers<[1], [0], [0], [1], [0, 0, 1, 1], [], []>, transpose_lhs_hint = false} : vector<64x1024xf32>, vector<1024x16xf32>, vector<64x16xf32> -> vector<64x16xf32>
      %add3A_469 = arith.addf %mul3A_463, %dot_general3A_468 : vector<64x16xf32>
      %swap3A_470 = arith.constant 0 : index
      %swap3A_471 = arith.constant 112 : index
      %swap3A_472 = vector.load %arg13[%swap3A_470, %swap3A_471] : memref<64x128xf32, #tpu.memory_space<vmem>>, vector<64x16xf32>
      tpu.vector_store %arg13[%swap3A_470, %swap3A_471], %add3A_469 {strides = array<i32>} : memref<64x128xf32, #tpu.memory_space<vmem>>, vector<64x16xf32>,
    } else {
    }
    %eq3A_15 = arith.constant 24 : i32
    %eq3A_16 = arith.cmpi eq, %arg1, %eq3A_15 : i32
    %convert_element_type3A_17 = arith.extui %eq3A_16 : i1 to i32
    %cond3A_18 = arith.constant 0 : i32
    %cond3A_19 = arith.cmpi ne, %convert_element_type3A_17, %cond3A_18 : i32
    scf.if %cond3A_19 {
      %get3A_20 = arith.constant 0 : index
      %get3A_21 = arith.constant 0 : index
      %get3A_22 = vector.load %arg13[%get3A_20, %get3A_21] : memref<64x128xf32, #tpu.memory_space<vmem>>, vector<64x16xf32>
      %get3A_23 = arith.constant 0 : index
      %get3A_24 = arith.constant 0 : index
      %get3A_25 = vector.load %arg12[%get3A_23, %get3A_24] : memref<64x8xf32, #tpu.memory_space<vmem>>, vector<64x1xf32>
      %div3A = vector.broadcast %get3A_25 : vector<64x1xf32> to vector<64x16xf32>
      %div3A_26 = arith.divf %get3A_22, %div3A : vector<64x16xf32>
      %swap3A = arith.constant 0 : index
      %swap3A_27 = arith.constant 0 : index
      %swap3A_28 = vector.load %arg10[%swap3A, %swap3A_27] : memref<64x128xf32, #tpu.memory_space<vmem>>, vector<64x16xf32>
      tpu.vector_store %arg10[%swap3A, %swap3A_27], %div3A_26 {strides = array<i32>} : memref<64x128xf32, #tpu.memory_space<vmem>>, vector<64x16xf32>,
      %get3A_29 = arith.constant 0 : index
      %get3A_30 = arith.constant 16 : index
      %get3A_31 = vector.load %arg13[%get3A_29, %get3A_30] : memref<64x128xf32, #tpu.memory_space<vmem>>, vector<64x16xf32>
      %get3A_32 = arith.constant 0 : index
      %get3A_33 = arith.constant 1 : index
      %get3A_34 = vector.load %arg12[%get3A_32, %get3A_33] : memref<64x8xf32, #tpu.memory_space<vmem>>, vector<64x1xf32>
      %div3A_35 = vector.broadcast %get3A_34 : vector<64x1xf32> to vector<64x16xf32>
      %div3A_36 = arith.divf %get3A_31, %div3A_35 : vector<64x16xf32>
      %swap3A_37 = arith.constant 0 : index
      %swap3A_38 = arith.constant 16 : index
      %swap3A_39 = vector.load %arg10[%swap3A_37, %swap3A_38] : memref<64x128xf32, #tpu.memory_space<vmem>>, vector<64x16xf32>
      tpu.vector_store %arg10[%swap3A_37, %swap3A_38], %div3A_36 {strides = array<i32>} : memref<64x128xf32, #tpu.memory_space<vmem>>, vector<64x16xf32>,
      %get3A_40 = arith.constant 0 : index
      %get3A_41 = arith.constant 32 : index
      %get3A_42 = vector.load %arg13[%get3A_40, %get3A_41] : memref<64x128xf32, #tpu.memory_space<vmem>>, vector<64x16xf32>
      %get3A_43 = arith.constant 0 : index
      %get3A_44 = arith.constant 2 : index
      %get3A_45 = vector.load %arg12[%get3A_43, %get3A_44] : memref<64x8xf32, #tpu.memory_space<vmem>>, vector<64x1xf32>
      %div3A_46 = vector.broadcast %get3A_45 : vector<64x1xf32> to vector<64x16xf32>
      %div3A_47 = arith.divf %get3A_42, %div3A_46 : vector<64x16xf32>
      %swap3A_48 = arith.constant 0 : index
      %swap3A_49 = arith.constant 32 : index
      %swap3A_50 = vector.load %arg10[%swap3A_48, %swap3A_49] : memref<64x128xf32, #tpu.memory_space<vmem>>, vector<64x16xf32>
      tpu.vector_store %arg10[%swap3A_48, %swap3A_49], %div3A_47 {strides = array<i32>} : memref<64x128xf32, #tpu.memory_space<vmem>>, vector<64x16xf32>,
      %get3A_51 = arith.constant 0 : index
      %get3A_52 = arith.constant 48 : index
      %get3A_53 = vector.load %arg13[%get3A_51, %get3A_52] : memref<64x128xf32, #tpu.memory_space<vmem>>, vector<64x16xf32>
      %get3A_54 = arith.constant 0 : index
      %get3A_55 = arith.constant 3 : index
      %get3A_56 = vector.load %arg12[%get3A_54, %get3A_55] : memref<64x8xf32, #tpu.memory_space<vmem>>, vector<64x1xf32>
      %div3A_57 = vector.broadcast %get3A_56 : vector<64x1xf32> to vector<64x16xf32>
      %div3A_58 = arith.divf %get3A_53, %div3A_57 : vector<64x16xf32>
      %swap3A_59 = arith.constant 0 : index
      %swap3A_60 = arith.constant 48 : index
      %swap3A_61 = vector.load %arg10[%swap3A_59, %swap3A_60] : memref<64x128xf32, #tpu.memory_space<vmem>>, vector<64x16xf32>
      tpu.vector_store %arg10[%swap3A_59, %swap3A_60], %div3A_58 {strides = array<i32>} : memref<64x128xf32, #tpu.memory_space<vmem>>, vector<64x16xf32>,
      %get3A_62 = arith.constant 0 : index
      %get3A_63 = arith.constant 64 : index
      %get3A_64 = vector.load %arg13[%get3A_62, %get3A_63] : memref<64x128xf32, #tpu.memory_space<vmem>>, vector<64x16xf32>
      %get3A_65 = arith.constant 0 : index
      %get3A_66 = arith.constant 4 : index
      %get3A_67 = vector.load %arg12[%get3A_65, %get3A_66] : memref<64x8xf32, #tpu.memory_space<vmem>>, vector<64x1xf32>
      %div3A_68 = vector.broadcast %get3A_67 : vector<64x1xf32> to vector<64x16xf32>
      %div3A_69 = arith.divf %get3A_64, %div3A_68 : vector<64x16xf32>
      %swap3A_70 = arith.constant 0 : index
      %swap3A_71 = arith.constant 64 : index
      %swap3A_72 = vector.load %arg10[%swap3A_70, %swap3A_71] : memref<64x128xf32, #tpu.memory_space<vmem>>, vector<64x16xf32>
      tpu.vector_store %arg10[%swap3A_70, %swap3A_71], %div3A_69 {strides = array<i32>} : memref<64x128xf32, #tpu.memory_space<vmem>>, vector<64x16xf32>,
      %get3A_73 = arith.constant 0 : index
      %get3A_74 = arith.constant 80 : index
      %get3A_75 = vector.load %arg13[%get3A_73, %get3A_74] : memref<64x128xf32, #tpu.memory_space<vmem>>, vector<64x16xf32>
      %get3A_76 = arith.constant 0 : index
      %get3A_77 = arith.constant 5 : index
      %get3A_78 = vector.load %arg12[%get3A_76, %get3A_77] : memref<64x8xf32, #tpu.memory_space<vmem>>, vector<64x1xf32>
      %div3A_79 = vector.broadcast %get3A_78 : vector<64x1xf32> to vector<64x16xf32>
      %div3A_80 = arith.divf %get3A_75, %div3A_79 : vector<64x16xf32>
      %swap3A_81 = arith.constant 0 : index
      %swap3A_82 = arith.constant 80 : index
      %swap3A_83 = vector.load %arg10[%swap3A_81, %swap3A_82] : memref<64x128xf32, #tpu.memory_space<vmem>>, vector<64x16xf32>
      tpu.vector_store %arg10[%swap3A_81, %swap3A_82], %div3A_80 {strides = array<i32>} : memref<64x128xf32, #tpu.memory_space<vmem>>, vector<64x16xf32>,
      %get3A_84 = arith.constant 0 : index
      %get3A_85 = arith.constant 96 : index
      %get3A_86 = vector.load %arg13[%get3A_84, %get3A_85] : memref<64x128xf32, #tpu.memory_space<vmem>>, vector<64x16xf32>
      %get3A_87 = arith.constant 0 : index
      %get3A_88 = arith.constant 6 : index
      %get3A_89 = vector.load %arg12[%get3A_87, %get3A_88] : memref<64x8xf32, #tpu.memory_space<vmem>>, vector<64x1xf32>
      %div3A_90 = vector.broadcast %get3A_89 : vector<64x1xf32> to vector<64x16xf32>
      %div3A_91 = arith.divf %get3A_86, %div3A_90 : vector<64x16xf32>
      %swap3A_92 = arith.constant 0 : index
      %swap3A_93 = arith.constant 96 : index
      %swap3A_94 = vector.load %arg10[%swap3A_92, %swap3A_93] : memref<64x128xf32, #tpu.memory_space<vmem>>, vector<64x16xf32>
      tpu.vector_store %arg10[%swap3A_92, %swap3A_93], %div3A_91 {strides = array<i32>} : memref<64x128xf32, #tpu.memory_space<vmem>>, vector<64x16xf32>,
      %get3A_95 = arith.constant 0 : index
      %get3A_96 = arith.constant 112 : index
      %get3A_97 = vector.load %arg13[%get3A_95, %get3A_96] : memref<64x128xf32, #tpu.memory_space<vmem>>, vector<64x16xf32>
      %get3A_98 = arith.constant 0 : index
      %get3A_99 = arith.constant 7 : index
      %get3A_100 = vector.load %arg12[%get3A_98, %get3A_99] : memref<64x8xf32, #tpu.memory_space<vmem>>, vector<64x1xf32>
      %div3A_101 = vector.broadcast %get3A_100 : vector<64x1xf32> to vector<64x16xf32>
      %div3A_102 = arith.divf %get3A_97, %div3A_101 : vector<64x16xf32>
      %swap3A_103 = arith.constant 0 : index
      %swap3A_104 = arith.constant 112 : index
      %swap3A_105 = vector.load %arg10[%swap3A_103, %swap3A_104] : memref<64x128xf32, #tpu.memory_space<vmem>>, vector<64x16xf32>
      tpu.vector_store %arg10[%swap3A_103, %swap3A_104], %div3A_102 {strides = array<i32>} : memref<64x128xf32, #tpu.memory_space<vmem>>, vector<64x16xf32>,
    } else {
    }
    return
  }
  func.func @transform_0(%arg0: i32, %arg1: i32, %arg2: memref<2x8xi32, #tpu.memory_space<smem>>) -> (i32, i32) {
    %c0_i32 = arith.constant 0 : i32
    %c0_i32_0 = arith.constant 0 : i32
    return %arg0, %c0_i32 : i32, i32
  }
  func.func @transform_1(%arg0: i32, %arg1: i32, %arg2: memref<2x8xi32, #tpu.memory_space<smem>>) -> (i32, i32) {
    %get3A = arith.constant 0 : index
    %get3A_0 = arith.index_cast %arg0 : i32 to index
    %get3A_1 = memref.load %arg2[%get3A, %get3A_0] : memref<2x8xi32, #tpu.memory_space<smem>>
    %add3A = arith.addi %get3A_1, %arg1 : i32
    %get3A_2 = arith.constant 1 : index
    %get3A_3 = arith.index_cast %arg0 : i32 to index
    %get3A_4 = memref.load %arg2[%get3A_2, %get3A_3] : memref<2x8xi32, #tpu.memory_space<smem>>
    %min3A = arith.minsi %add3A, %get3A_4 : i32
    %max3A = arith.constant 0 : i32
    %max3A_5 = arith.maxsi %min3A, %max3A : i32
    %c0_i32 = arith.constant 0 : i32
    %c0_i32_6 = arith.constant 0 : i32
    return %max3A_5, %c0_i32 : i32, i32
  }
  func.func @transform_2(%arg0: i32, %arg1: i32, %arg2: memref<2x8xi32, #tpu.memory_space<smem>>) -> (i32, i32) {
    %get3A = arith.constant 0 : index
    %get3A_0 = arith.index_cast %arg0 : i32 to index
    %get3A_1 = memref.load %arg2[%get3A, %get3A_0] : memref<2x8xi32, #tpu.memory_space<smem>>
    %add3A = arith.addi %get3A_1, %arg1 : i32
    %get3A_2 = arith.constant 1 : index
    %get3A_3 = arith.index_cast %arg0 : i32 to index
    %get3A_4 = memref.load %arg2[%get3A_2, %get3A_3] : memref<2x8xi32, #tpu.memory_space<smem>>
    %min3A = arith.minsi %add3A, %get3A_4 : i32
    %max3A = arith.constant 0 : i32
    %max3A_5 = arith.maxsi %min3A, %max3A : i32
    %c0_i32 = arith.constant 0 : i32
    %c0_i32_6 = arith.constant 0 : i32
    return %max3A_5, %c0_i32 : i32, i32
  }
  func.func @transform_3(%arg0: i32, %arg1: i32, %arg2: memref<2x8xi32, #tpu.memory_space<smem>>) -> (i32, i32, i32) {
    %c0_i32 = arith.constant 0 : i32
    %c0_i32_0 = arith.constant 0 : i32
    %c0_i32_1 = arith.constant 0 : i32
    return %arg0, %c0_i32, %c0_i32_0 : i32, i32, i32
  }
  func.func @transform_4(%arg0: i32, %arg1: i32, %arg2: memref<2x8xi32, #tpu.memory_space<smem>>) -> (i32, i32, i32) {
    %get3A = arith.constant 0 : index
    %get3A_0 = arith.index_cast %arg0 : i32 to index
    %get3A_1 = memref.load %arg2[%get3A, %get3A_0] : memref<2x8xi32, #tpu.memory_space<smem>>
    %add3A = arith.addi %get3A_1, %arg1 : i32
    %get3A_2 = arith.constant 1 : index
    %get3A_3 = arith.index_cast %arg0 : i32 to index
    %get3A_4 = memref.load %arg2[%get3A_2, %get3A_3] : memref<2x8xi32, #tpu.memory_space<smem>>
    %min3A = arith.minsi %add3A, %get3A_4 : i32
    %max3A = arith.constant 0 : i32
    %max3A_5 = arith.maxsi %min3A, %max3A : i32
    %c0_i32 = arith.constant 0 : i32
    %c0_i32_6 = arith.constant 0 : i32
    %c0_i32_7 = arith.constant 0 : i32
    return %max3A_5, %c0_i32, %c0_i32_6 : i32, i32, i32
  }
  func.func @transform_5(%arg0: i32, %arg1: i32, %arg2: memref<2x8xi32, #tpu.memory_space<smem>>) -> (i32, i32) {
    %c0_i32 = arith.constant 0 : i32
    %c0_i32_0 = arith.constant 0 : i32
    %c0_i32_1 = arith.constant 0 : i32
    return %c0_i32, %c0_i32_0 : i32, i32
  }
  func.func @transform_6(%arg0: i32, %arg1: i32, %arg2: memref<2x8xi32, #tpu.memory_space<smem>>) -> (i32, i32) {
    %c0_i32 = arith.constant 0 : i32
    %c0_i32_0 = arith.constant 0 : i32
    %c0_i32_1 = arith.constant 0 : i32
    return %c0_i32, %c0_i32_0 : i32, i32
  }
  func.func @transform_7(%arg0: i32, %arg1: i32, %arg2: memref<2x8xi32, #tpu.memory_space<smem>>) -> (i32, i32) {
    %c0_i32 = arith.constant 0 : i32
    %c0_i32_0 = arith.constant 0 : i32
    return %arg0, %c0_i32 : i32, i32
  }
}

module attributes {stable_mosaic.version = 14 : i64} {
  func.func @body(%arg0: i32, %arg1: i32, %arg2: memref<2x25xi32, #tpu.memory_space<smem>>, %arg3: memref<1024x128xf32, #tpu.memory_space<vmem>>, %arg4: memref<1024x128xf32, #tpu.memory_space<vmem>>, %arg5: memref<1024x128xf32, #tpu.memory_space<vmem>>, %arg6: memref<1x1024x1xi32, #tpu.memory_space<vmem>>, %arg7: memref<1x1x1024xi32, #tpu.memory_space<vmem>>, %arg8: memref<1x512xf32, #tpu.memory_space<vmem>>, %arg9: memref<3x128xf32, #tpu.memory_space<vmem>>, %arg10: memref<1024x128xf32, #tpu.memory_space<vmem>>, %arg11: memref<1024x8xf32, #tpu.memory_space<vmem>>, %arg12: memref<1024x8xf32, #tpu.memory_space<vmem>>, %arg13: memref<1024x128xf32, #tpu.memory_space<vmem>>) attributes {dimension_semantics = [#tpu.dimension_semantics<arbitrary>, #tpu.dimension_semantics<arbitrary>], iteration_bounds = array<i64: 25, 25>, scalar_prefetch = 1 : i64, scratch_operands = 3 : i64, tpu.core_type = #tpu.core_type<tc>, window_params = [{transform_indices = @transform_0, window_bounds = array<i64: 1024, 128>}, {transform_indices = @transform_1, window_bounds = array<i64: 1024, 128>}, {transform_indices = @transform_2, window_bounds = array<i64: 1024, 128>}, {transform_indices = @transform_3, window_bounds = array<i64: 1, 1024, 1>}, {transform_indices = @transform_4, window_bounds = array<i64: 1, 1, 1024>}, {pipeline_mode = #tpu.pipeline_mode<synchronous>, transform_indices = @transform_5, window_bounds = array<i64: 1, 512>}, {pipeline_mode = #tpu.pipeline_mode<synchronous>, transform_indices = @transform_6, window_bounds = array<i64: 3, 128>}, {transform_indices = @transform_7, window_bounds = array<i64: 1024, 128>}]} {
    %get3A = arith.constant 1 : index
    %get3A_0 = arith.index_cast %arg0 : i32 to index
    %get3A_1 = memref.load %arg2[%get3A, %get3A_0] : memref<2x25xi32, #tpu.memory_space<smem>>
    %get3A_2 = arith.constant 0 : index
    %get3A_3 = arith.index_cast %arg0 : i32 to index
    %get3A_4 = memref.load %arg2[%get3A_2, %get3A_3] : memref<2x25xi32, #tpu.memory_space<smem>>
    %sub3A = arith.subi %get3A_1, %get3A_4 : i32
    %get3A_5 = arith.constant 0 : index
    %get3A_6 = arith.constant 0 : index
    %get3A_7 = arith.constant 0 : index
    %get3A_8 = vector.load %arg6[%get3A_5, %get3A_6, %get3A_7] : memref<1x1024x1xi32, #tpu.memory_space<vmem>>, vector<1x1024x1xi32>
    %get3A_9 = vector.shape_cast %get3A_8 : vector<1x1024x1xi32> to vector<1024x1xi32>
    %eq3A = arith.constant 0 : i32
    %eq3A_10 = arith.cmpi eq, %arg1, %eq3A : i32
    %convert_element_type3A = arith.extui %eq3A_10 : i1 to i32
    %cond3A = arith.constant 0 : i32
    %cond3A_11 = arith.cmpi ne, %convert_element_type3A, %cond3A : i32
    scf.if %cond3A_11 {
      %iota3A = tpu.iota {dimensions = array<i32: 1>} : vector<1024x512xi32>
      %eq3A_20 = vector.broadcast %get3A_9 : vector<1024x1xi32> to vector<1024x512xi32>
      %eq3A_21 = arith.cmpi eq, %eq3A_20, %iota3A : vector<1024x512xi32>
      %convert_element_type3A_22 = arith.extui %eq3A_21 : vector<1024x512xi1> to vector<1024x512xi32>
      %convert_element_type3A_23 = arith.sitofp %convert_element_type3A_22 : vector<1024x512xi32> to vector<1024x512xf32>
      %get3A_24 = arith.constant 0 : index
      %get3A_25 = arith.constant 0 : index
      %get3A_26 = vector.load %arg8[%get3A_24, %get3A_25] : memref<1x512xf32, #tpu.memory_space<vmem>>, vector<1x512xf32>
      %mul3A = vector.broadcast %get3A_26 : vector<1x512xf32> to vector<1024x512xf32>
      %mul3A_27 = arith.mulf %convert_element_type3A_23, %mul3A : vector<1024x512xf32>
      %reduce_sum3A = arith.constant dense<0.000000e+00> : vector<1024xf32>
      %reduce_sum3A_28 = vector.multi_reduction <add>, %mul3A_27, %reduce_sum3A [1] : vector<1024x512xf32> to vector<1024xf32>
      %broadcast_in_dim3A = vector.shape_cast %reduce_sum3A_28 : vector<1024xf32> to vector<1024x1xf32>
      %get3A_29 = arith.constant 1 : index
      %get3A_30 = arith.constant 0 : index
      %get3A_31 = vector.load %arg9[%get3A_29, %get3A_30] : memref<3x128xf32, #tpu.memory_space<vmem>>, vector<1x16xf32>
      %get3A_32 = arith.constant 2 : index
      %get3A_33 = arith.constant 0 : index
      %get3A_34 = vector.load %arg9[%get3A_32, %get3A_33] : memref<3x128xf32, #tpu.memory_space<vmem>>, vector<1x16xf32>
      %get3A_35 = arith.constant 0 : index
      %get3A_36 = arith.constant 0 : index
      %get3A_37 = vector.load %arg3[%get3A_35, %get3A_36] : memref<1024x128xf32, #tpu.memory_space<vmem>>, vector<1024x16xf32>
      %dot_general3A = arith.constant dense<0.000000e+00> : vector<1024x1xf32>
      %dot_general3A_38 = tpu.matmul %get3A_37, %get3A_31, %dot_general3A {dimension_numbers = #tpu.dot_dimension_numbers<[1], [1], [0], [0], [0, 0, 1, 0], [], []>, transpose_lhs_hint = false} : vector<1024x16xf32>, vector<1x16xf32>, vector<1024x1xf32> -> vector<1024x1xf32>
      %mul3A_39 = arith.constant 2.500000e-01 : f32
      %mul3A_40 = vector.broadcast %mul3A_39 : f32 to vector<1024x1xf32>
      %mul3A_41 = arith.mulf %dot_general3A_38, %mul3A_40 : vector<1024x1xf32>
      %gt3A = arith.constant 0.000000e+00 : f32
      %gt3A_42 = vector.broadcast %gt3A : f32 to vector<1024x1xf32>
      %gt3A_43 = arith.cmpf ogt, %broadcast_in_dim3A, %gt3A_42 : vector<1024x1xf32>
      %jit3A = arith.constant -1.000000e+30 : f32
      %broadcast_in_dim3A_44 = vector.broadcast %jit3A : f32 to vector<1024x1xf32>
      %select_n3A = arith.select %gt3A_43, %mul3A_41, %broadcast_in_dim3A_44 : vector<1024x1xi1>, vector<1024x1xf32>
      %swap3A = arith.constant 0 : index
      %swap3A_45 = arith.constant 0 : index
      %swap3A_46 = vector.load %arg11[%swap3A, %swap3A_45] : memref<1024x8xf32, #tpu.memory_space<vmem>>, vector<1024x1xf32>
      tpu.vector_store %arg11[%swap3A, %swap3A_45], %select_n3A {strides = array<i32>} : memref<1024x8xf32, #tpu.memory_space<vmem>>, vector<1024x1xf32>,
      %swap3A_47 = arith.constant 0 : index
      %swap3A_48 = arith.constant 0 : index
      %swap3A_49 = vector.load %arg12[%swap3A_47, %swap3A_48] : memref<1024x8xf32, #tpu.memory_space<vmem>>, vector<1024x1xf32>
      tpu.vector_store %arg12[%swap3A_47, %swap3A_48], %broadcast_in_dim3A {strides = array<i32>} : memref<1024x8xf32, #tpu.memory_space<vmem>>, vector<1024x1xf32>,
      %mul3A_50 = vector.broadcast %broadcast_in_dim3A : vector<1024x1xf32> to vector<1024x16xf32>
      %mul3A_51 = vector.broadcast %get3A_34 : vector<1x16xf32> to vector<1024x16xf32>
      %mul3A_52 = arith.mulf %mul3A_50, %mul3A_51 : vector<1024x16xf32>
      %swap3A_53 = arith.constant 0 : index
      %swap3A_54 = arith.constant 0 : index
      %swap3A_55 = vector.load %arg13[%swap3A_53, %swap3A_54] : memref<1024x128xf32, #tpu.memory_space<vmem>>, vector<1024x16xf32>
      tpu.vector_store %arg13[%swap3A_53, %swap3A_54], %mul3A_52 {strides = array<i32>} : memref<1024x128xf32, #tpu.memory_space<vmem>>, vector<1024x16xf32>,
      %get3A_56 = arith.constant 1 : index
      %get3A_57 = arith.constant 16 : index
      %get3A_58 = vector.load %arg9[%get3A_56, %get3A_57] : memref<3x128xf32, #tpu.memory_space<vmem>>, vector<1x16xf32>
      %get3A_59 = arith.constant 2 : index
      %get3A_60 = arith.constant 16 : index
      %get3A_61 = vector.load %arg9[%get3A_59, %get3A_60] : memref<3x128xf32, #tpu.memory_space<vmem>>, vector<1x16xf32>
      %get3A_62 = arith.constant 0 : index
      %get3A_63 = arith.constant 16 : index
      %get3A_64 = vector.load %arg3[%get3A_62, %get3A_63] : memref<1024x128xf32, #tpu.memory_space<vmem>>, vector<1024x16xf32>
      %dot_general3A_65 = arith.constant dense<0.000000e+00> : vector<1024x1xf32>
      %dot_general3A_66 = tpu.matmul %get3A_64, %get3A_58, %dot_general3A_65 {dimension_numbers = #tpu.dot_dimension_numbers<[1], [1], [0], [0], [0, 0, 1, 0], [], []>, transpose_lhs_hint = false} : vector<1024x16xf32>, vector<1x16xf32>, vector<1024x1xf32> -> vector<1024x1xf32>
      %mul3A_67 = arith.constant 2.500000e-01 : f32
      %mul3A_68 = vector.broadcast %mul3A_67 : f32 to vector<1024x1xf32>
      %mul3A_69 = arith.mulf %dot_general3A_66, %mul3A_68 : vector<1024x1xf32>
      %gt3A_70 = arith.constant 0.000000e+00 : f32
      %gt3A_71 = vector.broadcast %gt3A_70 : f32 to vector<1024x1xf32>
      %gt3A_72 = arith.cmpf ogt, %broadcast_in_dim3A, %gt3A_71 : vector<1024x1xf32>
      %jit3A_73 = arith.constant -1.000000e+30 : f32
      %broadcast_in_dim3A_74 = vector.broadcast %jit3A_73 : f32 to vector<1024x1xf32>
      %select_n3A_75 = arith.select %gt3A_72, %mul3A_69, %broadcast_in_dim3A_74 : vector<1024x1xi1>, vector<1024x1xf32>
      %swap3A_76 = arith.constant 0 : index
      %swap3A_77 = arith.constant 1 : index
      %swap3A_78 = vector.load %arg11[%swap3A_76, %swap3A_77] : memref<1024x8xf32, #tpu.memory_space<vmem>>, vector<1024x1xf32>
      tpu.vector_store %arg11[%swap3A_76, %swap3A_77], %select_n3A_75 {strides = array<i32>} : memref<1024x8xf32, #tpu.memory_space<vmem>>, vector<1024x1xf32>,
      %swap3A_79 = arith.constant 0 : index
      %swap3A_80 = arith.constant 1 : index
      %swap3A_81 = vector.load %arg12[%swap3A_79, %swap3A_80] : memref<1024x8xf32, #tpu.memory_space<vmem>>, vector<1024x1xf32>
      tpu.vector_store %arg12[%swap3A_79, %swap3A_80], %broadcast_in_dim3A {strides = array<i32>} : memref<1024x8xf32, #tpu.memory_space<vmem>>, vector<1024x1xf32>,
      %mul3A_82 = vector.broadcast %broadcast_in_dim3A : vector<1024x1xf32> to vector<1024x16xf32>
      %mul3A_83 = vector.broadcast %get3A_61 : vector<1x16xf32> to vector<1024x16xf32>
      %mul3A_84 = arith.mulf %mul3A_82, %mul3A_83 : vector<1024x16xf32>
      %swap3A_85 = arith.constant 0 : index
      %swap3A_86 = arith.constant 16 : index
      %swap3A_87 = vector.load %arg13[%swap3A_85, %swap3A_86] : memref<1024x128xf32, #tpu.memory_space<vmem>>, vector<1024x16xf32>
      tpu.vector_store %arg13[%swap3A_85, %swap3A_86], %mul3A_84 {strides = array<i32>} : memref<1024x128xf32, #tpu.memory_space<vmem>>, vector<1024x16xf32>,
      %get3A_88 = arith.constant 1 : index
      %get3A_89 = arith.constant 32 : index
      %get3A_90 = vector.load %arg9[%get3A_88, %get3A_89] : memref<3x128xf32, #tpu.memory_space<vmem>>, vector<1x16xf32>
      %get3A_91 = arith.constant 2 : index
      %get3A_92 = arith.constant 32 : index
      %get3A_93 = vector.load %arg9[%get3A_91, %get3A_92] : memref<3x128xf32, #tpu.memory_space<vmem>>, vector<1x16xf32>
      %get3A_94 = arith.constant 0 : index
      %get3A_95 = arith.constant 32 : index
      %get3A_96 = vector.load %arg3[%get3A_94, %get3A_95] : memref<1024x128xf32, #tpu.memory_space<vmem>>, vector<1024x16xf32>
      %dot_general3A_97 = arith.constant dense<0.000000e+00> : vector<1024x1xf32>
      %dot_general3A_98 = tpu.matmul %get3A_96, %get3A_90, %dot_general3A_97 {dimension_numbers = #tpu.dot_dimension_numbers<[1], [1], [0], [0], [0, 0, 1, 0], [], []>, transpose_lhs_hint = false} : vector<1024x16xf32>, vector<1x16xf32>, vector<1024x1xf32> -> vector<1024x1xf32>
      %mul3A_99 = arith.constant 2.500000e-01 : f32
      %mul3A_100 = vector.broadcast %mul3A_99 : f32 to vector<1024x1xf32>
      %mul3A_101 = arith.mulf %dot_general3A_98, %mul3A_100 : vector<1024x1xf32>
      %gt3A_102 = arith.constant 0.000000e+00 : f32
      %gt3A_103 = vector.broadcast %gt3A_102 : f32 to vector<1024x1xf32>
      %gt3A_104 = arith.cmpf ogt, %broadcast_in_dim3A, %gt3A_103 : vector<1024x1xf32>
      %jit3A_105 = arith.constant -1.000000e+30 : f32
      %broadcast_in_dim3A_106 = vector.broadcast %jit3A_105 : f32 to vector<1024x1xf32>
      %select_n3A_107 = arith.select %gt3A_104, %mul3A_101, %broadcast_in_dim3A_106 : vector<1024x1xi1>, vector<1024x1xf32>
      %swap3A_108 = arith.constant 0 : index
      %swap3A_109 = arith.constant 2 : index
      %swap3A_110 = vector.load %arg11[%swap3A_108, %swap3A_109] : memref<1024x8xf32, #tpu.memory_space<vmem>>, vector<1024x1xf32>
      tpu.vector_store %arg11[%swap3A_108, %swap3A_109], %select_n3A_107 {strides = array<i32>} : memref<1024x8xf32, #tpu.memory_space<vmem>>, vector<1024x1xf32>,
      %swap3A_111 = arith.constant 0 : index
      %swap3A_112 = arith.constant 2 : index
      %swap3A_113 = vector.load %arg12[%swap3A_111, %swap3A_112] : memref<1024x8xf32, #tpu.memory_space<vmem>>, vector<1024x1xf32>
      tpu.vector_store %arg12[%swap3A_111, %swap3A_112], %broadcast_in_dim3A {strides = array<i32>} : memref<1024x8xf32, #tpu.memory_space<vmem>>, vector<1024x1xf32>,
      %mul3A_114 = vector.broadcast %broadcast_in_dim3A : vector<1024x1xf32> to vector<1024x16xf32>
      %mul3A_115 = vector.broadcast %get3A_93 : vector<1x16xf32> to vector<1024x16xf32>
      %mul3A_116 = arith.mulf %mul3A_114, %mul3A_115 : vector<1024x16xf32>
      %swap3A_117 = arith.constant 0 : index
      %swap3A_118 = arith.constant 32 : index
      %swap3A_119 = vector.load %arg13[%swap3A_117, %swap3A_118] : memref<1024x128xf32, #tpu.memory_space<vmem>>, vector<1024x16xf32>
      tpu.vector_store %arg13[%swap3A_117, %swap3A_118], %mul3A_116 {strides = array<i32>} : memref<1024x128xf32, #tpu.memory_space<vmem>>, vector<1024x16xf32>,
      %get3A_120 = arith.constant 1 : index
      %get3A_121 = arith.constant 48 : index
      %get3A_122 = vector.load %arg9[%get3A_120, %get3A_121] : memref<3x128xf32, #tpu.memory_space<vmem>>, vector<1x16xf32>
      %get3A_123 = arith.constant 2 : index
      %get3A_124 = arith.constant 48 : index
      %get3A_125 = vector.load %arg9[%get3A_123, %get3A_124] : memref<3x128xf32, #tpu.memory_space<vmem>>, vector<1x16xf32>
      %get3A_126 = arith.constant 0 : index
      %get3A_127 = arith.constant 48 : index
      %get3A_128 = vector.load %arg3[%get3A_126, %get3A_127] : memref<1024x128xf32, #tpu.memory_space<vmem>>, vector<1024x16xf32>
      %dot_general3A_129 = arith.constant dense<0.000000e+00> : vector<1024x1xf32>
      %dot_general3A_130 = tpu.matmul %get3A_128, %get3A_122, %dot_general3A_129 {dimension_numbers = #tpu.dot_dimension_numbers<[1], [1], [0], [0], [0, 0, 1, 0], [], []>, transpose_lhs_hint = false} : vector<1024x16xf32>, vector<1x16xf32>, vector<1024x1xf32> -> vector<1024x1xf32>
      %mul3A_131 = arith.constant 2.500000e-01 : f32
      %mul3A_132 = vector.broadcast %mul3A_131 : f32 to vector<1024x1xf32>
      %mul3A_133 = arith.mulf %dot_general3A_130, %mul3A_132 : vector<1024x1xf32>
      %gt3A_134 = arith.constant 0.000000e+00 : f32
      %gt3A_135 = vector.broadcast %gt3A_134 : f32 to vector<1024x1xf32>
      %gt3A_136 = arith.cmpf ogt, %broadcast_in_dim3A, %gt3A_135 : vector<1024x1xf32>
      %jit3A_137 = arith.constant -1.000000e+30 : f32
      %broadcast_in_dim3A_138 = vector.broadcast %jit3A_137 : f32 to vector<1024x1xf32>
      %select_n3A_139 = arith.select %gt3A_136, %mul3A_133, %broadcast_in_dim3A_138 : vector<1024x1xi1>, vector<1024x1xf32>
      %swap3A_140 = arith.constant 0 : index
      %swap3A_141 = arith.constant 3 : index
      %swap3A_142 = vector.load %arg11[%swap3A_140, %swap3A_141] : memref<1024x8xf32, #tpu.memory_space<vmem>>, vector<1024x1xf32>
      tpu.vector_store %arg11[%swap3A_140, %swap3A_141], %select_n3A_139 {strides = array<i32>} : memref<1024x8xf32, #tpu.memory_space<vmem>>, vector<1024x1xf32>,
      %swap3A_143 = arith.constant 0 : index
      %swap3A_144 = arith.constant 3 : index
      %swap3A_145 = vector.load %arg12[%swap3A_143, %swap3A_144] : memref<1024x8xf32, #tpu.memory_space<vmem>>, vector<1024x1xf32>
      tpu.vector_store %arg12[%swap3A_143, %swap3A_144], %broadcast_in_dim3A {strides = array<i32>} : memref<1024x8xf32, #tpu.memory_space<vmem>>, vector<1024x1xf32>,
      %mul3A_146 = vector.broadcast %broadcast_in_dim3A : vector<1024x1xf32> to vector<1024x16xf32>
      %mul3A_147 = vector.broadcast %get3A_125 : vector<1x16xf32> to vector<1024x16xf32>
      %mul3A_148 = arith.mulf %mul3A_146, %mul3A_147 : vector<1024x16xf32>
      %swap3A_149 = arith.constant 0 : index
      %swap3A_150 = arith.constant 48 : index
      %swap3A_151 = vector.load %arg13[%swap3A_149, %swap3A_150] : memref<1024x128xf32, #tpu.memory_space<vmem>>, vector<1024x16xf32>
      tpu.vector_store %arg13[%swap3A_149, %swap3A_150], %mul3A_148 {strides = array<i32>} : memref<1024x128xf32, #tpu.memory_space<vmem>>, vector<1024x16xf32>,
      %get3A_152 = arith.constant 1 : index
      %get3A_153 = arith.constant 64 : index
      %get3A_154 = vector.load %arg9[%get3A_152, %get3A_153] : memref<3x128xf32, #tpu.memory_space<vmem>>, vector<1x16xf32>
      %get3A_155 = arith.constant 2 : index
      %get3A_156 = arith.constant 64 : index
      %get3A_157 = vector.load %arg9[%get3A_155, %get3A_156] : memref<3x128xf32, #tpu.memory_space<vmem>>, vector<1x16xf32>
      %get3A_158 = arith.constant 0 : index
      %get3A_159 = arith.constant 64 : index
      %get3A_160 = vector.load %arg3[%get3A_158, %get3A_159] : memref<1024x128xf32, #tpu.memory_space<vmem>>, vector<1024x16xf32>
      %dot_general3A_161 = arith.constant dense<0.000000e+00> : vector<1024x1xf32>
      %dot_general3A_162 = tpu.matmul %get3A_160, %get3A_154, %dot_general3A_161 {dimension_numbers = #tpu.dot_dimension_numbers<[1], [1], [0], [0], [0, 0, 1, 0], [], []>, transpose_lhs_hint = false} : vector<1024x16xf32>, vector<1x16xf32>, vector<1024x1xf32> -> vector<1024x1xf32>
      %mul3A_163 = arith.constant 2.500000e-01 : f32
      %mul3A_164 = vector.broadcast %mul3A_163 : f32 to vector<1024x1xf32>
      %mul3A_165 = arith.mulf %dot_general3A_162, %mul3A_164 : vector<1024x1xf32>
      %gt3A_166 = arith.constant 0.000000e+00 : f32
      %gt3A_167 = vector.broadcast %gt3A_166 : f32 to vector<1024x1xf32>
      %gt3A_168 = arith.cmpf ogt, %broadcast_in_dim3A, %gt3A_167 : vector<1024x1xf32>
      %jit3A_169 = arith.constant -1.000000e+30 : f32
      %broadcast_in_dim3A_170 = vector.broadcast %jit3A_169 : f32 to vector<1024x1xf32>
      %select_n3A_171 = arith.select %gt3A_168, %mul3A_165, %broadcast_in_dim3A_170 : vector<1024x1xi1>, vector<1024x1xf32>
      %swap3A_172 = arith.constant 0 : index
      %swap3A_173 = arith.constant 4 : index
      %swap3A_174 = vector.load %arg11[%swap3A_172, %swap3A_173] : memref<1024x8xf32, #tpu.memory_space<vmem>>, vector<1024x1xf32>
      tpu.vector_store %arg11[%swap3A_172, %swap3A_173], %select_n3A_171 {strides = array<i32>} : memref<1024x8xf32, #tpu.memory_space<vmem>>, vector<1024x1xf32>,
      %swap3A_175 = arith.constant 0 : index
      %swap3A_176 = arith.constant 4 : index
      %swap3A_177 = vector.load %arg12[%swap3A_175, %swap3A_176] : memref<1024x8xf32, #tpu.memory_space<vmem>>, vector<1024x1xf32>
      tpu.vector_store %arg12[%swap3A_175, %swap3A_176], %broadcast_in_dim3A {strides = array<i32>} : memref<1024x8xf32, #tpu.memory_space<vmem>>, vector<1024x1xf32>,
      %mul3A_178 = vector.broadcast %broadcast_in_dim3A : vector<1024x1xf32> to vector<1024x16xf32>
      %mul3A_179 = vector.broadcast %get3A_157 : vector<1x16xf32> to vector<1024x16xf32>
      %mul3A_180 = arith.mulf %mul3A_178, %mul3A_179 : vector<1024x16xf32>
      %swap3A_181 = arith.constant 0 : index
      %swap3A_182 = arith.constant 64 : index
      %swap3A_183 = vector.load %arg13[%swap3A_181, %swap3A_182] : memref<1024x128xf32, #tpu.memory_space<vmem>>, vector<1024x16xf32>
      tpu.vector_store %arg13[%swap3A_181, %swap3A_182], %mul3A_180 {strides = array<i32>} : memref<1024x128xf32, #tpu.memory_space<vmem>>, vector<1024x16xf32>,
      %get3A_184 = arith.constant 1 : index
      %get3A_185 = arith.constant 80 : index
      %get3A_186 = vector.load %arg9[%get3A_184, %get3A_185] : memref<3x128xf32, #tpu.memory_space<vmem>>, vector<1x16xf32>
      %get3A_187 = arith.constant 2 : index
      %get3A_188 = arith.constant 80 : index
      %get3A_189 = vector.load %arg9[%get3A_187, %get3A_188] : memref<3x128xf32, #tpu.memory_space<vmem>>, vector<1x16xf32>
      %get3A_190 = arith.constant 0 : index
      %get3A_191 = arith.constant 80 : index
      %get3A_192 = vector.load %arg3[%get3A_190, %get3A_191] : memref<1024x128xf32, #tpu.memory_space<vmem>>, vector<1024x16xf32>
      %dot_general3A_193 = arith.constant dense<0.000000e+00> : vector<1024x1xf32>
      %dot_general3A_194 = tpu.matmul %get3A_192, %get3A_186, %dot_general3A_193 {dimension_numbers = #tpu.dot_dimension_numbers<[1], [1], [0], [0], [0, 0, 1, 0], [], []>, transpose_lhs_hint = false} : vector<1024x16xf32>, vector<1x16xf32>, vector<1024x1xf32> -> vector<1024x1xf32>
      %mul3A_195 = arith.constant 2.500000e-01 : f32
      %mul3A_196 = vector.broadcast %mul3A_195 : f32 to vector<1024x1xf32>
      %mul3A_197 = arith.mulf %dot_general3A_194, %mul3A_196 : vector<1024x1xf32>
      %gt3A_198 = arith.constant 0.000000e+00 : f32
      %gt3A_199 = vector.broadcast %gt3A_198 : f32 to vector<1024x1xf32>
      %gt3A_200 = arith.cmpf ogt, %broadcast_in_dim3A, %gt3A_199 : vector<1024x1xf32>
      %jit3A_201 = arith.constant -1.000000e+30 : f32
      %broadcast_in_dim3A_202 = vector.broadcast %jit3A_201 : f32 to vector<1024x1xf32>
      %select_n3A_203 = arith.select %gt3A_200, %mul3A_197, %broadcast_in_dim3A_202 : vector<1024x1xi1>, vector<1024x1xf32>
      %swap3A_204 = arith.constant 0 : index
      %swap3A_205 = arith.constant 5 : index
      %swap3A_206 = vector.load %arg11[%swap3A_204, %swap3A_205] : memref<1024x8xf32, #tpu.memory_space<vmem>>, vector<1024x1xf32>
      tpu.vector_store %arg11[%swap3A_204, %swap3A_205], %select_n3A_203 {strides = array<i32>} : memref<1024x8xf32, #tpu.memory_space<vmem>>, vector<1024x1xf32>,
      %swap3A_207 = arith.constant 0 : index
      %swap3A_208 = arith.constant 5 : index
      %swap3A_209 = vector.load %arg12[%swap3A_207, %swap3A_208] : memref<1024x8xf32, #tpu.memory_space<vmem>>, vector<1024x1xf32>
      tpu.vector_store %arg12[%swap3A_207, %swap3A_208], %broadcast_in_dim3A {strides = array<i32>} : memref<1024x8xf32, #tpu.memory_space<vmem>>, vector<1024x1xf32>,
      %mul3A_210 = vector.broadcast %broadcast_in_dim3A : vector<1024x1xf32> to vector<1024x16xf32>
      %mul3A_211 = vector.broadcast %get3A_189 : vector<1x16xf32> to vector<1024x16xf32>
      %mul3A_212 = arith.mulf %mul3A_210, %mul3A_211 : vector<1024x16xf32>
      %swap3A_213 = arith.constant 0 : index
      %swap3A_214 = arith.constant 80 : index
      %swap3A_215 = vector.load %arg13[%swap3A_213, %swap3A_214] : memref<1024x128xf32, #tpu.memory_space<vmem>>, vector<1024x16xf32>
      tpu.vector_store %arg13[%swap3A_213, %swap3A_214], %mul3A_212 {strides = array<i32>} : memref<1024x128xf32, #tpu.memory_space<vmem>>, vector<1024x16xf32>,
      %get3A_216 = arith.constant 1 : index
      %get3A_217 = arith.constant 96 : index
      %get3A_218 = vector.load %arg9[%get3A_216, %get3A_217] : memref<3x128xf32, #tpu.memory_space<vmem>>, vector<1x16xf32>
      %get3A_219 = arith.constant 2 : index
      %get3A_220 = arith.constant 96 : index
      %get3A_221 = vector.load %arg9[%get3A_219, %get3A_220] : memref<3x128xf32, #tpu.memory_space<vmem>>, vector<1x16xf32>
      %get3A_222 = arith.constant 0 : index
      %get3A_223 = arith.constant 96 : index
      %get3A_224 = vector.load %arg3[%get3A_222, %get3A_223] : memref<1024x128xf32, #tpu.memory_space<vmem>>, vector<1024x16xf32>
      %dot_general3A_225 = arith.constant dense<0.000000e+00> : vector<1024x1xf32>
      %dot_general3A_226 = tpu.matmul %get3A_224, %get3A_218, %dot_general3A_225 {dimension_numbers = #tpu.dot_dimension_numbers<[1], [1], [0], [0], [0, 0, 1, 0], [], []>, transpose_lhs_hint = false} : vector<1024x16xf32>, vector<1x16xf32>, vector<1024x1xf32> -> vector<1024x1xf32>
      %mul3A_227 = arith.constant 2.500000e-01 : f32
      %mul3A_228 = vector.broadcast %mul3A_227 : f32 to vector<1024x1xf32>
      %mul3A_229 = arith.mulf %dot_general3A_226, %mul3A_228 : vector<1024x1xf32>
      %gt3A_230 = arith.constant 0.000000e+00 : f32
      %gt3A_231 = vector.broadcast %gt3A_230 : f32 to vector<1024x1xf32>
      %gt3A_232 = arith.cmpf ogt, %broadcast_in_dim3A, %gt3A_231 : vector<1024x1xf32>
      %jit3A_233 = arith.constant -1.000000e+30 : f32
      %broadcast_in_dim3A_234 = vector.broadcast %jit3A_233 : f32 to vector<1024x1xf32>
      %select_n3A_235 = arith.select %gt3A_232, %mul3A_229, %broadcast_in_dim3A_234 : vector<1024x1xi1>, vector<1024x1xf32>
      %swap3A_236 = arith.constant 0 : index
      %swap3A_237 = arith.constant 6 : index
      %swap3A_238 = vector.load %arg11[%swap3A_236, %swap3A_237] : memref<1024x8xf32, #tpu.memory_space<vmem>>, vector<1024x1xf32>
      tpu.vector_store %arg11[%swap3A_236, %swap3A_237], %select_n3A_235 {strides = array<i32>} : memref<1024x8xf32, #tpu.memory_space<vmem>>, vector<1024x1xf32>,
      %swap3A_239 = arith.constant 0 : index
      %swap3A_240 = arith.constant 6 : index
      %swap3A_241 = vector.load %arg12[%swap3A_239, %swap3A_240] : memref<1024x8xf32, #tpu.memory_space<vmem>>, vector<1024x1xf32>
      tpu.vector_store %arg12[%swap3A_239, %swap3A_240], %broadcast_in_dim3A {strides = array<i32>} : memref<1024x8xf32, #tpu.memory_space<vmem>>, vector<1024x1xf32>,
      %mul3A_242 = vector.broadcast %broadcast_in_dim3A : vector<1024x1xf32> to vector<1024x16xf32>
      %mul3A_243 = vector.broadcast %get3A_221 : vector<1x16xf32> to vector<1024x16xf32>
      %mul3A_244 = arith.mulf %mul3A_242, %mul3A_243 : vector<1024x16xf32>
      %swap3A_245 = arith.constant 0 : index
      %swap3A_246 = arith.constant 96 : index
      %swap3A_247 = vector.load %arg13[%swap3A_245, %swap3A_246] : memref<1024x128xf32, #tpu.memory_space<vmem>>, vector<1024x16xf32>
      tpu.vector_store %arg13[%swap3A_245, %swap3A_246], %mul3A_244 {strides = array<i32>} : memref<1024x128xf32, #tpu.memory_space<vmem>>, vector<1024x16xf32>,
      %get3A_248 = arith.constant 1 : index
      %get3A_249 = arith.constant 112 : index
      %get3A_250 = vector.load %arg9[%get3A_248, %get3A_249] : memref<3x128xf32, #tpu.memory_space<vmem>>, vector<1x16xf32>
      %get3A_251 = arith.constant 2 : index
      %get3A_252 = arith.constant 112 : index
      %get3A_253 = vector.load %arg9[%get3A_251, %get3A_252] : memref<3x128xf32, #tpu.memory_space<vmem>>, vector<1x16xf32>
      %get3A_254 = arith.constant 0 : index
      %get3A_255 = arith.constant 112 : index
      %get3A_256 = vector.load %arg3[%get3A_254, %get3A_255] : memref<1024x128xf32, #tpu.memory_space<vmem>>, vector<1024x16xf32>
      %dot_general3A_257 = arith.constant dense<0.000000e+00> : vector<1024x1xf32>
      %dot_general3A_258 = tpu.matmul %get3A_256, %get3A_250, %dot_general3A_257 {dimension_numbers = #tpu.dot_dimension_numbers<[1], [1], [0], [0], [0, 0, 1, 0], [], []>, transpose_lhs_hint = false} : vector<1024x16xf32>, vector<1x16xf32>, vector<1024x1xf32> -> vector<1024x1xf32>
      %mul3A_259 = arith.constant 2.500000e-01 : f32
      %mul3A_260 = vector.broadcast %mul3A_259 : f32 to vector<1024x1xf32>
      %mul3A_261 = arith.mulf %dot_general3A_258, %mul3A_260 : vector<1024x1xf32>
      %gt3A_262 = arith.constant 0.000000e+00 : f32
      %gt3A_263 = vector.broadcast %gt3A_262 : f32 to vector<1024x1xf32>
      %gt3A_264 = arith.cmpf ogt, %broadcast_in_dim3A, %gt3A_263 : vector<1024x1xf32>
      %jit3A_265 = arith.constant -1.000000e+30 : f32
      %broadcast_in_dim3A_266 = vector.broadcast %jit3A_265 : f32 to vector<1024x1xf32>
      %select_n3A_267 = arith.select %gt3A_264, %mul3A_261, %broadcast_in_dim3A_266 : vector<1024x1xi1>, vector<1024x1xf32>
      %swap3A_268 = arith.constant 0 : index
      %swap3A_269 = arith.constant 7 : index
      %swap3A_270 = vector.load %arg11[%swap3A_268, %swap3A_269] : memref<1024x8xf32, #tpu.memory_space<vmem>>, vector<1024x1xf32>
      tpu.vector_store %arg11[%swap3A_268, %swap3A_269], %select_n3A_267 {strides = array<i32>} : memref<1024x8xf32, #tpu.memory_space<vmem>>, vector<1024x1xf32>,
      %swap3A_271 = arith.constant 0 : index
      %swap3A_272 = arith.constant 7 : index
      %swap3A_273 = vector.load %arg12[%swap3A_271, %swap3A_272] : memref<1024x8xf32, #tpu.memory_space<vmem>>, vector<1024x1xf32>
      tpu.vector_store %arg12[%swap3A_271, %swap3A_272], %broadcast_in_dim3A {strides = array<i32>} : memref<1024x8xf32, #tpu.memory_space<vmem>>, vector<1024x1xf32>,
      %mul3A_274 = vector.broadcast %broadcast_in_dim3A : vector<1024x1xf32> to vector<1024x16xf32>
      %mul3A_275 = vector.broadcast %get3A_253 : vector<1x16xf32> to vector<1024x16xf32>
      %mul3A_276 = arith.mulf %mul3A_274, %mul3A_275 : vector<1024x16xf32>
      %swap3A_277 = arith.constant 0 : index
      %swap3A_278 = arith.constant 112 : index
      %swap3A_279 = vector.load %arg13[%swap3A_277, %swap3A_278] : memref<1024x128xf32, #tpu.memory_space<vmem>>, vector<1024x16xf32>
      tpu.vector_store %arg13[%swap3A_277, %swap3A_278], %mul3A_276 {strides = array<i32>} : memref<1024x128xf32, #tpu.memory_space<vmem>>, vector<1024x16xf32>,
    } else {
    }
    %le3A = arith.cmpi sle, %arg1, %sub3A : i32
    %convert_element_type3A_12 = arith.extui %le3A : i1 to i32
    %cond3A_13 = arith.constant 0 : i32
    %cond3A_14 = arith.cmpi ne, %convert_element_type3A_12, %cond3A_13 : i32
    scf.if %cond3A_14 {
      %get3A_20 = arith.constant 0 : index
      %get3A_21 = arith.constant 0 : index
      %get3A_22 = arith.constant 0 : index
      %get3A_23 = vector.load %arg7[%get3A_20, %get3A_21, %get3A_22] : memref<1x1x1024xi32, #tpu.memory_space<vmem>>, vector<1x1x1024xi32>
      %get3A_24 = vector.shape_cast %get3A_23 : vector<1x1x1024xi32> to vector<1x1024xi32>
      %eq3A_25 = vector.broadcast %get3A_9 : vector<1024x1xi32> to vector<1024x1024xi32>
      %eq3A_26 = vector.broadcast %get3A_24 : vector<1x1024xi32> to vector<1024x1024xi32>
      %eq3A_27 = arith.cmpi eq, %eq3A_25, %eq3A_26 : vector<1024x1024xi32>
      %get3A_28 = arith.constant 0 : index
      %get3A_29 = arith.constant 0 : index
      %get3A_30 = vector.load %arg3[%get3A_28, %get3A_29] : memref<1024x128xf32, #tpu.memory_space<vmem>>, vector<1024x16xf32>
      %get3A_31 = arith.constant 0 : index
      %get3A_32 = arith.constant 0 : index
      %get3A_33 = vector.load %arg4[%get3A_31, %get3A_32] : memref<1024x128xf32, #tpu.memory_space<vmem>>, vector<1024x16xf32>
      %dot_general3A = arith.constant dense<0.000000e+00> : vector<1024x1024xf32>
      %dot_general3A_34 = tpu.matmul %get3A_30, %get3A_33, %dot_general3A {dimension_numbers = #tpu.dot_dimension_numbers<[1], [1], [0], [0], [0, 0, 1, 0], [], []>, transpose_lhs_hint = false} : vector<1024x16xf32>, vector<1024x16xf32>, vector<1024x1024xf32> -> vector<1024x1024xf32>
      %mul3A = arith.constant 2.500000e-01 : f32
      %mul3A_35 = vector.broadcast %mul3A : f32 to vector<1024x1024xf32>
      %mul3A_36 = arith.mulf %dot_general3A_34, %mul3A_35 : vector<1024x1024xf32>
      %jit3A = arith.constant -1.000000e+30 : f32
      %broadcast_in_dim3A = vector.broadcast %jit3A : f32 to vector<1024x1024xf32>
      %select_n3A = arith.select %eq3A_27, %mul3A_36, %broadcast_in_dim3A : vector<1024x1024xi1>, vector<1024x1024xf32>
      %get3A_37 = arith.constant 0 : index
      %get3A_38 = arith.constant 0 : index
      %get3A_39 = vector.load %arg11[%get3A_37, %get3A_38] : memref<1024x8xf32, #tpu.memory_space<vmem>>, vector<1024x1xf32>
      %reduce_max3A = arith.constant dense<0xFF800000> : vector<1024xf32>
      %reduce_max3A_40 = vector.multi_reduction <maximumf>, %select_n3A, %reduce_max3A [1] : vector<1024x1024xf32> to vector<1024xf32>
      %broadcast_in_dim3A_41 = vector.shape_cast %reduce_max3A_40 : vector<1024xf32> to vector<1024x1xf32>
      %max3A = arith.maximumf %get3A_39, %broadcast_in_dim3A_41 : vector<1024x1xf32>
      %sub3A_42 = vector.broadcast %max3A : vector<1024x1xf32> to vector<1024x1024xf32>
      %sub3A_43 = arith.subf %select_n3A, %sub3A_42 : vector<1024x1024xf32>
      %exp3A = math.exp %sub3A_43 : vector<1024x1024xf32>
      %jit3A_44 = arith.constant 0.000000e+00 : f32
      %broadcast_in_dim3A_45 = vector.broadcast %jit3A_44 : f32 to vector<1024x1024xf32>
      %select_n3A_46 = arith.select %eq3A_27, %exp3A, %broadcast_in_dim3A_45 : vector<1024x1024xi1>, vector<1024x1024xf32>
      %sub3A_47 = arith.subf %get3A_39, %max3A : vector<1024x1xf32>
      %exp3A_48 = math.exp %sub3A_47 : vector<1024x1xf32>
      %swap3A = arith.constant 0 : index
      %swap3A_49 = arith.constant 0 : index
      %swap3A_50 = vector.load %arg11[%swap3A, %swap3A_49] : memref<1024x8xf32, #tpu.memory_space<vmem>>, vector<1024x1xf32>
      tpu.vector_store %arg11[%swap3A, %swap3A_49], %max3A {strides = array<i32>} : memref<1024x8xf32, #tpu.memory_space<vmem>>, vector<1024x1xf32>,
      %get3A_51 = arith.constant 0 : index
      %get3A_52 = arith.constant 0 : index
      %get3A_53 = vector.load %arg12[%get3A_51, %get3A_52] : memref<1024x8xf32, #tpu.memory_space<vmem>>, vector<1024x1xf32>
      %mul3A_54 = arith.mulf %get3A_53, %exp3A_48 : vector<1024x1xf32>
      %reduce_sum3A = arith.constant dense<0.000000e+00> : vector<1024xf32>
      %reduce_sum3A_55 = vector.multi_reduction <add>, %select_n3A_46, %reduce_sum3A [1] : vector<1024x1024xf32> to vector<1024xf32>
      %broadcast_in_dim3A_56 = vector.shape_cast %reduce_sum3A_55 : vector<1024xf32> to vector<1024x1xf32>
      %add3A = arith.addf %mul3A_54, %broadcast_in_dim3A_56 : vector<1024x1xf32>
      %swap3A_57 = arith.constant 0 : index
      %swap3A_58 = arith.constant 0 : index
      %swap3A_59 = vector.load %arg12[%swap3A_57, %swap3A_58] : memref<1024x8xf32, #tpu.memory_space<vmem>>, vector<1024x1xf32>
      tpu.vector_store %arg12[%swap3A_57, %swap3A_58], %add3A {strides = array<i32>} : memref<1024x8xf32, #tpu.memory_space<vmem>>, vector<1024x1xf32>,
      %get3A_60 = arith.constant 0 : index
      %get3A_61 = arith.constant 0 : index
      %get3A_62 = vector.load %arg13[%get3A_60, %get3A_61] : memref<1024x128xf32, #tpu.memory_space<vmem>>, vector<1024x16xf32>
      %mul3A_63 = vector.broadcast %exp3A_48 : vector<1024x1xf32> to vector<1024x16xf32>
      %mul3A_64 = arith.mulf %get3A_62, %mul3A_63 : vector<1024x16xf32>
      %get3A_65 = arith.constant 0 : index
      %get3A_66 = arith.constant 0 : index
      %get3A_67 = vector.load %arg5[%get3A_65, %get3A_66] : memref<1024x128xf32, #tpu.memory_space<vmem>>, vector<1024x16xf32>
      %dot_general3A_68 = arith.constant dense<0.000000e+00> : vector<1024x16xf32>
      %dot_general3A_69 = tpu.matmul %select_n3A_46, %get3A_67, %dot_general3A_68 {dimension_numbers = #tpu.dot_dimension_numbers<[1], [0], [0], [1], [0, 0, 1, 1], [], []>, transpose_lhs_hint = false} : vector<1024x1024xf32>, vector<1024x16xf32>, vector<1024x16xf32> -> vector<1024x16xf32>
      %add3A_70 = arith.addf %mul3A_64, %dot_general3A_69 : vector<1024x16xf32>
      %swap3A_71 = arith.constant 0 : index
      %swap3A_72 = arith.constant 0 : index
      %swap3A_73 = vector.load %arg13[%swap3A_71, %swap3A_72] : memref<1024x128xf32, #tpu.memory_space<vmem>>, vector<1024x16xf32>
      tpu.vector_store %arg13[%swap3A_71, %swap3A_72], %add3A_70 {strides = array<i32>} : memref<1024x128xf32, #tpu.memory_space<vmem>>, vector<1024x16xf32>,
      %get3A_74 = arith.constant 0 : index
      %get3A_75 = arith.constant 16 : index
      %get3A_76 = vector.load %arg3[%get3A_74, %get3A_75] : memref<1024x128xf32, #tpu.memory_space<vmem>>, vector<1024x16xf32>
      %get3A_77 = arith.constant 0 : index
      %get3A_78 = arith.constant 16 : index
      %get3A_79 = vector.load %arg4[%get3A_77, %get3A_78] : memref<1024x128xf32, #tpu.memory_space<vmem>>, vector<1024x16xf32>
      %dot_general3A_80 = arith.constant dense<0.000000e+00> : vector<1024x1024xf32>
      %dot_general3A_81 = tpu.matmul %get3A_76, %get3A_79, %dot_general3A_80 {dimension_numbers = #tpu.dot_dimension_numbers<[1], [1], [0], [0], [0, 0, 1, 0], [], []>, transpose_lhs_hint = false} : vector<1024x16xf32>, vector<1024x16xf32>, vector<1024x1024xf32> -> vector<1024x1024xf32>
      %mul3A_82 = arith.constant 2.500000e-01 : f32
      %mul3A_83 = vector.broadcast %mul3A_82 : f32 to vector<1024x1024xf32>
      %mul3A_84 = arith.mulf %dot_general3A_81, %mul3A_83 : vector<1024x1024xf32>
      %jit3A_85 = arith.constant -1.000000e+30 : f32
      %broadcast_in_dim3A_86 = vector.broadcast %jit3A_85 : f32 to vector<1024x1024xf32>
      %select_n3A_87 = arith.select %eq3A_27, %mul3A_84, %broadcast_in_dim3A_86 : vector<1024x1024xi1>, vector<1024x1024xf32>
      %get3A_88 = arith.constant 0 : index
      %get3A_89 = arith.constant 1 : index
      %get3A_90 = vector.load %arg11[%get3A_88, %get3A_89] : memref<1024x8xf32, #tpu.memory_space<vmem>>, vector<1024x1xf32>
      %reduce_max3A_91 = arith.constant dense<0xFF800000> : vector<1024xf32>
      %reduce_max3A_92 = vector.multi_reduction <maximumf>, %select_n3A_87, %reduce_max3A_91 [1] : vector<1024x1024xf32> to vector<1024xf32>
      %broadcast_in_dim3A_93 = vector.shape_cast %reduce_max3A_92 : vector<1024xf32> to vector<1024x1xf32>
      %max3A_94 = arith.maximumf %get3A_90, %broadcast_in_dim3A_93 : vector<1024x1xf32>
      %sub3A_95 = vector.broadcast %max3A_94 : vector<1024x1xf32> to vector<1024x1024xf32>
      %sub3A_96 = arith.subf %select_n3A_87, %sub3A_95 : vector<1024x1024xf32>
      %exp3A_97 = math.exp %sub3A_96 : vector<1024x1024xf32>
      %jit3A_98 = arith.constant 0.000000e+00 : f32
      %broadcast_in_dim3A_99 = vector.broadcast %jit3A_98 : f32 to vector<1024x1024xf32>
      %select_n3A_100 = arith.select %eq3A_27, %exp3A_97, %broadcast_in_dim3A_99 : vector<1024x1024xi1>, vector<1024x1024xf32>
      %sub3A_101 = arith.subf %get3A_90, %max3A_94 : vector<1024x1xf32>
      %exp3A_102 = math.exp %sub3A_101 : vector<1024x1xf32>
      %swap3A_103 = arith.constant 0 : index
      %swap3A_104 = arith.constant 1 : index
      %swap3A_105 = vector.load %arg11[%swap3A_103, %swap3A_104] : memref<1024x8xf32, #tpu.memory_space<vmem>>, vector<1024x1xf32>
      tpu.vector_store %arg11[%swap3A_103, %swap3A_104], %max3A_94 {strides = array<i32>} : memref<1024x8xf32, #tpu.memory_space<vmem>>, vector<1024x1xf32>,
      %get3A_106 = arith.constant 0 : index
      %get3A_107 = arith.constant 1 : index
      %get3A_108 = vector.load %arg12[%get3A_106, %get3A_107] : memref<1024x8xf32, #tpu.memory_space<vmem>>, vector<1024x1xf32>
      %mul3A_109 = arith.mulf %get3A_108, %exp3A_102 : vector<1024x1xf32>
      %reduce_sum3A_110 = arith.constant dense<0.000000e+00> : vector<1024xf32>
      %reduce_sum3A_111 = vector.multi_reduction <add>, %select_n3A_100, %reduce_sum3A_110 [1] : vector<1024x1024xf32> to vector<1024xf32>
      %broadcast_in_dim3A_112 = vector.shape_cast %reduce_sum3A_111 : vector<1024xf32> to vector<1024x1xf32>
      %add3A_113 = arith.addf %mul3A_109, %broadcast_in_dim3A_112 : vector<1024x1xf32>
      %swap3A_114 = arith.constant 0 : index
      %swap3A_115 = arith.constant 1 : index
      %swap3A_116 = vector.load %arg12[%swap3A_114, %swap3A_115] : memref<1024x8xf32, #tpu.memory_space<vmem>>, vector<1024x1xf32>
      tpu.vector_store %arg12[%swap3A_114, %swap3A_115], %add3A_113 {strides = array<i32>} : memref<1024x8xf32, #tpu.memory_space<vmem>>, vector<1024x1xf32>,
      %get3A_117 = arith.constant 0 : index
      %get3A_118 = arith.constant 16 : index
      %get3A_119 = vector.load %arg13[%get3A_117, %get3A_118] : memref<1024x128xf32, #tpu.memory_space<vmem>>, vector<1024x16xf32>
      %mul3A_120 = vector.broadcast %exp3A_102 : vector<1024x1xf32> to vector<1024x16xf32>
      %mul3A_121 = arith.mulf %get3A_119, %mul3A_120 : vector<1024x16xf32>
      %get3A_122 = arith.constant 0 : index
      %get3A_123 = arith.constant 16 : index
      %get3A_124 = vector.load %arg5[%get3A_122, %get3A_123] : memref<1024x128xf32, #tpu.memory_space<vmem>>, vector<1024x16xf32>
      %dot_general3A_125 = arith.constant dense<0.000000e+00> : vector<1024x16xf32>
      %dot_general3A_126 = tpu.matmul %select_n3A_100, %get3A_124, %dot_general3A_125 {dimension_numbers = #tpu.dot_dimension_numbers<[1], [0], [0], [1], [0, 0, 1, 1], [], []>, transpose_lhs_hint = false} : vector<1024x1024xf32>, vector<1024x16xf32>, vector<1024x16xf32> -> vector<1024x16xf32>
      %add3A_127 = arith.addf %mul3A_121, %dot_general3A_126 : vector<1024x16xf32>
      %swap3A_128 = arith.constant 0 : index
      %swap3A_129 = arith.constant 16 : index
      %swap3A_130 = vector.load %arg13[%swap3A_128, %swap3A_129] : memref<1024x128xf32, #tpu.memory_space<vmem>>, vector<1024x16xf32>
      tpu.vector_store %arg13[%swap3A_128, %swap3A_129], %add3A_127 {strides = array<i32>} : memref<1024x128xf32, #tpu.memory_space<vmem>>, vector<1024x16xf32>,
      %get3A_131 = arith.constant 0 : index
      %get3A_132 = arith.constant 32 : index
      %get3A_133 = vector.load %arg3[%get3A_131, %get3A_132] : memref<1024x128xf32, #tpu.memory_space<vmem>>, vector<1024x16xf32>
      %get3A_134 = arith.constant 0 : index
      %get3A_135 = arith.constant 32 : index
      %get3A_136 = vector.load %arg4[%get3A_134, %get3A_135] : memref<1024x128xf32, #tpu.memory_space<vmem>>, vector<1024x16xf32>
      %dot_general3A_137 = arith.constant dense<0.000000e+00> : vector<1024x1024xf32>
      %dot_general3A_138 = tpu.matmul %get3A_133, %get3A_136, %dot_general3A_137 {dimension_numbers = #tpu.dot_dimension_numbers<[1], [1], [0], [0], [0, 0, 1, 0], [], []>, transpose_lhs_hint = false} : vector<1024x16xf32>, vector<1024x16xf32>, vector<1024x1024xf32> -> vector<1024x1024xf32>
      %mul3A_139 = arith.constant 2.500000e-01 : f32
      %mul3A_140 = vector.broadcast %mul3A_139 : f32 to vector<1024x1024xf32>
      %mul3A_141 = arith.mulf %dot_general3A_138, %mul3A_140 : vector<1024x1024xf32>
      %jit3A_142 = arith.constant -1.000000e+30 : f32
      %broadcast_in_dim3A_143 = vector.broadcast %jit3A_142 : f32 to vector<1024x1024xf32>
      %select_n3A_144 = arith.select %eq3A_27, %mul3A_141, %broadcast_in_dim3A_143 : vector<1024x1024xi1>, vector<1024x1024xf32>
      %get3A_145 = arith.constant 0 : index
      %get3A_146 = arith.constant 2 : index
      %get3A_147 = vector.load %arg11[%get3A_145, %get3A_146] : memref<1024x8xf32, #tpu.memory_space<vmem>>, vector<1024x1xf32>
      %reduce_max3A_148 = arith.constant dense<0xFF800000> : vector<1024xf32>
      %reduce_max3A_149 = vector.multi_reduction <maximumf>, %select_n3A_144, %reduce_max3A_148 [1] : vector<1024x1024xf32> to vector<1024xf32>
      %broadcast_in_dim3A_150 = vector.shape_cast %reduce_max3A_149 : vector<1024xf32> to vector<1024x1xf32>
      %max3A_151 = arith.maximumf %get3A_147, %broadcast_in_dim3A_150 : vector<1024x1xf32>
      %sub3A_152 = vector.broadcast %max3A_151 : vector<1024x1xf32> to vector<1024x1024xf32>
      %sub3A_153 = arith.subf %select_n3A_144, %sub3A_152 : vector<1024x1024xf32>
      %exp3A_154 = math.exp %sub3A_153 : vector<1024x1024xf32>
      %jit3A_155 = arith.constant 0.000000e+00 : f32
      %broadcast_in_dim3A_156 = vector.broadcast %jit3A_155 : f32 to vector<1024x1024xf32>
      %select_n3A_157 = arith.select %eq3A_27, %exp3A_154, %broadcast_in_dim3A_156 : vector<1024x1024xi1>, vector<1024x1024xf32>
      %sub3A_158 = arith.subf %get3A_147, %max3A_151 : vector<1024x1xf32>
      %exp3A_159 = math.exp %sub3A_158 : vector<1024x1xf32>
      %swap3A_160 = arith.constant 0 : index
      %swap3A_161 = arith.constant 2 : index
      %swap3A_162 = vector.load %arg11[%swap3A_160, %swap3A_161] : memref<1024x8xf32, #tpu.memory_space<vmem>>, vector<1024x1xf32>
      tpu.vector_store %arg11[%swap3A_160, %swap3A_161], %max3A_151 {strides = array<i32>} : memref<1024x8xf32, #tpu.memory_space<vmem>>, vector<1024x1xf32>,
      %get3A_163 = arith.constant 0 : index
      %get3A_164 = arith.constant 2 : index
      %get3A_165 = vector.load %arg12[%get3A_163, %get3A_164] : memref<1024x8xf32, #tpu.memory_space<vmem>>, vector<1024x1xf32>
      %mul3A_166 = arith.mulf %get3A_165, %exp3A_159 : vector<1024x1xf32>
      %reduce_sum3A_167 = arith.constant dense<0.000000e+00> : vector<1024xf32>
      %reduce_sum3A_168 = vector.multi_reduction <add>, %select_n3A_157, %reduce_sum3A_167 [1] : vector<1024x1024xf32> to vector<1024xf32>
      %broadcast_in_dim3A_169 = vector.shape_cast %reduce_sum3A_168 : vector<1024xf32> to vector<1024x1xf32>
      %add3A_170 = arith.addf %mul3A_166, %broadcast_in_dim3A_169 : vector<1024x1xf32>
      %swap3A_171 = arith.constant 0 : index
      %swap3A_172 = arith.constant 2 : index
      %swap3A_173 = vector.load %arg12[%swap3A_171, %swap3A_172] : memref<1024x8xf32, #tpu.memory_space<vmem>>, vector<1024x1xf32>
      tpu.vector_store %arg12[%swap3A_171, %swap3A_172], %add3A_170 {strides = array<i32>} : memref<1024x8xf32, #tpu.memory_space<vmem>>, vector<1024x1xf32>,
      %get3A_174 = arith.constant 0 : index
      %get3A_175 = arith.constant 32 : index
      %get3A_176 = vector.load %arg13[%get3A_174, %get3A_175] : memref<1024x128xf32, #tpu.memory_space<vmem>>, vector<1024x16xf32>
      %mul3A_177 = vector.broadcast %exp3A_159 : vector<1024x1xf32> to vector<1024x16xf32>
      %mul3A_178 = arith.mulf %get3A_176, %mul3A_177 : vector<1024x16xf32>
      %get3A_179 = arith.constant 0 : index
      %get3A_180 = arith.constant 32 : index
      %get3A_181 = vector.load %arg5[%get3A_179, %get3A_180] : memref<1024x128xf32, #tpu.memory_space<vmem>>, vector<1024x16xf32>
      %dot_general3A_182 = arith.constant dense<0.000000e+00> : vector<1024x16xf32>
      %dot_general3A_183 = tpu.matmul %select_n3A_157, %get3A_181, %dot_general3A_182 {dimension_numbers = #tpu.dot_dimension_numbers<[1], [0], [0], [1], [0, 0, 1, 1], [], []>, transpose_lhs_hint = false} : vector<1024x1024xf32>, vector<1024x16xf32>, vector<1024x16xf32> -> vector<1024x16xf32>
      %add3A_184 = arith.addf %mul3A_178, %dot_general3A_183 : vector<1024x16xf32>
      %swap3A_185 = arith.constant 0 : index
      %swap3A_186 = arith.constant 32 : index
      %swap3A_187 = vector.load %arg13[%swap3A_185, %swap3A_186] : memref<1024x128xf32, #tpu.memory_space<vmem>>, vector<1024x16xf32>
      tpu.vector_store %arg13[%swap3A_185, %swap3A_186], %add3A_184 {strides = array<i32>} : memref<1024x128xf32, #tpu.memory_space<vmem>>, vector<1024x16xf32>,
      %get3A_188 = arith.constant 0 : index
      %get3A_189 = arith.constant 48 : index
      %get3A_190 = vector.load %arg3[%get3A_188, %get3A_189] : memref<1024x128xf32, #tpu.memory_space<vmem>>, vector<1024x16xf32>
      %get3A_191 = arith.constant 0 : index
      %get3A_192 = arith.constant 48 : index
      %get3A_193 = vector.load %arg4[%get3A_191, %get3A_192] : memref<1024x128xf32, #tpu.memory_space<vmem>>, vector<1024x16xf32>
      %dot_general3A_194 = arith.constant dense<0.000000e+00> : vector<1024x1024xf32>
      %dot_general3A_195 = tpu.matmul %get3A_190, %get3A_193, %dot_general3A_194 {dimension_numbers = #tpu.dot_dimension_numbers<[1], [1], [0], [0], [0, 0, 1, 0], [], []>, transpose_lhs_hint = false} : vector<1024x16xf32>, vector<1024x16xf32>, vector<1024x1024xf32> -> vector<1024x1024xf32>
      %mul3A_196 = arith.constant 2.500000e-01 : f32
      %mul3A_197 = vector.broadcast %mul3A_196 : f32 to vector<1024x1024xf32>
      %mul3A_198 = arith.mulf %dot_general3A_195, %mul3A_197 : vector<1024x1024xf32>
      %jit3A_199 = arith.constant -1.000000e+30 : f32
      %broadcast_in_dim3A_200 = vector.broadcast %jit3A_199 : f32 to vector<1024x1024xf32>
      %select_n3A_201 = arith.select %eq3A_27, %mul3A_198, %broadcast_in_dim3A_200 : vector<1024x1024xi1>, vector<1024x1024xf32>
      %get3A_202 = arith.constant 0 : index
      %get3A_203 = arith.constant 3 : index
      %get3A_204 = vector.load %arg11[%get3A_202, %get3A_203] : memref<1024x8xf32, #tpu.memory_space<vmem>>, vector<1024x1xf32>
      %reduce_max3A_205 = arith.constant dense<0xFF800000> : vector<1024xf32>
      %reduce_max3A_206 = vector.multi_reduction <maximumf>, %select_n3A_201, %reduce_max3A_205 [1] : vector<1024x1024xf32> to vector<1024xf32>
      %broadcast_in_dim3A_207 = vector.shape_cast %reduce_max3A_206 : vector<1024xf32> to vector<1024x1xf32>
      %max3A_208 = arith.maximumf %get3A_204, %broadcast_in_dim3A_207 : vector<1024x1xf32>
      %sub3A_209 = vector.broadcast %max3A_208 : vector<1024x1xf32> to vector<1024x1024xf32>
      %sub3A_210 = arith.subf %select_n3A_201, %sub3A_209 : vector<1024x1024xf32>
      %exp3A_211 = math.exp %sub3A_210 : vector<1024x1024xf32>
      %jit3A_212 = arith.constant 0.000000e+00 : f32
      %broadcast_in_dim3A_213 = vector.broadcast %jit3A_212 : f32 to vector<1024x1024xf32>
      %select_n3A_214 = arith.select %eq3A_27, %exp3A_211, %broadcast_in_dim3A_213 : vector<1024x1024xi1>, vector<1024x1024xf32>
      %sub3A_215 = arith.subf %get3A_204, %max3A_208 : vector<1024x1xf32>
      %exp3A_216 = math.exp %sub3A_215 : vector<1024x1xf32>
      %swap3A_217 = arith.constant 0 : index
      %swap3A_218 = arith.constant 3 : index
      %swap3A_219 = vector.load %arg11[%swap3A_217, %swap3A_218] : memref<1024x8xf32, #tpu.memory_space<vmem>>, vector<1024x1xf32>
      tpu.vector_store %arg11[%swap3A_217, %swap3A_218], %max3A_208 {strides = array<i32>} : memref<1024x8xf32, #tpu.memory_space<vmem>>, vector<1024x1xf32>,
      %get3A_220 = arith.constant 0 : index
      %get3A_221 = arith.constant 3 : index
      %get3A_222 = vector.load %arg12[%get3A_220, %get3A_221] : memref<1024x8xf32, #tpu.memory_space<vmem>>, vector<1024x1xf32>
      %mul3A_223 = arith.mulf %get3A_222, %exp3A_216 : vector<1024x1xf32>
      %reduce_sum3A_224 = arith.constant dense<0.000000e+00> : vector<1024xf32>
      %reduce_sum3A_225 = vector.multi_reduction <add>, %select_n3A_214, %reduce_sum3A_224 [1] : vector<1024x1024xf32> to vector<1024xf32>
      %broadcast_in_dim3A_226 = vector.shape_cast %reduce_sum3A_225 : vector<1024xf32> to vector<1024x1xf32>
      %add3A_227 = arith.addf %mul3A_223, %broadcast_in_dim3A_226 : vector<1024x1xf32>
      %swap3A_228 = arith.constant 0 : index
      %swap3A_229 = arith.constant 3 : index
      %swap3A_230 = vector.load %arg12[%swap3A_228, %swap3A_229] : memref<1024x8xf32, #tpu.memory_space<vmem>>, vector<1024x1xf32>
      tpu.vector_store %arg12[%swap3A_228, %swap3A_229], %add3A_227 {strides = array<i32>} : memref<1024x8xf32, #tpu.memory_space<vmem>>, vector<1024x1xf32>,
      %get3A_231 = arith.constant 0 : index
      %get3A_232 = arith.constant 48 : index
      %get3A_233 = vector.load %arg13[%get3A_231, %get3A_232] : memref<1024x128xf32, #tpu.memory_space<vmem>>, vector<1024x16xf32>
      %mul3A_234 = vector.broadcast %exp3A_216 : vector<1024x1xf32> to vector<1024x16xf32>
      %mul3A_235 = arith.mulf %get3A_233, %mul3A_234 : vector<1024x16xf32>
      %get3A_236 = arith.constant 0 : index
      %get3A_237 = arith.constant 48 : index
      %get3A_238 = vector.load %arg5[%get3A_236, %get3A_237] : memref<1024x128xf32, #tpu.memory_space<vmem>>, vector<1024x16xf32>
      %dot_general3A_239 = arith.constant dense<0.000000e+00> : vector<1024x16xf32>
      %dot_general3A_240 = tpu.matmul %select_n3A_214, %get3A_238, %dot_general3A_239 {dimension_numbers = #tpu.dot_dimension_numbers<[1], [0], [0], [1], [0, 0, 1, 1], [], []>, transpose_lhs_hint = false} : vector<1024x1024xf32>, vector<1024x16xf32>, vector<1024x16xf32> -> vector<1024x16xf32>
      %add3A_241 = arith.addf %mul3A_235, %dot_general3A_240 : vector<1024x16xf32>
      %swap3A_242 = arith.constant 0 : index
      %swap3A_243 = arith.constant 48 : index
      %swap3A_244 = vector.load %arg13[%swap3A_242, %swap3A_243] : memref<1024x128xf32, #tpu.memory_space<vmem>>, vector<1024x16xf32>
      tpu.vector_store %arg13[%swap3A_242, %swap3A_243], %add3A_241 {strides = array<i32>} : memref<1024x128xf32, #tpu.memory_space<vmem>>, vector<1024x16xf32>,
      %get3A_245 = arith.constant 0 : index
      %get3A_246 = arith.constant 64 : index
      %get3A_247 = vector.load %arg3[%get3A_245, %get3A_246] : memref<1024x128xf32, #tpu.memory_space<vmem>>, vector<1024x16xf32>
      %get3A_248 = arith.constant 0 : index
      %get3A_249 = arith.constant 64 : index
      %get3A_250 = vector.load %arg4[%get3A_248, %get3A_249] : memref<1024x128xf32, #tpu.memory_space<vmem>>, vector<1024x16xf32>
      %dot_general3A_251 = arith.constant dense<0.000000e+00> : vector<1024x1024xf32>
      %dot_general3A_252 = tpu.matmul %get3A_247, %get3A_250, %dot_general3A_251 {dimension_numbers = #tpu.dot_dimension_numbers<[1], [1], [0], [0], [0, 0, 1, 0], [], []>, transpose_lhs_hint = false} : vector<1024x16xf32>, vector<1024x16xf32>, vector<1024x1024xf32> -> vector<1024x1024xf32>
      %mul3A_253 = arith.constant 2.500000e-01 : f32
      %mul3A_254 = vector.broadcast %mul3A_253 : f32 to vector<1024x1024xf32>
      %mul3A_255 = arith.mulf %dot_general3A_252, %mul3A_254 : vector<1024x1024xf32>
      %jit3A_256 = arith.constant -1.000000e+30 : f32
      %broadcast_in_dim3A_257 = vector.broadcast %jit3A_256 : f32 to vector<1024x1024xf32>
      %select_n3A_258 = arith.select %eq3A_27, %mul3A_255, %broadcast_in_dim3A_257 : vector<1024x1024xi1>, vector<1024x1024xf32>
      %get3A_259 = arith.constant 0 : index
      %get3A_260 = arith.constant 4 : index
      %get3A_261 = vector.load %arg11[%get3A_259, %get3A_260] : memref<1024x8xf32, #tpu.memory_space<vmem>>, vector<1024x1xf32>
      %reduce_max3A_262 = arith.constant dense<0xFF800000> : vector<1024xf32>
      %reduce_max3A_263 = vector.multi_reduction <maximumf>, %select_n3A_258, %reduce_max3A_262 [1] : vector<1024x1024xf32> to vector<1024xf32>
      %broadcast_in_dim3A_264 = vector.shape_cast %reduce_max3A_263 : vector<1024xf32> to vector<1024x1xf32>
      %max3A_265 = arith.maximumf %get3A_261, %broadcast_in_dim3A_264 : vector<1024x1xf32>
      %sub3A_266 = vector.broadcast %max3A_265 : vector<1024x1xf32> to vector<1024x1024xf32>
      %sub3A_267 = arith.subf %select_n3A_258, %sub3A_266 : vector<1024x1024xf32>
      %exp3A_268 = math.exp %sub3A_267 : vector<1024x1024xf32>
      %jit3A_269 = arith.constant 0.000000e+00 : f32
      %broadcast_in_dim3A_270 = vector.broadcast %jit3A_269 : f32 to vector<1024x1024xf32>
      %select_n3A_271 = arith.select %eq3A_27, %exp3A_268, %broadcast_in_dim3A_270 : vector<1024x1024xi1>, vector<1024x1024xf32>
      %sub3A_272 = arith.subf %get3A_261, %max3A_265 : vector<1024x1xf32>
      %exp3A_273 = math.exp %sub3A_272 : vector<1024x1xf32>
      %swap3A_274 = arith.constant 0 : index
      %swap3A_275 = arith.constant 4 : index
      %swap3A_276 = vector.load %arg11[%swap3A_274, %swap3A_275] : memref<1024x8xf32, #tpu.memory_space<vmem>>, vector<1024x1xf32>
      tpu.vector_store %arg11[%swap3A_274, %swap3A_275], %max3A_265 {strides = array<i32>} : memref<1024x8xf32, #tpu.memory_space<vmem>>, vector<1024x1xf32>,
      %get3A_277 = arith.constant 0 : index
      %get3A_278 = arith.constant 4 : index
      %get3A_279 = vector.load %arg12[%get3A_277, %get3A_278] : memref<1024x8xf32, #tpu.memory_space<vmem>>, vector<1024x1xf32>
      %mul3A_280 = arith.mulf %get3A_279, %exp3A_273 : vector<1024x1xf32>
      %reduce_sum3A_281 = arith.constant dense<0.000000e+00> : vector<1024xf32>
      %reduce_sum3A_282 = vector.multi_reduction <add>, %select_n3A_271, %reduce_sum3A_281 [1] : vector<1024x1024xf32> to vector<1024xf32>
      %broadcast_in_dim3A_283 = vector.shape_cast %reduce_sum3A_282 : vector<1024xf32> to vector<1024x1xf32>
      %add3A_284 = arith.addf %mul3A_280, %broadcast_in_dim3A_283 : vector<1024x1xf32>
      %swap3A_285 = arith.constant 0 : index
      %swap3A_286 = arith.constant 4 : index
      %swap3A_287 = vector.load %arg12[%swap3A_285, %swap3A_286] : memref<1024x8xf32, #tpu.memory_space<vmem>>, vector<1024x1xf32>
      tpu.vector_store %arg12[%swap3A_285, %swap3A_286], %add3A_284 {strides = array<i32>} : memref<1024x8xf32, #tpu.memory_space<vmem>>, vector<1024x1xf32>,
      %get3A_288 = arith.constant 0 : index
      %get3A_289 = arith.constant 64 : index
      %get3A_290 = vector.load %arg13[%get3A_288, %get3A_289] : memref<1024x128xf32, #tpu.memory_space<vmem>>, vector<1024x16xf32>
      %mul3A_291 = vector.broadcast %exp3A_273 : vector<1024x1xf32> to vector<1024x16xf32>
      %mul3A_292 = arith.mulf %get3A_290, %mul3A_291 : vector<1024x16xf32>
      %get3A_293 = arith.constant 0 : index
      %get3A_294 = arith.constant 64 : index
      %get3A_295 = vector.load %arg5[%get3A_293, %get3A_294] : memref<1024x128xf32, #tpu.memory_space<vmem>>, vector<1024x16xf32>
      %dot_general3A_296 = arith.constant dense<0.000000e+00> : vector<1024x16xf32>
      %dot_general3A_297 = tpu.matmul %select_n3A_271, %get3A_295, %dot_general3A_296 {dimension_numbers = #tpu.dot_dimension_numbers<[1], [0], [0], [1], [0, 0, 1, 1], [], []>, transpose_lhs_hint = false} : vector<1024x1024xf32>, vector<1024x16xf32>, vector<1024x16xf32> -> vector<1024x16xf32>
      %add3A_298 = arith.addf %mul3A_292, %dot_general3A_297 : vector<1024x16xf32>
      %swap3A_299 = arith.constant 0 : index
      %swap3A_300 = arith.constant 64 : index
      %swap3A_301 = vector.load %arg13[%swap3A_299, %swap3A_300] : memref<1024x128xf32, #tpu.memory_space<vmem>>, vector<1024x16xf32>
      tpu.vector_store %arg13[%swap3A_299, %swap3A_300], %add3A_298 {strides = array<i32>} : memref<1024x128xf32, #tpu.memory_space<vmem>>, vector<1024x16xf32>,
      %get3A_302 = arith.constant 0 : index
      %get3A_303 = arith.constant 80 : index
      %get3A_304 = vector.load %arg3[%get3A_302, %get3A_303] : memref<1024x128xf32, #tpu.memory_space<vmem>>, vector<1024x16xf32>
      %get3A_305 = arith.constant 0 : index
      %get3A_306 = arith.constant 80 : index
      %get3A_307 = vector.load %arg4[%get3A_305, %get3A_306] : memref<1024x128xf32, #tpu.memory_space<vmem>>, vector<1024x16xf32>
      %dot_general3A_308 = arith.constant dense<0.000000e+00> : vector<1024x1024xf32>
      %dot_general3A_309 = tpu.matmul %get3A_304, %get3A_307, %dot_general3A_308 {dimension_numbers = #tpu.dot_dimension_numbers<[1], [1], [0], [0], [0, 0, 1, 0], [], []>, transpose_lhs_hint = false} : vector<1024x16xf32>, vector<1024x16xf32>, vector<1024x1024xf32> -> vector<1024x1024xf32>
      %mul3A_310 = arith.constant 2.500000e-01 : f32
      %mul3A_311 = vector.broadcast %mul3A_310 : f32 to vector<1024x1024xf32>
      %mul3A_312 = arith.mulf %dot_general3A_309, %mul3A_311 : vector<1024x1024xf32>
      %jit3A_313 = arith.constant -1.000000e+30 : f32
      %broadcast_in_dim3A_314 = vector.broadcast %jit3A_313 : f32 to vector<1024x1024xf32>
      %select_n3A_315 = arith.select %eq3A_27, %mul3A_312, %broadcast_in_dim3A_314 : vector<1024x1024xi1>, vector<1024x1024xf32>
      %get3A_316 = arith.constant 0 : index
      %get3A_317 = arith.constant 5 : index
      %get3A_318 = vector.load %arg11[%get3A_316, %get3A_317] : memref<1024x8xf32, #tpu.memory_space<vmem>>, vector<1024x1xf32>
      %reduce_max3A_319 = arith.constant dense<0xFF800000> : vector<1024xf32>
      %reduce_max3A_320 = vector.multi_reduction <maximumf>, %select_n3A_315, %reduce_max3A_319 [1] : vector<1024x1024xf32> to vector<1024xf32>
      %broadcast_in_dim3A_321 = vector.shape_cast %reduce_max3A_320 : vector<1024xf32> to vector<1024x1xf32>
      %max3A_322 = arith.maximumf %get3A_318, %broadcast_in_dim3A_321 : vector<1024x1xf32>
      %sub3A_323 = vector.broadcast %max3A_322 : vector<1024x1xf32> to vector<1024x1024xf32>
      %sub3A_324 = arith.subf %select_n3A_315, %sub3A_323 : vector<1024x1024xf32>
      %exp3A_325 = math.exp %sub3A_324 : vector<1024x1024xf32>
      %jit3A_326 = arith.constant 0.000000e+00 : f32
      %broadcast_in_dim3A_327 = vector.broadcast %jit3A_326 : f32 to vector<1024x1024xf32>
      %select_n3A_328 = arith.select %eq3A_27, %exp3A_325, %broadcast_in_dim3A_327 : vector<1024x1024xi1>, vector<1024x1024xf32>
      %sub3A_329 = arith.subf %get3A_318, %max3A_322 : vector<1024x1xf32>
      %exp3A_330 = math.exp %sub3A_329 : vector<1024x1xf32>
      %swap3A_331 = arith.constant 0 : index
      %swap3A_332 = arith.constant 5 : index
      %swap3A_333 = vector.load %arg11[%swap3A_331, %swap3A_332] : memref<1024x8xf32, #tpu.memory_space<vmem>>, vector<1024x1xf32>
      tpu.vector_store %arg11[%swap3A_331, %swap3A_332], %max3A_322 {strides = array<i32>} : memref<1024x8xf32, #tpu.memory_space<vmem>>, vector<1024x1xf32>,
      %get3A_334 = arith.constant 0 : index
      %get3A_335 = arith.constant 5 : index
      %get3A_336 = vector.load %arg12[%get3A_334, %get3A_335] : memref<1024x8xf32, #tpu.memory_space<vmem>>, vector<1024x1xf32>
      %mul3A_337 = arith.mulf %get3A_336, %exp3A_330 : vector<1024x1xf32>
      %reduce_sum3A_338 = arith.constant dense<0.000000e+00> : vector<1024xf32>
      %reduce_sum3A_339 = vector.multi_reduction <add>, %select_n3A_328, %reduce_sum3A_338 [1] : vector<1024x1024xf32> to vector<1024xf32>
      %broadcast_in_dim3A_340 = vector.shape_cast %reduce_sum3A_339 : vector<1024xf32> to vector<1024x1xf32>
      %add3A_341 = arith.addf %mul3A_337, %broadcast_in_dim3A_340 : vector<1024x1xf32>
      %swap3A_342 = arith.constant 0 : index
      %swap3A_343 = arith.constant 5 : index
      %swap3A_344 = vector.load %arg12[%swap3A_342, %swap3A_343] : memref<1024x8xf32, #tpu.memory_space<vmem>>, vector<1024x1xf32>
      tpu.vector_store %arg12[%swap3A_342, %swap3A_343], %add3A_341 {strides = array<i32>} : memref<1024x8xf32, #tpu.memory_space<vmem>>, vector<1024x1xf32>,
      %get3A_345 = arith.constant 0 : index
      %get3A_346 = arith.constant 80 : index
      %get3A_347 = vector.load %arg13[%get3A_345, %get3A_346] : memref<1024x128xf32, #tpu.memory_space<vmem>>, vector<1024x16xf32>
      %mul3A_348 = vector.broadcast %exp3A_330 : vector<1024x1xf32> to vector<1024x16xf32>
      %mul3A_349 = arith.mulf %get3A_347, %mul3A_348 : vector<1024x16xf32>
      %get3A_350 = arith.constant 0 : index
      %get3A_351 = arith.constant 80 : index
      %get3A_352 = vector.load %arg5[%get3A_350, %get3A_351] : memref<1024x128xf32, #tpu.memory_space<vmem>>, vector<1024x16xf32>
      %dot_general3A_353 = arith.constant dense<0.000000e+00> : vector<1024x16xf32>
      %dot_general3A_354 = tpu.matmul %select_n3A_328, %get3A_352, %dot_general3A_353 {dimension_numbers = #tpu.dot_dimension_numbers<[1], [0], [0], [1], [0, 0, 1, 1], [], []>, transpose_lhs_hint = false} : vector<1024x1024xf32>, vector<1024x16xf32>, vector<1024x16xf32> -> vector<1024x16xf32>
      %add3A_355 = arith.addf %mul3A_349, %dot_general3A_354 : vector<1024x16xf32>
      %swap3A_356 = arith.constant 0 : index
      %swap3A_357 = arith.constant 80 : index
      %swap3A_358 = vector.load %arg13[%swap3A_356, %swap3A_357] : memref<1024x128xf32, #tpu.memory_space<vmem>>, vector<1024x16xf32>
      tpu.vector_store %arg13[%swap3A_356, %swap3A_357], %add3A_355 {strides = array<i32>} : memref<1024x128xf32, #tpu.memory_space<vmem>>, vector<1024x16xf32>,
      %get3A_359 = arith.constant 0 : index
      %get3A_360 = arith.constant 96 : index
      %get3A_361 = vector.load %arg3[%get3A_359, %get3A_360] : memref<1024x128xf32, #tpu.memory_space<vmem>>, vector<1024x16xf32>
      %get3A_362 = arith.constant 0 : index
      %get3A_363 = arith.constant 96 : index
      %get3A_364 = vector.load %arg4[%get3A_362, %get3A_363] : memref<1024x128xf32, #tpu.memory_space<vmem>>, vector<1024x16xf32>
      %dot_general3A_365 = arith.constant dense<0.000000e+00> : vector<1024x1024xf32>
      %dot_general3A_366 = tpu.matmul %get3A_361, %get3A_364, %dot_general3A_365 {dimension_numbers = #tpu.dot_dimension_numbers<[1], [1], [0], [0], [0, 0, 1, 0], [], []>, transpose_lhs_hint = false} : vector<1024x16xf32>, vector<1024x16xf32>, vector<1024x1024xf32> -> vector<1024x1024xf32>
      %mul3A_367 = arith.constant 2.500000e-01 : f32
      %mul3A_368 = vector.broadcast %mul3A_367 : f32 to vector<1024x1024xf32>
      %mul3A_369 = arith.mulf %dot_general3A_366, %mul3A_368 : vector<1024x1024xf32>
      %jit3A_370 = arith.constant -1.000000e+30 : f32
      %broadcast_in_dim3A_371 = vector.broadcast %jit3A_370 : f32 to vector<1024x1024xf32>
      %select_n3A_372 = arith.select %eq3A_27, %mul3A_369, %broadcast_in_dim3A_371 : vector<1024x1024xi1>, vector<1024x1024xf32>
      %get3A_373 = arith.constant 0 : index
      %get3A_374 = arith.constant 6 : index
      %get3A_375 = vector.load %arg11[%get3A_373, %get3A_374] : memref<1024x8xf32, #tpu.memory_space<vmem>>, vector<1024x1xf32>
      %reduce_max3A_376 = arith.constant dense<0xFF800000> : vector<1024xf32>
      %reduce_max3A_377 = vector.multi_reduction <maximumf>, %select_n3A_372, %reduce_max3A_376 [1] : vector<1024x1024xf32> to vector<1024xf32>
      %broadcast_in_dim3A_378 = vector.shape_cast %reduce_max3A_377 : vector<1024xf32> to vector<1024x1xf32>
      %max3A_379 = arith.maximumf %get3A_375, %broadcast_in_dim3A_378 : vector<1024x1xf32>
      %sub3A_380 = vector.broadcast %max3A_379 : vector<1024x1xf32> to vector<1024x1024xf32>
      %sub3A_381 = arith.subf %select_n3A_372, %sub3A_380 : vector<1024x1024xf32>
      %exp3A_382 = math.exp %sub3A_381 : vector<1024x1024xf32>
      %jit3A_383 = arith.constant 0.000000e+00 : f32
      %broadcast_in_dim3A_384 = vector.broadcast %jit3A_383 : f32 to vector<1024x1024xf32>
      %select_n3A_385 = arith.select %eq3A_27, %exp3A_382, %broadcast_in_dim3A_384 : vector<1024x1024xi1>, vector<1024x1024xf32>
      %sub3A_386 = arith.subf %get3A_375, %max3A_379 : vector<1024x1xf32>
      %exp3A_387 = math.exp %sub3A_386 : vector<1024x1xf32>
      %swap3A_388 = arith.constant 0 : index
      %swap3A_389 = arith.constant 6 : index
      %swap3A_390 = vector.load %arg11[%swap3A_388, %swap3A_389] : memref<1024x8xf32, #tpu.memory_space<vmem>>, vector<1024x1xf32>
      tpu.vector_store %arg11[%swap3A_388, %swap3A_389], %max3A_379 {strides = array<i32>} : memref<1024x8xf32, #tpu.memory_space<vmem>>, vector<1024x1xf32>,
      %get3A_391 = arith.constant 0 : index
      %get3A_392 = arith.constant 6 : index
      %get3A_393 = vector.load %arg12[%get3A_391, %get3A_392] : memref<1024x8xf32, #tpu.memory_space<vmem>>, vector<1024x1xf32>
      %mul3A_394 = arith.mulf %get3A_393, %exp3A_387 : vector<1024x1xf32>
      %reduce_sum3A_395 = arith.constant dense<0.000000e+00> : vector<1024xf32>
      %reduce_sum3A_396 = vector.multi_reduction <add>, %select_n3A_385, %reduce_sum3A_395 [1] : vector<1024x1024xf32> to vector<1024xf32>
      %broadcast_in_dim3A_397 = vector.shape_cast %reduce_sum3A_396 : vector<1024xf32> to vector<1024x1xf32>
      %add3A_398 = arith.addf %mul3A_394, %broadcast_in_dim3A_397 : vector<1024x1xf32>
      %swap3A_399 = arith.constant 0 : index
      %swap3A_400 = arith.constant 6 : index
      %swap3A_401 = vector.load %arg12[%swap3A_399, %swap3A_400] : memref<1024x8xf32, #tpu.memory_space<vmem>>, vector<1024x1xf32>
      tpu.vector_store %arg12[%swap3A_399, %swap3A_400], %add3A_398 {strides = array<i32>} : memref<1024x8xf32, #tpu.memory_space<vmem>>, vector<1024x1xf32>,
      %get3A_402 = arith.constant 0 : index
      %get3A_403 = arith.constant 96 : index
      %get3A_404 = vector.load %arg13[%get3A_402, %get3A_403] : memref<1024x128xf32, #tpu.memory_space<vmem>>, vector<1024x16xf32>
      %mul3A_405 = vector.broadcast %exp3A_387 : vector<1024x1xf32> to vector<1024x16xf32>
      %mul3A_406 = arith.mulf %get3A_404, %mul3A_405 : vector<1024x16xf32>
      %get3A_407 = arith.constant 0 : index
      %get3A_408 = arith.constant 96 : index
      %get3A_409 = vector.load %arg5[%get3A_407, %get3A_408] : memref<1024x128xf32, #tpu.memory_space<vmem>>, vector<1024x16xf32>
      %dot_general3A_410 = arith.constant dense<0.000000e+00> : vector<1024x16xf32>
      %dot_general3A_411 = tpu.matmul %select_n3A_385, %get3A_409, %dot_general3A_410 {dimension_numbers = #tpu.dot_dimension_numbers<[1], [0], [0], [1], [0, 0, 1, 1], [], []>, transpose_lhs_hint = false} : vector<1024x1024xf32>, vector<1024x16xf32>, vector<1024x16xf32> -> vector<1024x16xf32>
      %add3A_412 = arith.addf %mul3A_406, %dot_general3A_411 : vector<1024x16xf32>
      %swap3A_413 = arith.constant 0 : index
      %swap3A_414 = arith.constant 96 : index
      %swap3A_415 = vector.load %arg13[%swap3A_413, %swap3A_414] : memref<1024x128xf32, #tpu.memory_space<vmem>>, vector<1024x16xf32>
      tpu.vector_store %arg13[%swap3A_413, %swap3A_414], %add3A_412 {strides = array<i32>} : memref<1024x128xf32, #tpu.memory_space<vmem>>, vector<1024x16xf32>,
      %get3A_416 = arith.constant 0 : index
      %get3A_417 = arith.constant 112 : index
      %get3A_418 = vector.load %arg3[%get3A_416, %get3A_417] : memref<1024x128xf32, #tpu.memory_space<vmem>>, vector<1024x16xf32>
      %get3A_419 = arith.constant 0 : index
      %get3A_420 = arith.constant 112 : index
      %get3A_421 = vector.load %arg4[%get3A_419, %get3A_420] : memref<1024x128xf32, #tpu.memory_space<vmem>>, vector<1024x16xf32>
      %dot_general3A_422 = arith.constant dense<0.000000e+00> : vector<1024x1024xf32>
      %dot_general3A_423 = tpu.matmul %get3A_418, %get3A_421, %dot_general3A_422 {dimension_numbers = #tpu.dot_dimension_numbers<[1], [1], [0], [0], [0, 0, 1, 0], [], []>, transpose_lhs_hint = false} : vector<1024x16xf32>, vector<1024x16xf32>, vector<1024x1024xf32> -> vector<1024x1024xf32>
      %mul3A_424 = arith.constant 2.500000e-01 : f32
      %mul3A_425 = vector.broadcast %mul3A_424 : f32 to vector<1024x1024xf32>
      %mul3A_426 = arith.mulf %dot_general3A_423, %mul3A_425 : vector<1024x1024xf32>
      %jit3A_427 = arith.constant -1.000000e+30 : f32
      %broadcast_in_dim3A_428 = vector.broadcast %jit3A_427 : f32 to vector<1024x1024xf32>
      %select_n3A_429 = arith.select %eq3A_27, %mul3A_426, %broadcast_in_dim3A_428 : vector<1024x1024xi1>, vector<1024x1024xf32>
      %get3A_430 = arith.constant 0 : index
      %get3A_431 = arith.constant 7 : index
      %get3A_432 = vector.load %arg11[%get3A_430, %get3A_431] : memref<1024x8xf32, #tpu.memory_space<vmem>>, vector<1024x1xf32>
      %reduce_max3A_433 = arith.constant dense<0xFF800000> : vector<1024xf32>
      %reduce_max3A_434 = vector.multi_reduction <maximumf>, %select_n3A_429, %reduce_max3A_433 [1] : vector<1024x1024xf32> to vector<1024xf32>
      %broadcast_in_dim3A_435 = vector.shape_cast %reduce_max3A_434 : vector<1024xf32> to vector<1024x1xf32>
      %max3A_436 = arith.maximumf %get3A_432, %broadcast_in_dim3A_435 : vector<1024x1xf32>
      %sub3A_437 = vector.broadcast %max3A_436 : vector<1024x1xf32> to vector<1024x1024xf32>
      %sub3A_438 = arith.subf %select_n3A_429, %sub3A_437 : vector<1024x1024xf32>
      %exp3A_439 = math.exp %sub3A_438 : vector<1024x1024xf32>
      %jit3A_440 = arith.constant 0.000000e+00 : f32
      %broadcast_in_dim3A_441 = vector.broadcast %jit3A_440 : f32 to vector<1024x1024xf32>
      %select_n3A_442 = arith.select %eq3A_27, %exp3A_439, %broadcast_in_dim3A_441 : vector<1024x1024xi1>, vector<1024x1024xf32>
      %sub3A_443 = arith.subf %get3A_432, %max3A_436 : vector<1024x1xf32>
      %exp3A_444 = math.exp %sub3A_443 : vector<1024x1xf32>
      %swap3A_445 = arith.constant 0 : index
      %swap3A_446 = arith.constant 7 : index
      %swap3A_447 = vector.load %arg11[%swap3A_445, %swap3A_446] : memref<1024x8xf32, #tpu.memory_space<vmem>>, vector<1024x1xf32>
      tpu.vector_store %arg11[%swap3A_445, %swap3A_446], %max3A_436 {strides = array<i32>} : memref<1024x8xf32, #tpu.memory_space<vmem>>, vector<1024x1xf32>,
      %get3A_448 = arith.constant 0 : index
      %get3A_449 = arith.constant 7 : index
      %get3A_450 = vector.load %arg12[%get3A_448, %get3A_449] : memref<1024x8xf32, #tpu.memory_space<vmem>>, vector<1024x1xf32>
      %mul3A_451 = arith.mulf %get3A_450, %exp3A_444 : vector<1024x1xf32>
      %reduce_sum3A_452 = arith.constant dense<0.000000e+00> : vector<1024xf32>
      %reduce_sum3A_453 = vector.multi_reduction <add>, %select_n3A_442, %reduce_sum3A_452 [1] : vector<1024x1024xf32> to vector<1024xf32>
      %broadcast_in_dim3A_454 = vector.shape_cast %reduce_sum3A_453 : vector<1024xf32> to vector<1024x1xf32>
      %add3A_455 = arith.addf %mul3A_451, %broadcast_in_dim3A_454 : vector<1024x1xf32>
      %swap3A_456 = arith.constant 0 : index
      %swap3A_457 = arith.constant 7 : index
      %swap3A_458 = vector.load %arg12[%swap3A_456, %swap3A_457] : memref<1024x8xf32, #tpu.memory_space<vmem>>, vector<1024x1xf32>
      tpu.vector_store %arg12[%swap3A_456, %swap3A_457], %add3A_455 {strides = array<i32>} : memref<1024x8xf32, #tpu.memory_space<vmem>>, vector<1024x1xf32>,
      %get3A_459 = arith.constant 0 : index
      %get3A_460 = arith.constant 112 : index
      %get3A_461 = vector.load %arg13[%get3A_459, %get3A_460] : memref<1024x128xf32, #tpu.memory_space<vmem>>, vector<1024x16xf32>
      %mul3A_462 = vector.broadcast %exp3A_444 : vector<1024x1xf32> to vector<1024x16xf32>
      %mul3A_463 = arith.mulf %get3A_461, %mul3A_462 : vector<1024x16xf32>
      %get3A_464 = arith.constant 0 : index
      %get3A_465 = arith.constant 112 : index
      %get3A_466 = vector.load %arg5[%get3A_464, %get3A_465] : memref<1024x128xf32, #tpu.memory_space<vmem>>, vector<1024x16xf32>
      %dot_general3A_467 = arith.constant dense<0.000000e+00> : vector<1024x16xf32>
      %dot_general3A_468 = tpu.matmul %select_n3A_442, %get3A_466, %dot_general3A_467 {dimension_numbers = #tpu.dot_dimension_numbers<[1], [0], [0], [1], [0, 0, 1, 1], [], []>, transpose_lhs_hint = false} : vector<1024x1024xf32>, vector<1024x16xf32>, vector<1024x16xf32> -> vector<1024x16xf32>
      %add3A_469 = arith.addf %mul3A_463, %dot_general3A_468 : vector<1024x16xf32>
      %swap3A_470 = arith.constant 0 : index
      %swap3A_471 = arith.constant 112 : index
      %swap3A_472 = vector.load %arg13[%swap3A_470, %swap3A_471] : memref<1024x128xf32, #tpu.memory_space<vmem>>, vector<1024x16xf32>
      tpu.vector_store %arg13[%swap3A_470, %swap3A_471], %add3A_469 {strides = array<i32>} : memref<1024x128xf32, #tpu.memory_space<vmem>>, vector<1024x16xf32>,
    } else {
    }
    %eq3A_15 = arith.constant 24 : i32
    %eq3A_16 = arith.cmpi eq, %arg1, %eq3A_15 : i32
    %convert_element_type3A_17 = arith.extui %eq3A_16 : i1 to i32
    %cond3A_18 = arith.constant 0 : i32
    %cond3A_19 = arith.cmpi ne, %convert_element_type3A_17, %cond3A_18 : i32
    scf.if %cond3A_19 {
      %get3A_20 = arith.constant 0 : index
      %get3A_21 = arith.constant 0 : index
      %get3A_22 = vector.load %arg13[%get3A_20, %get3A_21] : memref<1024x128xf32, #tpu.memory_space<vmem>>, vector<1024x16xf32>
      %get3A_23 = arith.constant 0 : index
      %get3A_24 = arith.constant 0 : index
      %get3A_25 = vector.load %arg12[%get3A_23, %get3A_24] : memref<1024x8xf32, #tpu.memory_space<vmem>>, vector<1024x1xf32>
      %div3A = vector.broadcast %get3A_25 : vector<1024x1xf32> to vector<1024x16xf32>
      %div3A_26 = arith.divf %get3A_22, %div3A : vector<1024x16xf32>
      %swap3A = arith.constant 0 : index
      %swap3A_27 = arith.constant 0 : index
      %swap3A_28 = vector.load %arg10[%swap3A, %swap3A_27] : memref<1024x128xf32, #tpu.memory_space<vmem>>, vector<1024x16xf32>
      tpu.vector_store %arg10[%swap3A, %swap3A_27], %div3A_26 {strides = array<i32>} : memref<1024x128xf32, #tpu.memory_space<vmem>>, vector<1024x16xf32>,
      %get3A_29 = arith.constant 0 : index
      %get3A_30 = arith.constant 16 : index
      %get3A_31 = vector.load %arg13[%get3A_29, %get3A_30] : memref<1024x128xf32, #tpu.memory_space<vmem>>, vector<1024x16xf32>
      %get3A_32 = arith.constant 0 : index
      %get3A_33 = arith.constant 1 : index
      %get3A_34 = vector.load %arg12[%get3A_32, %get3A_33] : memref<1024x8xf32, #tpu.memory_space<vmem>>, vector<1024x1xf32>
      %div3A_35 = vector.broadcast %get3A_34 : vector<1024x1xf32> to vector<1024x16xf32>
      %div3A_36 = arith.divf %get3A_31, %div3A_35 : vector<1024x16xf32>
      %swap3A_37 = arith.constant 0 : index
      %swap3A_38 = arith.constant 16 : index
      %swap3A_39 = vector.load %arg10[%swap3A_37, %swap3A_38] : memref<1024x128xf32, #tpu.memory_space<vmem>>, vector<1024x16xf32>
      tpu.vector_store %arg10[%swap3A_37, %swap3A_38], %div3A_36 {strides = array<i32>} : memref<1024x128xf32, #tpu.memory_space<vmem>>, vector<1024x16xf32>,
      %get3A_40 = arith.constant 0 : index
      %get3A_41 = arith.constant 32 : index
      %get3A_42 = vector.load %arg13[%get3A_40, %get3A_41] : memref<1024x128xf32, #tpu.memory_space<vmem>>, vector<1024x16xf32>
      %get3A_43 = arith.constant 0 : index
      %get3A_44 = arith.constant 2 : index
      %get3A_45 = vector.load %arg12[%get3A_43, %get3A_44] : memref<1024x8xf32, #tpu.memory_space<vmem>>, vector<1024x1xf32>
      %div3A_46 = vector.broadcast %get3A_45 : vector<1024x1xf32> to vector<1024x16xf32>
      %div3A_47 = arith.divf %get3A_42, %div3A_46 : vector<1024x16xf32>
      %swap3A_48 = arith.constant 0 : index
      %swap3A_49 = arith.constant 32 : index
      %swap3A_50 = vector.load %arg10[%swap3A_48, %swap3A_49] : memref<1024x128xf32, #tpu.memory_space<vmem>>, vector<1024x16xf32>
      tpu.vector_store %arg10[%swap3A_48, %swap3A_49], %div3A_47 {strides = array<i32>} : memref<1024x128xf32, #tpu.memory_space<vmem>>, vector<1024x16xf32>,
      %get3A_51 = arith.constant 0 : index
      %get3A_52 = arith.constant 48 : index
      %get3A_53 = vector.load %arg13[%get3A_51, %get3A_52] : memref<1024x128xf32, #tpu.memory_space<vmem>>, vector<1024x16xf32>
      %get3A_54 = arith.constant 0 : index
      %get3A_55 = arith.constant 3 : index
      %get3A_56 = vector.load %arg12[%get3A_54, %get3A_55] : memref<1024x8xf32, #tpu.memory_space<vmem>>, vector<1024x1xf32>
      %div3A_57 = vector.broadcast %get3A_56 : vector<1024x1xf32> to vector<1024x16xf32>
      %div3A_58 = arith.divf %get3A_53, %div3A_57 : vector<1024x16xf32>
      %swap3A_59 = arith.constant 0 : index
      %swap3A_60 = arith.constant 48 : index
      %swap3A_61 = vector.load %arg10[%swap3A_59, %swap3A_60] : memref<1024x128xf32, #tpu.memory_space<vmem>>, vector<1024x16xf32>
      tpu.vector_store %arg10[%swap3A_59, %swap3A_60], %div3A_58 {strides = array<i32>} : memref<1024x128xf32, #tpu.memory_space<vmem>>, vector<1024x16xf32>,
      %get3A_62 = arith.constant 0 : index
      %get3A_63 = arith.constant 64 : index
      %get3A_64 = vector.load %arg13[%get3A_62, %get3A_63] : memref<1024x128xf32, #tpu.memory_space<vmem>>, vector<1024x16xf32>
      %get3A_65 = arith.constant 0 : index
      %get3A_66 = arith.constant 4 : index
      %get3A_67 = vector.load %arg12[%get3A_65, %get3A_66] : memref<1024x8xf32, #tpu.memory_space<vmem>>, vector<1024x1xf32>
      %div3A_68 = vector.broadcast %get3A_67 : vector<1024x1xf32> to vector<1024x16xf32>
      %div3A_69 = arith.divf %get3A_64, %div3A_68 : vector<1024x16xf32>
      %swap3A_70 = arith.constant 0 : index
      %swap3A_71 = arith.constant 64 : index
      %swap3A_72 = vector.load %arg10[%swap3A_70, %swap3A_71] : memref<1024x128xf32, #tpu.memory_space<vmem>>, vector<1024x16xf32>
      tpu.vector_store %arg10[%swap3A_70, %swap3A_71], %div3A_69 {strides = array<i32>} : memref<1024x128xf32, #tpu.memory_space<vmem>>, vector<1024x16xf32>,
      %get3A_73 = arith.constant 0 : index
      %get3A_74 = arith.constant 80 : index
      %get3A_75 = vector.load %arg13[%get3A_73, %get3A_74] : memref<1024x128xf32, #tpu.memory_space<vmem>>, vector<1024x16xf32>
      %get3A_76 = arith.constant 0 : index
      %get3A_77 = arith.constant 5 : index
      %get3A_78 = vector.load %arg12[%get3A_76, %get3A_77] : memref<1024x8xf32, #tpu.memory_space<vmem>>, vector<1024x1xf32>
      %div3A_79 = vector.broadcast %get3A_78 : vector<1024x1xf32> to vector<1024x16xf32>
      %div3A_80 = arith.divf %get3A_75, %div3A_79 : vector<1024x16xf32>
      %swap3A_81 = arith.constant 0 : index
      %swap3A_82 = arith.constant 80 : index
      %swap3A_83 = vector.load %arg10[%swap3A_81, %swap3A_82] : memref<1024x128xf32, #tpu.memory_space<vmem>>, vector<1024x16xf32>
      tpu.vector_store %arg10[%swap3A_81, %swap3A_82], %div3A_80 {strides = array<i32>} : memref<1024x128xf32, #tpu.memory_space<vmem>>, vector<1024x16xf32>,
      %get3A_84 = arith.constant 0 : index
      %get3A_85 = arith.constant 96 : index
      %get3A_86 = vector.load %arg13[%get3A_84, %get3A_85] : memref<1024x128xf32, #tpu.memory_space<vmem>>, vector<1024x16xf32>
      %get3A_87 = arith.constant 0 : index
      %get3A_88 = arith.constant 6 : index
      %get3A_89 = vector.load %arg12[%get3A_87, %get3A_88] : memref<1024x8xf32, #tpu.memory_space<vmem>>, vector<1024x1xf32>
      %div3A_90 = vector.broadcast %get3A_89 : vector<1024x1xf32> to vector<1024x16xf32>
      %div3A_91 = arith.divf %get3A_86, %div3A_90 : vector<1024x16xf32>
      %swap3A_92 = arith.constant 0 : index
      %swap3A_93 = arith.constant 96 : index
      %swap3A_94 = vector.load %arg10[%swap3A_92, %swap3A_93] : memref<1024x128xf32, #tpu.memory_space<vmem>>, vector<1024x16xf32>
      tpu.vector_store %arg10[%swap3A_92, %swap3A_93], %div3A_91 {strides = array<i32>} : memref<1024x128xf32, #tpu.memory_space<vmem>>, vector<1024x16xf32>,
      %get3A_95 = arith.constant 0 : index
      %get3A_96 = arith.constant 112 : index
      %get3A_97 = vector.load %arg13[%get3A_95, %get3A_96] : memref<1024x128xf32, #tpu.memory_space<vmem>>, vector<1024x16xf32>
      %get3A_98 = arith.constant 0 : index
      %get3A_99 = arith.constant 7 : index
      %get3A_100 = vector.load %arg12[%get3A_98, %get3A_99] : memref<1024x8xf32, #tpu.memory_space<vmem>>, vector<1024x1xf32>
      %div3A_101 = vector.broadcast %get3A_100 : vector<1024x1xf32> to vector<1024x16xf32>
      %div3A_102 = arith.divf %get3A_97, %div3A_101 : vector<1024x16xf32>
      %swap3A_103 = arith.constant 0 : index
      %swap3A_104 = arith.constant 112 : index
      %swap3A_105 = vector.load %arg10[%swap3A_103, %swap3A_104] : memref<1024x128xf32, #tpu.memory_space<vmem>>, vector<1024x16xf32>
      tpu.vector_store %arg10[%swap3A_103, %swap3A_104], %div3A_102 {strides = array<i32>} : memref<1024x128xf32, #tpu.memory_space<vmem>>, vector<1024x16xf32>,
    } else {
    }
    return
  }
  func.func @transform_0(%arg0: i32, %arg1: i32, %arg2: memref<2x25xi32, #tpu.memory_space<smem>>) -> (i32, i32) {
    %c0_i32 = arith.constant 0 : i32
    %c0_i32_0 = arith.constant 0 : i32
    return %arg0, %c0_i32 : i32, i32
  }
  func.func @transform_1(%arg0: i32, %arg1: i32, %arg2: memref<2x25xi32, #tpu.memory_space<smem>>) -> (i32, i32) {
    %get3A = arith.constant 0 : index
    %get3A_0 = arith.index_cast %arg0 : i32 to index
    %get3A_1 = memref.load %arg2[%get3A, %get3A_0] : memref<2x25xi32, #tpu.memory_space<smem>>
    %add3A = arith.addi %get3A_1, %arg1 : i32
    %get3A_2 = arith.constant 1 : index
    %get3A_3 = arith.index_cast %arg0 : i32 to index
    %get3A_4 = memref.load %arg2[%get3A_2, %get3A_3] : memref<2x25xi32, #tpu.memory_space<smem>>
    %min3A = arith.minsi %add3A, %get3A_4 : i32
    %max3A = arith.constant 0 : i32
    %max3A_5 = arith.maxsi %min3A, %max3A : i32
    %c0_i32 = arith.constant 0 : i32
    %c0_i32_6 = arith.constant 0 : i32
    return %max3A_5, %c0_i32 : i32, i32
  }
  func.func @transform_2(%arg0: i32, %arg1: i32, %arg2: memref<2x25xi32, #tpu.memory_space<smem>>) -> (i32, i32) {
    %get3A = arith.constant 0 : index
    %get3A_0 = arith.index_cast %arg0 : i32 to index
    %get3A_1 = memref.load %arg2[%get3A, %get3A_0] : memref<2x25xi32, #tpu.memory_space<smem>>
    %add3A = arith.addi %get3A_1, %arg1 : i32
    %get3A_2 = arith.constant 1 : index
    %get3A_3 = arith.index_cast %arg0 : i32 to index
    %get3A_4 = memref.load %arg2[%get3A_2, %get3A_3] : memref<2x25xi32, #tpu.memory_space<smem>>
    %min3A = arith.minsi %add3A, %get3A_4 : i32
    %max3A = arith.constant 0 : i32
    %max3A_5 = arith.maxsi %min3A, %max3A : i32
    %c0_i32 = arith.constant 0 : i32
    %c0_i32_6 = arith.constant 0 : i32
    return %max3A_5, %c0_i32 : i32, i32
  }
  func.func @transform_3(%arg0: i32, %arg1: i32, %arg2: memref<2x25xi32, #tpu.memory_space<smem>>) -> (i32, i32, i32) {
    %c0_i32 = arith.constant 0 : i32
    %c0_i32_0 = arith.constant 0 : i32
    %c0_i32_1 = arith.constant 0 : i32
    return %arg0, %c0_i32, %c0_i32_0 : i32, i32, i32
  }
  func.func @transform_4(%arg0: i32, %arg1: i32, %arg2: memref<2x25xi32, #tpu.memory_space<smem>>) -> (i32, i32, i32) {
    %get3A = arith.constant 0 : index
    %get3A_0 = arith.index_cast %arg0 : i32 to index
    %get3A_1 = memref.load %arg2[%get3A, %get3A_0] : memref<2x25xi32, #tpu.memory_space<smem>>
    %add3A = arith.addi %get3A_1, %arg1 : i32
    %get3A_2 = arith.constant 1 : index
    %get3A_3 = arith.index_cast %arg0 : i32 to index
    %get3A_4 = memref.load %arg2[%get3A_2, %get3A_3] : memref<2x25xi32, #tpu.memory_space<smem>>
    %min3A = arith.minsi %add3A, %get3A_4 : i32
    %max3A = arith.constant 0 : i32
    %max3A_5 = arith.maxsi %min3A, %max3A : i32
    %c0_i32 = arith.constant 0 : i32
    %c0_i32_6 = arith.constant 0 : i32
    %c0_i32_7 = arith.constant 0 : i32
    return %max3A_5, %c0_i32, %c0_i32_6 : i32, i32, i32
  }
  func.func @transform_5(%arg0: i32, %arg1: i32, %arg2: memref<2x25xi32, #tpu.memory_space<smem>>) -> (i32, i32) {
    %c0_i32 = arith.constant 0 : i32
    %c0_i32_0 = arith.constant 0 : i32
    %c0_i32_1 = arith.constant 0 : i32
    return %c0_i32, %c0_i32_0 : i32, i32
  }
  func.func @transform_6(%arg0: i32, %arg1: i32, %arg2: memref<2x25xi32, #tpu.memory_space<smem>>) -> (i32, i32) {
    %c0_i32 = arith.constant 0 : i32
    %c0_i32_0 = arith.constant 0 : i32
    %c0_i32_1 = arith.constant 0 : i32
    return %c0_i32, %c0_i32_0 : i32, i32
  }
  func.func @transform_7(%arg0: i32, %arg1: i32, %arg2: memref<2x25xi32, #tpu.memory_space<smem>>) -> (i32, i32) {
    %c0_i32 = arith.constant 0 : i32
    %c0_i32_0 = arith.constant 0 : i32
    return %arg0, %c0_i32 : i32, i32
  }
}

module attributes {stable_mosaic.version = 14 : i64} {
  func.func @body(%arg0: i32, %arg1: memref<1600x128xf32, #tpu.memory_space<vmem>>, %arg2: memref<1x1x1600xi32, #tpu.memory_space<vmem>>, %arg3: memref<512x128xf32, #tpu.memory_space<vmem>>, %arg4: memref<512x1xf32, #tpu.memory_space<vmem>>, %arg5: memref<128x128xf32, #tpu.memory_space<vmem>>, %arg6: memref<1x128xf32, #tpu.memory_space<vmem>>, %arg7: memref<1x1xf32, #tpu.memory_space<vmem>>, %arg8: memref<512x128xf32, #tpu.memory_space<vmem>>, %arg9: memref<512x128xf32, #tpu.memory_space<vmem>>) attributes {dimension_semantics = [#tpu.dimension_semantics<arbitrary>], iteration_bounds = array<i64: 16>, scalar_prefetch = 0 : i64, scratch_operands = 1 : i64, tpu.core_type = #tpu.core_type<tc>, window_params = [{transform_indices = @transform_0, window_bounds = array<i64: 1600, 128>}, {transform_indices = @transform_1, window_bounds = array<i64: 1, 1, 1600>}, {pipeline_mode = #tpu.pipeline_mode<synchronous>, transform_indices = @transform_2, window_bounds = array<i64: 512, 128>}, {pipeline_mode = #tpu.pipeline_mode<synchronous>, transform_indices = @transform_3, window_bounds = array<i64: 512, 1>}, {pipeline_mode = #tpu.pipeline_mode<synchronous>, transform_indices = @transform_4, window_bounds = array<i64: 128, 128>}, {pipeline_mode = #tpu.pipeline_mode<synchronous>, transform_indices = @transform_5, window_bounds = array<i64: 1, 128>}, {pipeline_mode = #tpu.pipeline_mode<synchronous>, transform_indices = @transform_6, window_bounds = array<i64: 1, 1>}, {pipeline_mode = #tpu.pipeline_mode<synchronous>, transform_indices = @transform_7, window_bounds = array<i64: 512, 128>}]} {
    %eq3A = arith.constant 0 : i32
    %eq3A_0 = arith.cmpi eq, %arg0, %eq3A : i32
    %convert_element_type3A = arith.extui %eq3A_0 : i1 to i32
    %cond3A = arith.constant 0 : i32
    %cond3A_1 = arith.cmpi ne, %convert_element_type3A, %cond3A : i32
    scf.if %cond3A_1 {
      %broadcast_in_dim3A = arith.constant 0.000000e+00 : f32
      %broadcast_in_dim3A_24 = vector.broadcast %broadcast_in_dim3A : f32 to vector<512x128xf32>
      %swap3A_25 = arith.constant 0 : index
      %swap3A_26 = arith.constant 0 : index
      %swap3A_27 = vector.load %arg9[%swap3A_25, %swap3A_26] : memref<512x128xf32, #tpu.memory_space<vmem>>, vector<512x128xf32>
      tpu.vector_store %arg9[%swap3A_25, %swap3A_26], %broadcast_in_dim3A_24 {strides = array<i32>} : memref<512x128xf32, #tpu.memory_space<vmem>>, vector<512x128xf32>,
    } else {
    }
    %get3A = arith.constant 0 : index
    %get3A_2 = arith.constant 0 : index
    %get3A_3 = arith.constant 0 : index
    %get3A_4 = vector.load %arg2[%get3A, %get3A_2, %get3A_3] : memref<1x1x1600xi32, #tpu.memory_space<vmem>>, vector<1x1x1600xi32>
    %get3A_5 = vector.shape_cast %get3A_4 : vector<1x1x1600xi32> to vector<1x1600xi32>
    %iota3A = tpu.iota {dimensions = array<i32: 0>} : vector<512x1600xi32>
    %eq3A_6 = vector.broadcast %get3A_5 : vector<1x1600xi32> to vector<512x1600xi32>
    %eq3A_7 = arith.cmpi eq, %iota3A, %eq3A_6 : vector<512x1600xi32>
    %convert_element_type3A_8 = arith.extui %eq3A_7 : vector<512x1600xi1> to vector<512x1600xi32>
    %convert_element_type3A_9 = arith.sitofp %convert_element_type3A_8 : vector<512x1600xi32> to vector<512x1600xf32>
    %get3A_10 = arith.constant 0 : index
    %get3A_11 = arith.constant 0 : index
    %get3A_12 = vector.load %arg9[%get3A_10, %get3A_11] : memref<512x128xf32, #tpu.memory_space<vmem>>, vector<512x128xf32>
    %get3A_13 = arith.constant 0 : index
    %get3A_14 = arith.constant 0 : index
    %get3A_15 = vector.load %arg1[%get3A_13, %get3A_14] : memref<1600x128xf32, #tpu.memory_space<vmem>>, vector<1600x128xf32>
    %dot_general3A = arith.constant dense<0.000000e+00> : vector<512x128xf32>
    %dot_general3A_16 = tpu.matmul %convert_element_type3A_9, %get3A_15, %dot_general3A {dimension_numbers = #tpu.dot_dimension_numbers<[1], [0], [0], [1], [0, 0, 1, 1], [], []>, transpose_lhs_hint = false} : vector<512x1600xf32>, vector<1600x128xf32>, vector<512x128xf32> -> vector<512x128xf32>
    %add3A = arith.addf %get3A_12, %dot_general3A_16 : vector<512x128xf32>
    %swap3A = arith.constant 0 : index
    %swap3A_17 = arith.constant 0 : index
    %swap3A_18 = vector.load %arg9[%swap3A, %swap3A_17] : memref<512x128xf32, #tpu.memory_space<vmem>>, vector<512x128xf32>
    tpu.vector_store %arg9[%swap3A, %swap3A_17], %add3A {strides = array<i32>} : memref<512x128xf32, #tpu.memory_space<vmem>>, vector<512x128xf32>,
    %eq3A_19 = arith.constant 15 : i32
    %eq3A_20 = arith.cmpi eq, %arg0, %eq3A_19 : i32
    %convert_element_type3A_21 = arith.extui %eq3A_20 : i1 to i32
    %cond3A_22 = arith.constant 0 : i32
    %cond3A_23 = arith.cmpi ne, %convert_element_type3A_21, %cond3A_22 : i32
    scf.if %cond3A_23 {
      %get3A_24 = arith.constant 0 : index
      %get3A_25 = arith.constant 0 : index
      %get3A_26 = vector.load %arg9[%get3A_24, %get3A_25] : memref<512x128xf32, #tpu.memory_space<vmem>>, vector<512x128xf32>
      %get3A_27 = arith.constant 0 : index
      %get3A_28 = arith.constant 0 : index
      %get3A_29 = vector.load %arg4[%get3A_27, %get3A_28] : memref<512x1xf32, #tpu.memory_space<vmem>>, vector<512x1xf32>
      %get3A_30 = arith.constant 0 : index
      %get3A_31 = arith.constant 0 : index
      %get3A_32 = vector.load %arg3[%get3A_30, %get3A_31] : memref<512x128xf32, #tpu.memory_space<vmem>>, vector<512x128xf32>
      %mul3A = vector.broadcast %get3A_29 : vector<512x1xf32> to vector<512x128xf32>
      %mul3A_33 = arith.mulf %mul3A, %get3A_32 : vector<512x128xf32>
      %add3A_34 = arith.addf %get3A_26, %mul3A_33 : vector<512x128xf32>
      %get3A_35 = arith.constant 0 : index
      %get3A_36 = arith.constant 0 : index
      %get3A_37 = vector.load %arg7[%get3A_35, %get3A_36] : memref<1x1xf32, #tpu.memory_space<vmem>>, vector<1x1xf32>
      %get3A_38 = vector.extract %get3A_37[0, 0] : f32 from vector<1x1xf32>
      %div3A = vector.broadcast %get3A_38 : f32 to vector<512x128xf32>
      %div3A_39 = arith.divf %add3A_34, %div3A : vector<512x128xf32>
      %get3A_40 = arith.constant 0 : index
      %get3A_41 = arith.constant 0 : index
      %get3A_42 = vector.load %arg5[%get3A_40, %get3A_41] : memref<128x128xf32, #tpu.memory_space<vmem>>, vector<128x128xf32>
      %dot_general3A_43 = arith.constant dense<0.000000e+00> : vector<512x128xf32>
      %dot_general3A_44 = tpu.matmul %div3A_39, %get3A_42, %dot_general3A_43 {dimension_numbers = #tpu.dot_dimension_numbers<[1], [0], [0], [1], [0, 0, 1, 1], [], []>, transpose_lhs_hint = false} : vector<512x128xf32>, vector<128x128xf32>, vector<512x128xf32> -> vector<512x128xf32>
      %get3A_45 = arith.constant 0 : index
      %get3A_46 = arith.constant 0 : index
      %get3A_47 = vector.load %arg6[%get3A_45, %get3A_46] : memref<1x128xf32, #tpu.memory_space<vmem>>, vector<1x128xf32>
      %add3A_48 = vector.broadcast %get3A_47 : vector<1x128xf32> to vector<512x128xf32>
      %add3A_49 = arith.addf %dot_general3A_44, %add3A_48 : vector<512x128xf32>
      %swap3A_50 = arith.constant 0 : index
      %swap3A_51 = arith.constant 0 : index
      %swap3A_52 = vector.load %arg8[%swap3A_50, %swap3A_51] : memref<512x128xf32, #tpu.memory_space<vmem>>, vector<512x128xf32>
      tpu.vector_store %arg8[%swap3A_50, %swap3A_51], %add3A_49 {strides = array<i32>} : memref<512x128xf32, #tpu.memory_space<vmem>>, vector<512x128xf32>,
    } else {
    }
    return
  }
  func.func @transform_0(%arg0: i32) -> (i32, i32) {
    %c0_i32 = arith.constant 0 : i32
    %c0_i32_0 = arith.constant 0 : i32
    return %arg0, %c0_i32 : i32, i32
  }
  func.func @transform_1(%arg0: i32) -> (i32, i32, i32) {
    %c0_i32 = arith.constant 0 : i32
    %c0_i32_0 = arith.constant 0 : i32
    %c0_i32_1 = arith.constant 0 : i32
    return %arg0, %c0_i32, %c0_i32_0 : i32, i32, i32
  }
  func.func @transform_2(%arg0: i32) -> (i32, i32) {
    %c0_i32 = arith.constant 0 : i32
    %c0_i32_0 = arith.constant 0 : i32
    %c0_i32_1 = arith.constant 0 : i32
    return %c0_i32, %c0_i32_0 : i32, i32
  }
  func.func @transform_3(%arg0: i32) -> (i32, i32) {
    %c0_i32 = arith.constant 0 : i32
    %c0_i32_0 = arith.constant 0 : i32
    %c0_i32_1 = arith.constant 0 : i32
    return %c0_i32, %c0_i32_0 : i32, i32
  }
  func.func @transform_4(%arg0: i32) -> (i32, i32) {
    %c0_i32 = arith.constant 0 : i32
    %c0_i32_0 = arith.constant 0 : i32
    %c0_i32_1 = arith.constant 0 : i32
    return %c0_i32, %c0_i32_0 : i32, i32
  }
  func.func @transform_5(%arg0: i32) -> (i32, i32) {
    %c0_i32 = arith.constant 0 : i32
    %c0_i32_0 = arith.constant 0 : i32
    %c0_i32_1 = arith.constant 0 : i32
    return %c0_i32, %c0_i32_0 : i32, i32
  }
  func.func @transform_6(%arg0: i32) -> (i32, i32) {
    %c0_i32 = arith.constant 0 : i32
    %c0_i32_0 = arith.constant 0 : i32
    %c0_i32_1 = arith.constant 0 : i32
    return %c0_i32, %c0_i32_0 : i32, i32
  }
  func.func @transform_7(%arg0: i32) -> (i32, i32) {
    %c0_i32 = arith.constant 0 : i32
    %c0_i32_0 = arith.constant 0 : i32
    %c0_i32_1 = arith.constant 0 : i32
    return %c0_i32, %c0_i32_0 : i32, i32
  }
}

</mosaic_0001>

<sc_bundles>
// kernel: scatter_offload_async_start.1
scs
__scs_entry_jumppad:
0x0: {  	(pc) =	sbr.rel $0x88, $3  }
0x1: {  	(tag) =	ssettag $0x0;
	lr =	simm.s32 $0x1  }
0x2: {  	[smem:$0x3F93] =	sst lr;
	_ =	strace $0xD0000000  }
0x3: {  	_ = 	snop  }
0x4: {  	_ = 	snop  }
0x5: {  	_ = 	snop  }
0x6: {  	_ = 	snop  }
0x7: {  	_ = 	snop  }
__scs_overlays_trampoline_lowered:
0x8: {  	[smem:$0x3FA2] =	sst s0  }
0x9: {  	[smem:$0x3FA3] =	sst s1  }
0xa: {  	[smem:$0x3FA4] =	sst s2  }
0xb: {  	[smem:$0x3FA5] =	sst s3  }
0xc: {  	[smem:$0x3FA6] =	sst s4  }
0xd: {  	[smem:$0x3FA7] =	sst s5  }
0xe: {  	[smem:$0x3FA8] =	sst s6  }
0xf: {  	[smem:$0x3FA9] =	sst s7  }
0x10: {  	[smem:$0x3FAA] =	sst s8  }
0x11: {  	[smem:$0x3FAB] =	sst s9;
	s0 =	simm.s32 @!p0 $0x0  }
0x12: {  	s1 =	sld [smem:$0x3F91];
	s0 =	simm.s32 @p0 $0x1  }
0x13: {  	[smem:$0x3FAC] =	sst s0;
	s0 =	simm.s32 @!p1 $0x0  }
0x14: {  	s2 =	sld [smem:$0x3F90];
	s0 =	simm.s32 @p1 $0x1  }
0x15: {  	[smem:$0x3FAD] =	sst s0;
	s0 =	simm.s32 @!p2 $0x0  }
0x16: {  	s3 =	sld [smem:$0x3FDB];
	s0 =	simm.s32 @p2 $0x1  }
0x17: {  	s4 =	simm.s32 $0x1BF5;
	[smem:$0x3FAF] =	sst s0  }
0x18: {  	s0 =	sld [smem:$0x3F92];
	_ =	swait.ge [sflag:s4], $0x0  }
0x19: {  	s7 =	sld [smem:$0x3F93]  }
0x1a: {  	s8 =	sadd.s32 $0xFFFFE003, lr  }
0x1b: {  	s9 =	sadd.s32 $0xFFFFFEF7, lr;
	s5 =	simm.s32 $0xFFFFFFFF;
	p2 =	slt.u32 s8, $0xFFFFF086  }
0x1c: {  	p1 =	slt.u32 s9, $0xF7A;
	s5 =	simm.s32 @!p2 $0x0  }
0x1d: {  	s5 =	simm.s32 @p1 $0x1;
	p0 =	seq.s32 s7, s2  }
0x1e: {  	s7 =	smul.u32 @!p0 $0xF7A, s2;
	p2 =	seq.s32 @!p0 s5, $0x0  }
0x1f: {  	s9 =	smul.u32 $0xF7A, s1;
	s8 =	simm.s32 @!p0 $0x1BF5;
	p2 =	por !p2, p0  }
0x20: {  	[sflag:s8] =	ssyncset.s32 @!p0 $0xFFFFF086;
	s6 =	sadd.s32 @!p0 s3, s7;
	s7 =	simm.s32 @!p0 $0x108  }
0x21: {  	s3 =	sadd.s32 s3, s9;
	s6 =	sadd.s32 @!p0 $0x88, s6;
	s7 =	simm.s32 @p2 $0x1082  }
0x22: {  	[simem:s7], [sflag:s8] =	dma.local @!p0 [hbm:s6], $0xF7A  }
0x23: {  	s9 =	sor.u32 $0xD0000000, s2;
	s6 =	simm.s32 $0x108;
	_ =	swait.ge @!p0 [sflag:s8], $0x0  }
0x24: {  	s3 =	sadd.s32 $0x88, s3;
	s6 =	simm.s32 @!p1 $0x1082;
	[sflag:s4] =	ssyncset.s32 $0xFFFFF086  }
0x25: {  	[simem:s6], [sflag:s4] =	dma.local [hbm:s3], $0xF7A  }
0x26: {  	[smem:$0x3F93] =	sst s1;
	(tag) =	ssettag s2;
	_ =	strace s9  }
0x27: {  	s1 =	sld [smem:$0x3FA3]  }
0x28: {  	s2 =	sld [smem:$0x3FA4]  }
0x29: {  	s4 =	sld [smem:$0x3FA6]  }
0x2a: {  	p0 =	seq.s32 s5, $0x0;
	s5 =	sld [smem:$0x3FA7]  }
0x2b: {  	s6 =	sld [smem:$0x3FA8]  }
0x2c: {  	s7 =	sld [smem:$0x3FA9]  }
0x2d: {  	s3 =	simm.s32 $0x108;
	s8 =	sld [smem:$0x3FAA]  }
0x2e: {  	s3 =	simm.s32 @!p0 $0x1082;
	s9 =	sld [smem:$0x3FAB]  }
0x2f: {  	lr =	sadd.s32 s0, s3;
	s0 =	sld [smem:$0x3FA2]  }
0x30: {  	s3 =	sld [smem:$0x3FA5]  }
0x31: {  	[smem:$0x3FAE] =	sst s10  }
0x32: {  	s10 =	sld [smem:$0x3FAC];
	_ =	sdelay $0x3  }
0x33: {  	p0 =	seq.s32 s10, $0x1;
	s10 =	sld [smem:$0x3FAE];
	_ =	sdelay $0x3  }
0x34: {  	[smem:$0x3FAE] =	sst s10  }
0x35: {  	s10 =	sld [smem:$0x3FAD];
	_ =	sdelay $0x3  }
0x36: {  	p1 =	seq.s32 s10, $0x1;
	s10 =	sld [smem:$0x3FAE];
	_ =	sdelay $0x3  }
0x37: {  	[smem:$0x3FAE] =	sst s10  }
0x38: {  	s10 =	sld [smem:$0x3FAF]  }
0x39: {  	_ = 	snop;
	(pc) =	sbr.ind lr, $3  }
0x3a: {  	_ = 	snop  }
0x3b: {  	_ = 	snop  }
0x3c: {  	p2 =	seq.s32 s10, $0x1;
	s10 =	sld [smem:$0x3FAE]  }
0x3d: {  	_ =	shalt  }
0x3e: {  	_ =	shalt  }
0x3f: {  	_ =	shalt  }
0x40: {  	_ =	shalt  }
0x41: {  	_ =	shalt  }
0x42: {  	_ =	shalt  }
0x43: {  	_ =	shalt  }
0x44: {  	_ =	shalt  }
0x45: {  	_ =	shalt  }
0x46: {  	_ =	shalt  }
0x47: {  	_ =	shalt  }
0x48: {  	_ =	shalt  }
0x49: {  	_ =	shalt  }
0x4a: {  	_ =	shalt  }
0x4b: {  	_ =	shalt  }
0x4c: {  	_ =	shalt  }
0x4d: {  	_ =	shalt  }
0x4e: {  	_ =	shalt  }
0x4f: {  	_ =	shalt  }
0x50: {  	_ =	shalt  }
0x51: {  	_ =	shalt  }
0x52: {  	_ =	shalt  }
0x53: {  	_ =	shalt  }
0x54: {  	_ =	shalt  }
0x55: {  	_ =	shalt  }
0x56: {  	_ =	shalt  }
0x57: {  	_ =	shalt  }
0x58: {  	_ =	shalt  }
0x59: {  	_ =	shalt  }
0x5a: {  	_ =	shalt  }
0x5b: {  	_ =	shalt  }
0x5c: {  	_ =	shalt  }
0x5d: {  	_ =	shalt  }
0x5e: {  	_ =	shalt  }
0x5f: {  	_ =	shalt  }
0x60: {  	_ =	shalt  }
0x61: {  	_ =	shalt  }
0x62: {  	_ =	shalt  }
0x63: {  	_ =	shalt  }
0x64: {  	_ =	shalt  }
0x65: {  	_ =	shalt  }
0x66: {  	_ =	shalt  }
0x67: {  	_ =	shalt  }
0x68: {  	_ =	shalt  }
0x69: {  	_ =	shalt  }
0x6a: {  	_ =	shalt  }
0x6b: {  	_ =	shalt  }
0x6c: {  	_ =	shalt  }
0x6d: {  	_ =	shalt  }
0x6e: {  	_ =	shalt  }
0x6f: {  	_ =	shalt  }
0x70: {  	_ =	shalt  }
0x71: {  	_ =	shalt  }
0x72: {  	_ =	shalt  }
0x73: {  	_ =	shalt  }
0x74: {  	_ =	shalt  }
0x75: {  	_ =	shalt  }
0x76: {  	_ =	shalt  }
0x77: {  	_ =	shalt  }
0x78: {  	_ =	shalt  }
0x79: {  	_ =	shalt  }
0x7a: {  	_ =	shalt  }
0x7b: {  	_ =	shalt  }
0x7c: {  	_ =	shalt  }
0x7d: {  	_ =	shalt  }
0x7e: {  	_ =	shalt  }
0x7f: {  	_ =	shalt  }
0x80: {  	_ =	shalt  }
0x81: {  	_ =	shalt  }
0x82: {  	_ =	shalt  }
0x83: {  	_ =	shalt  }
0x84: {  	_ =	shalt  }
0x85: {  	_ =	shalt  }
0x86: {  	_ =	shalt  }
0x87: {  	_ =	shalt  }
.Lfunc_end0:
.L_simem_size_0:
called_computation.1_lowered:
.L_overlay_start_0:
0x88: {  	s0 =	sld [smem:$0x3FD9]  }
0x89: {  	s1 =	sld [smem:$0x3FFE];
	_ =	sdelay $0x3  }
0x8a: {  	s0 =	sadd.s32 s1, s0  }
0x8b: {  	[smem:$0x3FBA] =	sst s0  }
0x8c: {  	_ = 	snop  }
0x8d: {  	(tm) =	ssettm $0x1  }
0x8e: {  	s14 =	sld [smem:$0x3FFB];
	_ =	sdelay $0x3  }
0x8f: {  	_ =	strace s14  }
0x90: {  	s0 =	sld [smem:$0x3FFC];
	_ =	sdelay $0x3  }
0x91: {  	_ =	strace s0  }
0x92: {  	s0 =	sld [smem:$0x3FFD];
	_ =	sdelay $0x3  }
0x93: {  	_ =	strace s0  }
0x94: {  	_ =	strace $0x8FFFFFFF  }
0x95: {  	s15 =	sld [smem:$0x3FDB];
	_ =	sdelay $0x1  }
0x96: {  	s16 =	simm.s32 $_scs_section_size  }
0x97: {  	s2 =	simm.s32 $_size__tile_overlayer_lowered;
	s3 =	simm.s32 $_tile_overlayer_lowered  }
0x98: {  	s4 =	simm.s32 $0x1BFF;
	s17 =	sshll.u32 s3, $0x1;
	s1 =	sadd.s32 s16, s15  }
0x99: {  	s18 =	simm.s32 $0x0;
	s2 =	sshll.u32 s2, $0x1;
	s3 =	sadd.s32 s17, s1  }
0x9a: {  	[timem:s18], [sflag:s4] =	dma.local [hbm:s3], s2  }
0x9b: {  	_ =	swait.ge [sflag:s4], s2  }
0x9c: {  	s2 =	ssub.s32 $0x0, s2;
	[sflag:s4] =	ssyncset.done $0x0  }
0x9d: {  	[sflag:s4] =	ssyncadd.s32 s2;
	_ =	sdelay $0x1  }
0x9e: {  	s19 =	simm.s32 $0x1B8B  }
0x9f: {  	_ =	swait.ge [sflag:s19], $0x1  }
0xa0: {  	[sflag:s19] =	ssyncset.done $0x0  }
0xa1: {  	s21 =	simm.s32 $0x1B8E;
	s20 =	sld [smem:$0x3FFE];
	[sflag:s19] =	ssyncadd.s32 $0xFFFFFFFF  }
0xa2: {  	s22 =	simm.s32 $execute0_lowered;
	[smem:$0x3FD2] =	sst s21  }
0xa3: {  	s3 =	sshll.u32 s22, $0x1;
	_ =	strace $0x80000049;
	[dreg:$0x1] =	wrdreg $0xFFFFFFFF  }
0xa4: {  	s23 =	simm.s32 $_size_execute0_lowered;
	s3 =	sadd.s32 s1, s3;
	[dreg:$0x0] =	wrdreg $0x0  }
0xa5: {  	s4 =	sshll.u32 s23, $0x1;
	[dreg:$0x2] =	wrdreg s3  }
0xa6: {  	[dreg:$0x3] =	wrdreg s4  }
0xa7: {  	[dreg:$0x4] =	wrdreg $0xC0  }
0xa8: {  	s24 =	simm.s32 $execute1_lowered;
	_ =	task [dreg:s18], $0x5FFFF  }
0xa9: {  	s3 =	sshll.u32 s24, $0x1;
	[dreg:$0x1] =	wrdreg $0xFFFFFFFF  }
0xaa: {  	s1 =	sadd.s32 s1, s3;
	[dreg:$0x0] =	wrdreg $0x60  }
0xab: {  	[dreg:$0x2] =	wrdreg s1  }
0xac: {  	[dreg:$0x3] =	wrdreg s20  }
0xad: {  	[dreg:$0x4] =	wrdreg $0x9  }
0xae: {  	_ =	task.clear_ibuf [dreg:s18], $0x5FFFF;
	_ =	strace $0x90000049  }
0xaf: {  	s25 =	simm.s32 $0x9;
	_ =	strace $0x8000004B  }
0xb0: {  	_ =	swait.ge [sflag:s25], $0x1  }
0xb1: {  	[sflag:s25] =	ssyncadd.s32 $0xFFFFFFFF  }
0xb2: {  	_ =	strace $0x9000004B  }
0xb3: {  	_ =	strace $0x8000004C;
	[dreg:$0x1] =	wrdreg $0xFFFFFFFF  }
0xb4: {  	[dreg:$0x0] =	wrdreg $0x2030  }
0xb5: {  	[dreg:$0x2] =	wrdreg s20  }
0xb6: {  	[dreg:$0x3] =	wrdreg $0xA  }
0xb7: {  	_ =	task.clear_ibuf [dreg:s18], $0x4FFFF;
	_ =	strace $0x9000004C  }
0xb8: {  	s26 =	simm.s32 $0xA;
	_ =	strace $0x8000004E  }
0xb9: {  	_ =	swait.ge [sflag:s26], $0x1  }
0xba: {  	[sflag:s26] =	ssyncadd.s32 $0xFFFFFFFF  }
0xbb: {  	_ =	strace $0x9000004E  }
0xbc: {  	_ =	sfence  }
0xbd: {  	s28 =	sld [smem:$0x0];
	_ =	sdelay $0x1  }
0xbe: {  	s29 =	srdreg.scid  }
0xbf: {  	s30 =	sshll.u32 s29, $0xD;
	s31 =	sshrl.u32 s29, $0x2  }
0xc0: {  	s2 =	sand.u32 $0x1, s29;
	s3 =	sand.u32 $0x4000, s30;
	s1 =	sadd.s32 s31, s28  }
0xc1: {  	s2 =	sor.u32 s3, s2;
	s1 =	sshll.u32 s1, $0x11  }
0xc2: {  	s1 =	sor.u32 s1, s2  }
0xc3: {  	s1 =	sadd.s32 $0x8F2B, s1  }
0xc4: {  	[sflag:s1] =	ssyncadd.remote.s32 $0x1  }
0xc5: {  	_ =	sfence.sel $0xFFFF  }
0xc6: {  	[dreg:$0x0] =	wrdreg $0xFFFFFFFF;
	(pc) =	sbr.abs _section_cstart, $3  }
0xc7: {  	[dreg:$0x1] =	wrdreg $0xFFFFFFFF  }
0xc8: {  	_ =	task.clear_ibuf [dreg:s18], $0x2FFFF;
	_ =	strace $0x9FFFFFFF  }
0xc9: {  	(tm) =	ssettm $0x7FFFFFFF  }
tec
execute0_lowered:
.L_overlay_start_1:
0x0: {  	(tag) =	ssettag $0x1  }
0x1: {  	s2 =	rddreg [dreg:$0x0]  }
0x2: {  	s4 =	rddreg [dreg:$0x1]  }
0x3: {  	s0 =	rddreg [dreg:$0x2];
	s3 =	stileid.u32;
	[bflag:$0x3] =	sbarrier.arrive $0xFFFF  }
0x4: {  	s1 =	simm.s32 $_size_execute1_lowered;
	s7 =	simm.s32 $0x1;
	p0 =	sne.s32 s3, $0x0  }
0x5: {  	s1 =	sshll.u32 s1, $0x1;
	s5 =	simm.s32 @!p0 $0x1C3F;
	s6 =	simm.s32 @!p0 $0x4060  }
0x6: {  	[timem:s6], [sflag:s5] =	dma.local @!p0 [hbm:s2], s1  }
0x7: {  	s8 =	simm.s32 $0x2;
	s9 =	simm.s32 $0x0;
	s2 =	sshll.u32 s3, $0x7  }
0x8: {  	s12 =	simm.s32 $0x0;
	s11 =	simm.s32 $0x0;
	s30 =	ssub.s32 $0x2800, s2  }
.Ltmp0:
0x9: {  	s3 =	sadd.s32 $0x66000, s4;
	s31 =	sand.u32 $0x780, s30;
	(pc) =	sbr.rel .LBB2_1-.Ltmp0, $4  }
0xa: {  	s4 =	sadd.s32 $0xAB5000, s4;
	s5 =	simm.s32 $0x1;
	p1 =	sne.s32 s31, $0x0  }
0xb: {  	_ =	strace $0x8000004A;
	s6 =	sshrl.u32 s30, $0xB;
	s7 =	simm.s32 @!p1 $0x0  }
0xc: {  	s10 =	smov.u32 s2;
	[sflag:s5] =	ssyncpa.u1 $0x0;
	s6 =	sadd.s32 s7, s6  }
0xd: {  	[sflag:s8] =	ssyncpa.u1 $0x0;
	s8 =	simm.s32 $0x0;
	s7 =	sadd.s32 $0x1, s6  }
.LBB2_4:
0xe: {  	_ =	sdelay $0x3  }
0xf: {  	[tilespmem:v0+s14+$0xFFFFFFA0 ss:$0x1] =	vst.idx.msk $0xffff, v6  }
0x10: {  	v56 =	vld.idx.msk [tilespmem:v1+s15+$0x30 ss:$0x1], $0xffff;
	[tilespmem:v0+s14+$0xFFFFFFB0 ss:$0x1] =	vst.idx.msk $0xffff, v4  }
0x11: {  	v57 =	vld.idx.msk [tilespmem:v1+s15+$0xFFFFFFC0 ss:$0x1], $0xffff;
	[tilespmem:v0+s14+$0xFFFFFFC0 ss:$0x1] =	vst.idx.msk $0xffff, v2  }
0x12: {  	v58 =	vld.idx.msk [tilespmem:v1+s15+$0xFFFFFFD0 ss:$0x1], $0xffff;
	[tilespmem:v0+s14+$0xFFFFFFD0 ss:$0x1] =	vst.idx.msk $0xffff, v3  }
0x13: {  	v59 =	vld.idx.msk [tilespmem:v1+s15+$0xFFFFFFE0 ss:$0x1], $0xffff;
	[tilespmem:v0+s14+$0xFFFFFFE0 ss:$0x1] =	vst.idx.msk $0xffff, v5  }
0x14: {  	v60 =	vld.idx.msk [tilespmem:v1+s15+$0xFFFFFFF0 ss:$0x1], $0xffff;
	[tilespmem:v0+s14+$0xFFFFFFF0 ss:$0x1] =	vst.idx.msk $0xffff, v7;
	s12 =	sand.u32 $0x1FFFFFF, s12  }
0x15: {  	v61 =	vld.idx.msk [tilespmem:v1+s15+$0x0 ss:$0x1], $0xffff;
	s31 =	smulhi.u32 $0xCCCCCD, s12;
	[tilespmem:v0+s15+$0x0 ss:$0x1] =	vst.idx.msk $0xffff, v56  }
0x16: {  	v62 =	vld.idx.msk [tilespmem:v1+s15+$0x10 ss:$0x1], $0xffff;
	[tilespmem:v0+s15+$0xFFFFFF90 ss:$0x1] =	vst.idx.msk $0xffff, v57  }
0x17: {  	v63 =	vld.idx.msk [tilespmem:v1+s15+$0x20 ss:$0x1], $0xffff;
	s14 =	sshrl.u32 s31, $0x5;
	[tilespmem:v0+s15+$0xFFFFFFA0 ss:$0x1] =	vst.idx.msk $0xffff, v58  }
0x18: {  	s14 =	smul.u32 $0x2800, s14;
	[tilespmem:v0+s15+$0xFFFFFFB0 ss:$0x1] =	vst.idx.msk $0xffff, v59  }
0x19: {  	[tilespmem:v0+s15+$0xFFFFFFC0 ss:$0x1] =	vst.idx.msk $0xffff, v60  }
0x1a: {  	[tilespmem:v0+s15+$0xFFFFFFD0 ss:$0x1] =	vst.idx.msk $0xffff, v61;
	s12 =	ssub.s32 s12, s14  }
0x1b: {  	[tilespmem:v0+s15+$0xFFFFFFE0 ss:$0x1] =	vst.idx.msk $0xffff, v62;
	s12 =	sshll.u32 s12, $0x4  }
0x1c: {  	[tilespmem:v0+s15+$0xFFFFFFF0 ss:$0x1] =	vst.idx.msk $0xffff, v63;
	s12 =	sadd.s32 s4, s12  }
0x1d: {  	[hbm4b:s12+s8] =	stream.linear.scatter [tilespmem:s13], [sflag:$0x2], $0x4000, $0x38;
	[tilespmem:$0x10000] =	vst v63  }
.LBB2_5:
0x1e: {  	s14 =	sadd.s32 $0x800, s10  }
0x1f: {  	p2 =	sgt.s32 s14, $0x27FF  }
0x20: {  	s14 =	smov.u32 @p2 s2;
	p2 =	sne.s32 s11, s7  }
.Ltmp1:
0x21: {  	p1 =	slt.u32 s11, $0x2;
	(pc) =	sbr.rel @!p2 .LBB2_6-.Ltmp1, $4  }
0x22: {  	s13 =	simm.s32 @!p1 $0x2  }
0x23: {  	s15 =	sadd.s32 $0x1, s11;
	_ =	swait.ge @!p1 [sflag:s13], $0x4000  }
0x24: {  	s12 =	smov.u32 s10;
	s9 =	sadd.s32 $0x4000, s9;
	[sflag:s13] =	ssyncset.done @!p1 $0x0  }
0x25: {  	s11 =	smov.u32 s15;
	s10 =	smov.u32 s14;
	[sflag:s13] =	ssyncadd.s32 @!p1 $0xFFFFC000  }
.LBB2_1:
0x26: {  	p1 =	sge.u32 s11, s6  }
0x27: {  	s13 =	sand.u32 @!p1 $0x1FFFFFF, s10  }
0x28: {  	s14 =	smulhi.u32 @!p1 $0xCCCCCD, s13;
	_ =	sdelay $0x1  }
0x29: {  	s14 =	sshrl.u32 @!p1 s14, $0x5  }
0x2a: {  	s14 =	smul.u32 @!p1 $0x2800, s14;
	_ =	sdelay $0x1  }
0x2b: {  	s15 =	sxor.u32 @!p1 $0xFFFFFFFF, s11;
	s13 =	ssub.s32 @!p1 s13, s14  }
0x2c: {  	s31 =	sadd.s32 $0xFFFFFFFF, s11;
	s14 =	sshll.u32 @!p1 s15, $0xE;
	s13 =	sshll.u32 @!p1 s13, $0x4  }
0x2d: {  	s15 =	simm.s32 @!p1 $0x0;
	s14 =	sand.u32 @!p1 $0x4000, s14;
	s13 =	sadd.s32 @!p1 s3, s13  }
0x2e: {  	[tilespmem:s14], [sflag:$0x1] =	stream.linear.gather @!p1 [hbm4b:s13+s15], $0x4000, $0x38;
	[tilespmem:$0x10000] =	vst v63  }
0x2f: {  	p1 =	sge.u32 s31, s6  }
.Ltmp2:
0x30: {  	_ = 	snop;
	(pc) =	sbr.rel @p1 .LBB2_5-.Ltmp2, $1  }
0x31: {  	_ =	sdelay $0x3  }
0x32: {  	s13 =	sand.u32 $0x4000, s9  }
0x33: {  	s14 =	sor.u32 $0x40, s13  }
0x34: {  	v1 =	vmov s14;
	_ =	sdelay $0x1  }
0x35: {  	_ =	swait.ge [sflag:s5], $0x4000  }
0x36: {  	[sflag:s5] =	ssyncset.done $0x0  }
0x37: {  	[sflag:s5] =	ssyncadd.s32 $0xFFFFC000;
	s14 =	simm.s32 $0x0  }
0x38: {  	s13 =	sor.u32 $0x8070, s13;
	v7 =	vld.idx.msk [tilespmem:v1+s14+$0x30 ss:$0x1], $0xffff  }
0x39: {  	v0 =	vmov s13;
	v8 =	vld.idx.msk [tilespmem:v1+s14+$0xFFFFFFC0 ss:$0x1], $0xffff  }
0x3a: {  	v6 =	vld.idx.msk [tilespmem:v1+s14+$0xFFFFFFD0 ss:$0x1], $0xffff  }
0x3b: {  	v4 =	vld.idx.msk [tilespmem:v1+s14+$0xFFFFFFE0 ss:$0x1], $0xffff  }
0x3c: {  	v2 =	vld.idx.msk [tilespmem:v1+s14+$0xFFFFFFF0 ss:$0x1], $0xffff  }
0x3d: {  	s31 =	sshll.u32 s11, $0xE;
	v3 =	vld.idx.msk [tilespmem:v1+s14+$0x0 ss:$0x1], $0xffff  }
0x3e: {  	s13 =	sand.u32 $0x4000, s31;
	v5 =	vld.idx.msk [tilespmem:v1+s14+$0x10 ss:$0x1], $0xffff;
	[tilespmem:v0+s14+$0x0 ss:$0x1] =	vst.idx.msk $0xffff, v7  }
0x3f: {  	s15 =	simm.s32 $0x80;
	s16 =	simm.s32 $0x400;
	s13 =	sor.u32 $0x8000, s13;
	[tilespmem:v0+s14+$0xFFFFFF90 ss:$0x1] =	vst.idx.msk $0xffff, v8;
	v7 =	vld.idx.msk [tilespmem:v1+s14+$0x20 ss:$0x1], $0xffff  }
.LBB2_3:
0x40: {  	p1 =	sne.s32 s16, $0xFE00;
	v8 =	vld.idx.msk [tilespmem:v1+s15+$0x30 ss:$0x1], $0xffff;
	[tilespmem:v0+s14+$0xFFFFFFA0 ss:$0x1] =	vst.idx.msk $0xffff, v6  }
0x41: {  	v9 =	vld.idx.msk [tilespmem:v1+s15+$0xFFFFFFC0 ss:$0x1], $0xffff;
	[tilespmem:v0+s14+$0xFFFFFFB0 ss:$0x1] =	vst.idx.msk $0xffff, v4  }
0x42: {  	v6 =	vld.idx.msk [tilespmem:v1+s15+$0xFFFFFFD0 ss:$0x1], $0xffff;
	[tilespmem:v0+s14+$0xFFFFFFC0 ss:$0x1] =	vst.idx.msk $0xffff, v2  }
.Ltmp3:
0x43: {  	v4 =	vld.idx.msk [tilespmem:v1+s15+$0xFFFFFFE0 ss:$0x1], $0xffff;
	[tilespmem:v0+s14+$0xFFFFFFD0 ss:$0x1] =	vst.idx.msk $0xffff, v3;
	(pc) =	sbr.rel @p1 .LBB2_3-.Ltmp3, $4  }
0x44: {  	v2 =	vld.idx.msk [tilespmem:v1+s15+$0xFFFFFFF0 ss:$0x1], $0xffff;
	[tilespmem:v0+s14+$0xFFFFFFE0 ss:$0x1] =	vst.idx.msk $0xffff, v5  }
0x45: {  	v3 =	vld.idx.msk [tilespmem:v1+s15+$0x0 ss:$0x1], $0xffff;
	[tilespmem:v0+s14+$0xFFFFFFF0 ss:$0x1] =	vst.idx.msk $0xffff, v7;
	s14 =	smov.u32 s15  }
0x46: {  	v5 =	vld.idx.msk [tilespmem:v1+s14+$0x10 ss:$0x1], $0xffff;
	[tilespmem:v0+s14+$0x0 ss:$0x1] =	vst.idx.msk $0xffff, v8  }
0x47: {  	s15 =	sshra.s32 s16, $0x2;
	s16 =	sadd.s32 $0x200, s16;
	[tilespmem:v0+s14+$0xFFFFFF90 ss:$0x1] =	vst.idx.msk $0xffff, v9;
	v7 =	vld.idx.msk [tilespmem:v1+s14+$0x20 ss:$0x1], $0xffff  }
.Ltmp4:
0x48: {  	_ = 	snop;
	(pc) =	sbr.rel .LBB2_4-.Ltmp4, $1  }
0x49: {  	_ =	sdelay $0x3  }
.LBB2_6:
0x4a: {  	_ =	sfence.sel $0x180000  }
0x4b: {  	s2 =	simm.s32 $0x1;
	[bflag:$0x0] =	sbarrier.arrive $0xFFFF  }
0x4c: {  	s31 =	simm.s32 $0x2;
	[sflag:s2] =	ssyncpa.u1 $0x1  }
0x4d: {  	[sflag:s31] =	ssyncpa.u1 $0x1  }
0x4e: {  	_ =	strace $0x9000004A  }
0x4f: {  	s0 =	sadd.s32 @!p0 $0x100000, s0;
	[bflag:$0x2] =	sbarrier.arrive $0xFFFF  }
0x50: {  	[sflag:s0] =	ssyncadd.tile.s32 @!p0 $0x1;
	s0 =	simm.s32 @!p0 $0x3F  }
0x51: {  	_ =	swait.ge @!p0 [sflag:s0], s1  }
0x52: {  	s1 =	ssub.s32 @!p0 $0x0, s1;
	[sflag:s0] =	ssyncset.done @!p0 $0x0  }
0x53: {  	[sflag:s0] =	ssyncadd.s32 @!p0 s1  }
0x54: {  	[bflag:$0x3] =	sbarrier.arrive $0xFFFF  }
0x55: {  	_ =	shalt  }
.Lfunc_end2:
execute1_lowered:
.L_overlay_start_2:
0x56: {  	(tag) =	ssettag $0x2  }
0x57: {  	s0 =	rddreg [dreg:$0x0];
	_ =	strace $0x8000004D;
	s1 =	simm.s32 $0x1  }
0x58: {  	s8 =	simm.s32 $0x108;
	v0 =	vimm.s32 $0x0;
	[sflag:s1] =	ssyncpa.u1 $0x0  }
0x59: {  	[tilespmem:s8+$0x70] =	vst v0  }
0x5a: {  	[tilespmem:s8+$0x60] =	vst v0  }
0x5b: {  	[tilespmem:s8+$0x50] =	vst v0  }
0x5c: {  	[tilespmem:s8+$0x40] =	vst v0  }
0x5d: {  	[tilespmem:s8+$0x30] =	vst v0  }
0x5e: {  	s2 =	simm.s32 $0x40;
	s1 =	sadd.s32 $0xAB5000, s0;
	[tilespmem:s8+$0x20] =	vst v0  }
0x5f: {  	s3 =	sadd.s32 $0x3E400, s0;
	s4 =	sadd.s32 $0xC9E00, s0;
	s5 =	sadd.s32 $0x52200, s0;
	[tilespmem:s8+$0x10] =	vst v0  }
.LBB3_1:
0x60: {  	s2 =	sadd.s32 $0x40, s2;
	[tilespmem:s8+$0x0] =	vst v0;
	s8 =	sadd.s32 $0x80, s8  }
0x61: {  	p0 =	slt.u32 s2, $0x3C40;
	[tilespmem:s8+$0x70] =	vst v0  }
0x62: {  	[tilespmem:s8+$0x60] =	vst v0  }
.Ltmp5:
0x63: {  	[tilespmem:s8+$0x50] =	vst v0;
	(pc) =	sbr.rel @p0 .LBB3_1-.Ltmp5, $4  }
0x64: {  	[tilespmem:s8+$0x40] =	vst v0  }
0x65: {  	[tilespmem:s8+$0x30] =	vst v0  }
0x66: {  	[tilespmem:s8+$0x20] =	vst v0  }
0x67: {  	[tilespmem:s8+$0x10] =	vst v0  }
0x68: {  	s13 =	stileid.u32  }
0x69: {  	s0 =	smul.u32 $0xA9, s13  }
0x6a: {  	s2 =	smin.u32 s13, $0x5  }
0x6b: {  	s0 =	sadd.s32 s2, s0  }
0x6c: {  	p0 =	slt.u32 s13, $0x5;
	s6 =	smul.u32 $0xF0, s0;
	s0 =	simm.s32 $0x9F60  }
0x6d: {  	s0 =	simm.s32 @!p0 $0x9E70  }
0x6e: {  	s0 =	sadd.s32 s0, s6  }
0x6f: {  	s7 =	smin.u32 s0, $0x9EB10  }
0x70: {  	s0 =	ssub.s32 s7, s6  }
0x71: {  	p0 =	sgt.s32 s0, $0x0  }
0x72: {  	s0 =	simm.s32 @!p0 $0x0  }
0x73: {  	s31 =	smulhi.u32 $0x88888889, s0  }
0x74: {  	s30 =	simm.s32 $0x2;
	s9 =	simm.s32 $0x7;
	s10 =	simm.s32 $0x8  }
0x75: {  	s19 =	simm.s32 $0x0;
	s15 =	simm.s32 $0xA;
	s2 =	sshrl.u32 s31, $0x7  }
0x76: {  	s17 =	simm.s32 $0x0;
	s18 =	simm.s32 $0x0;
	s11 =	smul.u32 $0xF0, s2  }
.Ltmp6:
0x77: {  	[tilespmem:s8+$0x0] =	vst v0;
	v0 =	vimm.s32 $0xFFFFFFFF;
	[sflag:s30] =	ssyncpa.u1 $0x0;
	s13 =	sshll.u32 s13, $0x8;
	(pc) =	sbr.rel .LBB3_3-.Ltmp6, $4  }
0x78: {  	[tilespmem:$0xF208] =	vst v0;
	[sflag:s9] =	ssyncpa.u1 $0x0;
	p0 =	sne.s32 s0, s11;
	s0 =	simm.s32 $0x1  }
0x79: {  	[sflag:s10] =	ssyncpa.u1 $0x0;
	s10 =	simm.s32 $0x9;
	s0 =	simm.s32 @!p0 $0x0  }
0x7a: {  	[sflag:s10] =	ssyncpa.u1 $0x0;
	s16 =	smov.u32 s6;
	s12 =	sadd.s32 s0, s2  }
0x7b: {  	v0 =	vlaneseq.u32;
	s11 =	simm.s32 $0x1;
	p0 =	por $0x0, $0x0;
	s14 =	sadd.s32 $0x1, s12  }
.LBB3_18:
0x7c: {  	s0 =	sshrl.u32 s28, $0x2  }
.LBB3_20:
0x7d: {  	_ =	swait.ge [sflag:s15], s0  }
0x7e: {  	s31 =	ssub.s32 $0x0, s0;
	v1 =	vmov s21;
	vm0 =	veq.s32 v0, $0x0;
	[sflag:s15] =	ssyncset.done $0x0  }
0x7f: {  	vm15 =	veq.s32 v0, $0x2;
	v1 =	vsel vm0, s26, v1;
	[sflag:s15] =	ssyncadd.s32 s31  }
0x80: {  	v1 =	vsel vm15, s19, v1;
	[sflag:s15] =	ssyncpa.u1 $0x1  }
0x81: {  	[tilespmem:$0xF208] =	vst v1  }
.LBB3_21:
0x82: {  	s0 =	sadd.s32 $0xF0, s16  }
0x83: {  	s2 =	smov.u32 s6;
	p1 =	slt.s32 s0, s7  }
0x84: {  	s2 =	smov.u32 @p1 s0;
	p1 =	sne.s32 s18, s14  }
.Ltmp7:
0x85: {  	_ = 	snop;
	(pc) =	sbr.rel @!p1 .LBB3_22-.Ltmp7, $3  }
0x86: {  	_ =	sdelay $0x1  }
0x87: {  	s19 =	smov.u32 s17;
	s31 =	sadd.s32 $0x1, s18;
	s17 =	smov.u32 s16  }
0x88: {  	p0 =	por !p0, !p0;
	s18 =	smov.u32 s31;
	s16 =	smov.u32 s2  }
.LBB3_3:
0x89: {  	p1 =	sge.u32 s18, s12  }
0x8a: {  	s0 =	smulhi.u32 @!p1 $0xAAAAAAAB, s18  }
0x8b: {  	s2 =	smov.u32 s16;
	p2 =	sgt.s32 @!p1 s16, $0x9EA20  }
0x8c: {  	s20 =	sshra.s32 @!p1 s16, $0x1F;
	p2 =	por !p2, p1;
	s0 =	sshrl.u32 @!p1 s0, $0x1  }
0x8d: {  	s20 =	sand.u32 @!p1 s20, s16;
	s2 =	simm.s32 @p2 $0x9EA20;
	s0 =	smul.u32 @!p1 $0x3, s0  }
0x8e: {  	s2 =	ssub.s32 @!p1 s2, s20  }
0x8f: {  	s2 =	sadd.s32 @!p1 $0xFFF615E0, s2;
	s0 =	ssub.s32 @!p1 s18, s0  }
0x90: {  	s20 =	sshll.u32 @!p1 s2, $0x2;
	p2 =	sgt.s32 @!p1 s2, $0xEF;
	s0 =	smul.u32 @!p1 $0x3C0, s0  }
0x91: {  	s21 =	sand.u32 @!p1 $0x7, s16;
	s2 =	ssub.s32 @!p1 $0x3C0, s20;
	p2 =	por !p2, p1  }
0x92: {  	s20 =	sshrl.u32 @!p1 s16, $0x3;
	s2 =	sshrl.u32 @!p1 s2, $0x2;
	s0 =	sshrl.u32 @!p1 s0, $0x2  }
0x93: {  	s20 =	sadd.s32 @!p1 s5, s20;
	s2 =	simm.s32 @!p2 $0x0;
	s0 =	sadd.s32 @!p1 $0x10238, s0  }
0x94: {  	[tilespmem:s0], [sflag:$0x8] =	stream.linear.gather @!p1 [hbm4b:s20+s21], s2, $0x38;
	[tilespmem:$0x1F6E8] =	vst v63  }
0x95: {  	s0 =	sadd.s32 $0xFFFFFFFF, s18  }
0x96: {  	p1 =	sge.u32 s0, s12  }
0x97: {  	p2 =	sgt.s32 @!p1 s17, $0x9EA20  }
0x98: {  	s2 =	smov.u32 s17;
	s20 =	sshra.s32 @!p1 s17, $0x1F;
	p2 =	por !p2, p1  }
0x99: {  	s20 =	sand.u32 @!p1 s20, s17;
	s2 =	simm.s32 @p2 $0x9EA20  }
0x9a: {  	s2 =	ssub.s32 @!p1 s2, s20  }
0x9b: {  	s2 =	sadd.s32 @!p1 $0xFFF615E0, s2  }
0x9c: {  	s21 =	sand.u32 @!p1 $0x1, s0;
	s20 =	sshll.u32 @!p1 s2, $0x2  }
0x9d: {  	p2 =	sgt.s32 @!p1 s2, $0xEF;
	s2 =	ssub.s32 @!p1 $0x3C0, s20;
	s20 =	smulhi.u32 @!p1 $0xAAAAAAAB, s0  }
0x9e: {  	s23 =	smul.u32 @!p1 $0x3C0, s21;
	p2 =	por !p2, p1;
	s2 =	sshrl.u32 @!p1 s2, $0x2  }
0x9f: {  	s22 =	simm.s32 @!p1 $0x8;
	s2 =	simm.s32 @!p2 $0x0;
	s20 =	sshrl.u32 @!p1 s20, $0x1  }
0xa0: {  	s23 =	sshrl.u32 @!p1 s23, $0x2;
	_ =	swait.ge @!p1 [sflag:s22], s2;
	s20 =	smul.u32 @!p1 $0x3, s20  }
0xa1: {  	s23 =	sor.u32 @!p1 $0x10508, s23;
	s24 =	ssub.s32 @!p1 $0x0, s2;
	[sflag:s22] =	ssyncset.done @!p1 $0x0  }
0xa2: {  	[sflag:s22] =	ssyncadd.s32 @!p1 s24;
	s22 =	sshrl.u32 @!p1 s17, $0x3;
	s0 =	ssub.s32 @!p1 s0, s20  }
0xa3: {  	s24 =	sand.u32 @!p1 $0x7, s17;
	s22 =	sadd.s32 @!p1 s3, s22;
	s0 =	smul.u32 @!p1 $0x3C0, s0  }
0xa4: {  	[tilespmem:s23], [sflag:$0x9] =	stream.linear.gather @!p1 [hbm4b:s22+s24], s2, $0x38;
	[tilespmem:$0x1F6E8] =	vst v63  }
0xa5: {  	s20 =	ssub.s32 @!p1 $0x9EB10, s17;
	s2 =	smul.u32 @!p1 $0x1E000, s21  }
0xa6: {  	p2 =	slt.s32 @!p1 s20, $0xF0  }
0xa7: {  	p2 =	por !p2, p1;
	s0 =	sshrl.u32 @!p1 s0, $0x2;
	s2 =	sshrl.u32 @!p1 s2, $0x2  }
0xa8: {  	s20 =	simm.s32 @p2 $0xF0;
	s0 =	sadd.s32 @!p1 $0x10238, s0;
	s2 =	sor.u32 @!p1 $0x106E8, s2  }
0xa9: {  	[tilespmem:s2], [sflag:$0x7] =	stream.indirect.gather @!p1 [hbm4b:s4+s20], $0x80, s0, s20, $0xb8;
	[tilespmem:$0x1F6E8] =	vst v63  }
0xaa: {  	p1 =	slt.u32 s18, $0x2  }
.Ltmp8:
0xab: {  	_ = 	snop;
	(pc) =	sbr.rel @p1 .LBB3_21-.Ltmp8, $1  }
0xac: {  	_ =	sdelay $0x3  }
0xad: {  	p1 =	sgt.s32 s19, $0x9EA20;
	s0 =	smov.u32 s19  }
0xae: {  	s2 =	sshra.s32 s19, $0x1F;
	s20 =	ssub.s32 $0x9EB10, s19;
	s0 =	simm.s32 @!p1 $0x9EA20  }
0xaf: {  	s2 =	sand.u32 s2, s19;
	p1 =	slt.s32 s20, $0xF0;
	s21 =	smov.u32 s20  }
0xb0: {  	s0 =	ssub.s32 s0, s2;
	s21 =	simm.s32 @!p1 $0xF0  }
0xb1: {  	s0 =	sadd.s32 $0xFFF615E0, s0;
	s28 =	sshll.u32 s21, $0x7  }
0xb2: {  	s29 =	sshll.u32 s0, $0x2;
	s2 =	sand.u32 $0x3FFFFF80, s28  }
0xb3: {  	p1 =	sgt.s32 s0, $0xEF;
	s30 =	ssub.s32 $0x3C0, s29;
	_ =	swait.ge [sflag:s9], s2  }
0xb4: {  	s2 =	ssub.s32 $0x0, s2;
	[sflag:s9] =	ssyncset.done $0x0;
	s0 =	sshrl.u32 s30, $0x2  }
0xb5: {  	[sflag:s9] =	ssyncadd.s32 s2;
	s0 =	simm.s32 @p1 $0x0  }
0xb6: {  	_ =	swait.ge [sflag:s10], s0  }
0xb7: {  	s0 =	ssub.s32 $0x0, s0;
	[sflag:s10] =	ssyncset.done $0x0  }
0xb8: {  	[sflag:s10] =	ssyncadd.s32 s0  }
0xb9: {  	v1 =	vld [tilespmem:$0xF208];
	_ =	sdelay $0x4  }
0xba: {  	(v2sf) =	vpush v1, $0x0  }
0xbb: {  	(v2sf) =	vpush v1, $0x1  }
0xbc: {  	(v2sf) =	vpush v1, $0x2;
	_ =	sdelay $0x3  }
0xbd: {  	s0 =	sadd.s32 $0xF0, s19  }
0xbe: {  	p1 =	slt.s32 s7, s0  }
0xbf: {  	s0 =	smov.u32 @p1 s7;
	p1 =	sgt.s32 s20, $0x0  }
0xc0: {  	s23 =	ssub.s32 s0, s19;
	s20 =	simm.s32 @!p1 $0x0  }
0xc1: {  	p1 =	slt.s32 s20, s23  }
0xc2: {  	s23 =	smov.u32 @p1 s20  }
0xc3: {  	s22 =	simm.s32 $0x1;
	p1 =	slt.s32 s23, $0x1  }
.Ltmp9:
0xc4: {  	s22 =	simm.s32 @!p0 $0x0;
	(pc) =	sbr.rel @p1 .LBB3_8-.Ltmp9, $4  }
0xc5: {  	s31 =	smul.u32 $0x3C0, s22  }
0xc6: {  	s24 =	spop (v2sf)  }
0xc7: {  	s0 =	sshrl.u32 s31, $0x2;
	s26 =	spop (v2sf)  }
0xc8: {  	s20 =	sor.u32 $0x10508, s0;
	s19 =	spop (v2sf)  }
0xc9: {  	s0 =	smin.u32 s23, $0x10  }
0xca: {  	v1 =	vmov s0  }
0xcb: {  	p2 =	sgt.s32 s23, $0x10;
	vm1 =	vgt.u32 v1, v0  }
.Ltmp10:
0xcc: {  	_ = 	snop;
	(pc) =	sbr.rel @!p2 .LBB3_7-.Ltmp10, $2  }
0xcd: {  	_ =	sdelay $0x2  }
0xce: {  	s25 =	simm.s32 $0x10;
	s28 =	sadd.s32 $0xFFFFFFF0, s23;
	s21 =	smov.u32 s20;
	vm0 =	vmmov vm1  }
.LBB3_6:
0xcf: {  	s0 =	smin.u32 s28, $0x10;
	s25 =	sadd.s32 $0x10, s25;
	v1 =	vld.msk [tilespmem:s21+$0x0 ss:$0x1], vm1  }
0xd0: {  	v2 =	vmov s0;
	p2 =	slt.s32 s25, s23  }
0xd1: {  	vm1 =	vgt.u32 v2, v0  }
.Ltmp11:
0xd2: {  	(pc) =	sbr.rel @p2 .LBB3_6-.Ltmp11, $3  }
0xd3: {  	_ =	sdelay $0x1  }
0xd4: {  	v1 =	vshll.u32 v1, $0x4  }
0xd5: {  	s28 =	sadd.s32 $0xFFFFFFF0, s28;
	[tilespmem:s21+$0x0] =	vst.msk vm0, v1;
	s21 =	sadd.s32 $0x10, s21;
	vm0 =	vmmov vm1  }
.LBB3_7:
0xd6: {  	_ =	sdelay $0x4  }
0xd7: {  	v1 =	vld.msk [tilespmem:s21+$0x0 ss:$0x1], vm1;
	_ =	sdelay $0x4  }
0xd8: {  	v1 =	vshll.u32 v1, $0x4  }
0xd9: {  	[tilespmem:s21+$0x0] =	vst.msk vm0, v1  }
.LBB3_8:
0xda: {  	s0 =	sand.u32 $0x1, s18  }
0xdb: {  	s0 =	smul.u32 $0xF0, s0  }
0xdc: {  	p2 =	sne.s32 s26, $0xFFFFFFFF  }
0xdd: {  	v1 =	vld.msk @!p2 [tilespmem:s0+$0x10508], $0x1;
	_ =	sdelay $0x4  }
0xde: {  	(v2sf) =	vpush @!p2 v1, $0x0;
	_ =	sdelay $0xc  }
.Ltmp12:
0xdf: {  	_ = 	snop;
	(pc) =	sbr.rel @p1 .LBB3_19-.Ltmp12, $4  }
0xe0: {  	_ = 	snop  }
0xe1: {  	s25 =	spop @!p2 (v2sf)  }
0xe2: {  	s19 =	simm.s32 @!p2 $0x0;
	s21 =	smov.u32 s25  }
0xe3: {  	[sflag:s15] =	ssyncpa.u1 $0x0;
	s25 =	smov.u32 @p2 s24;
	s21 =	smov.u32 @p2 s26  }
0xe4: {  	v1 =	vld.msk [tilespmem:s20+$0x0], $0x1;
	_ =	sdelay $0x4  }
0xe5: {  	(v2sf) =	vpush v1, $0x0;
	_ =	sdelay $0xe  }
0xe6: {  	s0 =	smul.u32 $0x1E000, s22;
	s29 =	spop (v2sf)  }
0xe7: {  	s23 =	ssub.s32 $0x0, s23;
	p1 =	seq.s32 s25, s29  }
0xe8: {  	s26 =	sadd.s32 $0x1, s23;
	s0 =	sshrl.u32 s0, $0x2;
	p2 =	sgt.s32 @!p1 s25, $0x0  }
0xe9: {  	s22 =	sor.u32 $0x10728, s0;
	s0 =	smov.u32 s25;
	p2 =	por !p2, p1  }
0xea: {  	s0 =	simm.s32 @p2 $0x0;
	p2 =	seq.s32 s26, $0x0  }
.Ltmp13:
0xeb: {  	_ = 	snop;
	(pc) =	sbr.rel @p2 .LBB3_11-.Ltmp13, $4  }
0xec: {  	_ = 	snop  }
0xed: {  	s24 =	simm.s32 $0x0;
	s28 =	sadd.s32 $0x1, s20;
	s0 =	smin.u32 @!p1 s0, $0x27FF0  }
0xee: {  	s30 =	simm.s32 @!p1 $0x1;
	s31 =	simm.s32 @!p1 $0x7988;
	s2 =	sand.u32 @!p1 $0x3FFF8, s0  }
0xef: {  	s30 =	smov.u32 @p1 s24;
	s0 =	sand.u32 @!p1 $0x7, s0;
	s2 =	sadd.s32 @!p1 s1, s2  }
.LBB3_10:
0xf0: {  	s8 =	smov.u32 s30  }
0xf1: {  	[tilespmem:s31], [sflag:$0x2] =	stream.linear.gather @!p1 [hbm4b:s2+s0], $0x80, $0x38;
	[tilespmem:$0x1F6E8] =	vst v63  }
0xf2: {  	s26 =	sadd.s32 $0x1, s26;
	s0 =	smov.u32 s29;
	v1 =	vld.msk [tilespmem:s28+$0x0], $0x1  }
0xf3: {  	p2 =	seq.s32 s26, $0x0;
	_ =	sdelay $0x3  }
0xf4: {  	(v2sf) =	vpush v1, $0x0;
	_ =	sdelay $0xe  }
0xf5: {  	s29 =	spop (v2sf)  }
0xf6: {  	p1 =	seq.s32 s0, s29  }
0xf7: {  	p3 =	sgt.s32 @!p1 s0, $0x0;
	s2 =	sshll.u32 @!p1 s30, $0x9;
	s30 =	sadd.s32 @!p1 $0x1, s30  }
.Ltmp14:
0xf8: {  	p3 =	por !p3, p1;
	s2 =	sshra.s32 @!p1 s2, $0x2;
	(pc) =	sbr.rel @!p2 .LBB3_10-.Ltmp14, $4  }
0xf9: {  	s30 =	smov.u32 @p1 s8;
	s0 =	simm.s32 @p3 $0x0;
	s31 =	sadd.s32 @!p1 $0x7988, s2  }
0xfa: {  	s0 =	smin.u32 @!p1 s0, $0x27FF0  }
0xfb: {  	s2 =	sand.u32 @!p1 $0x3FFF8, s0;
	s0 =	sand.u32 @!p1 $0x7, s0  }
0xfc: {  	s28 =	sadd.s32 $0x1, s28;
	s2 =	sadd.s32 @!p1 s1, s2  }
.LBB3_11:
0xfd: {  	[tilespmem:s31], [sflag:$0x2] =	stream.linear.gather @!p1 [hbm4b:s2+s0], $0x80, $0x38;
	[tilespmem:$0x1F6E8] =	vst v63  }
.Ltmp15:
0xfe: {  	s30 =	sshll.u32 s30, $0x7;
	(pc) =	sbr.rel .LBB3_12-.Ltmp15, $4  }
0xff: {  	s31 =	simm.s32 $0x2;
	s0 =	sand.u32 $0x3FFFFF80, s30  }
0x100: {  	_ =	swait.ge [sflag:s31], s0  }
0x101: {  	s0 =	ssub.s32 $0x0, s0;
	[sflag:s31] =	ssyncset.done $0x0  }
0x102: {  	s28 =	simm.s32 $0x0;
	[sflag:s31] =	ssyncadd.s32 s0  }
.LBB3_13:
0x103: {  	v1 =	vld [tilespmem:s22+$0xFFFFFFC0];
	_ =	sdelay $0x3  }
0x104: {  	s0 =	sshra.s32 s0, $0x2  }
0x105: {  	[tilespmem:s0+$0x108] =	vst.add.f32.msk $0xffff, v1  }
0x106: {  	v1 =	vld [tilespmem:s22+$0xFFFFFFD0];
	_ =	sdelay $0x4  }
0x107: {  	[tilespmem:s0+$0x118] =	vst.add.f32.msk $0xffff, v1  }
0x108: {  	v1 =	vld [tilespmem:s22+$0xFFFFFFE0];
	_ =	sdelay $0x4  }
0x109: {  	[tilespmem:s0+$0x128] =	vst.add.f32.msk $0xffff, v1  }
0x10a: {  	v1 =	vld [tilespmem:s22+$0xFFFFFFF0];
	_ =	sdelay $0x4  }
0x10b: {  	[tilespmem:s0+$0x138] =	vst.add.f32.msk $0xffff, v1  }
0x10c: {  	v1 =	vld [tilespmem:s22+$0x0];
	_ =	sdelay $0x4  }
0x10d: {  	[tilespmem:s0+$0x148] =	vst.add.f32.msk $0xffff, v1  }
0x10e: {  	v1 =	vld [tilespmem:s22+$0x10];
	_ =	sdelay $0x4  }
0x10f: {  	[tilespmem:s0+$0x158] =	vst.add.f32.msk $0xffff, v1  }
0x110: {  	v1 =	vld [tilespmem:s22+$0x20];
	_ =	sdelay $0x4  }
0x111: {  	[tilespmem:s0+$0x168] =	vst.add.f32.msk $0xffff, v1  }
0x112: {  	v1 =	vld [tilespmem:s22+$0x30];
	_ =	sdelay $0x4  }
0x113: {  	[tilespmem:s0+$0x178] =	vst.add.f32.msk $0xffff, v1  }
.LBB3_17:
0x114: {  	s23 =	sadd.s32 $0x1, s23  }
0x115: {  	p1 =	seq.s32 s23, $0x0  }
.Ltmp16:
0x116: {  	_ = 	snop;
	(pc) =	sbr.rel @p1 .LBB3_18-.Ltmp16, $2  }
0x117: {  	_ =	sdelay $0x2  }
0x118: {  	s20 =	sadd.s32 $0x1, s20;
	s22 =	sadd.s32 $0x80, s22;
	s25 =	smov.u32 s26  }
.LBB3_12:
0x119: {  	v1 =	vld.msk [tilespmem:s20+$0x0], $0x1;
	_ =	sdelay $0x4  }
0x11a: {  	(v2sf) =	vpush v1, $0x0;
	_ =	sdelay $0xe  }
0x11b: {  	s26 =	spop (v2sf)  }
0x11c: {  	p1 =	sne.s32 s25, s26  }
.Ltmp17:
0x11d: {  	_ = 	snop;
	(pc) =	sbr.rel @!p1 .LBB3_13-.Ltmp17, $2  }
0x11e: {  	_ =	sdelay $0x2  }
0x11f: {  	s0 =	sshll.u32 s19, $0x9  }
0x120: {  	p1 =	seq.s32 s25, s21  }
.Ltmp18:
0x121: {  	_ = 	snop;
	(pc) =	sbr.rel @!p1 .LBB3_15-.Ltmp18, $1  }
0x122: {  	_ =	sdelay $0x3  }
0x123: {  	s0 =	sshra.s32 s0, $0x2  }
.Ltmp19:
0x124: {  	s0 =	sadd.s32 $0x108, s0;
	(pc) =	sbr.rel .LBB3_16-.Ltmp19, $4  }
0x125: {  	[spmem:s13] =	stream.linear.scatter [tilespmem:s0], [sflag:$0x1], $0x80, $0x38;
	[tilespmem:$0x1F6E8] =	vst v63  }
0x126: {  	_ =	swait.ge [sflag:s11], $0x80  }
0x127: {  	[sflag:s11] =	ssyncset.done $0x0  }
0x128: {  	[sflag:s11] =	ssyncadd.s32 $0xFFFFFF80  }
.LBB3_15:
0x129: {  	s2 =	sshll.u32 s24, $0x9  }
0x12a: {  	s2 =	sshra.s32 s2, $0x2  }
0x12b: {  	v1 =	vld [tilespmem:s2+$0x7988];
	_ =	sdelay $0x3  }
0x12c: {  	s0 =	sshra.s32 s0, $0x2  }
0x12d: {  	[tilespmem:s0+$0x108] =	vst.add.f32.msk $0xffff, v1  }
0x12e: {  	v1 =	vld [tilespmem:s2+$0x7998];
	_ =	sdelay $0x4  }
0x12f: {  	[tilespmem:s0+$0x118] =	vst.add.f32.msk $0xffff, v1  }
0x130: {  	v1 =	vld [tilespmem:s2+$0x79A8];
	_ =	sdelay $0x4  }
0x131: {  	[tilespmem:s0+$0x128] =	vst.add.f32.msk $0xffff, v1  }
0x132: {  	v1 =	vld [tilespmem:s2+$0x79B8];
	_ =	sdelay $0x4  }
0x133: {  	[tilespmem:s0+$0x138] =	vst.add.f32.msk $0xffff, v1  }
0x134: {  	v1 =	vld [tilespmem:s2+$0x79C8];
	_ =	sdelay $0x4  }
0x135: {  	[tilespmem:s0+$0x148] =	vst.add.f32.msk $0xffff, v1  }
0x136: {  	v1 =	vld [tilespmem:s2+$0x79D8];
	_ =	sdelay $0x4  }
0x137: {  	[tilespmem:s0+$0x158] =	vst.add.f32.msk $0xffff, v1  }
0x138: {  	v1 =	vld [tilespmem:s2+$0x79E8];
	_ =	sdelay $0x4  }
0x139: {  	[tilespmem:s0+$0x168] =	vst.add.f32.msk $0xffff, v1  }
0x13a: {  	v1 =	vld [tilespmem:s2+$0x79F8];
	_ =	sdelay $0x2  }
0x13b: {  	p1 =	sgt.u32 s25, $0x27FF0  }
0x13c: {  	s2 =	sand.u32 @!p1 $0x3FFF8, s25  }
0x13d: {  	s8 =	sadd.s32 $0x108, s0;
	[tilespmem:s0+$0x178] =	vst.add.f32.msk $0xffff, v1;
	s0 =	sadd.s32 @!p1 s1, s2;
	s2 =	sand.u32 @!p1 $0x7, s25  }
0x13e: {  	[hbm4b:s0+s2] =	stream.linear.scatter @!p1 [tilespmem:s8], [sflag:$0xA], $0x80, $0x38;
	[tilespmem:$0x1F6E8] =	vst v63  }
0x13f: {  	s0 =	simm.s32 $0x0  }
0x140: {  	s0 =	simm.s32 @!p1 $0x200  }
0x141: {  	s28 =	sadd.s32 s0, s28  }
.LBB3_16:
0x142: {  	s0 =	sadd.s32 $0x1, s19  }
0x143: {  	s2 =	smulhi.u32 $0x88888889, s0;
	_ =	sdelay $0x1  }
0x144: {  	v1 =	vld [tilespmem:s22+$0xFFFFFFC0];
	s2 =	sshrl.u32 s2, $0x7  }
0x145: {  	s2 =	smul.u32 $0xF0, s2;
	_ =	sdelay $0x1  }
0x146: {  	s19 =	ssub.s32 s0, s2  }
0x147: {  	s0 =	sshll.u32 s19, $0x7  }
0x148: {  	[tilespmem:s0+$0x108] =	vst v1  }
0x149: {  	v1 =	vld [tilespmem:s22+$0xFFFFFFD0];
	_ =	sdelay $0x4  }
0x14a: {  	[tilespmem:s0+$0x118] =	vst v1  }
0x14b: {  	v1 =	vld [tilespmem:s22+$0xFFFFFFE0];
	_ =	sdelay $0x4  }
0x14c: {  	[tilespmem:s0+$0x128] =	vst v1  }
0x14d: {  	v1 =	vld [tilespmem:s22+$0xFFFFFFF0];
	_ =	sdelay $0x4  }
0x14e: {  	[tilespmem:s0+$0x138] =	vst v1  }
0x14f: {  	v1 =	vld [tilespmem:s22+$0x0];
	_ =	sdelay $0x4  }
0x150: {  	[tilespmem:s0+$0x148] =	vst v1  }
0x151: {  	v1 =	vld [tilespmem:s22+$0x10];
	_ =	sdelay $0x4  }
0x152: {  	[tilespmem:s0+$0x158] =	vst v1  }
0x153: {  	v1 =	vld [tilespmem:s22+$0x20];
	_ =	sdelay $0x4  }
0x154: {  	[tilespmem:s0+$0x168] =	vst v1  }
0x155: {  	v1 =	vld [tilespmem:s22+$0x30]  }
.Ltmp20:
0x156: {  	_ = 	snop;
	(pc) =	sbr.rel .LBB3_17-.Ltmp20, $2  }
0x157: {  	_ =	sdelay $0x2  }
0x158: {  	s24 =	sadd.s32 $0x1, s24;
	[tilespmem:s0+$0x178] =	vst v1  }
.LBB3_19:
.Ltmp21:
0x159: {  	(pc) =	sbr.rel .LBB3_20-.Ltmp21, $4  }
0x15a: {  	_ = 	snop  }
0x15b: {  	s0 =	simm.s32 $0x2  }
0x15c: {  	_ =	swait.ge [sflag:s0], $0x0  }
0x15d: {  	s26 =	smov.u32 s25;
	[sflag:s0] =	ssyncset.done $0x0;
	s0 =	simm.s32 $0x0  }
.LBB3_22:
0x15e: {  	_ =	sfence.sel $0x180000  }
0x15f: {  	s0 =	simm.s32 $0x7;
	[bflag:$0x0] =	sbarrier.arrive $0xFFFF  }
0x160: {  	s25 =	simm.s32 $0x8;
	[sflag:s0] =	ssyncpa.u1 $0x1  }
0x161: {  	s26 =	simm.s32 $0x9;
	[sflag:s25] =	ssyncpa.u1 $0x1  }
0x162: {  	s28 =	simm.s32 $0x2;
	[sflag:s26] =	ssyncpa.u1 $0x1  }
0x163: {  	[sflag:s28] =	ssyncpa.u1 $0x1  }
0x164: {  	v0 =	vld [tilespmem:$0xF208];
	_ =	sdelay $0x4  }
0x165: {  	(v2sf) =	vpush v0, $0x0  }
0x166: {  	(v2sf) =	vpush v0, $0x1;
	_ =	sdelay $0x1  }
0x167: {  	(v2sf) =	vpush v0, $0x2;
	_ =	sdelay $0xb  }
0x168: {  	s0 =	spop (v2sf)  }
0x169: {  	s2 =	spop (v2sf)  }
0x16a: {  	s3 =	smov.u32 s0;
	p0 =	sne.s32 s0, s2  }
0x16b: {  	s4 =	spop (v2sf);
	s3 =	simm.s32 @!p0 $0xFFFFFFFF  }
0x16c: {  	v2 =	vimm.s32 $0x1;
	v3 =	vlaneseq.u32;
	p0 =	seq.s32 s4, $0xFFFFFFFF;
	v1 =	vmov s3  }
0x16d: {  	s7 =	stileid.u32;
	v0 =	vperm.xlane v0, v2;
	p1 =	sne.s32 @!p0 s0, s2;
	v1 =	vperm.xlane v1, v3  }
0x16e: {  	vm0 =	vcmask $0x3F04;
	s6 =	simm.s32 $0xF208;
	s0 =	simm.s32 @!p0 $0x1;
	p1 =	por !p1, p0  }
0x16f: {  	s3 =	sshll.u32 s7, $0x1;
	s2 =	sshll.u32 @!p0 s4, $0x9;
	s0 =	simm.s32 @p1 $0x0;
	v0 =	vsel vm0, v1, v0  }
0x170: {  	s5 =	sor.u32 $0x1000, s3;
	s2 =	sshra.s32 @!p0 s2, $0x2;
	s0 =	sor.u32 @!p0 s0, s3;
	[tilespmem:$0xF208] =	vst v0  }
0x171: {  	[spmem:s5] =	stream.linear.scatter [tilespmem:s6], [sflag:$0x1], $0x2, $0x38;
	[tilespmem:$0x1F6E8] =	vst v63  }
0x172: {  	s2 =	sadd.s32 @!p0 $0x108, s2;
	s0 =	sshll.u32 @!p0 s0, $0x7  }
0x173: {  	[spmem:s0] =	stream.linear.scatter @!p0 [tilespmem:s2], [sflag:$0x1], $0x80, $0x38;
	[tilespmem:$0x1F6E8] =	vst v63  }
0x174: {  	s0 =	simm.s32 @!p0 $0x82  }
0x175: {  	s3 =	simm.s32 $0x1;
	s0 =	simm.s32 @p0 $0x2  }
0x176: {  	_ =	swait.ge [sflag:s3], s0  }
0x177: {  	s0 =	ssub.s32 $0x0, s0;
	[sflag:s3] =	ssyncset.done $0x0  }
0x178: {  	[sflag:s3] =	ssyncadd.s32 s0  }
0x179: {  	_ =	sfence.stream.spmem  }
0x17a: {  	s29 =	simm.s32 $0x3;
	[bflag:$0x0] =	sbarrier.arrive $0xFFFF  }
0x17b: {  	s30 =	simm.s32 $0x4;
	[sflag:s29] =	ssyncpa.u1 $0x1  }
0x17c: {  	s31 =	simm.s32 $0x3C;
	[sflag:s30] =	ssyncpa.u1 $0x1  }
0x17d: {  	p0 =	sne.s32 s7, $0x0;
	[sflag:s31] =	ssyncpa.u1 $0x1  }
0x17e: {  	_ =	sfence @p0  }
0x17f: {  	[sflag:s3] =	ssyncpa.u1 @p0 $0x1  }
0x180: {  	_ =	strace @p0 $0x9000004D  }
0x181: {  	[bflag:$0x2] =	sbarrier.arrive @p0 $0xFFFF  }
0x182: {  	_ =	shalt @p0  }
.LBB3_23:
0x183: {  	_ =	sfence.stream.spmem;
	s0 =	simm.s32 $0x5  }
0x184: {  	s2 =	simm.s32 $0x1000;
	s3 =	simm.s32 $0xF218;
	[sflag:s0] =	ssyncpa.u1 $0x0  }
0x185: {  	[tilespmem:s3], [sflag:$0x5] =	stream.linear.gather [spmem:s2], $0x20, $0x38;
	[tilespmem:$0x1F6E8] =	vst v63  }
0x186: {  	s30 =	simm.s32 $0xF238;
	s2 =	simm.s32 $0x0  }
0x187: {  	[tilespmem:s30], [sflag:$0x5] =	stream.linear.gather [spmem:s2], $0x1000, $0x38;
	[tilespmem:$0x1F6E8] =	vst v63  }
.Ltmp22:
0x188: {  	_ = 	snop;
	(pc) =	sbr.rel .LBB3_24-.Ltmp22, $4  }
0x189: {  	_ =	swait.ge [sflag:s0], $0x1020  }
0x18a: {  	[sflag:s0] =	ssyncset.done $0x0  }
0x18b: {  	s31 =	simm.s32 $0x6;
	[sflag:s0] =	ssyncadd.s32 $0xFFFFEFE0  }
0x18c: {  	s3 =	simm.s32 $0x0;
	[sflag:s31] =	ssyncpa.u1 $0x0  }
.LBB3_30:
0x18d: {  	p0 =	slt.u32 s4, $0x27FF1  }
0x18e: {  	s0 =	sand.u32 @p0 $0x3FFF8, s4  }
0x18f: {  	s4 =	sand.u32 @p0 $0x7, s4;
	s5 =	simm.s32 @p0 $0xF188;
	s0 =	sadd.s32 @p0 s1, s0  }
0x190: {  	[tilespmem:s5], [sflag:$0x6] =	stream.linear.gather @p0 [hbm4b:s0+s4], $0x80, $0x38;
	[tilespmem:$0x1F6E8] =	vst v63  }
0x191: {  	s0 =	simm.s32 @p0 $0x6  }
0x192: {  	_ =	swait.ge @p0 [sflag:s0], $0x80  }
0x193: {  	[sflag:s0] =	ssyncset.done @p0 $0x0  }
0x194: {  	[sflag:s0] =	ssyncadd.s32 @p0 $0xFFFFFF80  }
0x195: {  	v1 =	vld @p0 [tilespmem:$0xF188];
	_ =	sdelay $0x2  }
0x196: {  	s0 =	sshll.u32 @p0 s3, $0x9  }
0x197: {  	s4 =	sshrl.u32 @p0 s0, $0x2  }
0x198: {  	[tilespmem:s4+$0xF238] =	vst.add.f32.msk @p0 $0xffff, v1  }
0x199: {  	v1 =	vld @p0 [tilespmem:$0xF198];
	_ =	sdelay $0x4  }
0x19a: {  	[tilespmem:s4+$0xF248] =	vst.add.f32.msk @p0 $0xffff, v1  }
0x19b: {  	v1 =	vld @p0 [tilespmem:$0xF1A8];
	_ =	sdelay $0x4  }
0x19c: {  	[tilespmem:s4+$0xF258] =	vst.add.f32.msk @p0 $0xffff, v1  }
0x19d: {  	v1 =	vld @p0 [tilespmem:$0xF1B8];
	_ =	sdelay $0x4  }
0x19e: {  	[tilespmem:s4+$0xF268] =	vst.add.f32.msk @p0 $0xffff, v1  }
0x19f: {  	v1 =	vld @p0 [tilespmem:$0xF1C8];
	_ =	sdelay $0x4  }
0x1a0: {  	[tilespmem:s4+$0xF278] =	vst.add.f32.msk @p0 $0xffff, v1  }
0x1a1: {  	v1 =	vld @p0 [tilespmem:$0xF1D8];
	_ =	sdelay $0x4  }
0x1a2: {  	[tilespmem:s4+$0xF288] =	vst.add.f32.msk @p0 $0xffff, v1  }
0x1a3: {  	v1 =	vld @p0 [tilespmem:$0xF1E8];
	_ =	sdelay $0x4  }
0x1a4: {  	[tilespmem:s4+$0xF298] =	vst.add.f32.msk @p0 $0xffff, v1  }
0x1a5: {  	v1 =	vld @p0 [tilespmem:$0xF1F8];
	_ =	sdelay $0x3  }
0x1a6: {  	s5 =	sshll.u32 @!p0 s3, $0x9  }
0x1a7: {  	s5 =	smov.u32 @p0 s0;
	[tilespmem:s4+$0xF2A8] =	vst.add.f32.msk @p0 $0xffff, v1  }
0x1a8: {  	s0 =	sshrl.u32 s5, $0x2;
	[tilespmem:s2+$0xF218] =	vst.msk $0x1, v0  }
0x1a9: {  	v0 =	vld [tilespmem:s0+$0xF238];
	_ =	sdelay $0x2  }
0x1aa: {  	s31 =	sshll.u32 s2, $0x9  }
0x1ab: {  	s4 =	sshra.s32 s31, $0x2  }
0x1ac: {  	[tilespmem:s4+$0xF238] =	vst v0  }
0x1ad: {  	v0 =	vld [tilespmem:s0+$0xF248];
	_ =	sdelay $0x4  }
0x1ae: {  	[tilespmem:s4+$0xF248] =	vst v0  }
0x1af: {  	v0 =	vld [tilespmem:s0+$0xF258];
	_ =	sdelay $0x4  }
0x1b0: {  	[tilespmem:s4+$0xF258] =	vst v0  }
0x1b1: {  	v0 =	vld [tilespmem:s0+$0xF268];
	_ =	sdelay $0x4  }
0x1b2: {  	[tilespmem:s4+$0xF268] =	vst v0  }
0x1b3: {  	v0 =	vld [tilespmem:s0+$0xF278];
	_ =	sdelay $0x4  }
0x1b4: {  	[tilespmem:s4+$0xF278] =	vst v0  }
0x1b5: {  	v0 =	vld [tilespmem:s0+$0xF288];
	_ =	sdelay $0x4  }
0x1b6: {  	[tilespmem:s4+$0xF288] =	vst v0  }
0x1b7: {  	v0 =	vld [tilespmem:s0+$0xF298];
	_ =	sdelay $0x4  }
0x1b8: {  	[tilespmem:s4+$0xF298] =	vst v0  }
0x1b9: {  	v0 =	vld [tilespmem:s0+$0xF2A8];
	_ =	sdelay $0x4  }
0x1ba: {  	s2 =	sadd.s32 $0x1, s2;
	[tilespmem:s4+$0xF2A8] =	vst v0  }
.LBB3_31:
0x1bb: {  	s3 =	sadd.s32 $0x1, s3  }
0x1bc: {  	p0 =	sne.s32 s3, $0x20  }
.Ltmp23:
0x1bd: {  	_ = 	snop;
	(pc) =	sbr.rel @!p0 .LBB3_32-.Ltmp23, $1  }
0x1be: {  	_ =	sdelay $0x3  }
.LBB3_24:
0x1bf: {  	v0 =	vld.msk [tilespmem:s3+$0xF218], $0x1;
	_ =	sdelay $0x4  }
0x1c0: {  	(v2sf) =	vpush v0, $0x0;
	_ =	sdelay $0xe  }
0x1c1: {  	s4 =	spop (v2sf)  }
0x1c2: {  	p0 =	seq.s32 s4, $0xFFFFFFFF  }
.Ltmp24:
0x1c3: {  	_ = 	snop;
	(pc) =	sbr.rel @p0 .LBB3_31-.Ltmp24, $1  }
0x1c4: {  	_ =	sdelay $0x3  }
0x1c5: {  	p0 =	slt.s32 s2, $0x1  }
.Ltmp25:
0x1c6: {  	_ = 	snop;
	(pc) =	sbr.rel @p0 .LBB3_30-.Ltmp25, $1  }
0x1c7: {  	_ =	sdelay $0x3  }
0x1c8: {  	s5 =	simm.s32 $0xF218;
	p0 =	por $0x0, $0x0  }
0x1c9: {  	v1 =	vld.msk @!p0 [tilespmem:s5+$0x0], $0x1;
	_ =	sdelay $0x4  }
0x1ca: {  	(v2sf) =	vpush @!p0 v1, $0x0;
	_ =	sdelay $0xd  }
0x1cb: {  	p2 =	sne.s32 s2, $0x1  }
.Ltmp26:
0x1cc: {  	s0 =	spop @!p0 (v2sf);
	(pc) =	sbr.rel @!p2 .LBB3_28-.Ltmp26, $4  }
0x1cd: {  	p1 =	seq.s32 @!p0 s4, s0  }
0x1ce: {  	s6 =	simm.s32 $0x0;
	p1 =	por !p1, p0  }
0x1cf: {  	s0 =	simm.s32 $0xFFFFFFFF;
	s6 =	simm.s32 @p1 $0xFFFFFFFF  }
0x1d0: {  	s7 =	simm.s32 $0x1;
	s6 =	smov.u32 @p0 s0  }
.LBB3_27:
0x1d1: {  	s0 =	smov.u32 s6;
	p0 =	sne.s32 s6, $0xFFFFFFFF  }
0x1d2: {  	s5 =	sadd.s32 $0x1, s5;
	s6 =	smov.u32 s7;
	s7 =	sadd.s32 $0x1, s7  }
0x1d3: {  	p1 =	sne.s32 s2, s7;
	v1 =	vld.msk @!p0 [tilespmem:s5+$0x0], $0x1;
	_ =	sdelay $0x4  }
0x1d4: {  	(v2sf) =	vpush @!p0 v1, $0x0;
	_ =	sdelay $0xe  }
.Ltmp27:
0x1d5: {  	s8 =	spop @!p0 (v2sf);
	(pc) =	sbr.rel @p1 .LBB3_27-.Ltmp27, $4  }
0x1d6: {  	p2 =	seq.s32 @!p0 s4, s8  }
0x1d7: {  	p2 =	por !p2, p0  }
0x1d8: {  	s6 =	simm.s32 @p2 $0xFFFFFFFF  }
0x1d9: {  	s6 =	smov.u32 @p0 s0  }
.LBB3_28:
0x1da: {  	p0 =	seq.s32 s6, $0xFFFFFFFF  }
.Ltmp28:
0x1db: {  	_ = 	snop;
	(pc) =	sbr.rel @p0 .LBB3_30-.Ltmp28, $1  }
0x1dc: {  	_ =	sdelay $0x3  }
0x1dd: {  	s0 =	sshll.u32 s3, $0x7  }
0x1de: {  	s0 =	sand.u32 $0x3FFFFF80, s0  }
0x1df: {  	v0 =	vld [tilespmem:s0+$0xF238];
	_ =	sdelay $0x2  }
0x1e0: {  	s4 =	sshll.u32 s6, $0x9  }
0x1e1: {  	s4 =	sshra.s32 s4, $0x2  }
0x1e2: {  	[tilespmem:s4+$0xF238] =	vst.add.f32.msk $0xffff, v0  }
0x1e3: {  	v0 =	vld [tilespmem:s0+$0xF248];
	_ =	sdelay $0x4  }
0x1e4: {  	[tilespmem:s4+$0xF248] =	vst.add.f32.msk $0xffff, v0  }
0x1e5: {  	v0 =	vld [tilespmem:s0+$0xF258];
	_ =	sdelay $0x4  }
0x1e6: {  	[tilespmem:s4+$0xF258] =	vst.add.f32.msk $0xffff, v0  }
0x1e7: {  	v0 =	vld [tilespmem:s0+$0xF268];
	_ =	sdelay $0x4  }
0x1e8: {  	[tilespmem:s4+$0xF268] =	vst.add.f32.msk $0xffff, v0  }
0x1e9: {  	v0 =	vld [tilespmem:s0+$0xF278];
	_ =	sdelay $0x4  }
0x1ea: {  	[tilespmem:s4+$0xF278] =	vst.add.f32.msk $0xffff, v0  }
0x1eb: {  	v0 =	vld [tilespmem:s0+$0xF288];
	_ =	sdelay $0x4  }
0x1ec: {  	[tilespmem:s4+$0xF288] =	vst.add.f32.msk $0xffff, v0  }
0x1ed: {  	v0 =	vld [tilespmem:s0+$0xF298];
	_ =	sdelay $0x4  }
0x1ee: {  	[tilespmem:s4+$0xF298] =	vst.add.f32.msk $0xffff, v0  }
0x1ef: {  	v0 =	vld [tilespmem:s0+$0xF2A8]  }
.Ltmp29:
0x1f0: {  	_ = 	snop;
	(pc) =	sbr.rel .LBB3_31-.Ltmp29, $2  }
0x1f1: {  	_ =	sdelay $0x2  }
0x1f2: {  	[tilespmem:s4+$0xF2A8] =	vst.add.f32.msk $0xffff, v0  }
.LBB3_32:
0x1f3: {  	p0 =	slt.s32 s2, $0x1  }
.Ltmp30:
0x1f4: {  	_ = 	snop;
	(pc) =	sbr.rel @p0 .LBB3_36-.Ltmp30, $3  }
0x1f5: {  	_ =	sdelay $0x1  }
0x1f6: {  	s0 =	simm.s32 $0x6  }
0x1f7: {  	s3 =	simm.s32 $0x0;
	[sflag:s0] =	ssyncpa.u1 $0x1  }
0x1f8: {  	s0 =	simm.s32 $0xF218  }
0x1f9: {  	v0 =	vld.msk [tilespmem:s0+$0x0], $0x1;
	_ =	sdelay $0x4  }
0x1fa: {  	(v2sf) =	vpush v0, $0x0;
	_ =	sdelay $0xd  }
0x1fb: {  	s2 =	sadd.s32 $0xFFFFFFFF, s2  }
0x1fc: {  	p1 =	sne.s32 s2, $0x0;
	s0 =	spop (v2sf)  }
.Ltmp31:
0x1fd: {  	p0 =	sgt.u32 s0, $0x27FF0;
	(pc) =	sbr.rel @!p1 .LBB3_35-.Ltmp31, $4  }
0x1fe: {  	s4 =	simm.s32 $0xF238;
	s5 =	sand.u32 @!p0 $0x3FFF8, s0  }
0x1ff: {  	s6 =	simm.s32 $0x0;
	s0 =	sand.u32 @!p0 $0x7, s0;
	s5 =	sadd.s32 @!p0 s1, s5  }
0x200: {  	[hbm4b:s5+s0] =	stream.linear.scatter @!p0 [tilespmem:s4], [sflag:$0x5], $0x80, $0x38;
	[tilespmem:$0x1F6E8] =	vst v63  }
0x201: {  	s6 =	simm.s32 @!p0 $0x200;
	s5 =	simm.s32 $0xF219  }
.LBB3_34:
0x202: {  	v0 =	vld.msk [tilespmem:s5+$0x0], $0x1;
	s2 =	sadd.s32 $0xFFFFFFFF, s2;
	s3 =	sadd.s32 s3, s6  }
0x203: {  	p0 =	sne.s32 s2, $0x0;
	_ =	sdelay $0x3  }
0x204: {  	(v2sf) =	vpush v0, $0x0;
	_ =	sdelay $0xe  }
.Ltmp32:
0x205: {  	s0 =	spop (v2sf);
	(pc) =	sbr.rel @p0 .LBB3_34-.Ltmp32, $4  }
0x206: {  	s6 =	simm.s32 $0x0;
	p1 =	sgt.u32 s0, $0x27FF0  }
0x207: {  	s4 =	sadd.s32 $0x80, s4;
	s6 =	simm.s32 @!p1 $0x200;
	s7 =	sand.u32 @!p1 $0x3FFF8, s0  }
0x208: {  	s5 =	sadd.s32 $0x1, s5;
	s0 =	sand.u32 @!p1 $0x7, s0;
	s7 =	sadd.s32 @!p1 s1, s7  }
0x209: {  	[hbm4b:s7+s0] =	stream.linear.scatter @!p1 [tilespmem:s4], [sflag:$0x5], $0x80, $0x38;
	[tilespmem:$0x1F6E8] =	vst v63  }
.LBB3_35:
0x20a: {  	s0 =	sadd.s32 s3, s6  }
0x20b: {  	s3 =	sshrl.u32 s0, $0x2  }
.LBB3_36:
0x20c: {  	s0 =	simm.s32 $0x5  }
0x20d: {  	_ =	swait.ge [sflag:s0], s3  }
0x20e: {  	s1 =	ssub.s32 $0x0, s3;
	[sflag:s0] =	ssyncset.done $0x0  }
0x20f: {  	[sflag:s0] =	ssyncadd.s32 s1  }
0x210: {  	[sflag:s0] =	ssyncpa.u1 $0x1  }
0x211: {  	s30 =	simm.s32 $0x1;
	_ =	sfence  }
0x212: {  	[sflag:s30] =	ssyncpa.u1 $0x1  }
0x213: {  	_ =	strace $0x9000004D  }
0x214: {  	[bflag:$0x2] =	sbarrier.arrive $0xFFFF  }
0x215: {  	s31 =	rddreg [dreg:$0x1]  }
0x216: {  	s0 =	sadd.s32 $0x100000, s31  }
0x217: {  	[sflag:s0] =	ssyncadd.tile.s32 $0x1;
	_ =	shalt  }
.Lfunc_end3:
_tile_overlayer_lowered:
.L_overlay_start_3:
0x218: {  	(tag) =	ssettag $0x3  }
0x219: {  	s0 =	rddreg [dreg:$0x0];
	s2 =	stileid.u32  }
0x21a: {  	s1 =	rddreg [dreg:$0x1];
	p0 =	sne.s32 s2, $0x0  }
0x21b: {  	s3 =	rddreg [dreg:$0x2];
	[bflag:$0x3] =	sbarrier.arrive $0xFFFF;
	s2 =	simm.s32 @!p0 $0x1C01  }
0x21c: {  	[timem:s3], [sflag:s2] =	dma.local @!p0 [hbm:s0], s1  }
0x21d: {  	s0 =	simm.s32 @!p0 $0x1  }
0x21e: {  	_ =	swait.ge @!p0 [sflag:s0], s1  }
0x21f: {  	s1 =	ssub.s32 @!p0 $0x0, s1;
	[sflag:s0] =	ssyncset.done @!p0 $0x0  }
0x220: {  	[sflag:s0] =	ssyncadd.s32 @!p0 s1  }
0x221: {  	[bflag:$0x3] =	sbarrier.arrive $0xFFFF  }
0x222: {  	_ =	shalt  }

// kernel: scatter_offload_async_start.2
scs
__scs_entry_jumppad:
0x0: {  	(pc) =	sbr.rel $0x88, $3  }
0x1: {  	(tag) =	ssettag $0x0;
	lr =	simm.s32 $0x1  }
0x2: {  	[smem:$0x3F93] =	sst lr;
	_ =	strace $0xD0000000  }
0x3: {  	_ = 	snop  }
0x4: {  	_ = 	snop  }
0x5: {  	_ = 	snop  }
0x6: {  	_ = 	snop  }
0x7: {  	_ = 	snop  }
__scs_overlays_trampoline_lowered:
0x8: {  	[smem:$0x3FA2] =	sst s0  }
0x9: {  	[smem:$0x3FA3] =	sst s1  }
0xa: {  	[smem:$0x3FA4] =	sst s2  }
0xb: {  	[smem:$0x3FA5] =	sst s3  }
0xc: {  	[smem:$0x3FA6] =	sst s4  }
0xd: {  	[smem:$0x3FA7] =	sst s5  }
0xe: {  	[smem:$0x3FA8] =	sst s6  }
0xf: {  	[smem:$0x3FA9] =	sst s7  }
0x10: {  	[smem:$0x3FAA] =	sst s8  }
0x11: {  	[smem:$0x3FAB] =	sst s9;
	s0 =	simm.s32 @!p0 $0x0  }
0x12: {  	s1 =	sld [smem:$0x3F91];
	s0 =	simm.s32 @p0 $0x1  }
0x13: {  	[smem:$0x3FAC] =	sst s0;
	s0 =	simm.s32 @!p1 $0x0  }
0x14: {  	s2 =	sld [smem:$0x3F90];
	s0 =	simm.s32 @p1 $0x1  }
0x15: {  	[smem:$0x3FAD] =	sst s0;
	s0 =	simm.s32 @!p2 $0x0  }
0x16: {  	s3 =	sld [smem:$0x3FDB];
	s0 =	simm.s32 @p2 $0x1  }
0x17: {  	s4 =	simm.s32 $0x1BF5;
	[smem:$0x3FAF] =	sst s0  }
0x18: {  	s0 =	sld [smem:$0x3F92];
	_ =	swait.ge [sflag:s4], $0x0  }
0x19: {  	s7 =	sld [smem:$0x3F93]  }
0x1a: {  	s8 =	sadd.s32 $0xFFFFE003, lr  }
0x1b: {  	s9 =	sadd.s32 $0xFFFFFEF7, lr;
	s5 =	simm.s32 $0xFFFFFFFF;
	p2 =	slt.u32 s8, $0xFFFFF086  }
0x1c: {  	p1 =	slt.u32 s9, $0xF7A;
	s5 =	simm.s32 @!p2 $0x0  }
0x1d: {  	s5 =	simm.s32 @p1 $0x1;
	p0 =	seq.s32 s7, s2  }
0x1e: {  	s7 =	smul.u32 @!p0 $0xF7A, s2;
	p2 =	seq.s32 @!p0 s5, $0x0  }
0x1f: {  	s9 =	smul.u32 $0xF7A, s1;
	s8 =	simm.s32 @!p0 $0x1BF5;
	p2 =	por !p2, p0  }
0x20: {  	[sflag:s8] =	ssyncset.s32 @!p0 $0xFFFFF086;
	s6 =	sadd.s32 @!p0 s3, s7;
	s7 =	simm.s32 @!p0 $0x108  }
0x21: {  	s3 =	sadd.s32 s3, s9;
	s6 =	sadd.s32 @!p0 $0x88, s6;
	s7 =	simm.s32 @p2 $0x1082  }
0x22: {  	[simem:s7], [sflag:s8] =	dma.local @!p0 [hbm:s6], $0xF7A  }
0x23: {  	s9 =	sor.u32 $0xD0000000, s2;
	s6 =	simm.s32 $0x108;
	_ =	swait.ge @!p0 [sflag:s8], $0x0  }
0x24: {  	s3 =	sadd.s32 $0x88, s3;
	s6 =	simm.s32 @!p1 $0x1082;
	[sflag:s4] =	ssyncset.s32 $0xFFFFF086  }
0x25: {  	[simem:s6], [sflag:s4] =	dma.local [hbm:s3], $0xF7A  }
0x26: {  	[smem:$0x3F93] =	sst s1;
	(tag) =	ssettag s2;
	_ =	strace s9  }
0x27: {  	s1 =	sld [smem:$0x3FA3]  }
0x28: {  	s2 =	sld [smem:$0x3FA4]  }
0x29: {  	s4 =	sld [smem:$0x3FA6]  }
0x2a: {  	p0 =	seq.s32 s5, $0x0;
	s5 =	sld [smem:$0x3FA7]  }
0x2b: {  	s6 =	sld [smem:$0x3FA8]  }
0x2c: {  	s7 =	sld [smem:$0x3FA9]  }
0x2d: {  	s3 =	simm.s32 $0x108;
	s8 =	sld [smem:$0x3FAA]  }
0x2e: {  	s3 =	simm.s32 @!p0 $0x1082;
	s9 =	sld [smem:$0x3FAB]  }
0x2f: {  	lr =	sadd.s32 s0, s3;
	s0 =	sld [smem:$0x3FA2]  }
0x30: {  	s3 =	sld [smem:$0x3FA5]  }
0x31: {  	[smem:$0x3FAE] =	sst s10  }
0x32: {  	s10 =	sld [smem:$0x3FAC];
	_ =	sdelay $0x3  }
0x33: {  	p0 =	seq.s32 s10, $0x1;
	s10 =	sld [smem:$0x3FAE];
	_ =	sdelay $0x3  }
0x34: {  	[smem:$0x3FAE] =	sst s10  }
0x35: {  	s10 =	sld [smem:$0x3FAD];
	_ =	sdelay $0x3  }
0x36: {  	p1 =	seq.s32 s10, $0x1;
	s10 =	sld [smem:$0x3FAE];
	_ =	sdelay $0x3  }
0x37: {  	[smem:$0x3FAE] =	sst s10  }
0x38: {  	s10 =	sld [smem:$0x3FAF]  }
0x39: {  	_ = 	snop;
	(pc) =	sbr.ind lr, $3  }
0x3a: {  	_ = 	snop  }
0x3b: {  	_ = 	snop  }
0x3c: {  	p2 =	seq.s32 s10, $0x1;
	s10 =	sld [smem:$0x3FAE]  }
0x3d: {  	_ =	shalt  }
0x3e: {  	_ =	shalt  }
0x3f: {  	_ =	shalt  }
0x40: {  	_ =	shalt  }
0x41: {  	_ =	shalt  }
0x42: {  	_ =	shalt  }
0x43: {  	_ =	shalt  }
0x44: {  	_ =	shalt  }
0x45: {  	_ =	shalt  }
0x46: {  	_ =	shalt  }
0x47: {  	_ =	shalt  }
0x48: {  	_ =	shalt  }
0x49: {  	_ =	shalt  }
0x4a: {  	_ =	shalt  }
0x4b: {  	_ =	shalt  }
0x4c: {  	_ =	shalt  }
0x4d: {  	_ =	shalt  }
0x4e: {  	_ =	shalt  }
0x4f: {  	_ =	shalt  }
0x50: {  	_ =	shalt  }
0x51: {  	_ =	shalt  }
0x52: {  	_ =	shalt  }
0x53: {  	_ =	shalt  }
0x54: {  	_ =	shalt  }
0x55: {  	_ =	shalt  }
0x56: {  	_ =	shalt  }
0x57: {  	_ =	shalt  }
0x58: {  	_ =	shalt  }
0x59: {  	_ =	shalt  }
0x5a: {  	_ =	shalt  }
0x5b: {  	_ =	shalt  }
0x5c: {  	_ =	shalt  }
0x5d: {  	_ =	shalt  }
0x5e: {  	_ =	shalt  }
0x5f: {  	_ =	shalt  }
0x60: {  	_ =	shalt  }
0x61: {  	_ =	shalt  }
0x62: {  	_ =	shalt  }
0x63: {  	_ =	shalt  }
0x64: {  	_ =	shalt  }
0x65: {  	_ =	shalt  }
0x66: {  	_ =	shalt  }
0x67: {  	_ =	shalt  }
0x68: {  	_ =	shalt  }
0x69: {  	_ =	shalt  }
0x6a: {  	_ =	shalt  }
0x6b: {  	_ =	shalt  }
0x6c: {  	_ =	shalt  }
0x6d: {  	_ =	shalt  }
0x6e: {  	_ =	shalt  }
0x6f: {  	_ =	shalt  }
0x70: {  	_ =	shalt  }
0x71: {  	_ =	shalt  }
0x72: {  	_ =	shalt  }
0x73: {  	_ =	shalt  }
0x74: {  	_ =	shalt  }
0x75: {  	_ =	shalt  }
0x76: {  	_ =	shalt  }
0x77: {  	_ =	shalt  }
0x78: {  	_ =	shalt  }
0x79: {  	_ =	shalt  }
0x7a: {  	_ =	shalt  }
0x7b: {  	_ =	shalt  }
0x7c: {  	_ =	shalt  }
0x7d: {  	_ =	shalt  }
0x7e: {  	_ =	shalt  }
0x7f: {  	_ =	shalt  }
0x80: {  	_ =	shalt  }
0x81: {  	_ =	shalt  }
0x82: {  	_ =	shalt  }
0x83: {  	_ =	shalt  }
0x84: {  	_ =	shalt  }
0x85: {  	_ =	shalt  }
0x86: {  	_ =	shalt  }
0x87: {  	_ =	shalt  }
.Lfunc_end0:
.L_simem_size_0:
called_computation.2_lowered:
.L_overlay_start_0:
0x88: {  	s0 =	sld [smem:$0x3FD9]  }
0x89: {  	s1 =	sld [smem:$0x3FFE];
	_ =	sdelay $0x3  }
0x8a: {  	s0 =	sadd.s32 s1, s0  }
0x8b: {  	[smem:$0x3FBA] =	sst s0  }
0x8c: {  	_ = 	snop  }
0x8d: {  	(tm) =	ssettm $0x1  }
0x8e: {  	s15 =	sld [smem:$0x3FFB];
	_ =	sdelay $0x3  }
0x8f: {  	_ =	strace s15  }
0x90: {  	s0 =	sld [smem:$0x3FFC];
	_ =	sdelay $0x3  }
0x91: {  	_ =	strace s0  }
0x92: {  	s0 =	sld [smem:$0x3FFD];
	_ =	sdelay $0x3  }
0x93: {  	_ =	strace s0  }
0x94: {  	_ =	strace $0x8FFFFFFF  }
0x95: {  	s16 =	sld [smem:$0x3FDB];
	_ =	sdelay $0x1  }
0x96: {  	s17 =	simm.s32 $_scs_section_size  }
0x97: {  	s2 =	simm.s32 $_size__tile_overlayer_lowered;
	s3 =	simm.s32 $_tile_overlayer_lowered  }
0x98: {  	s20 =	simm.s32 $0x1BFF;
	s19 =	sshll.u32 s3, $0x1;
	s0 =	sadd.s32 s17, s16  }
0x99: {  	s4 =	simm.s32 $0x0;
	s18 =	sshll.u32 s2, $0x1;
	s2 =	sadd.s32 s19, s0  }
0x9a: {  	[timem:s4], [sflag:s20] =	dma.local [hbm:s2], s18  }
0x9b: {  	_ =	swait.ge [sflag:s20], s18  }
0x9c: {  	s1 =	ssub.s32 $0x0, s18;
	[sflag:s20] =	ssyncset.done $0x0  }
0x9d: {  	[sflag:s20] =	ssyncadd.s32 s1;
	_ =	sdelay $0x1  }
0x9e: {  	s21 =	simm.s32 $0x1B8B  }
0x9f: {  	_ =	swait.ge [sflag:s21], $0x1  }
0xa0: {  	[sflag:s21] =	ssyncset.done $0x0  }
0xa1: {  	s23 =	simm.s32 $0x1B8E;
	s22 =	sld [smem:$0x3FFE];
	[sflag:s21] =	ssyncadd.s32 $0xFFFFFFFF  }
0xa2: {  	s24 =	simm.s32 $execute0_lowered;
	[smem:$0x3FD2] =	sst s23  }
0xa3: {  	s2 =	sshll.u32 s24, $0x1;
	_ =	strace $0x8000004F;
	[dreg:$0x1] =	wrdreg $0xFFFFFFFF  }
0xa4: {  	s25 =	simm.s32 $_size_execute0_lowered;
	s0 =	sadd.s32 s0, s2;
	[dreg:$0x0] =	wrdreg $0x0  }
0xa5: {  	s2 =	sshll.u32 s25, $0x1;
	[dreg:$0x2] =	wrdreg s0  }
0xa6: {  	[dreg:$0x3] =	wrdreg s2  }
0xa7: {  	[dreg:$0x4] =	wrdreg $0xC0  }
0xa8: {  	_ =	task [dreg:s4], $0x5FFFF  }
0xa9: {  	[dreg:$0x1] =	wrdreg $0xFFFFFFFF  }
0xaa: {  	[dreg:$0x0] =	wrdreg $0x60  }
0xab: {  	[dreg:$0x2] =	wrdreg s22  }
0xac: {  	[dreg:$0x3] =	wrdreg $0x9  }
0xad: {  	_ =	task.clear_ibuf [dreg:s4], $0x4FFFF;
	_ =	strace $0x9000004F  }
0xae: {  	s26 =	simm.s32 $0x9;
	_ =	strace $0x80000051  }
0xaf: {  	_ =	swait.ge [sflag:s26], $0x1  }
0xb0: {  	[sflag:s26] =	ssyncadd.s32 $0xFFFFFFFF  }
0xb1: {  	_ =	strace $0x90000051  }
0xb2: {  	_ =	sfence  }
0xb3: {  	s28 =	sld [smem:$0x0];
	_ =	sdelay $0x1  }
0xb4: {  	s29 =	srdreg.scid  }
0xb5: {  	s30 =	sshll.u32 s29, $0xD;
	s31 =	sshrl.u32 s29, $0x2  }
0xb6: {  	s1 =	sand.u32 $0x1, s29;
	s2 =	sand.u32 $0x4000, s30;
	s0 =	sadd.s32 s31, s28  }
0xb7: {  	s1 =	sor.u32 s2, s1;
	s0 =	sshll.u32 s0, $0x11  }
0xb8: {  	s0 =	sor.u32 s0, s1  }
0xb9: {  	s0 =	sadd.s32 $0x8F2B, s0  }
0xba: {  	[sflag:s0] =	ssyncadd.remote.s32 $0x1  }
0xbb: {  	_ =	sfence.sel $0xFFFF  }
0xbc: {  	[dreg:$0x0] =	wrdreg $0xFFFFFFFF;
	(pc) =	sbr.abs _section_cstart, $3  }
0xbd: {  	[dreg:$0x1] =	wrdreg $0xFFFFFFFF  }
0xbe: {  	_ =	task.clear_ibuf [dreg:s4], $0x2FFFF;
	_ =	strace $0x9FFFFFFF  }
0xbf: {  	(tm) =	ssettm $0x7FFFFFFF  }
tec
execute0_lowered:
.L_overlay_start_1:
0x0: {  	(tag) =	ssettag $0x1  }
0x1: {  	s0 =	rddreg [dreg:$0x0];
	_ =	strace $0x80000050;
	s1 =	simm.s32 $0x1  }
0x2: {  	s8 =	simm.s32 $0x108;
	v0 =	vimm.s32 $0x0;
	[sflag:s1] =	ssyncpa.u1 $0x0  }
0x3: {  	[tilespmem:s8+$0x70] =	vst v0  }
0x4: {  	[tilespmem:s8+$0x60] =	vst v0  }
0x5: {  	[tilespmem:s8+$0x50] =	vst v0  }
0x6: {  	[tilespmem:s8+$0x40] =	vst v0  }
0x7: {  	[tilespmem:s8+$0x30] =	vst v0  }
0x8: {  	s2 =	simm.s32 $0x40;
	s1 =	sadd.s32 $0x66000, s0;
	[tilespmem:s8+$0x20] =	vst v0  }
0x9: {  	s3 =	sadd.s32 $0x3E400, s0;
	s4 =	sadd.s32 $0xC9E00, s0;
	s5 =	sadd.s32 $0x52200, s0;
	[tilespmem:s8+$0x10] =	vst v0  }
.LBB2_1:
0xa: {  	s2 =	sadd.s32 $0x40, s2;
	[tilespmem:s8+$0x0] =	vst v0;
	s8 =	sadd.s32 $0x80, s8  }
0xb: {  	p0 =	slt.u32 s2, $0x3C40;
	[tilespmem:s8+$0x70] =	vst v0  }
0xc: {  	[tilespmem:s8+$0x60] =	vst v0  }
.Ltmp0:
0xd: {  	[tilespmem:s8+$0x50] =	vst v0;
	(pc) =	sbr.rel @p0 .LBB2_1-.Ltmp0, $4  }
0xe: {  	[tilespmem:s8+$0x40] =	vst v0  }
0xf: {  	[tilespmem:s8+$0x30] =	vst v0  }
0x10: {  	[tilespmem:s8+$0x20] =	vst v0  }
0x11: {  	[tilespmem:s8+$0x10] =	vst v0  }
0x12: {  	s13 =	stileid.u32  }
0x13: {  	s0 =	smul.u32 $0xA9, s13  }
0x14: {  	s2 =	smin.u32 s13, $0x5  }
0x15: {  	s0 =	sadd.s32 s2, s0  }
0x16: {  	p0 =	slt.u32 s13, $0x5;
	s6 =	smul.u32 $0xF0, s0;
	s0 =	simm.s32 $0x9F60  }
0x17: {  	s0 =	simm.s32 @!p0 $0x9E70  }
0x18: {  	s0 =	sadd.s32 s0, s6  }
0x19: {  	s7 =	smin.u32 s0, $0x9EB10  }
0x1a: {  	s0 =	ssub.s32 s7, s6  }
0x1b: {  	p0 =	sgt.s32 s0, $0x0  }
0x1c: {  	s0 =	simm.s32 @!p0 $0x0  }
0x1d: {  	s31 =	smulhi.u32 $0x88888889, s0  }
0x1e: {  	s30 =	simm.s32 $0x2;
	s9 =	simm.s32 $0x7;
	s10 =	simm.s32 $0x8  }
0x1f: {  	s19 =	simm.s32 $0x0;
	s15 =	simm.s32 $0xA;
	s2 =	sshrl.u32 s31, $0x7  }
0x20: {  	s17 =	simm.s32 $0x0;
	s18 =	simm.s32 $0x0;
	s11 =	smul.u32 $0xF0, s2  }
.Ltmp1:
0x21: {  	[tilespmem:s8+$0x0] =	vst v0;
	v0 =	vimm.s32 $0xFFFFFFFF;
	[sflag:s30] =	ssyncpa.u1 $0x0;
	s13 =	sshll.u32 s13, $0x8;
	(pc) =	sbr.rel .LBB2_3-.Ltmp1, $4  }
0x22: {  	[tilespmem:$0xF208] =	vst v0;
	[sflag:s9] =	ssyncpa.u1 $0x0;
	p0 =	sne.s32 s0, s11;
	s0 =	simm.s32 $0x1  }
0x23: {  	[sflag:s10] =	ssyncpa.u1 $0x0;
	s10 =	simm.s32 $0x9;
	s0 =	simm.s32 @!p0 $0x0  }
0x24: {  	[sflag:s10] =	ssyncpa.u1 $0x0;
	s16 =	smov.u32 s6;
	s12 =	sadd.s32 s0, s2  }
0x25: {  	v0 =	vlaneseq.u32;
	s11 =	simm.s32 $0x1;
	p0 =	por $0x0, $0x0;
	s14 =	sadd.s32 $0x1, s12  }
.LBB2_18:
0x26: {  	s0 =	sshrl.u32 s28, $0x2  }
.LBB2_20:
0x27: {  	_ =	swait.ge [sflag:s15], s0  }
0x28: {  	s31 =	ssub.s32 $0x0, s0;
	v1 =	vmov s21;
	vm0 =	veq.s32 v0, $0x0;
	[sflag:s15] =	ssyncset.done $0x0  }
0x29: {  	vm15 =	veq.s32 v0, $0x2;
	v1 =	vsel vm0, s26, v1;
	[sflag:s15] =	ssyncadd.s32 s31  }
0x2a: {  	v1 =	vsel vm15, s19, v1;
	[sflag:s15] =	ssyncpa.u1 $0x1  }
0x2b: {  	[tilespmem:$0xF208] =	vst v1  }
.LBB2_21:
0x2c: {  	s0 =	sadd.s32 $0xF0, s16  }
0x2d: {  	s2 =	smov.u32 s6;
	p1 =	slt.s32 s0, s7  }
0x2e: {  	s2 =	smov.u32 @p1 s0;
	p1 =	sne.s32 s18, s14  }
.Ltmp2:
0x2f: {  	_ = 	snop;
	(pc) =	sbr.rel @!p1 .LBB2_22-.Ltmp2, $3  }
0x30: {  	_ =	sdelay $0x1  }
0x31: {  	s19 =	smov.u32 s17;
	s31 =	sadd.s32 $0x1, s18;
	s17 =	smov.u32 s16  }
0x32: {  	p0 =	por !p0, !p0;
	s18 =	smov.u32 s31;
	s16 =	smov.u32 s2  }
.LBB2_3:
0x33: {  	p1 =	sge.u32 s18, s12  }
0x34: {  	s0 =	smulhi.u32 @!p1 $0xAAAAAAAB, s18  }
0x35: {  	s2 =	smov.u32 s16;
	p2 =	sgt.s32 @!p1 s16, $0x9EA20  }
0x36: {  	s20 =	sshra.s32 @!p1 s16, $0x1F;
	p2 =	por !p2, p1;
	s0 =	sshrl.u32 @!p1 s0, $0x1  }
0x37: {  	s20 =	sand.u32 @!p1 s20, s16;
	s2 =	simm.s32 @p2 $0x9EA20;
	s0 =	smul.u32 @!p1 $0x3, s0  }
0x38: {  	s2 =	ssub.s32 @!p1 s2, s20  }
0x39: {  	s2 =	sadd.s32 @!p1 $0xFFF615E0, s2;
	s0 =	ssub.s32 @!p1 s18, s0  }
0x3a: {  	s20 =	sshll.u32 @!p1 s2, $0x2;
	p2 =	sgt.s32 @!p1 s2, $0xEF;
	s0 =	smul.u32 @!p1 $0x3C0, s0  }
0x3b: {  	s21 =	sand.u32 @!p1 $0x7, s16;
	s2 =	ssub.s32 @!p1 $0x3C0, s20;
	p2 =	por !p2, p1  }
0x3c: {  	s20 =	sshrl.u32 @!p1 s16, $0x3;
	s2 =	sshrl.u32 @!p1 s2, $0x2;
	s0 =	sshrl.u32 @!p1 s0, $0x2  }
0x3d: {  	s20 =	sadd.s32 @!p1 s5, s20;
	s2 =	simm.s32 @!p2 $0x0;
	s0 =	sadd.s32 @!p1 $0x10238, s0  }
0x3e: {  	[tilespmem:s0], [sflag:$0x8] =	stream.linear.gather @!p1 [hbm4b:s20+s21], s2, $0x38;
	[tilespmem:$0x1F6E8] =	vst v63  }
0x3f: {  	s0 =	sadd.s32 $0xFFFFFFFF, s18  }
0x40: {  	p1 =	sge.u32 s0, s12  }
0x41: {  	p2 =	sgt.s32 @!p1 s17, $0x9EA20  }
0x42: {  	s2 =	smov.u32 s17;
	s20 =	sshra.s32 @!p1 s17, $0x1F;
	p2 =	por !p2, p1  }
0x43: {  	s20 =	sand.u32 @!p1 s20, s17;
	s2 =	simm.s32 @p2 $0x9EA20  }
0x44: {  	s2 =	ssub.s32 @!p1 s2, s20  }
0x45: {  	s2 =	sadd.s32 @!p1 $0xFFF615E0, s2  }
0x46: {  	s21 =	sand.u32 @!p1 $0x1, s0;
	s20 =	sshll.u32 @!p1 s2, $0x2  }
0x47: {  	p2 =	sgt.s32 @!p1 s2, $0xEF;
	s2 =	ssub.s32 @!p1 $0x3C0, s20;
	s20 =	smulhi.u32 @!p1 $0xAAAAAAAB, s0  }
0x48: {  	s23 =	smul.u32 @!p1 $0x3C0, s21;
	p2 =	por !p2, p1;
	s2 =	sshrl.u32 @!p1 s2, $0x2  }
0x49: {  	s22 =	simm.s32 @!p1 $0x8;
	s2 =	simm.s32 @!p2 $0x0;
	s20 =	sshrl.u32 @!p1 s20, $0x1  }
0x4a: {  	s23 =	sshrl.u32 @!p1 s23, $0x2;
	_ =	swait.ge @!p1 [sflag:s22], s2;
	s20 =	smul.u32 @!p1 $0x3, s20  }
0x4b: {  	s23 =	sor.u32 @!p1 $0x10508, s23;
	s24 =	ssub.s32 @!p1 $0x0, s2;
	[sflag:s22] =	ssyncset.done @!p1 $0x0  }
0x4c: {  	[sflag:s22] =	ssyncadd.s32 @!p1 s24;
	s22 =	sshrl.u32 @!p1 s17, $0x3;
	s0 =	ssub.s32 @!p1 s0, s20  }
0x4d: {  	s24 =	sand.u32 @!p1 $0x7, s17;
	s22 =	sadd.s32 @!p1 s3, s22;
	s0 =	smul.u32 @!p1 $0x3C0, s0  }
0x4e: {  	[tilespmem:s23], [sflag:$0x9] =	stream.linear.gather @!p1 [hbm4b:s22+s24], s2, $0x38;
	[tilespmem:$0x1F6E8] =	vst v63  }
0x4f: {  	s20 =	ssub.s32 @!p1 $0x9EB10, s17;
	s2 =	smul.u32 @!p1 $0x1E000, s21  }
0x50: {  	p2 =	slt.s32 @!p1 s20, $0xF0  }
0x51: {  	p2 =	por !p2, p1;
	s0 =	sshrl.u32 @!p1 s0, $0x2;
	s2 =	sshrl.u32 @!p1 s2, $0x2  }
0x52: {  	s20 =	simm.s32 @p2 $0xF0;
	s0 =	sadd.s32 @!p1 $0x10238, s0;
	s2 =	sor.u32 @!p1 $0x106E8, s2  }
0x53: {  	[tilespmem:s2], [sflag:$0x7] =	stream.indirect.gather @!p1 [hbm4b:s4+s20], $0x80, s0, s20, $0xb8;
	[tilespmem:$0x1F6E8] =	vst v63  }
0x54: {  	p1 =	slt.u32 s18, $0x2  }
.Ltmp3:
0x55: {  	_ = 	snop;
	(pc) =	sbr.rel @p1 .LBB2_21-.Ltmp3, $1  }
0x56: {  	_ =	sdelay $0x3  }
0x57: {  	p1 =	sgt.s32 s19, $0x9EA20;
	s0 =	smov.u32 s19  }
0x58: {  	s2 =	sshra.s32 s19, $0x1F;
	s20 =	ssub.s32 $0x9EB10, s19;
	s0 =	simm.s32 @!p1 $0x9EA20  }
0x59: {  	s2 =	sand.u32 s2, s19;
	p1 =	slt.s32 s20, $0xF0;
	s21 =	smov.u32 s20  }
0x5a: {  	s0 =	ssub.s32 s0, s2;
	s21 =	simm.s32 @!p1 $0xF0  }
0x5b: {  	s0 =	sadd.s32 $0xFFF615E0, s0;
	s28 =	sshll.u32 s21, $0x7  }
0x5c: {  	s29 =	sshll.u32 s0, $0x2;
	s2 =	sand.u32 $0x3FFFFF80, s28  }
0x5d: {  	p1 =	sgt.s32 s0, $0xEF;
	s30 =	ssub.s32 $0x3C0, s29;
	_ =	swait.ge [sflag:s9], s2  }
0x5e: {  	s2 =	ssub.s32 $0x0, s2;
	[sflag:s9] =	ssyncset.done $0x0;
	s0 =	sshrl.u32 s30, $0x2  }
0x5f: {  	[sflag:s9] =	ssyncadd.s32 s2;
	s0 =	simm.s32 @p1 $0x0  }
0x60: {  	_ =	swait.ge [sflag:s10], s0  }
0x61: {  	s0 =	ssub.s32 $0x0, s0;
	[sflag:s10] =	ssyncset.done $0x0  }
0x62: {  	[sflag:s10] =	ssyncadd.s32 s0  }
0x63: {  	v1 =	vld [tilespmem:$0xF208];
	_ =	sdelay $0x4  }
0x64: {  	(v2sf) =	vpush v1, $0x0  }
0x65: {  	(v2sf) =	vpush v1, $0x1  }
0x66: {  	(v2sf) =	vpush v1, $0x2;
	_ =	sdelay $0x3  }
0x67: {  	s0 =	sadd.s32 $0xF0, s19  }
0x68: {  	p1 =	slt.s32 s7, s0  }
0x69: {  	s0 =	smov.u32 @p1 s7;
	p1 =	sgt.s32 s20, $0x0  }
0x6a: {  	s23 =	ssub.s32 s0, s19;
	s20 =	simm.s32 @!p1 $0x0  }
0x6b: {  	p1 =	slt.s32 s20, s23  }
0x6c: {  	s23 =	smov.u32 @p1 s20  }
0x6d: {  	s22 =	simm.s32 $0x1;
	p1 =	slt.s32 s23, $0x1  }
.Ltmp4:
0x6e: {  	s22 =	simm.s32 @!p0 $0x0;
	(pc) =	sbr.rel @p1 .LBB2_8-.Ltmp4, $4  }
0x6f: {  	s31 =	smul.u32 $0x3C0, s22  }
0x70: {  	s24 =	spop (v2sf)  }
0x71: {  	s0 =	sshrl.u32 s31, $0x2;
	s26 =	spop (v2sf)  }
0x72: {  	s20 =	sor.u32 $0x10508, s0;
	s19 =	spop (v2sf)  }
0x73: {  	s0 =	smin.u32 s23, $0x10  }
0x74: {  	v1 =	vmov s0  }
0x75: {  	p2 =	sgt.s32 s23, $0x10;
	vm1 =	vgt.u32 v1, v0  }
.Ltmp5:
0x76: {  	_ = 	snop;
	(pc) =	sbr.rel @!p2 .LBB2_7-.Ltmp5, $2  }
0x77: {  	_ =	sdelay $0x2  }
0x78: {  	s25 =	simm.s32 $0x10;
	s28 =	sadd.s32 $0xFFFFFFF0, s23;
	s21 =	smov.u32 s20;
	vm0 =	vmmov vm1  }
.LBB2_6:
0x79: {  	s0 =	smin.u32 s28, $0x10;
	s25 =	sadd.s32 $0x10, s25;
	v1 =	vld.msk [tilespmem:s21+$0x0 ss:$0x1], vm1  }
0x7a: {  	v2 =	vmov s0;
	p2 =	slt.s32 s25, s23  }
0x7b: {  	vm1 =	vgt.u32 v2, v0  }
.Ltmp6:
0x7c: {  	(pc) =	sbr.rel @p2 .LBB2_6-.Ltmp6, $3  }
0x7d: {  	_ =	sdelay $0x1  }
0x7e: {  	v1 =	vshll.u32 v1, $0x4  }
0x7f: {  	s28 =	sadd.s32 $0xFFFFFFF0, s28;
	[tilespmem:s21+$0x0] =	vst.msk vm0, v1;
	s21 =	sadd.s32 $0x10, s21;
	vm0 =	vmmov vm1  }
.LBB2_7:
0x80: {  	_ =	sdelay $0x4  }
0x81: {  	v1 =	vld.msk [tilespmem:s21+$0x0 ss:$0x1], vm1;
	_ =	sdelay $0x4  }
0x82: {  	v1 =	vshll.u32 v1, $0x4  }
0x83: {  	[tilespmem:s21+$0x0] =	vst.msk vm0, v1  }
.LBB2_8:
0x84: {  	s0 =	sand.u32 $0x1, s18  }
0x85: {  	s0 =	smul.u32 $0xF0, s0  }
0x86: {  	p2 =	sne.s32 s26, $0xFFFFFFFF  }
0x87: {  	v1 =	vld.msk @!p2 [tilespmem:s0+$0x10508], $0x1;
	_ =	sdelay $0x4  }
0x88: {  	(v2sf) =	vpush @!p2 v1, $0x0;
	_ =	sdelay $0xc  }
.Ltmp7:
0x89: {  	_ = 	snop;
	(pc) =	sbr.rel @p1 .LBB2_19-.Ltmp7, $4  }
0x8a: {  	_ = 	snop  }
0x8b: {  	s25 =	spop @!p2 (v2sf)  }
0x8c: {  	s19 =	simm.s32 @!p2 $0x0;
	s21 =	smov.u32 s25  }
0x8d: {  	[sflag:s15] =	ssyncpa.u1 $0x0;
	s25 =	smov.u32 @p2 s24;
	s21 =	smov.u32 @p2 s26  }
0x8e: {  	v1 =	vld.msk [tilespmem:s20+$0x0], $0x1;
	_ =	sdelay $0x4  }
0x8f: {  	(v2sf) =	vpush v1, $0x0;
	_ =	sdelay $0xe  }
0x90: {  	s0 =	smul.u32 $0x1E000, s22;
	s29 =	spop (v2sf)  }
0x91: {  	s23 =	ssub.s32 $0x0, s23;
	p1 =	seq.s32 s25, s29  }
0x92: {  	s26 =	sadd.s32 $0x1, s23;
	s0 =	sshrl.u32 s0, $0x2;
	p2 =	sgt.s32 @!p1 s25, $0x0  }
0x93: {  	s22 =	sor.u32 $0x10728, s0;
	s0 =	smov.u32 s25;
	p2 =	por !p2, p1  }
0x94: {  	s0 =	simm.s32 @p2 $0x0;
	p2 =	seq.s32 s26, $0x0  }
.Ltmp8:
0x95: {  	_ = 	snop;
	(pc) =	sbr.rel @p2 .LBB2_11-.Ltmp8, $4  }
0x96: {  	_ = 	snop  }
0x97: {  	s24 =	simm.s32 $0x0;
	s28 =	sadd.s32 $0x1, s20;
	s0 =	smin.u32 @!p1 s0, $0x27FF0  }
0x98: {  	s30 =	simm.s32 @!p1 $0x1;
	s31 =	simm.s32 @!p1 $0x7988;
	s2 =	sand.u32 @!p1 $0x3FFF8, s0  }
0x99: {  	s30 =	smov.u32 @p1 s24;
	s0 =	sand.u32 @!p1 $0x7, s0;
	s2 =	sadd.s32 @!p1 s1, s2  }
.LBB2_10:
0x9a: {  	s8 =	smov.u32 s30  }
0x9b: {  	[tilespmem:s31], [sflag:$0x2] =	stream.linear.gather @!p1 [hbm4b:s2+s0], $0x80, $0x38;
	[tilespmem:$0x1F6E8] =	vst v63  }
0x9c: {  	s26 =	sadd.s32 $0x1, s26;
	s0 =	smov.u32 s29;
	v1 =	vld.msk [tilespmem:s28+$0x0], $0x1  }
0x9d: {  	p2 =	seq.s32 s26, $0x0;
	_ =	sdelay $0x3  }
0x9e: {  	(v2sf) =	vpush v1, $0x0;
	_ =	sdelay $0xe  }
0x9f: {  	s29 =	spop (v2sf)  }
0xa0: {  	p1 =	seq.s32 s0, s29  }
0xa1: {  	p3 =	sgt.s32 @!p1 s0, $0x0;
	s2 =	sshll.u32 @!p1 s30, $0x9;
	s30 =	sadd.s32 @!p1 $0x1, s30  }
.Ltmp9:
0xa2: {  	p3 =	por !p3, p1;
	s2 =	sshra.s32 @!p1 s2, $0x2;
	(pc) =	sbr.rel @!p2 .LBB2_10-.Ltmp9, $4  }
0xa3: {  	s30 =	smov.u32 @p1 s8;
	s0 =	simm.s32 @p3 $0x0;
	s31 =	sadd.s32 @!p1 $0x7988, s2  }
0xa4: {  	s0 =	smin.u32 @!p1 s0, $0x27FF0  }
0xa5: {  	s2 =	sand.u32 @!p1 $0x3FFF8, s0;
	s0 =	sand.u32 @!p1 $0x7, s0  }
0xa6: {  	s28 =	sadd.s32 $0x1, s28;
	s2 =	sadd.s32 @!p1 s1, s2  }
.LBB2_11:
0xa7: {  	[tilespmem:s31], [sflag:$0x2] =	stream.linear.gather @!p1 [hbm4b:s2+s0], $0x80, $0x38;
	[tilespmem:$0x1F6E8] =	vst v63  }
.Ltmp10:
0xa8: {  	s30 =	sshll.u32 s30, $0x7;
	(pc) =	sbr.rel .LBB2_12-.Ltmp10, $4  }
0xa9: {  	s31 =	simm.s32 $0x2;
	s0 =	sand.u32 $0x3FFFFF80, s30  }
0xaa: {  	_ =	swait.ge [sflag:s31], s0  }
0xab: {  	s0 =	ssub.s32 $0x0, s0;
	[sflag:s31] =	ssyncset.done $0x0  }
0xac: {  	s28 =	simm.s32 $0x0;
	[sflag:s31] =	ssyncadd.s32 s0  }
.LBB2_13:
0xad: {  	v1 =	vld [tilespmem:s22+$0xFFFFFFC0];
	_ =	sdelay $0x3  }
0xae: {  	s0 =	sshra.s32 s0, $0x2  }
0xaf: {  	[tilespmem:s0+$0x108] =	vst.add.f32.msk $0xffff, v1  }
0xb0: {  	v1 =	vld [tilespmem:s22+$0xFFFFFFD0];
	_ =	sdelay $0x4  }
0xb1: {  	[tilespmem:s0+$0x118] =	vst.add.f32.msk $0xffff, v1  }
0xb2: {  	v1 =	vld [tilespmem:s22+$0xFFFFFFE0];
	_ =	sdelay $0x4  }
0xb3: {  	[tilespmem:s0+$0x128] =	vst.add.f32.msk $0xffff, v1  }
0xb4: {  	v1 =	vld [tilespmem:s22+$0xFFFFFFF0];
	_ =	sdelay $0x4  }
0xb5: {  	[tilespmem:s0+$0x138] =	vst.add.f32.msk $0xffff, v1  }
0xb6: {  	v1 =	vld [tilespmem:s22+$0x0];
	_ =	sdelay $0x4  }
0xb7: {  	[tilespmem:s0+$0x148] =	vst.add.f32.msk $0xffff, v1  }
0xb8: {  	v1 =	vld [tilespmem:s22+$0x10];
	_ =	sdelay $0x4  }
0xb9: {  	[tilespmem:s0+$0x158] =	vst.add.f32.msk $0xffff, v1  }
0xba: {  	v1 =	vld [tilespmem:s22+$0x20];
	_ =	sdelay $0x4  }
0xbb: {  	[tilespmem:s0+$0x168] =	vst.add.f32.msk $0xffff, v1  }
0xbc: {  	v1 =	vld [tilespmem:s22+$0x30];
	_ =	sdelay $0x4  }
0xbd: {  	[tilespmem:s0+$0x178] =	vst.add.f32.msk $0xffff, v1  }
.LBB2_17:
0xbe: {  	s23 =	sadd.s32 $0x1, s23  }
0xbf: {  	p1 =	seq.s32 s23, $0x0  }
.Ltmp11:
0xc0: {  	_ = 	snop;
	(pc) =	sbr.rel @p1 .LBB2_18-.Ltmp11, $2  }
0xc1: {  	_ =	sdelay $0x2  }
0xc2: {  	s20 =	sadd.s32 $0x1, s20;
	s22 =	sadd.s32 $0x80, s22;
	s25 =	smov.u32 s26  }
.LBB2_12:
0xc3: {  	v1 =	vld.msk [tilespmem:s20+$0x0], $0x1;
	_ =	sdelay $0x4  }
0xc4: {  	(v2sf) =	vpush v1, $0x0;
	_ =	sdelay $0xe  }
0xc5: {  	s26 =	spop (v2sf)  }
0xc6: {  	p1 =	sne.s32 s25, s26  }
.Ltmp12:
0xc7: {  	_ = 	snop;
	(pc) =	sbr.rel @!p1 .LBB2_13-.Ltmp12, $2  }
0xc8: {  	_ =	sdelay $0x2  }
0xc9: {  	s0 =	sshll.u32 s19, $0x9  }
0xca: {  	p1 =	seq.s32 s25, s21  }
.Ltmp13:
0xcb: {  	_ = 	snop;
	(pc) =	sbr.rel @!p1 .LBB2_15-.Ltmp13, $1  }
0xcc: {  	_ =	sdelay $0x3  }
0xcd: {  	s0 =	sshra.s32 s0, $0x2  }
.Ltmp14:
0xce: {  	s0 =	sadd.s32 $0x108, s0;
	(pc) =	sbr.rel .LBB2_16-.Ltmp14, $4  }
0xcf: {  	[spmem:s13] =	stream.linear.scatter [tilespmem:s0], [sflag:$0x1], $0x80, $0x38;
	[tilespmem:$0x1F6E8] =	vst v63  }
0xd0: {  	_ =	swait.ge [sflag:s11], $0x80  }
0xd1: {  	[sflag:s11] =	ssyncset.done $0x0  }
0xd2: {  	[sflag:s11] =	ssyncadd.s32 $0xFFFFFF80  }
.LBB2_15:
0xd3: {  	s2 =	sshll.u32 s24, $0x9  }
0xd4: {  	s2 =	sshra.s32 s2, $0x2  }
0xd5: {  	v1 =	vld [tilespmem:s2+$0x7988];
	_ =	sdelay $0x3  }
0xd6: {  	s0 =	sshra.s32 s0, $0x2  }
0xd7: {  	[tilespmem:s0+$0x108] =	vst.add.f32.msk $0xffff, v1  }
0xd8: {  	v1 =	vld [tilespmem:s2+$0x7998];
	_ =	sdelay $0x4  }
0xd9: {  	[tilespmem:s0+$0x118] =	vst.add.f32.msk $0xffff, v1  }
0xda: {  	v1 =	vld [tilespmem:s2+$0x79A8];
	_ =	sdelay $0x4  }
0xdb: {  	[tilespmem:s0+$0x128] =	vst.add.f32.msk $0xffff, v1  }
0xdc: {  	v1 =	vld [tilespmem:s2+$0x79B8];
	_ =	sdelay $0x4  }
0xdd: {  	[tilespmem:s0+$0x138] =	vst.add.f32.msk $0xffff, v1  }
0xde: {  	v1 =	vld [tilespmem:s2+$0x79C8];
	_ =	sdelay $0x4  }
0xdf: {  	[tilespmem:s0+$0x148] =	vst.add.f32.msk $0xffff, v1  }
0xe0: {  	v1 =	vld [tilespmem:s2+$0x79D8];
	_ =	sdelay $0x4  }
0xe1: {  	[tilespmem:s0+$0x158] =	vst.add.f32.msk $0xffff, v1  }
0xe2: {  	v1 =	vld [tilespmem:s2+$0x79E8];
	_ =	sdelay $0x4  }
0xe3: {  	[tilespmem:s0+$0x168] =	vst.add.f32.msk $0xffff, v1  }
0xe4: {  	v1 =	vld [tilespmem:s2+$0x79F8];
	_ =	sdelay $0x2  }
0xe5: {  	p1 =	sgt.u32 s25, $0x27FF0  }
0xe6: {  	s2 =	sand.u32 @!p1 $0x3FFF8, s25  }
0xe7: {  	s8 =	sadd.s32 $0x108, s0;
	[tilespmem:s0+$0x178] =	vst.add.f32.msk $0xffff, v1;
	s0 =	sadd.s32 @!p1 s1, s2;
	s2 =	sand.u32 @!p1 $0x7, s25  }
0xe8: {  	[hbm4b:s0+s2] =	stream.linear.scatter @!p1 [tilespmem:s8], [sflag:$0xA], $0x80, $0x38;
	[tilespmem:$0x1F6E8] =	vst v63  }
0xe9: {  	s0 =	simm.s32 $0x0  }
0xea: {  	s0 =	simm.s32 @!p1 $0x200  }
0xeb: {  	s28 =	sadd.s32 s0, s28  }
.LBB2_16:
0xec: {  	s0 =	sadd.s32 $0x1, s19  }
0xed: {  	s2 =	smulhi.u32 $0x88888889, s0;
	_ =	sdelay $0x1  }
0xee: {  	v1 =	vld [tilespmem:s22+$0xFFFFFFC0];
	s2 =	sshrl.u32 s2, $0x7  }
0xef: {  	s2 =	smul.u32 $0xF0, s2;
	_ =	sdelay $0x1  }
0xf0: {  	s19 =	ssub.s32 s0, s2  }
0xf1: {  	s0 =	sshll.u32 s19, $0x7  }
0xf2: {  	[tilespmem:s0+$0x108] =	vst v1  }
0xf3: {  	v1 =	vld [tilespmem:s22+$0xFFFFFFD0];
	_ =	sdelay $0x4  }
0xf4: {  	[tilespmem:s0+$0x118] =	vst v1  }
0xf5: {  	v1 =	vld [tilespmem:s22+$0xFFFFFFE0];
	_ =	sdelay $0x4  }
0xf6: {  	[tilespmem:s0+$0x128] =	vst v1  }
0xf7: {  	v1 =	vld [tilespmem:s22+$0xFFFFFFF0];
	_ =	sdelay $0x4  }
0xf8: {  	[tilespmem:s0+$0x138] =	vst v1  }
0xf9: {  	v1 =	vld [tilespmem:s22+$0x0];
	_ =	sdelay $0x4  }
0xfa: {  	[tilespmem:s0+$0x148] =	vst v1  }
0xfb: {  	v1 =	vld [tilespmem:s22+$0x10];
	_ =	sdelay $0x4  }
0xfc: {  	[tilespmem:s0+$0x158] =	vst v1  }
0xfd: {  	v1 =	vld [tilespmem:s22+$0x20];
	_ =	sdelay $0x4  }
0xfe: {  	[tilespmem:s0+$0x168] =	vst v1  }
0xff: {  	v1 =	vld [tilespmem:s22+$0x30]  }
.Ltmp15:
0x100: {  	_ = 	snop;
	(pc) =	sbr.rel .LBB2_17-.Ltmp15, $2  }
0x101: {  	_ =	sdelay $0x2  }
0x102: {  	s24 =	sadd.s32 $0x1, s24;
	[tilespmem:s0+$0x178] =	vst v1  }
.LBB2_19:
.Ltmp16:
0x103: {  	(pc) =	sbr.rel .LBB2_20-.Ltmp16, $4  }
0x104: {  	_ = 	snop  }
0x105: {  	s0 =	simm.s32 $0x2  }
0x106: {  	_ =	swait.ge [sflag:s0], $0x0  }
0x107: {  	s26 =	smov.u32 s25;
	[sflag:s0] =	ssyncset.done $0x0;
	s0 =	simm.s32 $0x0  }
.LBB2_22:
0x108: {  	_ =	sfence.sel $0x180000  }
0x109: {  	s0 =	simm.s32 $0x7;
	[bflag:$0x0] =	sbarrier.arrive $0xFFFF  }
0x10a: {  	s25 =	simm.s32 $0x8;
	[sflag:s0] =	ssyncpa.u1 $0x1  }
0x10b: {  	s26 =	simm.s32 $0x9;
	[sflag:s25] =	ssyncpa.u1 $0x1  }
0x10c: {  	s28 =	simm.s32 $0x2;
	[sflag:s26] =	ssyncpa.u1 $0x1  }
0x10d: {  	[sflag:s28] =	ssyncpa.u1 $0x1  }
0x10e: {  	v0 =	vld [tilespmem:$0xF208];
	_ =	sdelay $0x4  }
0x10f: {  	(v2sf) =	vpush v0, $0x0  }
0x110: {  	(v2sf) =	vpush v0, $0x1;
	_ =	sdelay $0x1  }
0x111: {  	(v2sf) =	vpush v0, $0x2;
	_ =	sdelay $0xb  }
0x112: {  	s0 =	spop (v2sf)  }
0x113: {  	s2 =	spop (v2sf)  }
0x114: {  	s3 =	smov.u32 s0;
	p0 =	sne.s32 s0, s2  }
0x115: {  	s4 =	spop (v2sf);
	s3 =	simm.s32 @!p0 $0xFFFFFFFF  }
0x116: {  	v2 =	vimm.s32 $0x1;
	v3 =	vlaneseq.u32;
	p0 =	seq.s32 s4, $0xFFFFFFFF;
	v1 =	vmov s3  }
0x117: {  	s7 =	stileid.u32;
	v0 =	vperm.xlane v0, v2;
	p1 =	sne.s32 @!p0 s0, s2;
	v1 =	vperm.xlane v1, v3  }
0x118: {  	vm0 =	vcmask $0x3F04;
	s6 =	simm.s32 $0xF208;
	s0 =	simm.s32 @!p0 $0x1;
	p1 =	por !p1, p0  }
0x119: {  	s3 =	sshll.u32 s7, $0x1;
	s2 =	sshll.u32 @!p0 s4, $0x9;
	s0 =	simm.s32 @p1 $0x0;
	v0 =	vsel vm0, v1, v0  }
0x11a: {  	s5 =	sor.u32 $0x1000, s3;
	s2 =	sshra.s32 @!p0 s2, $0x2;
	s0 =	sor.u32 @!p0 s0, s3;
	[tilespmem:$0xF208] =	vst v0  }
0x11b: {  	[spmem:s5] =	stream.linear.scatter [tilespmem:s6], [sflag:$0x1], $0x2, $0x38;
	[tilespmem:$0x1F6E8] =	vst v63  }
0x11c: {  	s2 =	sadd.s32 @!p0 $0x108, s2;
	s0 =	sshll.u32 @!p0 s0, $0x7  }
0x11d: {  	[spmem:s0] =	stream.linear.scatter @!p0 [tilespmem:s2], [sflag:$0x1], $0x80, $0x38;
	[tilespmem:$0x1F6E8] =	vst v63  }
0x11e: {  	s0 =	simm.s32 @!p0 $0x82  }
0x11f: {  	s3 =	simm.s32 $0x1;
	s0 =	simm.s32 @p0 $0x2  }
0x120: {  	_ =	swait.ge [sflag:s3], s0  }
0x121: {  	s0 =	ssub.s32 $0x0, s0;
	[sflag:s3] =	ssyncset.done $0x0  }
0x122: {  	[sflag:s3] =	ssyncadd.s32 s0  }
0x123: {  	_ =	sfence.stream.spmem  }
0x124: {  	s29 =	simm.s32 $0x3;
	[bflag:$0x0] =	sbarrier.arrive $0xFFFF  }
0x125: {  	s30 =	simm.s32 $0x4;
	[sflag:s29] =	ssyncpa.u1 $0x1  }
0x126: {  	s31 =	simm.s32 $0x3C;
	[sflag:s30] =	ssyncpa.u1 $0x1  }
0x127: {  	p0 =	sne.s32 s7, $0x0;
	[sflag:s31] =	ssyncpa.u1 $0x1  }
0x128: {  	_ =	sfence @p0  }
0x129: {  	[sflag:s3] =	ssyncpa.u1 @p0 $0x1  }
0x12a: {  	_ =	strace @p0 $0x90000050  }
0x12b: {  	[bflag:$0x2] =	sbarrier.arrive @p0 $0xFFFF  }
0x12c: {  	_ =	shalt @p0  }
.LBB2_23:
0x12d: {  	_ =	sfence.stream.spmem;
	s0 =	simm.s32 $0x5  }
0x12e: {  	s2 =	simm.s32 $0x1000;
	s3 =	simm.s32 $0xF218;
	[sflag:s0] =	ssyncpa.u1 $0x0  }
0x12f: {  	[tilespmem:s3], [sflag:$0x5] =	stream.linear.gather [spmem:s2], $0x20, $0x38;
	[tilespmem:$0x1F6E8] =	vst v63  }
0x130: {  	s30 =	simm.s32 $0xF238;
	s2 =	simm.s32 $0x0  }
0x131: {  	[tilespmem:s30], [sflag:$0x5] =	stream.linear.gather [spmem:s2], $0x1000, $0x38;
	[tilespmem:$0x1F6E8] =	vst v63  }
.Ltmp17:
0x132: {  	_ = 	snop;
	(pc) =	sbr.rel .LBB2_24-.Ltmp17, $4  }
0x133: {  	_ =	swait.ge [sflag:s0], $0x1020  }
0x134: {  	[sflag:s0] =	ssyncset.done $0x0  }
0x135: {  	s31 =	simm.s32 $0x6;
	[sflag:s0] =	ssyncadd.s32 $0xFFFFEFE0  }
0x136: {  	s3 =	simm.s32 $0x0;
	[sflag:s31] =	ssyncpa.u1 $0x0  }
.LBB2_30:
0x137: {  	p0 =	slt.u32 s4, $0x27FF1  }
0x138: {  	s0 =	sand.u32 @p0 $0x3FFF8, s4  }
0x139: {  	s4 =	sand.u32 @p0 $0x7, s4;
	s5 =	simm.s32 @p0 $0xF188;
	s0 =	sadd.s32 @p0 s1, s0  }
0x13a: {  	[tilespmem:s5], [sflag:$0x6] =	stream.linear.gather @p0 [hbm4b:s0+s4], $0x80, $0x38;
	[tilespmem:$0x1F6E8] =	vst v63  }
0x13b: {  	s0 =	simm.s32 @p0 $0x6  }
0x13c: {  	_ =	swait.ge @p0 [sflag:s0], $0x80  }
0x13d: {  	[sflag:s0] =	ssyncset.done @p0 $0x0  }
0x13e: {  	[sflag:s0] =	ssyncadd.s32 @p0 $0xFFFFFF80  }
0x13f: {  	v1 =	vld @p0 [tilespmem:$0xF188];
	_ =	sdelay $0x2  }
0x140: {  	s0 =	sshll.u32 @p0 s3, $0x9  }
0x141: {  	s4 =	sshrl.u32 @p0 s0, $0x2  }
0x142: {  	[tilespmem:s4+$0xF238] =	vst.add.f32.msk @p0 $0xffff, v1  }
0x143: {  	v1 =	vld @p0 [tilespmem:$0xF198];
	_ =	sdelay $0x4  }
0x144: {  	[tilespmem:s4+$0xF248] =	vst.add.f32.msk @p0 $0xffff, v1  }
0x145: {  	v1 =	vld @p0 [tilespmem:$0xF1A8];
	_ =	sdelay $0x4  }
0x146: {  	[tilespmem:s4+$0xF258] =	vst.add.f32.msk @p0 $0xffff, v1  }
0x147: {  	v1 =	vld @p0 [tilespmem:$0xF1B8];
	_ =	sdelay $0x4  }
0x148: {  	[tilespmem:s4+$0xF268] =	vst.add.f32.msk @p0 $0xffff, v1  }
0x149: {  	v1 =	vld @p0 [tilespmem:$0xF1C8];
	_ =	sdelay $0x4  }
0x14a: {  	[tilespmem:s4+$0xF278] =	vst.add.f32.msk @p0 $0xffff, v1  }
0x14b: {  	v1 =	vld @p0 [tilespmem:$0xF1D8];
	_ =	sdelay $0x4  }
0x14c: {  	[tilespmem:s4+$0xF288] =	vst.add.f32.msk @p0 $0xffff, v1  }
0x14d: {  	v1 =	vld @p0 [tilespmem:$0xF1E8];
	_ =	sdelay $0x4  }
0x14e: {  	[tilespmem:s4+$0xF298] =	vst.add.f32.msk @p0 $0xffff, v1  }
0x14f: {  	v1 =	vld @p0 [tilespmem:$0xF1F8];
	_ =	sdelay $0x3  }
0x150: {  	s5 =	sshll.u32 @!p0 s3, $0x9  }
0x151: {  	s5 =	smov.u32 @p0 s0;
	[tilespmem:s4+$0xF2A8] =	vst.add.f32.msk @p0 $0xffff, v1  }
0x152: {  	s0 =	sshrl.u32 s5, $0x2;
	[tilespmem:s2+$0xF218] =	vst.msk $0x1, v0  }
0x153: {  	v0 =	vld [tilespmem:s0+$0xF238];
	_ =	sdelay $0x2  }
0x154: {  	s31 =	sshll.u32 s2, $0x9  }
0x155: {  	s4 =	sshra.s32 s31, $0x2  }
0x156: {  	[tilespmem:s4+$0xF238] =	vst v0  }
0x157: {  	v0 =	vld [tilespmem:s0+$0xF248];
	_ =	sdelay $0x4  }
0x158: {  	[tilespmem:s4+$0xF248] =	vst v0  }
0x159: {  	v0 =	vld [tilespmem:s0+$0xF258];
	_ =	sdelay $0x4  }
0x15a: {  	[tilespmem:s4+$0xF258] =	vst v0  }
0x15b: {  	v0 =	vld [tilespmem:s0+$0xF268];
	_ =	sdelay $0x4  }
0x15c: {  	[tilespmem:s4+$0xF268] =	vst v0  }
0x15d: {  	v0 =	vld [tilespmem:s0+$0xF278];
	_ =	sdelay $0x4  }
0x15e: {  	[tilespmem:s4+$0xF278] =	vst v0  }
0x15f: {  	v0 =	vld [tilespmem:s0+$0xF288];
	_ =	sdelay $0x4  }
0x160: {  	[tilespmem:s4+$0xF288] =	vst v0  }
0x161: {  	v0 =	vld [tilespmem:s0+$0xF298];
	_ =	sdelay $0x4  }
0x162: {  	[tilespmem:s4+$0xF298] =	vst v0  }
0x163: {  	v0 =	vld [tilespmem:s0+$0xF2A8];
	_ =	sdelay $0x4  }
0x164: {  	s2 =	sadd.s32 $0x1, s2;
	[tilespmem:s4+$0xF2A8] =	vst v0  }
.LBB2_31:
0x165: {  	s3 =	sadd.s32 $0x1, s3  }
0x166: {  	p0 =	sne.s32 s3, $0x20  }
.Ltmp18:
0x167: {  	_ = 	snop;
	(pc) =	sbr.rel @!p0 .LBB2_32-.Ltmp18, $1  }
0x168: {  	_ =	sdelay $0x3  }
.LBB2_24:
0x169: {  	v0 =	vld.msk [tilespmem:s3+$0xF218], $0x1;
	_ =	sdelay $0x4  }
0x16a: {  	(v2sf) =	vpush v0, $0x0;
	_ =	sdelay $0xe  }
0x16b: {  	s4 =	spop (v2sf)  }
0x16c: {  	p0 =	seq.s32 s4, $0xFFFFFFFF  }
.Ltmp19:
0x16d: {  	_ = 	snop;
	(pc) =	sbr.rel @p0 .LBB2_31-.Ltmp19, $1  }
0x16e: {  	_ =	sdelay $0x3  }
0x16f: {  	p0 =	slt.s32 s2, $0x1  }
.Ltmp20:
0x170: {  	_ = 	snop;
	(pc) =	sbr.rel @p0 .LBB2_30-.Ltmp20, $1  }
0x171: {  	_ =	sdelay $0x3  }
0x172: {  	s5 =	simm.s32 $0xF218;
	p0 =	por $0x0, $0x0  }
0x173: {  	v1 =	vld.msk @!p0 [tilespmem:s5+$0x0], $0x1;
	_ =	sdelay $0x4  }
0x174: {  	(v2sf) =	vpush @!p0 v1, $0x0;
	_ =	sdelay $0xd  }
0x175: {  	p2 =	sne.s32 s2, $0x1  }
.Ltmp21:
0x176: {  	s0 =	spop @!p0 (v2sf);
	(pc) =	sbr.rel @!p2 .LBB2_28-.Ltmp21, $4  }
0x177: {  	p1 =	seq.s32 @!p0 s4, s0  }
0x178: {  	s6 =	simm.s32 $0x0;
	p1 =	por !p1, p0  }
0x179: {  	s0 =	simm.s32 $0xFFFFFFFF;
	s6 =	simm.s32 @p1 $0xFFFFFFFF  }
0x17a: {  	s7 =	simm.s32 $0x1;
	s6 =	smov.u32 @p0 s0  }
.LBB2_27:
0x17b: {  	s0 =	smov.u32 s6;
	p0 =	sne.s32 s6, $0xFFFFFFFF  }
0x17c: {  	s5 =	sadd.s32 $0x1, s5;
	s6 =	smov.u32 s7;
	s7 =	sadd.s32 $0x1, s7  }
0x17d: {  	p1 =	sne.s32 s2, s7;
	v1 =	vld.msk @!p0 [tilespmem:s5+$0x0], $0x1;
	_ =	sdelay $0x4  }
0x17e: {  	(v2sf) =	vpush @!p0 v1, $0x0;
	_ =	sdelay $0xe  }
.Ltmp22:
0x17f: {  	s8 =	spop @!p0 (v2sf);
	(pc) =	sbr.rel @p1 .LBB2_27-.Ltmp22, $4  }
0x180: {  	p2 =	seq.s32 @!p0 s4, s8  }
0x181: {  	p2 =	por !p2, p0  }
0x182: {  	s6 =	simm.s32 @p2 $0xFFFFFFFF  }
0x183: {  	s6 =	smov.u32 @p0 s0  }
.LBB2_28:
0x184: {  	p0 =	seq.s32 s6, $0xFFFFFFFF  }
.Ltmp23:
0x185: {  	_ = 	snop;
	(pc) =	sbr.rel @p0 .LBB2_30-.Ltmp23, $1  }
0x186: {  	_ =	sdelay $0x3  }
0x187: {  	s0 =	sshll.u32 s3, $0x7  }
0x188: {  	s0 =	sand.u32 $0x3FFFFF80, s0  }
0x189: {  	v0 =	vld [tilespmem:s0+$0xF238];
	_ =	sdelay $0x2  }
0x18a: {  	s4 =	sshll.u32 s6, $0x9  }
0x18b: {  	s4 =	sshra.s32 s4, $0x2  }
0x18c: {  	[tilespmem:s4+$0xF238] =	vst.add.f32.msk $0xffff, v0  }
0x18d: {  	v0 =	vld [tilespmem:s0+$0xF248];
	_ =	sdelay $0x4  }
0x18e: {  	[tilespmem:s4+$0xF248] =	vst.add.f32.msk $0xffff, v0  }
0x18f: {  	v0 =	vld [tilespmem:s0+$0xF258];
	_ =	sdelay $0x4  }
0x190: {  	[tilespmem:s4+$0xF258] =	vst.add.f32.msk $0xffff, v0  }
0x191: {  	v0 =	vld [tilespmem:s0+$0xF268];
	_ =	sdelay $0x4  }
0x192: {  	[tilespmem:s4+$0xF268] =	vst.add.f32.msk $0xffff, v0  }
0x193: {  	v0 =	vld [tilespmem:s0+$0xF278];
	_ =	sdelay $0x4  }
0x194: {  	[tilespmem:s4+$0xF278] =	vst.add.f32.msk $0xffff, v0  }
0x195: {  	v0 =	vld [tilespmem:s0+$0xF288];
	_ =	sdelay $0x4  }
0x196: {  	[tilespmem:s4+$0xF288] =	vst.add.f32.msk $0xffff, v0  }
0x197: {  	v0 =	vld [tilespmem:s0+$0xF298];
	_ =	sdelay $0x4  }
0x198: {  	[tilespmem:s4+$0xF298] =	vst.add.f32.msk $0xffff, v0  }
0x199: {  	v0 =	vld [tilespmem:s0+$0xF2A8]  }
.Ltmp24:
0x19a: {  	_ = 	snop;
	(pc) =	sbr.rel .LBB2_31-.Ltmp24, $2  }
0x19b: {  	_ =	sdelay $0x2  }
0x19c: {  	[tilespmem:s4+$0xF2A8] =	vst.add.f32.msk $0xffff, v0  }
.LBB2_32:
0x19d: {  	p0 =	slt.s32 s2, $0x1  }
.Ltmp25:
0x19e: {  	_ = 	snop;
	(pc) =	sbr.rel @p0 .LBB2_36-.Ltmp25, $3  }
0x19f: {  	_ =	sdelay $0x1  }
0x1a0: {  	s0 =	simm.s32 $0x6  }
0x1a1: {  	s3 =	simm.s32 $0x0;
	[sflag:s0] =	ssyncpa.u1 $0x1  }
0x1a2: {  	s0 =	simm.s32 $0xF218  }
0x1a3: {  	v0 =	vld.msk [tilespmem:s0+$0x0], $0x1;
	_ =	sdelay $0x4  }
0x1a4: {  	(v2sf) =	vpush v0, $0x0;
	_ =	sdelay $0xd  }
0x1a5: {  	s2 =	sadd.s32 $0xFFFFFFFF, s2  }
0x1a6: {  	p1 =	sne.s32 s2, $0x0;
	s0 =	spop (v2sf)  }
.Ltmp26:
0x1a7: {  	p0 =	sgt.u32 s0, $0x27FF0;
	(pc) =	sbr.rel @!p1 .LBB2_35-.Ltmp26, $4  }
0x1a8: {  	s4 =	simm.s32 $0xF238;
	s5 =	sand.u32 @!p0 $0x3FFF8, s0  }
0x1a9: {  	s6 =	simm.s32 $0x0;
	s0 =	sand.u32 @!p0 $0x7, s0;
	s5 =	sadd.s32 @!p0 s1, s5  }
0x1aa: {  	[hbm4b:s5+s0] =	stream.linear.scatter @!p0 [tilespmem:s4], [sflag:$0x5], $0x80, $0x38;
	[tilespmem:$0x1F6E8] =	vst v63  }
0x1ab: {  	s6 =	simm.s32 @!p0 $0x200;
	s5 =	simm.s32 $0xF219  }
.LBB2_34:
0x1ac: {  	v0 =	vld.msk [tilespmem:s5+$0x0], $0x1;
	s2 =	sadd.s32 $0xFFFFFFFF, s2;
	s3 =	sadd.s32 s3, s6  }
0x1ad: {  	p0 =	sne.s32 s2, $0x0;
	_ =	sdelay $0x3  }
0x1ae: {  	(v2sf) =	vpush v0, $0x0;
	_ =	sdelay $0xe  }
.Ltmp27:
0x1af: {  	s0 =	spop (v2sf);
	(pc) =	sbr.rel @p0 .LBB2_34-.Ltmp27, $4  }
0x1b0: {  	s6 =	simm.s32 $0x0;
	p1 =	sgt.u32 s0, $0x27FF0  }
0x1b1: {  	s4 =	sadd.s32 $0x80, s4;
	s6 =	simm.s32 @!p1 $0x200;
	s7 =	sand.u32 @!p1 $0x3FFF8, s0  }
0x1b2: {  	s5 =	sadd.s32 $0x1, s5;
	s0 =	sand.u32 @!p1 $0x7, s0;
	s7 =	sadd.s32 @!p1 s1, s7  }
0x1b3: {  	[hbm4b:s7+s0] =	stream.linear.scatter @!p1 [tilespmem:s4], [sflag:$0x5], $0x80, $0x38;
	[tilespmem:$0x1F6E8] =	vst v63  }
.LBB2_35:
0x1b4: {  	s0 =	sadd.s32 s3, s6  }
0x1b5: {  	s3 =	sshrl.u32 s0, $0x2  }
.LBB2_36:
0x1b6: {  	s0 =	simm.s32 $0x5  }
0x1b7: {  	_ =	swait.ge [sflag:s0], s3  }
0x1b8: {  	s1 =	ssub.s32 $0x0, s3;
	[sflag:s0] =	ssyncset.done $0x0  }
0x1b9: {  	[sflag:s0] =	ssyncadd.s32 s1  }
0x1ba: {  	[sflag:s0] =	ssyncpa.u1 $0x1  }
0x1bb: {  	s30 =	simm.s32 $0x1;
	_ =	sfence  }
0x1bc: {  	[sflag:s30] =	ssyncpa.u1 $0x1  }
0x1bd: {  	_ =	strace $0x90000050  }
0x1be: {  	[bflag:$0x2] =	sbarrier.arrive $0xFFFF  }
0x1bf: {  	s31 =	rddreg [dreg:$0x1]  }
0x1c0: {  	s0 =	sadd.s32 $0x100000, s31  }
0x1c1: {  	[sflag:s0] =	ssyncadd.tile.s32 $0x1;
	_ =	shalt  }
.Lfunc_end2:
_tile_overlayer_lowered:
.L_overlay_start_2:
0x1c2: {  	(tag) =	ssettag $0x2  }
0x1c3: {  	s0 =	rddreg [dreg:$0x0];
	s2 =	stileid.u32  }
0x1c4: {  	s1 =	rddreg [dreg:$0x1];
	p0 =	sne.s32 s2, $0x0  }
0x1c5: {  	s3 =	rddreg [dreg:$0x2];
	[bflag:$0x3] =	sbarrier.arrive $0xFFFF;
	s2 =	simm.s32 @!p0 $0x1C01  }
0x1c6: {  	[timem:s3], [sflag:s2] =	dma.local @!p0 [hbm:s0], s1  }
0x1c7: {  	s0 =	simm.s32 @!p0 $0x1  }
0x1c8: {  	_ =	swait.ge @!p0 [sflag:s0], s1  }
0x1c9: {  	s1 =	ssub.s32 @!p0 $0x0, s1;
	[sflag:s0] =	ssyncset.done @!p0 $0x0  }
0x1ca: {  	[sflag:s0] =	ssyncadd.s32 @!p0 s1  }
0x1cb: {  	[bflag:$0x3] =	sbarrier.arrive $0xFFFF  }
0x1cc: {  	_ =	shalt  }

// kernel: scatter_offload_async_start
scs
__scs_entry_jumppad:
0x0: {  	(pc) =	sbr.rel $0x88, $3  }
0x1: {  	(tag) =	ssettag $0x0;
	lr =	simm.s32 $0x1  }
0x2: {  	[smem:$0x3F93] =	sst lr;
	_ =	strace $0xD0000000  }
0x3: {  	_ = 	snop  }
0x4: {  	_ = 	snop  }
0x5: {  	_ = 	snop  }
0x6: {  	_ = 	snop  }
0x7: {  	_ = 	snop  }
__scs_overlays_trampoline_lowered:
0x8: {  	[smem:$0x3FA2] =	sst s0  }
0x9: {  	[smem:$0x3FA3] =	sst s1  }
0xa: {  	[smem:$0x3FA4] =	sst s2  }
0xb: {  	[smem:$0x3FA5] =	sst s3  }
0xc: {  	[smem:$0x3FA6] =	sst s4  }
0xd: {  	[smem:$0x3FA7] =	sst s5  }
0xe: {  	[smem:$0x3FA8] =	sst s6  }
0xf: {  	[smem:$0x3FA9] =	sst s7  }
0x10: {  	[smem:$0x3FAA] =	sst s8  }
0x11: {  	[smem:$0x3FAB] =	sst s9;
	s0 =	simm.s32 @!p0 $0x0  }
0x12: {  	s1 =	sld [smem:$0x3F91];
	s0 =	simm.s32 @p0 $0x1  }
0x13: {  	[smem:$0x3FAC] =	sst s0;
	s0 =	simm.s32 @!p1 $0x0  }
0x14: {  	s2 =	sld [smem:$0x3F90];
	s0 =	simm.s32 @p1 $0x1  }
0x15: {  	[smem:$0x3FAD] =	sst s0;
	s0 =	simm.s32 @!p2 $0x0  }
0x16: {  	s3 =	sld [smem:$0x3FDB];
	s0 =	simm.s32 @p2 $0x1  }
0x17: {  	s4 =	simm.s32 $0x1BF5;
	[smem:$0x3FAF] =	sst s0  }
0x18: {  	s0 =	sld [smem:$0x3F92];
	_ =	swait.ge [sflag:s4], $0x0  }
0x19: {  	s7 =	sld [smem:$0x3F93]  }
0x1a: {  	s8 =	sadd.s32 $0xFFFFE003, lr  }
0x1b: {  	s9 =	sadd.s32 $0xFFFFFEF7, lr;
	s5 =	simm.s32 $0xFFFFFFFF;
	p2 =	slt.u32 s8, $0xFFFFF086  }
0x1c: {  	p1 =	slt.u32 s9, $0xF7A;
	s5 =	simm.s32 @!p2 $0x0  }
0x1d: {  	s5 =	simm.s32 @p1 $0x1;
	p0 =	seq.s32 s7, s2  }
0x1e: {  	s7 =	smul.u32 @!p0 $0xF7A, s2;
	p2 =	seq.s32 @!p0 s5, $0x0  }
0x1f: {  	s9 =	smul.u32 $0xF7A, s1;
	s8 =	simm.s32 @!p0 $0x1BF5;
	p2 =	por !p2, p0  }
0x20: {  	[sflag:s8] =	ssyncset.s32 @!p0 $0xFFFFF086;
	s6 =	sadd.s32 @!p0 s3, s7;
	s7 =	simm.s32 @!p0 $0x108  }
0x21: {  	s3 =	sadd.s32 s3, s9;
	s6 =	sadd.s32 @!p0 $0x88, s6;
	s7 =	simm.s32 @p2 $0x1082  }
0x22: {  	[simem:s7], [sflag:s8] =	dma.local @!p0 [hbm:s6], $0xF7A  }
0x23: {  	s9 =	sor.u32 $0xD0000000, s2;
	s6 =	simm.s32 $0x108;
	_ =	swait.ge @!p0 [sflag:s8], $0x0  }
0x24: {  	s3 =	sadd.s32 $0x88, s3;
	s6 =	simm.s32 @!p1 $0x1082;
	[sflag:s4] =	ssyncset.s32 $0xFFFFF086  }
0x25: {  	[simem:s6], [sflag:s4] =	dma.local [hbm:s3], $0xF7A  }
0x26: {  	[smem:$0x3F93] =	sst s1;
	(tag) =	ssettag s2;
	_ =	strace s9  }
0x27: {  	s1 =	sld [smem:$0x3FA3]  }
0x28: {  	s2 =	sld [smem:$0x3FA4]  }
0x29: {  	s4 =	sld [smem:$0x3FA6]  }
0x2a: {  	p0 =	seq.s32 s5, $0x0;
	s5 =	sld [smem:$0x3FA7]  }
0x2b: {  	s6 =	sld [smem:$0x3FA8]  }
0x2c: {  	s7 =	sld [smem:$0x3FA9]  }
0x2d: {  	s3 =	simm.s32 $0x108;
	s8 =	sld [smem:$0x3FAA]  }
0x2e: {  	s3 =	simm.s32 @!p0 $0x1082;
	s9 =	sld [smem:$0x3FAB]  }
0x2f: {  	lr =	sadd.s32 s0, s3;
	s0 =	sld [smem:$0x3FA2]  }
0x30: {  	s3 =	sld [smem:$0x3FA5]  }
0x31: {  	[smem:$0x3FAE] =	sst s10  }
0x32: {  	s10 =	sld [smem:$0x3FAC];
	_ =	sdelay $0x3  }
0x33: {  	p0 =	seq.s32 s10, $0x1;
	s10 =	sld [smem:$0x3FAE];
	_ =	sdelay $0x3  }
0x34: {  	[smem:$0x3FAE] =	sst s10  }
0x35: {  	s10 =	sld [smem:$0x3FAD];
	_ =	sdelay $0x3  }
0x36: {  	p1 =	seq.s32 s10, $0x1;
	s10 =	sld [smem:$0x3FAE];
	_ =	sdelay $0x3  }
0x37: {  	[smem:$0x3FAE] =	sst s10  }
0x38: {  	s10 =	sld [smem:$0x3FAF]  }
0x39: {  	_ = 	snop;
	(pc) =	sbr.ind lr, $3  }
0x3a: {  	_ = 	snop  }
0x3b: {  	_ = 	snop  }
0x3c: {  	p2 =	seq.s32 s10, $0x1;
	s10 =	sld [smem:$0x3FAE]  }
0x3d: {  	_ =	shalt  }
0x3e: {  	_ =	shalt  }
0x3f: {  	_ =	shalt  }
0x40: {  	_ =	shalt  }
0x41: {  	_ =	shalt  }
0x42: {  	_ =	shalt  }
0x43: {  	_ =	shalt  }
0x44: {  	_ =	shalt  }
0x45: {  	_ =	shalt  }
0x46: {  	_ =	shalt  }
0x47: {  	_ =	shalt  }
0x48: {  	_ =	shalt  }
0x49: {  	_ =	shalt  }
0x4a: {  	_ =	shalt  }
0x4b: {  	_ =	shalt  }
0x4c: {  	_ =	shalt  }
0x4d: {  	_ =	shalt  }
0x4e: {  	_ =	shalt  }
0x4f: {  	_ =	shalt  }
0x50: {  	_ =	shalt  }
0x51: {  	_ =	shalt  }
0x52: {  	_ =	shalt  }
0x53: {  	_ =	shalt  }
0x54: {  	_ =	shalt  }
0x55: {  	_ =	shalt  }
0x56: {  	_ =	shalt  }
0x57: {  	_ =	shalt  }
0x58: {  	_ =	shalt  }
0x59: {  	_ =	shalt  }
0x5a: {  	_ =	shalt  }
0x5b: {  	_ =	shalt  }
0x5c: {  	_ =	shalt  }
0x5d: {  	_ =	shalt  }
0x5e: {  	_ =	shalt  }
0x5f: {  	_ =	shalt  }
0x60: {  	_ =	shalt  }
0x61: {  	_ =	shalt  }
0x62: {  	_ =	shalt  }
0x63: {  	_ =	shalt  }
0x64: {  	_ =	shalt  }
0x65: {  	_ =	shalt  }
0x66: {  	_ =	shalt  }
0x67: {  	_ =	shalt  }
0x68: {  	_ =	shalt  }
0x69: {  	_ =	shalt  }
0x6a: {  	_ =	shalt  }
0x6b: {  	_ =	shalt  }
0x6c: {  	_ =	shalt  }
0x6d: {  	_ =	shalt  }
0x6e: {  	_ =	shalt  }
0x6f: {  	_ =	shalt  }
0x70: {  	_ =	shalt  }
0x71: {  	_ =	shalt  }
0x72: {  	_ =	shalt  }
0x73: {  	_ =	shalt  }
0x74: {  	_ =	shalt  }
0x75: {  	_ =	shalt  }
0x76: {  	_ =	shalt  }
0x77: {  	_ =	shalt  }
0x78: {  	_ =	shalt  }
0x79: {  	_ =	shalt  }
0x7a: {  	_ =	shalt  }
0x7b: {  	_ =	shalt  }
0x7c: {  	_ =	shalt  }
0x7d: {  	_ =	shalt  }
0x7e: {  	_ =	shalt  }
0x7f: {  	_ =	shalt  }
0x80: {  	_ =	shalt  }
0x81: {  	_ =	shalt  }
0x82: {  	_ =	shalt  }
0x83: {  	_ =	shalt  }
0x84: {  	_ =	shalt  }
0x85: {  	_ =	shalt  }
0x86: {  	_ =	shalt  }
0x87: {  	_ =	shalt  }
.Lfunc_end0:
.L_simem_size_0:
called_computation_lowered:
.L_overlay_start_0:
0x88: {  	s0 =	sld [smem:$0x3FD9]  }
0x89: {  	s1 =	sld [smem:$0x3FFE];
	_ =	sdelay $0x3  }
0x8a: {  	s0 =	sadd.s32 s1, s0  }
0x8b: {  	[smem:$0x3FBA] =	sst s0  }
0x8c: {  	_ = 	snop  }
0x8d: {  	s0 =	sld [smem:$0x3FD0];
	_ =	sdelay $0x2  }
0x8e: {  	s13 =	simm.s32 $0xB;
	s2 =	simm.s32 $0x10  }
0x8f: {  	[smem:s2], [sflag:s13] =	dma.local [hbm:s0], $0x1  }
0x90: {  	_ =	swait.eq [sflag:s13], $0x1  }
0x91: {  	[sflag:s13] =	ssyncset.done $0x0  }
0x92: {  	[sflag:s13] =	ssyncadd.s32 $0xFFFFFFFF  }
0x93: {  	s14 =	sld [smem:$0x10];
	(tm) =	ssettm $0x1  }
0x94: {  	s15 =	sld [smem:$0x3FFB];
	_ =	sdelay $0x3  }
0x95: {  	_ =	strace s15  }
0x96: {  	s1 =	sld [smem:$0x3FFC];
	_ =	sdelay $0x3  }
0x97: {  	_ =	strace s1  }
0x98: {  	s1 =	sld [smem:$0x3FFD];
	_ =	sdelay $0x3  }
0x99: {  	_ =	strace s1  }
0x9a: {  	_ =	strace $0x8FFFFFFF  }
0x9b: {  	s16 =	sld [smem:$0x3FDB];
	_ =	sdelay $0x1  }
0x9c: {  	s17 =	simm.s32 $_scs_section_size  }
0x9d: {  	s3 =	simm.s32 $_size__tile_overlayer_lowered;
	s4 =	simm.s32 $_tile_overlayer_lowered  }
0x9e: {  	s20 =	simm.s32 $0x1BFF;
	s19 =	sshll.u32 s4, $0x1;
	s1 =	sadd.s32 s17, s16  }
0x9f: {  	s5 =	simm.s32 $0x0;
	s18 =	sshll.u32 s3, $0x1;
	s3 =	sadd.s32 s19, s1  }
0xa0: {  	[timem:s5], [sflag:s20] =	dma.local [hbm:s3], s18  }
0xa1: {  	_ =	swait.ge [sflag:s20], s18  }
0xa2: {  	s2 =	ssub.s32 $0x0, s18;
	[sflag:s20] =	ssyncset.done $0x0  }
0xa3: {  	[sflag:s20] =	ssyncadd.s32 s2;
	_ =	sdelay $0x1  }
0xa4: {  	s21 =	simm.s32 $0x1B8B  }
0xa5: {  	_ =	swait.ge [sflag:s21], $0x1  }
0xa6: {  	[sflag:s21] =	ssyncset.done $0x0  }
0xa7: {  	s23 =	simm.s32 $0x1B8E;
	s22 =	sld [smem:$0x3FFE];
	[sflag:s21] =	ssyncadd.s32 $0xFFFFFFFF  }
0xa8: {  	s24 =	simm.s32 $execute0_lowered;
	[smem:$0x3FD2] =	sst s23  }
0xa9: {  	s3 =	sshll.u32 s24, $0x1;
	_ =	strace $0x80000046;
	[dreg:$0x1] =	wrdreg $0xFFFFFFFF  }
0xaa: {  	s25 =	simm.s32 $_size_execute0_lowered;
	s1 =	sadd.s32 s1, s3;
	[dreg:$0x0] =	wrdreg $0x0  }
0xab: {  	s3 =	sshll.u32 s25, $0x1;
	[dreg:$0x2] =	wrdreg s1  }
0xac: {  	[dreg:$0x3] =	wrdreg s3  }
0xad: {  	[dreg:$0x4] =	wrdreg $0xC0  }
0xae: {  	_ =	task [dreg:s5], $0x5FFFF  }
0xaf: {  	[dreg:$0x1] =	wrdreg $0xFFFFFFFF  }
0xb0: {  	[dreg:$0x0] =	wrdreg $0x60  }
0xb1: {  	[dreg:$0x2] =	wrdreg s14  }
0xb2: {  	[dreg:$0x3] =	wrdreg s22  }
0xb3: {  	[dreg:$0x4] =	wrdreg $0x9  }
0xb4: {  	_ =	task.clear_ibuf [dreg:s5], $0x5FFFF;
	_ =	strace $0x90000046  }
0xb5: {  	s26 =	simm.s32 $0x9;
	_ =	strace $0x80000048  }
0xb6: {  	_ =	swait.ge [sflag:s26], $0x1  }
0xb7: {  	[sflag:s26] =	ssyncadd.s32 $0xFFFFFFFF  }
0xb8: {  	_ =	strace $0x90000048  }
0xb9: {  	_ =	sfence  }
0xba: {  	s28 =	sld [smem:$0x0];
	_ =	sdelay $0x1  }
0xbb: {  	s29 =	srdreg.scid  }
0xbc: {  	s30 =	sshll.u32 s29, $0xD;
	s31 =	sshrl.u32 s29, $0x2  }
0xbd: {  	s2 =	sand.u32 $0x4000, s30;
	s1 =	sand.u32 $0x1, s29;
	s0 =	sadd.s32 s31, s28  }
0xbe: {  	s1 =	sor.u32 s2, s1;
	s0 =	sshll.u32 s0, $0x11  }
0xbf: {  	s0 =	sor.u32 s0, s1  }
0xc0: {  	s0 =	sadd.s32 $0x8F2B, s0  }
0xc1: {  	[sflag:s0] =	ssyncadd.remote.s32 $0x1  }
0xc2: {  	_ =	sfence.sel $0xFFFF  }
0xc3: {  	[dreg:$0x0] =	wrdreg $0xFFFFFFFF;
	(pc) =	sbr.abs _section_cstart, $3  }
0xc4: {  	[dreg:$0x1] =	wrdreg $0xFFFFFFFF  }
0xc5: {  	_ =	task.clear_ibuf [dreg:s5], $0x2FFFF;
	_ =	strace $0x9FFFFFFF  }
0xc6: {  	(tm) =	ssettm $0x7FFFFFFF  }
0xc7: {  	_ =	shalt  }
tec
execute0_lowered:
.L_overlay_start_1:
0x0: {  	(tag) =	ssettag $0x1  }
0x1: {  	s1 =	rddreg [dreg:$0x0]  }
0x2: {  	s0 =	rddreg [dreg:$0x1];
	s6 =	stileid.u32  }
0x3: {  	_ =	strace $0x80000047;
	s9 =	simm.s32 $0x1;
	s2 =	smul.u32 $0x7, s6  }
0x4: {  	v1 =	vimm.s32 $0xFFFFFFFF;
	s3 =	smin.u32 s6, $0xD;
	[sflag:s9] =	ssyncpa.u1 $0x0  }
0x5: {  	[tilespmem:$0x10] =	vst v1;
	s2 =	sadd.s32 s3, s2  }
0x6: {  	v0 =	vimm.f32 $0.0e+00;
	p0 =	slt.u32 s6, $0xD;
	[tilespmem:$0x20] =	vst v1;
	s3 =	smul.u32 $0x1450, s2;
	s2 =	simm.s32 $0xA280  }
0x7: {  	[tilespmem:$0x30] =	vst v0;
	s2 =	simm.s32 @!p0 $0x8E30  }
0x8: {  	[tilespmem:$0x40] =	vst v0;
	s2 =	sadd.s32 s2, s3  }
0x9: {  	[tilespmem:$0x50] =	vst v0;
	s4 =	smin.u32 s2, $0x9EB10  }
0xa: {  	[tilespmem:$0x60] =	vst v1;
	s2 =	ssub.s32 s4, s3  }
0xb: {  	s7 =	simm.s32 $0x2;
	s8 =	simm.s32 $0x8;
	[tilespmem:$0x70] =	vst v1;
	p0 =	sgt.s32 s2, $0x0  }
0xc: {  	s31 =	simm.s32 $0x9;
	s16 =	simm.s32 $0x0;
	[tilespmem:$0x80] =	vst v1;
	s2 =	simm.s32 @!p0 $0x0  }
0xd: {  	s17 =	simm.s32 $0xF0;
	s18 =	simm.s32 $0xFFFFFFFF;
	v1 =	vimm.s32 $0x0;
	[tilespmem:$0xB0] =	vst v0;
	s5 =	smulhi.u32 $0x64D319FF, s2  }
0xe: {  	s19 =	simm.s32 $0xFFFFD860;
	s20 =	simm.s32 $0xFFFFFFFE;
	s21 =	simm.s32 $0xF;
	[tilespmem:$0x90] =	vst v1  }
0xf: {  	[tilespmem:$0xA0] =	vst v1;
	[sflag:s7] =	ssyncpa.u1 $0x0;
	s7 =	simm.s32 $0x7;
	s10 =	sshrl.u32 s5, $0xB  }
0x10: {  	s25 =	simm.s32 $0x0;
	[sflag:s7] =	ssyncpa.u1 $0x0;
	s11 =	smul.u32 $0x1450, s10  }
0x11: {  	s24 =	simm.s32 $0x0;
	s14 =	sshllo.u32 s6, $0x1;
	[sflag:s8] =	ssyncpa.u1 $0x0  }
.Ltmp0:
0x12: {  	[sflag:s31] =	ssyncpa.u1 $0x0;
	p0 =	sne.s32 s2, s11;
	(pc) =	sbr.rel .LBB2_1-.Ltmp0, $4  }
0x13: {  	s5 =	sadd.s32 $0x16800, s0;
	s0 =	sadd.s32 $0x2A600, s0;
	s9 =	simm.s32 @!p0 $0x0  }
0x14: {  	s23 =	smov.u32 s3;
	[dreg:$0x3] =	wrdreg s0;
	s9 =	sadd.s32 s9, s10  }
0x15: {  	vm0 =	vmmov $0xffff;
	v2 =	vlaneseq.u32;
	p0 =	por $0x0, $0x0;
	s10 =	sshll.u32 s6, $0x1;
	s11 =	sadd.s32 $0x1, s9  }
0x16: {  	vm1 =	vmxor vm1, vm1;
	vm2 =	vmmov $0x1;
	vm3 =	vcmask $0x3F3C;
	s12 =	sadd.s32 $0x2, s9;
	s13 =	sor.u32 $0x81, s10;
	s15 =	sor.u32 $0x80, s10  }
.LBB2_9:
0x17: {  	p1 =	slt.u32 s24, $0x3  }
0x18: {  	s0 =	simm.s32 @!p1 $0x2  }
0x19: {  	_ =	swait.ge @!p1 [sflag:s0], $0x1450  }
0x1a: {  	[sflag:s0] =	ssyncset.done @!p1 $0x0  }
0x1b: {  	[sflag:s0] =	ssyncadd.s32 @!p1 $0xFFFFEBB0;
	s0 =	simm.s32 @!p1 $0x9  }
0x1c: {  	_ =	swait.ge @!p1 [sflag:s0], $0x10  }
0x1d: {  	[sflag:s0] =	ssyncset.done @!p1 $0x0  }
0x1e: {  	[sflag:s0] =	ssyncadd.s32 @!p1 $0xFFFFFFF0;
	p1 =	sne.s32 s24, s12  }
.Ltmp1:
0x1f: {  	s2 =	sadd.s32 $0x1450, s23;
	(pc) =	sbr.rel @!p1 .LBB2_10-.Ltmp1, $4  }
0x20: {  	s6 =	smov.u32 s3;
	s31 =	sadd.s32 $0x1, s24;
	s17 =	sadd.s32 $0x1450, s17  }
0x21: {  	s18 =	sadd.s32 $0x1, s18;
	s25 =	smov.u32 s23;
	p2 =	slt.s32 s2, s4  }
0x22: {  	p0 =	por !p0, !p0;
	s19 =	sadd.s32 $0x1450, s19;
	s6 =	smov.u32 @p2 s2  }
0x23: {  	s20 =	sadd.s32 $0x1, s20;
	s23 =	smov.u32 s6;
	s24 =	smov.u32 s31  }
.LBB2_1:
0x24: {  	p1 =	sge.u32 s24, s9  }
0x25: {  	s0 =	smulhi.u32 @!p1 $0xAAAAAAAB, s24;
	_ =	sdelay $0x1  }
0x26: {  	s0 =	sshrl.u32 @!p1 s0, $0x1  }
0x27: {  	s0 =	smul.u32 @!p1 $0x3, s0;
	_ =	sdelay $0x1  }
0x28: {  	s0 =	ssub.s32 @!p1 s24, s0  }
0x29: {  	s0 =	smul.u32 @!p1 $0x5140, s0;
	_ =	sdelay $0x1  }
0x2a: {  	s2 =	sshrl.u32 @!p1 s23, $0x3;
	s0 =	sshrl.u32 @!p1 s0, $0x2  }
0x2b: {  	s22 =	sand.u32 @!p1 $0x7, s23;
	s2 =	sadd.s32 @!p1 s5, s2;
	s0 =	sadd.s32 @!p1 $0x100, s0  }
0x2c: {  	[tilespmem:s0], [sflag:$0x7] =	stream.linear.gather @!p1 [hbm4b:s2+s22], $0x1450, $0x38;
	[tilespmem:$0xB7F0] =	vst v63  }
0x2d: {  	s0 =	sadd.s32 $0xFFFFFFFF, s24  }
0x2e: {  	p1 =	sge.u32 s0, s9  }
.Ltmp2:
0x2f: {  	_ = 	snop;
	(pc) =	sbr.rel @p1 .LBB2_5-.Ltmp2, $1  }
0x30: {  	_ =	sdelay $0x3  }
0x31: {  	s2 =	smulhi.u32 $0xAAAAAAAB, s0;
	_ =	sdelay $0x1  }
0x32: {  	s2 =	sshrl.u32 s2, $0x1  }
0x33: {  	s2 =	smul.u32 $0x3, s2;
	_ =	sdelay $0x1  }
0x34: {  	s2 =	ssub.s32 s0, s2  }
0x35: {  	s2 =	smul.u32 $0x5140, s2  }
0x36: {  	_ =	swait.ge [sflag:s7], $0x1450  }
0x37: {  	[sflag:s7] =	ssyncset.done $0x0;
	s2 =	sshrl.u32 s2, $0x2  }
0x38: {  	[sflag:s7] =	ssyncadd.s32 $0xFFFFEBB0;
	(ifvalue) =	ssetifvalue $0xFFFFFFFF;
	v3 =	vld.msk [tilespmem:s2+$0x100 ss:$0x1], $0xffff;
	_ =	sdelay $0x2  }
0x39: {  	s30 =	smulhi.u32 $0xAAAAAAAB, s18;
	p1 =	sne.s32 s24, $0x1  }
0x3a: {  	v4 =	vimm.s32 @!p1 $0x0  }
0x3b: {  	s2 =	sshrl.u32 s30, $0x1;
	v4 =	vperm.xlane @!p1 v3, v4  }
0x3c: {  	s22 =	sshll.u32 s24, $0x4;
	s2 =	smul.u32 $0xFFFF0C40, s2;
	vm4 =	vlt.u32 v3, $0x2800  }
0x3d: {  	s22 =	sand.u32 $0x10, s22;
	v3 =	vnsel vm4, $0xFFFFFFFE, v3;
	vm4 =	vlt.u32 @!p1 v4, $0x2800  }
0x3e: {  	s2 =	sshra.s32 s2, $0x2;
	[tilespmem:s22+$0x60] =	vst v3;
	v3 =	vnsel @!p1 vm4, $0xFFFFFFFE, v4  }
0x3f: {  	s28 =	sadd.s32 s2, s17;
	[tilespmem:$0x80] =	vst @!p1 v3  }
0x40: {  	v3 =	vld.msk [tilespmem:s28+$0x0 ss:$0x1], $0xffff;
	_ =	sdelay $0x4  }
0x41: {  	(xrf1) =	vunique.msk.u32 $0xffff, v3;
	_ =	sdelay $0xd  }
0x42: {  	v4 =	vimm.s32 $0xFFFFFFFF;
	v5, _, _ =	vpop (xrf1)  }
0x43: {  	vm5 =	vne.s32 v3, v4;
	vm4 =	veq.s32 v5, v2  }
0x44: {  	vm6 =	vlt.u32 v3, $0x2800;
	vm4 =	vmand vm5, vm4  }
0x45: {  	vm4 =	vmand vm6, vm4  }
0x46: {  	v4 =	vnsel vm4, $0xFFFFFFFF, v3  }
0x47: {  	s31 =	sand.u32 $0x1, s0  }
0x48: {  	s0 =	simm.s32 $0x1450;
	p1 =	seq.s32 s31, $0x1  }
0x49: {  	s0 =	simm.s32 @!p1 $0x0  }
0x4a: {  	s26 =	sadd.s32 $0x5230, s0;
	(ifvalue) =	ssetifvalue $0xFFFFFFFF  }
0x4b: {  	v3 =	vperm.xlane v3, v1;
	[tilespmem:s26], [sflag:$0x8] =	stream.indirect_vreg.gather [hbm4b:s1+s16], $0x1, v4, vm0, $0x4038;
	v4 =	vnsel vm6, $0xFFFFFFFE, v4;
	[tilespmem:$0xB7F0] =	vst v63  }
0x4c: {  	s2 =	simm.s32 $0x0;
	s22 =	sadd.s32 $0xFFFFFFF0, s28;
	[tilespmem:s28+$0x0] =	vst v4  }
.LBB2_3:
0x4d: {  	v4 =	vld.msk [tilespmem:s22+$0x0 ss:$0x1], $0xffff;
	s2 =	sadd.s32 $0x10, s2;
	v5 =	vmov v3;
	s28 =	smov.u32 s22  }
0x4e: {  	p1 =	slt.u32 s2, $0x1440;
	_ =	sdelay $0x4  }
0x4f: {  	v3 =	vperm.xlane v4, v1;
	(xrf1) =	vunique.msk.u32 $0xffff, v4;
	_ =	sdelay $0xd  }
0x50: {  	v6, _, _ =	vpop (xrf1)  }
0x51: {  	vm5 =	vne.s32 v4, v5;
	vm4 =	veq.s32 v6, v2  }
0x52: {  	vm6 =	vlt.u32 v4, $0x2800;
	vm4 =	vmand vm5, vm4  }
0x53: {  	vm4 =	vmand vm6, vm4  }
0x54: {  	v4 =	vnsel vm4, $0xFFFFFFFF, v4  }
.Ltmp3:
0x55: {  	v5 =	vnsel vm6, $0xFFFFFFFE, v4;
	(pc) =	sbr.rel @p1 .LBB2_3-.Ltmp3, $3  }
0x56: {  	_ =	sdelay $0x1  }
0x57: {  	s22 =	sadd.s32 $0xFFFFFFF0, s22;
	s26 =	sadd.s32 $0xFFFFFFF0, s26;
	(ifvalue) =	ssetifvalue $0xFFFFFFFF  }
0x58: {  	[tilespmem:s26], [sflag:$0x8] =	stream.indirect_vreg.gather [hbm4b:s1+s16], $0x1, v4, vm0, $0x4038;
	[tilespmem:s28+$0x0] =	vst v5  }
0x59: {  	s2 =	sshrl.u32 s25, $0x3;
	s6 =	rddreg [dreg:$0x3]  }
0x5a: {  	s0 =	sadd.s32 $0x6690, s0;
	s2 =	sadd.s32 s6, s2  }
0x5b: {  	[tilespmem:s0], [sflag:$0x8] =	stream.linear.gather [hbm:s2], $0x1450, $0x38;
	[tilespmem:$0xB7F0] =	vst v63  }
.LBB2_5:
0x5c: {  	p1 =	slt.u32 s24, $0x2  }
0x5d: {  	p2 =	sge.u32 @!p1 s24, s12  }
0x5e: {  	p1 =	por p1, p2  }
.Ltmp4:
0x5f: {  	_ = 	snop;
	(pc) =	sbr.rel @p1 .LBB2_9-.Ltmp4, $1  }
0x60: {  	_ =	sdelay $0x3  }
0x61: {  	s0 =	sadd.s32 $0xFFFFFFFE, s24  }
0x62: {  	s2 =	smulhi.u32 $0xAAAAAAAB, s0;
	_ =	sdelay $0x1  }
0x63: {  	s2 =	sshrl.u32 s2, $0x1  }
0x64: {  	s2 =	smul.u32 $0x3, s2;
	_ =	sdelay $0x1  }
0x65: {  	s0 =	ssub.s32 s0, s2  }
0x66: {  	_ =	swait.ge [sflag:s8], $0x28A0;
	s0 =	smul.u32 $0x1450, s0  }
0x67: {  	p1 =	sne.s32 s24, s11;
	[sflag:s8] =	ssyncset.done $0x0  }
0x68: {  	[sflag:s8] =	ssyncadd.s32 $0xFFFFD760;
	s2 =	sadd.s32 @!p1 $0x154F, s0  }
0x69: {  	[spmem:s13] =	stream.linear.scatter @!p1 [tilespmem:s2], [sflag:$0x1], $0x1, $0x38;
	[tilespmem:$0xB7F0] =	vst v63  }
0x6a: {  	s2 =	simm.s32 @!p1 $0x1  }
0x6b: {  	_ =	swait.ge @!p1 [sflag:s2], $0x1  }
0x6c: {  	s22 =	sshll.u32 s24, $0x4;
	[sflag:s2] =	ssyncset.done @!p1 $0x0  }
0x6d: {  	s25 =	sand.u32 $0x10, s22;
	[sflag:s2] =	ssyncadd.s32 @!p1 $0xFFFFFFFF  }
0x6e: {  	s2 =	sxor.u32 $0x10, s25;
	v4 =	vld [tilespmem:s25+$0x10]  }
0x6f: {  	v5 =	vld [tilespmem:s2+$0x60]  }
0x70: {  	v3 =	vld [tilespmem:$0x80];
	_ =	sdelay $0x2  }
0x71: {  	(v2sf) =	vpush v4, $0x0  }
0x72: {  	(v2sf) =	vpush v5, $0x0  }
0x73: {  	(v2sf) =	vpush v3, $0x0;
	_ =	sdelay $0xc  }
0x74: {  	s6 =	spop (v2sf)  }
0x75: {  	s28 =	spop (v2sf)  }
0x76: {  	s26 =	spop (v2sf)  }
0x77: {  	p2 =	seq.s32 s6, s28;
	p3 =	seq.s32 s26, s6  }
0x78: {  	p3 =	por p2, p3  }
0x79: {  	s6 =	sand.u32 $0x1, s24;
	v4 =	vpsel p3, $0xFFFFFFFF, v4  }
0x7a: {  	s28 =	smul.u32 $0x1450, s6;
	[tilespmem:s25+$0x10] =	vst.msk $0x1, v4  }
0x7b: {  	v4 =	vld [tilespmem:$0x30]  }
0x7c: {  	v5 =	vld [tilespmem:s28+$0x6690]  }
0x7d: {  	v6 =	vld [tilespmem:s25+$0x40];
	_ =	sdelay $0x3  }
0x7e: {  	vm4 =	vmmov vm1;
	v5 =	vadd.f32 v5, v4  }
0x7f: {  	vm5 =	vmmov vm2;
	vm4 =	vmmov @p2 vm2;
	v4 =	vadd.f32 v6, v4  }
0x80: {  	s22 =	sshll.u32 s6, $0x4;
	vm5 =	vmmov @p3 vm1;
	[tilespmem:s28+$0x6690] =	vst.msk vm4, v5  }
0x81: {  	[tilespmem:s22+$0xB7D0] =	vst.msk vm5, v4  }
0x82: {  	v4 =	vld [tilespmem:s28+$0x5230];
	_ =	sdelay $0x3  }
0x83: {  	v5 =	vimm.f32 $0.0e+00  }
0x84: {  	v4 =	vshift.insert v4, v5, s21  }
0x85: {  	s29 =	sor.u32 $0x40, s2  }
0x86: {  	[tilespmem:s29+$0x0] =	vst.msk $0x1, v4  }
0x87: {  	[tilespmem:s28+$0x523F] =	vst.msk $0x1, v5  }
0x88: {  	v4 =	vld [tilespmem:s0+$0x1540];
	_ =	sdelay $0x1  }
0x89: {  	s29 =	smulhi.u32 $0xAAAAAAAB, s20;
	s0 =	simm.s32 $0x1  }
0x8a: {  	s0 =	simm.s32 @!p0 $0x0  }
0x8b: {  	s29 =	sshrl.u32 s29, $0x1;
	s0 =	smul.u32 $0x5140, s0  }
0x8c: {  	s29 =	smul.u32 $0xFFFF0C40, s29;
	v4 =	vshift.insert v4, v1, s21  }
0x8d: {  	s0 =	sshrl.u32 s0, $0x2  }
0x8e: {  	s29 =	sshra.s32 s29, $0x2;
	s30 =	sadd.s32 $0x6690, s0;
	[tilespmem:s2+$0x10] =	vst.msk $0x1, v4  }
0x8f: {  	s6 =	sadd.s32 s29, s19;
	v6 =	vld [tilespmem:s30+$0x0]  }
0x90: {  	v7 =	vld [tilespmem:s6+$0x0];
	_ =	sdelay $0x3  }
0x91: {  	v5 =	vadd.f32 v6, v5  }
0x92: {  	vm4 =	vne.s32 v7, $0xFFFFFFFF  }
0x93: {  	(xrf2) =	vadd.seg.scan.f32 vm4, v5;
	_ =	sdelay $0x3  }
0x94: {  	s31 =	sadd.s32 $0x3DF0, s0;
	v5 =	vperm.xlane v4, v1  }
0x95: {  	v6 =	vld [tilespmem:s31+$0x0]  }
0x96: {  	vm5 =	veq.s32 v7, v3;
	vm6 =	veq.s32 v7, v5  }
0x97: {  	vm7 =	vgt.u32 v7, $0xFFFFFFFD;
	vm6 =	vmor vm6, vm5  }
0x98: {  	vm6 =	vmor vm6, vm7  }
0x99: {  	v9 =	vld [tilespmem:$0xA0];
	v7 =	vsel vm6, $0xFFFFFFFF, v7  }
0x9a: {  	v10 =	vld [tilespmem:$0x90];
	v6 =	vsel vm5, $0x0, v6;
	v8, _, _ =	vpop (xrf2)  }
0x9b: {  	v6 =	vadd.f32 v8, v6  }
0x9c: {  	s0 =	sadd.s32 $0x8F30, s0  }
0x9d: {  	vm4 =	vmand vm4, vm3;
	[tilespmem:s0+$0x0] =	vst v6;
	(ifvalue) =	ssetifvalue $0xFFFFFFFF  }
0x9e: {  	vm6 =	veq.s32 v9, $0x1;
	[hbm4b:s1+s16] =	stream.indirect_vreg.scatter [tilespmem:s0], [sflag:$0x2], $0x1, v7, vm0, $0x4038;
	v7 =	vsel vm4, $0x0, v8;
	[tilespmem:$0xB7F0] =	vst v63  }
0x9f: {  	s29 =	sadd.s32 $0xB7D0, s22;
	s22 =	sadd.s32 $0x10, s6;
	s2 =	simm.s32 $0x0;
	vm4 =	vmor vm6, vm5;
	v6 =	vsel vm5, v8, v10;
	v7 =	vshift.insert v7, v0, s21  }
.LBB2_7:
0xa0: {  	v8 =	vld [tilespmem:s22+$0x0];
	s30 =	sadd.s32 $0x10, s30  }
0xa1: {  	s31 =	sadd.s32 $0x10, s31;
	v9 =	vld [tilespmem:s30+$0x0]  }
0xa2: {  	s2 =	sadd.s32 $0x10, s2;
	v10 =	vld [tilespmem:s31+$0x0]  }
0xa3: {  	p2 =	slt.u32 s2, $0x1440;
	_ =	sdelay $0x2  }
0xa4: {  	v7 =	vadd.f32 v9, v7  }
0xa5: {  	vm5 =	vne.s32 v8, $0xFFFFFFFF  }
0xa6: {  	vm6 =	vmand vm5, vm3;
	(xrf2) =	vadd.seg.scan.f32 vm5, v7;
	_ =	sdelay $0x5  }
0xa7: {  	vm7 =	veq.s32 v8, v5;
	vm5 =	veq.s32 v8, v3  }
0xa8: {  	vm8 =	vgt.u32 v8, $0xFFFFFFFD;
	vm4 =	vmor vm4, vm5;
	vm7 =	vmor vm7, vm5  }
0xa9: {  	vm7 =	vmor vm7, vm8  }
0xaa: {  	v8 =	vsel vm7, $0xFFFFFFFF, v8  }
.Ltmp5:
0xab: {  	v7 =	vsel vm5, $0x0, v10;
	v9, _, _ =	vpop (xrf2);
	(pc) =	sbr.rel @p2 .LBB2_7-.Ltmp5, $4  }
0xac: {  	v6 =	vsel vm5, v9, v6;
	v10 =	vadd.f32 v9, v7;
	v7 =	vsel vm6, $0x0, v9  }
0xad: {  	s0 =	sadd.s32 $0x10, s0;
	v7 =	vshift.insert v7, v0, s21  }
0xae: {  	s22 =	sadd.s32 $0x10, s22;
	[tilespmem:s0+$0x0] =	vst v10;
	(ifvalue) =	ssetifvalue $0xFFFFFFFF  }
0xaf: {  	[hbm4b:s1+s16] =	stream.indirect_vreg.scatter [tilespmem:s0], [sflag:$0x2], $0x1, v8, vm0, $0x4038;
	[tilespmem:$0xB7F0] =	vst v63  }
0xb0: {  	v3 =	vld [tilespmem:s28+$0xA370];
	_ =	sdelay $0x4  }
0xb1: {  	v3 =	vshift.insert v3, v0, s21  }
0xb2: {  	s0 =	simm.s32 $0x30  }
0xb3: {  	[tilespmem:s0+$0x0] =	vst.msk $0x1, v3  }
0xb4: {  	v3 =	vsel vm4, $0x1, v1;
	[tilespmem:$0x90] =	vst v6  }
0xb5: {  	s0 =	sadd.s32 @!p1 $0xA37F, s28;
	[tilespmem:$0xA0] =	vst v3  }
0xb6: {  	[spmem:s14] =	stream.linear.scatter @!p1 [tilespmem:s0], [sflag:$0x1], $0x1, $0x38;
	[tilespmem:$0xB7F0] =	vst v63  }
0xb7: {  	s0 =	simm.s32 @!p1 $0x1  }
0xb8: {  	v3 =	vmctz.xlane @!p1 vm4;
	_ =	swait.ge @!p1 [sflag:s0], $0x1  }
0xb9: {  	(v2sf) =	vpush @!p1 v4, $0x0  }
0xba: {  	(v2sf) =	vpush @!p1 v3, $0x0;
	_ =	sdelay $0xd  }
0xbb: {  	s2 =	spop @!p1 (v2sf)  }
0xbc: {  	s6 =	spop @!p1 (v2sf)  }
0xbd: {  	p2 =	sne.s32 @!p1 s26, s2;
	p3 =	slt.s32 @!p1 s6, $0xF  }
0xbe: {  	[sflag:s0] =	ssyncset.done @!p1 $0x0;
	p2 =	por p2, p1;
	p3 =	por !p3, p1  }
0xbf: {  	[sflag:s0] =	ssyncadd.s32 @!p1 $0xFFFFFFFF;
	v3 =	vimm.s32 @!p2 $0xFFFFFFFF;
	s6 =	simm.s32 @p3 $0xF  }
0xc0: {  	[tilespmem:$0x80] =	vst @!p2 v3;
	s2 =	sadd.s32 @!p1 $0x90, s6  }
0xc1: {  	[spmem:s10] =	stream.linear.scatter @!p1 [tilespmem:s2], [sflag:$0x1], $0x1, $0x38;
	[tilespmem:$0xB7F0] =	vst v63  }
0xc2: {  	_ =	swait.ge @!p1 [sflag:s0], $0x1  }
0xc3: {  	[sflag:s0] =	ssyncset.done @!p1 $0x0  }
0xc4: {  	s2 =	simm.s32 @!p1 $0x80;
	[sflag:s0] =	ssyncadd.s32 @!p1 $0xFFFFFFFF  }
0xc5: {  	[spmem:s15] =	stream.linear.scatter @!p1 [tilespmem:s2], [sflag:$0x1], $0x1, $0x38;
	[tilespmem:$0xB7F0] =	vst v63  }
0xc6: {  	_ =	swait.ge @!p1 [sflag:s0], $0x1  }
0xc7: {  	[sflag:s0] =	ssyncset.done @!p1 $0x0  }
0xc8: {  	[sflag:s0] =	ssyncadd.s32 @!p1 $0xFFFFFFFF;
	(ifvalue) =	ssetifvalue $0xFFFFFFFF;
	v3 =	vld [tilespmem:s25+$0x10];
	_ =	sdelay $0x3  }
.Ltmp6:
0xc9: {  	_ = 	snop;
	(pc) =	sbr.rel .LBB2_9-.Ltmp6, $3  }
0xca: {  	_ =	sdelay $0x1  }
0xcb: {  	(ifvalue) =	ssetifvalue $0xFFFFFFFF  }
0xcc: {  	[hbm4b:s1+s16] =	stream.indirect_vreg.scatter [tilespmem:s29], [sflag:$0x9], $0x1, v3, vm0, $0x4038;
	[tilespmem:$0xB7F0] =	vst v63  }
.LBB2_10:
0xcd: {  	_ =	sfence.sel $0x180000  }
0xce: {  	s0 =	simm.s32 $0x7;
	[bflag:$0x0] =	sbarrier.arrive $0xFFFF  }
0xcf: {  	s26 =	simm.s32 $0x8;
	[sflag:s0] =	ssyncpa.u1 $0x1  }
0xd0: {  	s28 =	simm.s32 $0x9;
	[sflag:s26] =	ssyncpa.u1 $0x1  }
0xd1: {  	[sflag:s28] =	ssyncpa.u1 $0x1  }
0xd2: {  	_ =	sfence.stream.spmem  }
0xd3: {  	s29 =	simm.s32 $0x3;
	[bflag:$0x0] =	sbarrier.arrive $0xFFFF  }
0xd4: {  	s30 =	simm.s32 $0x4;
	[sflag:s29] =	ssyncpa.u1 $0x1  }
0xd5: {  	s31 =	simm.s32 $0x3C;
	s2 =	stileid.u32;
	[sflag:s30] =	ssyncpa.u1 $0x1  }
0xd6: {  	p0 =	sne.s32 s2, $0x0;
	[sflag:s31] =	ssyncpa.u1 $0x1  }
0xd7: {  	s0 =	simm.s32 @p0 $0x1;
	_ =	sfence @p0  }
0xd8: {  	[sflag:s0] =	ssyncpa.u1 @p0 $0x1;
	s0 =	simm.s32 @p0 $0x2  }
0xd9: {  	[sflag:s0] =	ssyncpa.u1 @p0 $0x1  }
0xda: {  	_ =	strace @p0 $0x90000047  }
0xdb: {  	[bflag:$0x2] =	sbarrier.arrive @p0 $0xFFFF  }
0xdc: {  	_ =	shalt @p0  }
.LBB2_11:
0xdd: {  	_ =	sfence.stream.spmem;
	s0 =	simm.s32 $0x5  }
0xde: {  	s2 =	simm.s32 $0x80;
	s3 =	simm.s32 $0xC0;
	[sflag:s0] =	ssyncpa.u1 $0x0  }
0xdf: {  	[tilespmem:s3], [sflag:$0x5] =	stream.linear.gather [spmem:s2], $0x20, $0x38;
	[tilespmem:$0xB7F0] =	vst v63  }
0xe0: {  	s2 =	simm.s32 $0x0;
	s3 =	simm.s32 $0xE0  }
0xe1: {  	[tilespmem:s3], [sflag:$0x5] =	stream.linear.gather [spmem:s2], $0x20, $0x38;
	[tilespmem:$0xB7F0] =	vst v63  }
.Ltmp7:
0xe2: {  	_ = 	snop;
	(pc) =	sbr.rel .LBB2_12-.Ltmp7, $4  }
0xe3: {  	_ =	swait.ge [sflag:s0], $0x40  }
0xe4: {  	[sflag:s0] =	ssyncset.done $0x0  }
0xe5: {  	s31 =	simm.s32 $0x6;
	[sflag:s0] =	ssyncadd.s32 $0xFFFFFFC0  }
0xe6: {  	s4 =	simm.s32 $0x0;
	[sflag:s31] =	ssyncpa.u1 $0x0  }
.LBB2_17:
0xe7: {  	p0 =	sgt.u32 s5, $0x27FF  }
0xe8: {  	s0 =	sshrl.u32 @!p0 s5, $0x3  }
0xe9: {  	s5 =	sand.u32 @!p0 $0x7, s5;
	s6 =	simm.s32 @!p0 $0xB0;
	s0 =	sadd.s32 @!p0 s1, s0  }
0xea: {  	[tilespmem:s6], [sflag:$0x6] =	stream.linear.gather @!p0 [hbm4b:s0+s5], $0x1, $0x38;
	[tilespmem:$0xB7F0] =	vst v63  }
0xeb: {  	s0 =	simm.s32 @!p0 $0x6  }
0xec: {  	_ =	swait.ge @!p0 [sflag:s0], $0x1  }
0xed: {  	[sflag:s0] =	ssyncset.done @!p0 $0x0  }
0xee: {  	[sflag:s0] =	ssyncadd.s32 @!p0 $0xFFFFFFFF  }
0xef: {  	v2 =	vmov @!p0 s4;
	v1 =	vld.msk @!p0 [tilespmem:$0xB0], $0x1;
	_ =	sdelay $0x3  }
0xf0: {  	s0 =	simm.s32 @!p0 $0xE0  }
0xf1: {  	[tilespmem:v2+s0+$0x0], v1 =	vst.idx.ret.add.f32.msk @!p0 $0x1, v1  }
0xf2: {  	[tilespmem:s2+$0xC0] =	vst.msk $0x1, v0  }
0xf3: {  	v0 =	vld.msk [tilespmem:s4+$0xE0], $0x1;
	_ =	sdelay $0x4  }
0xf4: {  	[tilespmem:s2+$0xE0] =	vst.msk $0x1, v0;
	s2 =	sadd.s32 $0x1, s2  }
.LBB2_19:
0xf5: {  	s4 =	sadd.s32 $0x1, s4  }
0xf6: {  	p0 =	sne.s32 s4, $0x20  }
.Ltmp8:
0xf7: {  	_ = 	snop;
	(pc) =	sbr.rel @!p0 .LBB2_20-.Ltmp8, $1  }
0xf8: {  	_ =	sdelay $0x3  }
.LBB2_12:
0xf9: {  	v0 =	vld.msk [tilespmem:s4+$0xC0], $0x1;
	_ =	sdelay $0x4  }
0xfa: {  	(v2sf) =	vpush v0, $0x0;
	_ =	sdelay $0xe  }
0xfb: {  	s5 =	spop (v2sf)  }
0xfc: {  	p0 =	seq.s32 s5, $0xFFFFFFFF  }
.Ltmp9:
0xfd: {  	_ = 	snop;
	(pc) =	sbr.rel @p0 .LBB2_19-.Ltmp9, $1  }
0xfe: {  	_ =	sdelay $0x3  }
0xff: {  	p0 =	slt.s32 s2, $0x1  }
.Ltmp10:
0x100: {  	_ = 	snop;
	(pc) =	sbr.rel @p0 .LBB2_17-.Ltmp10, $1  }
0x101: {  	_ =	sdelay $0x3  }
0x102: {  	s0 =	simm.s32 $0xC0;
	p0 =	por $0x0, $0x0  }
0x103: {  	v1 =	vld.msk @!p0 [tilespmem:s0+$0x0], $0x1;
	_ =	sdelay $0x4  }
0x104: {  	(v2sf) =	vpush @!p0 v1, $0x0;
	_ =	sdelay $0xd  }
0x105: {  	p2 =	sne.s32 s2, $0x1  }
.Ltmp11:
0x106: {  	s6 =	spop @!p0 (v2sf);
	(pc) =	sbr.rel @!p2 .LBB2_16-.Ltmp11, $4  }
0x107: {  	p1 =	seq.s32 @!p0 s5, s6  }
0x108: {  	s6 =	simm.s32 $0x0;
	p1 =	por !p1, p0  }
0x109: {  	s8 =	simm.s32 $0xFFFFFFFF;
	s6 =	simm.s32 @p1 $0xFFFFFFFF  }
0x10a: {  	s7 =	simm.s32 $0x1;
	s6 =	smov.u32 @p0 s8  }
.LBB2_15:
0x10b: {  	s8 =	smov.u32 s6;
	p0 =	sne.s32 s6, $0xFFFFFFFF  }
0x10c: {  	s0 =	sadd.s32 $0x1, s0;
	s6 =	smov.u32 s7;
	s7 =	sadd.s32 $0x1, s7  }
0x10d: {  	p1 =	sne.s32 s2, s7;
	v1 =	vld.msk @!p0 [tilespmem:s0+$0x0], $0x1;
	_ =	sdelay $0x4  }
0x10e: {  	(v2sf) =	vpush @!p0 v1, $0x0;
	_ =	sdelay $0xe  }
.Ltmp12:
0x10f: {  	s9 =	spop @!p0 (v2sf);
	(pc) =	sbr.rel @p1 .LBB2_15-.Ltmp12, $4  }
0x110: {  	p2 =	seq.s32 @!p0 s5, s9  }
0x111: {  	p2 =	por !p2, p0  }
0x112: {  	s6 =	simm.s32 @p2 $0xFFFFFFFF  }
0x113: {  	s6 =	smov.u32 @p0 s8  }
.LBB2_16:
0x114: {  	p0 =	sne.s32 s6, $0xFFFFFFFF  }
.Ltmp13:
0x115: {  	_ = 	snop;
	(pc) =	sbr.rel @!p0 .LBB2_17-.Ltmp13, $1  }
0x116: {  	_ =	sdelay $0x3  }
0x117: {  	v0 =	vld.msk [tilespmem:s4+$0xE0], $0x1;
	v1 =	vmov s6  }
.Ltmp14:
0x118: {  	_ = 	snop;
	(pc) =	sbr.rel .LBB2_19-.Ltmp14, $2  }
0x119: {  	_ =	sdelay $0x2  }
0x11a: {  	[tilespmem:v1+s3+$0x0], v0 =	vst.idx.ret.add.f32.msk $0x1, v0  }
.LBB2_20:
0x11b: {  	p0 =	slt.s32 s2, $0x1  }
.Ltmp15:
0x11c: {  	_ = 	snop;
	(pc) =	sbr.rel @p0 .LBB2_24-.Ltmp15, $3  }
0x11d: {  	_ =	sdelay $0x1  }
0x11e: {  	s0 =	simm.s32 $0x6  }
0x11f: {  	s3 =	simm.s32 $0x0;
	[sflag:s0] =	ssyncpa.u1 $0x1  }
0x120: {  	s0 =	simm.s32 $0xC0  }
0x121: {  	v0 =	vld.msk [tilespmem:s0+$0x0], $0x1;
	_ =	sdelay $0x4  }
0x122: {  	(v2sf) =	vpush v0, $0x0;
	_ =	sdelay $0xe  }
0x123: {  	s2 =	sadd.s32 $0xFFFFFFFF, s2;
	s4 =	spop (v2sf)  }
0x124: {  	p1 =	sne.s32 s2, $0x0;
	p0 =	sgt.u32 s4, $0x27FF  }
.Ltmp16:
0x125: {  	s5 =	sshrl.u32 @!p0 s4, $0x3;
	(pc) =	sbr.rel @!p1 .LBB2_23-.Ltmp16, $4  }
0x126: {  	s0 =	simm.s32 $0xE0;
	s4 =	sand.u32 @!p0 $0x7, s4;
	s5 =	sadd.s32 @!p0 s1, s5  }
0x127: {  	[hbm4b:s5+s4] =	stream.linear.scatter @!p0 [tilespmem:s0], [sflag:$0x5], $0x1, $0x38;
	[tilespmem:$0xB7F0] =	vst v63  }
0x128: {  	s5 =	simm.s32 $0x0  }
0x129: {  	s4 =	simm.s32 $0xC1;
	s5 =	simm.s32 @!p0 $0x4  }
.LBB2_22:
0x12a: {  	v0 =	vld.msk [tilespmem:s4+$0x0], $0x1;
	s2 =	sadd.s32 $0xFFFFFFFF, s2;
	s3 =	sadd.s32 s3, s5  }
0x12b: {  	p0 =	sne.s32 s2, $0x0;
	_ =	sdelay $0x3  }
0x12c: {  	(v2sf) =	vpush v0, $0x0;
	_ =	sdelay $0xe  }
.Ltmp17:
0x12d: {  	s6 =	spop (v2sf);
	(pc) =	sbr.rel @p0 .LBB2_22-.Ltmp17, $4  }
0x12e: {  	s5 =	simm.s32 $0x0;
	p1 =	sgt.u32 s6, $0x27FF  }
0x12f: {  	s0 =	sadd.s32 $0x1, s0;
	s5 =	simm.s32 @!p1 $0x4;
	s7 =	sshrl.u32 @!p1 s6, $0x3  }
0x130: {  	s4 =	sadd.s32 $0x1, s4;
	s6 =	sand.u32 @!p1 $0x7, s6;
	s7 =	sadd.s32 @!p1 s1, s7  }
0x131: {  	[hbm4b:s7+s6] =	stream.linear.scatter @!p1 [tilespmem:s0], [sflag:$0x5], $0x1, $0x38;
	[tilespmem:$0xB7F0] =	vst v63  }
.LBB2_23:
0x132: {  	s0 =	sadd.s32 s3, s5  }
0x133: {  	s3 =	sshrl.u32 s0, $0x2  }
.LBB2_24:
0x134: {  	s0 =	simm.s32 $0x5  }
0x135: {  	_ =	swait.ge [sflag:s0], s3  }
0x136: {  	s1 =	ssub.s32 $0x0, s3;
	[sflag:s0] =	ssyncset.done $0x0  }
0x137: {  	[sflag:s0] =	ssyncadd.s32 s1  }
0x138: {  	[sflag:s0] =	ssyncpa.u1 $0x1  }
0x139: {  	s29 =	simm.s32 $0x1;
	_ =	sfence  }
0x13a: {  	s30 =	simm.s32 $0x2;
	[sflag:s29] =	ssyncpa.u1 $0x1  }
0x13b: {  	[sflag:s30] =	ssyncpa.u1 $0x1  }
0x13c: {  	_ =	strace $0x90000047  }
0x13d: {  	[bflag:$0x2] =	sbarrier.arrive $0xFFFF  }
0x13e: {  	s31 =	rddreg [dreg:$0x2]  }
0x13f: {  	s0 =	sadd.s32 $0x100000, s31  }
0x140: {  	[sflag:s0] =	ssyncadd.tile.s32 $0x1;
	_ =	shalt  }
.Lfunc_end2:
_tile_overlayer_lowered:
.L_overlay_start_2:
0x141: {  	(tag) =	ssettag $0x2  }
0x142: {  	s0 =	rddreg [dreg:$0x0];
	s2 =	stileid.u32  }
0x143: {  	s1 =	rddreg [dreg:$0x1];
	p0 =	sne.s32 s2, $0x0  }
0x144: {  	s3 =	rddreg [dreg:$0x2];
	[bflag:$0x3] =	sbarrier.arrive $0xFFFF;
	s2 =	simm.s32 @!p0 $0x1C01  }
0x145: {  	[timem:s3], [sflag:s2] =	dma.local @!p0 [hbm:s0], s1  }
0x146: {  	s0 =	simm.s32 @!p0 $0x1  }
0x147: {  	_ =	swait.ge @!p0 [sflag:s0], s1  }
0x148: {  	s1 =	ssub.s32 @!p0 $0x0, s1;
	[sflag:s0] =	ssyncset.done @!p0 $0x0  }
0x149: {  	[sflag:s0] =	ssyncadd.s32 @!p0 s1  }
0x14a: {  	[bflag:$0x3] =	sbarrier.arrive $0xFFFF  }
0x14b: {  	_ =	shalt  }

</sc_bundles>
